<compile_context>
chip_gen: v7x
topology: tpu7x:2x2x1
jax: 0.10.2.dev20260603
libtpu: 0.0.44.dev20260713+nightly
codegen_flags: <defaults>
</compile_context>

<pallas_src>
import jax
import jax.numpy as jnp
import numpy as np
from jax import lax
from jax.experimental import pallas as pl
from jax.experimental.pallas import tpu as pltpu
from jax.experimental.pallas import tpu_sc as plsc

N = 10000
E = 320000
D = 128
DH = D // 2

NC = 2
NS = 16

ROWS_PER_TILE = 656
NPAD = ROWS_PER_TILE * NS
IDX_ROWS = E // 128
ROWS_PER_T = IDX_ROWS // NS
TAIL_ROWS = IDX_ROWS - ROWS_PER_T * NS
WIN = 4
NWIN = ROWS_PER_T // WIN

_BN_SCALE = float(1.0 / np.sqrt(1.0 + 1e-5))


def _sc_mesh():
    return plsc.VectorSubcoreMesh(
        core_axis_name="c", subcore_axis_name="s", num_cores=NC,
        num_subcores=NS)


_DEG_CH = 6
_DEG_PER_W = IDX_ROWS // (NC * NS)
_DEG_TAIL = IDX_ROWS - _DEG_PER_W * NC * NS


def _deg_body(sd2_hbm, out_hbm, idx2_v, semi, ones_v, zbuf_v, acc_sh):
    cid = lax.axis_index("c")
    sid = lax.axis_index("s")
    wid = cid * NS + sid
    base = wid * _DEG_PER_W
    pltpu.async_copy(sd2_hbm.at[1, pl.ds(base, _DEG_PER_W)], idx2_v, semi)
    for k in range(8):
        ones_v[pl.ds(k * 16, 16)] = jnp.ones((16,), jnp.float32)

    def zstep(t, carry):
        zbuf_v[pl.ds(t * 16, 16)] = jnp.zeros((16,), jnp.float32)
        return carry

    lax.fori_loop(0, ROWS_PER_TILE // 16, zstep, 0)
    pltpu.sync_copy(zbuf_v,
                    acc_sh.at[pl.ds(sid * ROWS_PER_TILE, ROWS_PER_TILE)])
    pltpu.make_async_copy(sd2_hbm.at[1, pl.ds(0, _DEG_PER_W)], idx2_v,
                          semi).wait()
    plsc.subcore_barrier()

    def step(j, carry):
        pltpu.sync_copy(ones_v, acc_sh.at[idx2_v.at[j]], add=True)
        return carry

    lax.fori_loop(0, _DEG_PER_W, step, 0)

    @pl.when(wid < _DEG_TAIL)
    def _tail():
        pltpu.sync_copy(
            sd2_hbm.at[1, pl.ds(_DEG_PER_W * NC * NS + wid, 1)],
            idx2_v.at[pl.ds(0, 1)])
        pltpu.sync_copy(ones_v, acc_sh.at[idx2_v.at[0]], add=True)

    plsc.subcore_barrier()
    pltpu.sync_copy(acc_sh.at[pl.ds(sid * ROWS_PER_TILE, ROWS_PER_TILE)],
                    zbuf_v)
    pltpu.sync_copy(
        zbuf_v,
        out_hbm.at[pl.ds(cid * NPAD + sid * ROWS_PER_TILE, ROWS_PER_TILE)])


def _deg_partials(sd2):
    return pl.kernel(
        _deg_body,
        out_type=jax.ShapeDtypeStruct((NC * NPAD,), jnp.float32),
        mesh=_sc_mesh(),
        compiler_params=pltpu.CompilerParams(use_tc_tiling_on_sc=False),
        scratch_types=[
            pltpu.VMEM((_DEG_PER_W, 128), jnp.int32),
            pltpu.SemaphoreType.DMA,
            pltpu.VMEM((128,), jnp.float32),
            pltpu.VMEM((ROWS_PER_TILE,), jnp.float32),
            pltpu.VMEM_SHARED((NPAD,), jnp.float32),
        ],
    )(sd2)


def _scat_body(gh_hbm, sd2_hbm, out_hbm,
               idx_all, semi, rows_a, semg_a, rows_b, semg_b, acc_sh):
    cid = lax.axis_index("c")
    sid = lax.axis_index("s")
    r0 = sid * ROWS_PER_TILE
    nbuf = WIN * 128
    base = sid * ROWS_PER_T

    pltpu.async_copy(sd2_hbm.at[0, pl.ds(base, ROWS_PER_T)], idx_all.at[0],
                     semi)
    pltpu.async_copy(sd2_hbm.at[1, pl.ds(base, ROWS_PER_T)], idx_all.at[1],
                     semi)

    def zstep(t, carry):
        for k in range(DH // 32):
            rows_a[t, pl.ds(k * 32, 32)] = jnp.zeros((32,), jnp.bfloat16)
        return carry

    lax.fori_loop(0, nbuf, zstep, 0)
    pltpu.sync_copy(rows_a, acc_sh.at[pl.ds(r0, nbuf)])
    rem = ROWS_PER_TILE - nbuf
    pltpu.sync_copy(rows_a.at[pl.ds(0, rem)],
                    acc_sh.at[pl.ds(r0 + nbuf, rem)])
    pltpu.make_async_copy(sd2_hbm.at[:, pl.ds(0, ROWS_PER_T)], idx_all,
                          semi).wait()
    plsc.subcore_barrier()

    def fire(t, rows, semg):
        for j in range(WIN):
            pltpu.async_copy(gh_hbm.at[cid].at[idx_all.at[0, t * WIN + j]],
                             rows.at[pl.ds(j * 128, 128)], semg)

    def drain_scatter(t, rows, semg):
        pltpu.make_async_copy(gh_hbm.at[cid].at[pl.ds(0, nbuf)], rows,
                              semg).wait()
        for j in range(WIN):
            pltpu.sync_copy(rows.at[pl.ds(j * 128, 128)],
                            acc_sh.at[idx_all.at[1, t * WIN + j]], add=True)

    fire(0, rows_a, semg_a)

    def step(u, carry):
        t = 2 * u
        fire(t + 1, rows_b, semg_b)
        drain_scatter(t, rows_a, semg_a)
        fire(t + 2, rows_a, semg_a)
        drain_scatter(t + 1, rows_b, semg_b)
        return carry

    lax.fori_loop(0, (NWIN - 3) // 2, step, 0)
    fire(NWIN - 2, rows_b, semg_b)
    drain_scatter(NWIN - 3, rows_a, semg_a)
    fire(NWIN - 1, rows_a, semg_a)
    drain_scatter(NWIN - 2, rows_b, semg_b)
    drain_scatter(NWIN - 1, rows_a, semg_a)

    @pl.when(sid < TAIL_ROWS)
    def _tail():
        trow = ROWS_PER_T * NS + sid
        pltpu.sync_copy(sd2_hbm.at[0, pl.ds(trow, 1)],
                        idx_all.at[0, pl.ds(0, 1)])
        pltpu.sync_copy(sd2_hbm.at[1, pl.ds(trow, 1)],
                        idx_all.at[1, pl.ds(0, 1)])
        pltpu.async_copy(gh_hbm.at[cid].at[idx_all.at[0, 0]],
                         rows_b.at[pl.ds(0, 128)], semg_b)
        pltpu.make_async_copy(gh_hbm.at[cid].at[pl.ds(0, 128)],
                              rows_b.at[pl.ds(0, 128)], semg_b).wait()
        pltpu.sync_copy(rows_b.at[pl.ds(0, 128)],
                        acc_sh.at[idx_all.at[1, 0]], add=True)

    plsc.subcore_barrier()
    pltpu.sync_copy(acc_sh.at[pl.ds(r0, nbuf)], rows_a)
    pltpu.sync_copy(rows_a, out_hbm.at[cid, pl.ds(r0, nbuf)])
    pltpu.sync_copy(acc_sh.at[pl.ds(r0 + nbuf, rem)], rows_b.at[pl.ds(0, rem)])
    pltpu.sync_copy(rows_b.at[pl.ds(0, rem)],
                    out_hbm.at[cid, pl.ds(r0 + nbuf, rem)])


def _scatter_partials(gh, sd2):
    return pl.kernel(
        _scat_body,
        out_type=jax.ShapeDtypeStruct((NC, NPAD, DH), jnp.bfloat16),
        mesh=_sc_mesh(),
        compiler_params=pltpu.CompilerParams(use_tc_tiling_on_sc=False),
        scratch_types=[
            pltpu.VMEM((2, ROWS_PER_T, 128), jnp.int32),
            pltpu.SemaphoreType.DMA,
            pltpu.VMEM((WIN * 128, DH), jnp.bfloat16),
            pltpu.SemaphoreType.DMA,
            pltpu.VMEM((WIN * 128, DH), jnp.bfloat16),
            pltpu.SemaphoreType.DMA,
            pltpu.VMEM_SHARED((NPAD, DH), jnp.bfloat16),
        ],
    )(gh, sd2)


_BLK = 1000
_GRID = N // _BLK


def _k1a_body(x_ref, w1_ref, h_ref):
    h_ref[...] = jnp.dot(x_ref[...], w1_ref[...],
                         preferred_element_type=jnp.float32)


def _k1a(x, W1):
    return pl.pallas_call(
        _k1a_body,
        grid=(_GRID,),
        in_specs=[
            pl.BlockSpec((_BLK, D), lambda i: (i, 0)),
            pl.BlockSpec((D, D), lambda i: (0, 0)),
        ],
        out_specs=pl.BlockSpec((_BLK, D), lambda i: (i, 0)),
        out_shape=jax.ShapeDtypeStruct((N, D), jnp.float32),
    )(x, W1)


def _k1b_body(h_ref, ds_ref, gh_ref, dinv_ref):
    deg = ds_ref[...] + 1.0
    dinv = lax.rsqrt(deg)
    g = (h_ref[...] * dinv).astype(jnp.bfloat16)
    gh_ref[0] = g[:, :DH]
    gh_ref[1] = g[:, DH:]
    dinv_ref[...] = dinv


def _k1b(h1, dsum):
    return pl.pallas_call(
        _k1b_body,
        grid=(_GRID,),
        in_specs=[
            pl.BlockSpec((_BLK, D), lambda i: (i, 0)),
            pl.BlockSpec((_BLK, 1), lambda i: (i, 0)),
        ],
        out_specs=[
            pl.BlockSpec((NC, _BLK, DH), lambda i: (0, i, 0)),
            pl.BlockSpec((_BLK, 1), lambda i: (i, 0)),
        ],
        out_shape=[
            jax.ShapeDtypeStruct((NC, N, DH), jnp.bfloat16),
            jax.ShapeDtypeStruct((N, 1), jnp.float32),
        ],
    )(h1, dsum)


def _k2_body(p_ref, g1_ref, dinv_ref, b1_ref, gam_ref, bet_ref, w2_ref,
             gh2_ref):
    s = jnp.concatenate(
        [p_ref[0].astype(jnp.float32) + g1_ref[0].astype(jnp.float32),
         p_ref[1].astype(jnp.float32) + g1_ref[1].astype(jnp.float32)],
        axis=1)
    conv1 = s * dinv_ref[...] + b1_ref[...]
    z = jnp.maximum(conv1 * (gam_ref[...] * _BN_SCALE) + bet_ref[...], 0.0)
    h2 = jnp.dot(z, w2_ref[...], preferred_element_type=jnp.float32)
    g2 = (h2 * dinv_ref[...]).astype(jnp.bfloat16)
    gh2_ref[0] = g2[:, :DH]
    gh2_ref[1] = g2[:, DH:]


def _k2(P1, gh1, dinv, b1, gamma, beta, W2):
    return pl.pallas_call(
        _k2_body,
        grid=(_GRID,),
        in_specs=[
            pl.BlockSpec((NC, _BLK, DH), lambda i: (0, i, 0)),
            pl.BlockSpec((NC, _BLK, DH), lambda i: (0, i, 0)),
            pl.BlockSpec((_BLK, 1), lambda i: (i, 0)),
            pl.BlockSpec((1, D), lambda i: (0, 0)),
            pl.BlockSpec((1, D), lambda i: (0, 0)),
            pl.BlockSpec((1, D), lambda i: (0, 0)),
            pl.BlockSpec((D, D), lambda i: (0, 0)),
        ],
        out_specs=pl.BlockSpec((NC, _BLK, DH), lambda i: (0, i, 0)),
        out_shape=jax.ShapeDtypeStruct((NC, N, DH), jnp.bfloat16),
    )(P1, gh1, dinv, b1, gamma, beta, W2)


def _k3_body(p_ref, g2_ref, dinv_ref, b2_ref, x_ref, out_ref):
    s = jnp.concatenate(
        [p_ref[0].astype(jnp.float32) + g2_ref[0].astype(jnp.float32),
         p_ref[1].astype(jnp.float32) + g2_ref[1].astype(jnp.float32)],
        axis=1)
    out_ref[...] = s * dinv_ref[...] + b2_ref[...] + x_ref[...]


def _k3(P2, gh2, dinv, b2, x):
    return pl.pallas_call(
        _k3_body,
        grid=(_GRID,),
        in_specs=[
            pl.BlockSpec((NC, _BLK, DH), lambda i: (0, i, 0)),
            pl.BlockSpec((NC, _BLK, DH), lambda i: (0, i, 0)),
            pl.BlockSpec((_BLK, 1), lambda i: (i, 0)),
            pl.BlockSpec((1, D), lambda i: (0, 0)),
            pl.BlockSpec((_BLK, D), lambda i: (i, 0)),
        ],
        out_specs=pl.BlockSpec((_BLK, D), lambda i: (i, 0)),
        out_shape=jax.ShapeDtypeStruct((N, D), jnp.float32),
    )(P2, gh2, dinv, b2, x)


@jax.jit
def kernel(x, edge_index, W1, b1, gamma, beta, W2, b2):
    sd2 = edge_index.reshape(2, IDX_ROWS, 128)

    dp = _deg_partials(sd2)
    dsum = (dp[:NPAD] + dp[NPAD:])[:N].reshape(N, 1)

    h1 = _k1a(x, W1)
    gh1, dinv = _k1b(h1, dsum)
    P1 = _scatter_partials(gh1, sd2)
    gh2 = _k2(P1, gh1, dinv, b1.reshape(1, D), gamma.reshape(1, D),
              beta.reshape(1, D), W2)
    P2 = _scatter_partials(gh2, sd2)
    out = _k3(P2, gh2, dinv, b2.reshape(1, D), x)
    return out

# --- scband reference (transcript-rebuilt; emitter-appended) ---
"""Pipeline reference for scband-improved-gcn-7670811591017 (READ-ONLY COPY).

The authoritative reference and input builder live on the scoring server;
editing this copy changes nothing except your own understanding.
"""

import jax, jax.numpy as jnp
import numpy as np

N = 10000
E = 320000
D_IN = 128
D_HID = 128
D_OUT = 128


def gcn_conv(x, src, dst, norm, W, b):
    # PyG GCNConv: out = scatter_add(norm * (x W)[src] -> dst) + b
    h = x @ W
    msg = h[src] * norm[:, None]
    out = jnp.zeros((x.shape[0], W.shape[1]), dtype=x.dtype).at[dst].add(msg)
    return out + b


def setup_inputs(seed: int = 0):
    key = jax.random.key(seed)
    ks = jax.random.split(key, 4)
    x = jax.random.normal(ks[0], (N, D_IN), dtype=jnp.float32)
    edge_index = jax.random.randint(ks[1], (2, E), 0, N, dtype=jnp.int32)
    sc1 = 1.0 / np.sqrt(D_IN)
    W1 = jax.random.uniform(ks[2], (D_IN, D_HID), minval=-sc1, maxval=sc1, dtype=jnp.float32)
    b1 = jnp.zeros((D_HID,), jnp.float32)
    gamma = jnp.ones((D_HID,), jnp.float32)
    beta = jnp.zeros((D_HID,), jnp.float32)
    sc2 = 1.0 / np.sqrt(D_HID)
    W2 = jax.random.uniform(ks[3], (D_HID, D_OUT), minval=-sc2, maxval=sc2, dtype=jnp.float32)
    b2 = jnp.zeros((D_OUT,), jnp.float32)
    return {"x": x, "edge_index": edge_index, "W1": W1, "b1": b1,
            "gamma": gamma, "beta": beta, "W2": W2, "b2": b2}


def reference(x, edge_index, W1, b1, gamma, beta, W2, b2):
    # add self loops, build symmetric GCN normalization (shared across layers)
    src0, dst0 = edge_index[0], edge_index[1]
    loop = jnp.arange(N, dtype=edge_index.dtype)
    src = jnp.concatenate([src0, loop])
    dst = jnp.concatenate([dst0, loop])
    deg = jnp.zeros((N,), x.dtype).at[dst].add(jnp.ones((src.shape[0],), x.dtype))
    dinv = jnp.where(deg > 0, jax.lax.rsqrt(deg), 0.0)
    norm = dinv[src] * dinv[dst]

    x_input = x
    # layer 1: GCNConv -> BatchNorm (eval: running_mean=0, running_var=1) -> ReLU -> dropout(eval, identity)
    h = gcn_conv(x, src, dst, norm, W1, b1)
    h = h / jnp.sqrt(1.0 + 1e-5) * gamma + beta
    h = jax.nn.relu(h)
    # layer 2 (final): GCNConv
    out = gcn_conv(h, src, dst, norm, W2, b2)
    # residual: input_dim == output_dim -> direct add
    out = out + x_input
    return out

if __name__ == "__main__":
    import jax
    _d = setup_inputs()
    print(jax.jit(kernel)(*tuple(_d.values())))

</pallas_src>

<mosaic_0001>
#map = affine_map<(d0, d1) -> (0, 0, 0)>
#map1 = affine_map<(d0, d1) -> (0)>
module attributes {stable_mosaic.version = 14 : i64} {
  func.func @_deg_body(%arg0: i32, %arg1: i32, %arg2: memref<2x2500x128xi32, #tpu.memory_space<hbm>>, %arg3: memref<20992xf32, #tpu.memory_space<hbm>>, %arg4: memref<78x128xi32, #tpu.memory_space<vmem>>, %arg5: memref<!tpu.dma_semaphore, #tpu.memory_space<semaphore_mem>>, %arg6: memref<128xf32, #tpu.memory_space<vmem>>, %arg7: memref<656xf32, #tpu.memory_space<vmem>>, %arg8: memref<10496xf32, #tpu.memory_space<vmem_shared>>) attributes {dimension_semantics = [#tpu.dimension_semantics<core_parallel>, #tpu.dimension_semantics<subcore_parallel>], iteration_bounds = array<i64: 2, 16>, scalar_prefetch = 0 : i64, scratch_operands = 5 : i64, tpu.core_type = #tpu.core_type<sc_vector_subcore>, window_params = [{transform_indices = #map}, {transform_indices = #map1}]} {
    %mul3A = arith.constant 16 : i32
    %mul3A_0 = arith.muli %arg0, %mul3A : i32
    %add3A = arith.addi %mul3A_0, %arg1 : i32
    %mul3A_1 = arith.constant 78 : i32
    %mul3A_2 = arith.muli %add3A, %mul3A_1 : i32
    %dma_start3A = arith.constant 1 : i32
    %dma_start3A_3 = arith.constant 0 : i32
    %dma_start3A_4 = tpu.memref_slice %arg2[%dma_start3A, %mul3A_2, %dma_start3A_3] : memref<2x2500x128xi32, #tpu.memory_space<hbm>> -> memref<1x78x128xi32, #tpu.memory_space<hbm>>
    %dma_start3A_5 = tpu.memref_squeeze %dma_start3A_4 : memref<1x78x128xi32, #tpu.memory_space<hbm>> -> memref<78x128xi32, #tpu.memory_space<hbm>>
    %dma_start3A_6 = arith.constant 0 : i32
    %dma_start3A_7 = tpu.memref_slice %arg2[%dma_start3A, %mul3A_2, %dma_start3A_6] : memref<2x2500x128xi32, #tpu.memory_space<hbm>> -> memref<1x78x128xi32, #tpu.memory_space<hbm>>
    %dma_start3A_8 = tpu.memref_squeeze %dma_start3A_7 : memref<1x78x128xi32, #tpu.memory_space<hbm>> -> memref<78x128xi32, #tpu.memory_space<hbm>>
    tpu.enqueue_dma source(%dma_start3A_8 : memref<78x128xi32, #tpu.memory_space<hbm>>) target(%arg4 : memref<78x128xi32, #tpu.memory_space<vmem>>) target_semaphore(%arg5 : memref<!tpu.dma_semaphore, #tpu.memory_space<semaphore_mem>>)
    %broadcast_in_dim3A = arith.constant 1.000000e+00 : f32
    %broadcast_in_dim3A_9 = vector.broadcast %broadcast_in_dim3A : f32 to vector<16xf32>
    %swap3A = arith.constant 0 : index
    %swap3A_10 = tpu.vector_load %arg6[%swap3A] {strides = array<i32>} : memref<128xf32, #tpu.memory_space<vmem>>, vector<16xf32>,
    %swap3A_11 = vector.shape_cast %swap3A_10 : vector<16xf32> to vector<16xf32>
    %swap3A_12 = vector.shape_cast %broadcast_in_dim3A_9 : vector<16xf32> to vector<16xf32>
    tpu.vector_store %arg6[%swap3A], %swap3A_12 {strides = array<i32>} : memref<128xf32, #tpu.memory_space<vmem>>, vector<16xf32>,
    %broadcast_in_dim3A_13 = arith.constant 1.000000e+00 : f32
    %broadcast_in_dim3A_14 = vector.broadcast %broadcast_in_dim3A_13 : f32 to vector<16xf32>
    %swap3A_15 = arith.constant 16 : index
    %swap3A_16 = tpu.vector_load %arg6[%swap3A_15] {strides = array<i32>} : memref<128xf32, #tpu.memory_space<vmem>>, vector<16xf32>,
    %swap3A_17 = vector.shape_cast %swap3A_16 : vector<16xf32> to vector<16xf32>
    %swap3A_18 = vector.shape_cast %broadcast_in_dim3A_14 : vector<16xf32> to vector<16xf32>
    tpu.vector_store %arg6[%swap3A_15], %swap3A_18 {strides = array<i32>} : memref<128xf32, #tpu.memory_space<vmem>>, vector<16xf32>,
    %broadcast_in_dim3A_19 = arith.constant 1.000000e+00 : f32
    %broadcast_in_dim3A_20 = vector.broadcast %broadcast_in_dim3A_19 : f32 to vector<16xf32>
    %swap3A_21 = arith.constant 32 : index
    %swap3A_22 = tpu.vector_load %arg6[%swap3A_21] {strides = array<i32>} : memref<128xf32, #tpu.memory_space<vmem>>, vector<16xf32>,
    %swap3A_23 = vector.shape_cast %swap3A_22 : vector<16xf32> to vector<16xf32>
    %swap3A_24 = vector.shape_cast %broadcast_in_dim3A_20 : vector<16xf32> to vector<16xf32>
    tpu.vector_store %arg6[%swap3A_21], %swap3A_24 {strides = array<i32>} : memref<128xf32, #tpu.memory_space<vmem>>, vector<16xf32>,
    %broadcast_in_dim3A_25 = arith.constant 1.000000e+00 : f32
    %broadcast_in_dim3A_26 = vector.broadcast %broadcast_in_dim3A_25 : f32 to vector<16xf32>
    %swap3A_27 = arith.constant 48 : index
    %swap3A_28 = tpu.vector_load %arg6[%swap3A_27] {strides = array<i32>} : memref<128xf32, #tpu.memory_space<vmem>>, vector<16xf32>,
    %swap3A_29 = vector.shape_cast %swap3A_28 : vector<16xf32> to vector<16xf32>
    %swap3A_30 = vector.shape_cast %broadcast_in_dim3A_26 : vector<16xf32> to vector<16xf32>
    tpu.vector_store %arg6[%swap3A_27], %swap3A_30 {strides = array<i32>} : memref<128xf32, #tpu.memory_space<vmem>>, vector<16xf32>,
    %broadcast_in_dim3A_31 = arith.constant 1.000000e+00 : f32
    %broadcast_in_dim3A_32 = vector.broadcast %broadcast_in_dim3A_31 : f32 to vector<16xf32>
    %swap3A_33 = arith.constant 64 : index
    %swap3A_34 = tpu.vector_load %arg6[%swap3A_33] {strides = array<i32>} : memref<128xf32, #tpu.memory_space<vmem>>, vector<16xf32>,
    %swap3A_35 = vector.shape_cast %swap3A_34 : vector<16xf32> to vector<16xf32>
    %swap3A_36 = vector.shape_cast %broadcast_in_dim3A_32 : vector<16xf32> to vector<16xf32>
    tpu.vector_store %arg6[%swap3A_33], %swap3A_36 {strides = array<i32>} : memref<128xf32, #tpu.memory_space<vmem>>, vector<16xf32>,
    %broadcast_in_dim3A_37 = arith.constant 1.000000e+00 : f32
    %broadcast_in_dim3A_38 = vector.broadcast %broadcast_in_dim3A_37 : f32 to vector<16xf32>
    %swap3A_39 = arith.constant 80 : index
    %swap3A_40 = tpu.vector_load %arg6[%swap3A_39] {strides = array<i32>} : memref<128xf32, #tpu.memory_space<vmem>>, vector<16xf32>,
    %swap3A_41 = vector.shape_cast %swap3A_40 : vector<16xf32> to vector<16xf32>
    %swap3A_42 = vector.shape_cast %broadcast_in_dim3A_38 : vector<16xf32> to vector<16xf32>
    tpu.vector_store %arg6[%swap3A_39], %swap3A_42 {strides = array<i32>} : memref<128xf32, #tpu.memory_space<vmem>>, vector<16xf32>,
    %broadcast_in_dim3A_43 = arith.constant 1.000000e+00 : f32
    %broadcast_in_dim3A_44 = vector.broadcast %broadcast_in_dim3A_43 : f32 to vector<16xf32>
    %swap3A_45 = arith.constant 96 : index
    %swap3A_46 = tpu.vector_load %arg6[%swap3A_45] {strides = array<i32>} : memref<128xf32, #tpu.memory_space<vmem>>, vector<16xf32>,
    %swap3A_47 = vector.shape_cast %swap3A_46 : vector<16xf32> to vector<16xf32>
    %swap3A_48 = vector.shape_cast %broadcast_in_dim3A_44 : vector<16xf32> to vector<16xf32>
    tpu.vector_store %arg6[%swap3A_45], %swap3A_48 {strides = array<i32>} : memref<128xf32, #tpu.memory_space<vmem>>, vector<16xf32>,
    %broadcast_in_dim3A_49 = arith.constant 1.000000e+00 : f32
    %broadcast_in_dim3A_50 = vector.broadcast %broadcast_in_dim3A_49 : f32 to vector<16xf32>
    %swap3A_51 = arith.constant 112 : index
    %swap3A_52 = tpu.vector_load %arg6[%swap3A_51] {strides = array<i32>} : memref<128xf32, #tpu.memory_space<vmem>>, vector<16xf32>,
    %swap3A_53 = vector.shape_cast %swap3A_52 : vector<16xf32> to vector<16xf32>
    %swap3A_54 = vector.shape_cast %broadcast_in_dim3A_50 : vector<16xf32> to vector<16xf32>
    tpu.vector_store %arg6[%swap3A_51], %swap3A_54 {strides = array<i32>} : memref<128xf32, #tpu.memory_space<vmem>>, vector<16xf32>,
    %scan3A = arith.constant 0 : i32
    %scan3A_55 = arith.constant 0 : i32
    %scan3A_56 = arith.constant 41 : i32
    %scan3A_57 = arith.addi %scan3A_55, %scan3A_56 : i32
    %scan3A_58 = arith.constant 1 : i32
    scf.for %scan3A_86 = %scan3A_55 to %scan3A_57 step %scan3A_58  : i32 {
      %broadcast_in_dim3A_87 = arith.constant 0.000000e+00 : f32
      %broadcast_in_dim3A_88 = vector.broadcast %broadcast_in_dim3A_87 : f32 to vector<16xf32>
      %mul3A_89 = arith.constant 16 : i32
      %mul3A_90 = arith.muli %scan3A_86, %mul3A_89 : i32
      %swap3A_91 = arith.index_cast %mul3A_90 : i32 to index
      %swap3A_92 = tpu.vector_load %arg7[%swap3A_91] {strides = array<i32>} : memref<656xf32, #tpu.memory_space<vmem>>, vector<16xf32>,
      %swap3A_93 = vector.shape_cast %swap3A_92 : vector<16xf32> to vector<16xf32>
      %swap3A_94 = vector.shape_cast %broadcast_in_dim3A_88 : vector<16xf32> to vector<16xf32>
      tpu.vector_store %arg7[%swap3A_91], %swap3A_94 {strides = array<i32>} : memref<656xf32, #tpu.memory_space<vmem>>, vector<16xf32>,
    }
    %scan3A_59 = arith.constant 41 : i32
    %mul3A_60 = arith.constant 656 : i32
    %mul3A_61 = arith.muli %arg1, %mul3A_60 : i32
    "tpu.region"() ({
      %run_scoped3A = tpu.sem_alloc : memref<!tpu.dma_semaphore, #tpu.memory_space<semaphore_mem>>
      %dma_start3A_86 = tpu.memref_slice %arg8[%mul3A_61] : memref<10496xf32, #tpu.memory_space<vmem_shared>> -> memref<656xf32, #tpu.memory_space<vmem_shared>>
      %dma_start3A_87 = tpu.memref_slice %arg8[%mul3A_61] : memref<10496xf32, #tpu.memory_space<vmem_shared>> -> memref<656xf32, #tpu.memory_space<vmem_shared>>
      tpu.enqueue_dma source(%arg7 : memref<656xf32, #tpu.memory_space<vmem>>) target(%dma_start3A_87 : memref<656xf32, #tpu.memory_space<vmem_shared>>) target_semaphore(%run_scoped3A : memref<!tpu.dma_semaphore, #tpu.memory_space<semaphore_mem>>)
      %dma_wait3A_88 = tpu.memref_slice %arg8[%mul3A_61] : memref<10496xf32, #tpu.memory_space<vmem_shared>> -> memref<656xf32, #tpu.memory_space<vmem_shared>>
      %dma_wait3A_89 = tpu.memref_slice %arg8[%mul3A_61] : memref<10496xf32, #tpu.memory_space<vmem_shared>> -> memref<656xf32, #tpu.memory_space<vmem_shared>>
      tpu.wait_dma2 semaphore(%run_scoped3A : memref<!tpu.dma_semaphore, #tpu.memory_space<semaphore_mem>>) src(%arg7 : memref<656xf32, #tpu.memory_space<vmem>>) dst(%dma_wait3A_89 : memref<656xf32, #tpu.memory_space<vmem_shared>>)
      tpu.yield
    }) : () -> ()
    %dma_wait3A = arith.constant 1 : i32
    %dma_wait3A_62 = arith.constant 0 : i32
    %dma_wait3A_63 = arith.constant 0 : i32
    %dma_wait3A_64 = tpu.memref_slice %arg2[%dma_wait3A, %dma_wait3A_62, %dma_wait3A_63] : memref<2x2500x128xi32, #tpu.memory_space<hbm>> -> memref<1x78x128xi32, #tpu.memory_space<hbm>>
    %dma_wait3A_65 = tpu.memref_squeeze %dma_wait3A_64 : memref<1x78x128xi32, #tpu.memory_space<hbm>> -> memref<78x128xi32, #tpu.memory_space<hbm>>
    %dma_wait3A_66 = arith.constant 0 : i32
    %dma_wait3A_67 = arith.constant 0 : i32
    %dma_wait3A_68 = tpu.memref_slice %arg2[%dma_wait3A, %dma_wait3A_66, %dma_wait3A_67] : memref<2x2500x128xi32, #tpu.memory_space<hbm>> -> memref<1x78x128xi32, #tpu.memory_space<hbm>>
    %dma_wait3A_69 = tpu.memref_squeeze %dma_wait3A_68 : memref<1x78x128xi32, #tpu.memory_space<hbm>> -> memref<78x128xi32, #tpu.memory_space<hbm>>
    tpu.wait_dma2 semaphore(%arg5 : memref<!tpu.dma_semaphore, #tpu.memory_space<semaphore_mem>>) src(%dma_wait3A_69 : memref<78x128xi32, #tpu.memory_space<hbm>>) dst(%arg4 : memref<78x128xi32, #tpu.memory_space<vmem>>)
    %barrier3A = arith.constant 0 : index
    tpu.barrier barrier_id(%barrier3A)
    %scan3A_70 = arith.constant 0 : i32
    %scan3A_71 = arith.constant 0 : i32
    %scan3A_72 = arith.constant 78 : i32
    %scan3A_73 = arith.addi %scan3A_71, %scan3A_72 : i32
    %scan3A_74 = arith.constant 1 : i32
    scf.for %scan3A_86 = %scan3A_71 to %scan3A_73 step %scan3A_74  : i32 {
      "tpu.region"() ({
        %run_scoped3A = tpu.sem_alloc : memref<!tpu.dma_semaphore, #tpu.memory_space<semaphore_mem>>
        %dma_start3A_87 = arith.constant 0 : i32
        %dma_start3A_88 = tpu.memref_slice %arg4[%scan3A_86, %dma_start3A_87] : memref<78x128xi32, #tpu.memory_space<vmem>> -> memref<1x128xi32, #tpu.memory_space<vmem>>
        %dma_start3A_89 = tpu.memref_squeeze %dma_start3A_88 : memref<1x128xi32, #tpu.memory_space<vmem>> -> memref<128xi32, #tpu.memory_space<vmem>>
        %dma_start3A_90 = arith.constant 0 : i32
        %dma_start3A_91 = tpu.memref_slice %arg8[%dma_start3A_90] : memref<10496xf32, #tpu.memory_space<vmem_shared>> -> memref<10496xf32, #tpu.memory_space<vmem_shared>>
        tpu.enqueue_indirect_dma source(%arg6 : memref<128xf32, #tpu.memory_space<vmem>>) target(%dma_start3A_91 : memref<10496xf32, #tpu.memory_space<vmem_shared>>) offsets(%dma_start3A_89 : memref<128xi32, #tpu.memory_space<vmem>>) semaphore(%run_scoped3A : memref<!tpu.dma_semaphore, #tpu.memory_space<semaphore_mem>>) {add = true}
        %dma_wait3A_92 = arith.constant 0 : i32
        %dma_wait3A_93 = tpu.memref_slice %arg4[%scan3A_86, %dma_wait3A_92] : memref<78x128xi32, #tpu.memory_space<vmem>> -> memref<1x128xi32, #tpu.memory_space<vmem>>
        %dma_wait3A_94 = tpu.memref_squeeze %dma_wait3A_93 : memref<1x128xi32, #tpu.memory_space<vmem>> -> memref<128xi32, #tpu.memory_space<vmem>>
        %dma_wait3A_95 = arith.constant 0 : i32
        %dma_wait3A_96 = tpu.memref_slice %arg8[%dma_wait3A_95] : memref<10496xf32, #tpu.memory_space<vmem_shared>> -> memref<10496xf32, #tpu.memory_space<vmem_shared>>
        tpu.wait_indirect_dma semaphore(%run_scoped3A : memref<!tpu.dma_semaphore, #tpu.memory_space<semaphore_mem>>) src(%arg6 : memref<128xf32, #tpu.memory_space<vmem>>) dst(%dma_wait3A_96 : memref<10496xf32, #tpu.memory_space<vmem_shared>>)
        tpu.yield
      }) : () -> ()
    }
    %scan3A_75 = arith.constant 78 : i32
    %lt3A = arith.constant 4 : i32
    %lt3A_76 = arith.cmpi slt, %add3A, %lt3A : i32
    %convert_element_type3A = arith.extui %lt3A_76 : i1 to i32
    %cond3A = arith.constant 0 : i32
    %cond3A_77 = arith.cmpi ne, %convert_element_type3A, %cond3A : i32
    scf.if %cond3A_77 {
      %add3A_86 = arith.constant 2496 : i32
      %add3A_87 = arith.addi %add3A_86, %add3A : i32
      %run_scoped3A = arith.constant 1 : i32
      "tpu.region"() ({
        %run_scoped3A_89 = tpu.sem_alloc : memref<!tpu.dma_semaphore, #tpu.memory_space<semaphore_mem>>
        %dma_start3A_90 = arith.constant 0 : i32
        %dma_start3A_91 = arith.constant 0 : i32
        %dma_start3A_92 = tpu.memref_slice %arg4[%dma_start3A_90, %dma_start3A_91] : memref<78x128xi32, #tpu.memory_space<vmem>> -> memref<1x128xi32, #tpu.memory_space<vmem>>
        %dma_start3A_93 = arith.constant 0 : i32
        %dma_start3A_94 = tpu.memref_slice %arg2[%run_scoped3A, %add3A_87, %dma_start3A_93] : memref<2x2500x128xi32, #tpu.memory_space<hbm>> -> memref<1x1x128xi32, #tpu.memory_space<hbm>>
        %dma_start3A_95 = tpu.memref_squeeze %dma_start3A_94 : memref<1x1x128xi32, #tpu.memory_space<hbm>> -> memref<1x128xi32, #tpu.memory_space<hbm>>
        %dma_start3A_96 = arith.constant 0 : i32
        %dma_start3A_97 = arith.constant 0 : i32
        %dma_start3A_98 = tpu.memref_slice %arg4[%dma_start3A_96, %dma_start3A_97] : memref<78x128xi32, #tpu.memory_space<vmem>> -> memref<1x128xi32, #tpu.memory_space<vmem>>
        %dma_start3A_99 = arith.constant 0 : i32
        %dma_start3A_100 = tpu.memref_slice %arg2[%run_scoped3A, %add3A_87, %dma_start3A_99] : memref<2x2500x128xi32, #tpu.memory_space<hbm>> -> memref<1x1x128xi32, #tpu.memory_space<hbm>>
        %dma_start3A_101 = tpu.memref_squeeze %dma_start3A_100 : memref<1x1x128xi32, #tpu.memory_space<hbm>> -> memref<1x128xi32, #tpu.memory_space<hbm>>
        tpu.enqueue_dma source(%dma_start3A_101 : memref<1x128xi32, #tpu.memory_space<hbm>>) target(%dma_start3A_98 : memref<1x128xi32, #tpu.memory_space<vmem>>) target_semaphore(%run_scoped3A_89 : memref<!tpu.dma_semaphore, #tpu.memory_space<semaphore_mem>>)
        %dma_wait3A_102 = arith.constant 0 : i32
        %dma_wait3A_103 = arith.constant 0 : i32
        %dma_wait3A_104 = tpu.memref_slice %arg4[%dma_wait3A_102, %dma_wait3A_103] : memref<78x128xi32, #tpu.memory_space<vmem>> -> memref<1x128xi32, #tpu.memory_space<vmem>>
        %dma_wait3A_105 = arith.constant 0 : i32
        %dma_wait3A_106 = tpu.memref_slice %arg2[%run_scoped3A, %add3A_87, %dma_wait3A_105] : memref<2x2500x128xi32, #tpu.memory_space<hbm>> -> memref<1x1x128xi32, #tpu.memory_space<hbm>>
        %dma_wait3A_107 = tpu.memref_squeeze %dma_wait3A_106 : memref<1x1x128xi32, #tpu.memory_space<hbm>> -> memref<1x128xi32, #tpu.memory_space<hbm>>
        %dma_wait3A_108 = arith.constant 0 : i32
        %dma_wait3A_109 = arith.constant 0 : i32
        %dma_wait3A_110 = tpu.memref_slice %arg4[%dma_wait3A_108, %dma_wait3A_109] : memref<78x128xi32, #tpu.memory_space<vmem>> -> memref<1x128xi32, #tpu.memory_space<vmem>>
        %dma_wait3A_111 = arith.constant 0 : i32
        %dma_wait3A_112 = tpu.memref_slice %arg2[%run_scoped3A, %add3A_87, %dma_wait3A_111] : memref<2x2500x128xi32, #tpu.memory_space<hbm>> -> memref<1x1x128xi32, #tpu.memory_space<hbm>>
        %dma_wait3A_113 = tpu.memref_squeeze %dma_wait3A_112 : memref<1x1x128xi32, #tpu.memory_space<hbm>> -> memref<1x128xi32, #tpu.memory_space<hbm>>
        tpu.wait_dma2 semaphore(%run_scoped3A_89 : memref<!tpu.dma_semaphore, #tpu.memory_space<semaphore_mem>>) src(%dma_wait3A_113 : memref<1x128xi32, #tpu.memory_space<hbm>>) dst(%dma_wait3A_110 : memref<1x128xi32, #tpu.memory_space<vmem>>)
        tpu.yield
      }) : () -> ()
      %run_scoped3A_88 = arith.constant 0 : i32
      "tpu.region"() ({
        %run_scoped3A_89 = tpu.sem_alloc : memref<!tpu.dma_semaphore, #tpu.memory_space<semaphore_mem>>
        %dma_start3A_90 = arith.constant 0 : i32
        %dma_start3A_91 = tpu.memref_slice %arg4[%run_scoped3A_88, %dma_start3A_90] : memref<78x128xi32, #tpu.memory_space<vmem>> -> memref<1x128xi32, #tpu.memory_space<vmem>>
        %dma_start3A_92 = tpu.memref_squeeze %dma_start3A_91 : memref<1x128xi32, #tpu.memory_space<vmem>> -> memref<128xi32, #tpu.memory_space<vmem>>
        %dma_start3A_93 = arith.constant 0 : i32
        %dma_start3A_94 = tpu.memref_slice %arg8[%dma_start3A_93] : memref<10496xf32, #tpu.memory_space<vmem_shared>> -> memref<10496xf32, #tpu.memory_space<vmem_shared>>
        tpu.enqueue_indirect_dma source(%arg6 : memref<128xf32, #tpu.memory_space<vmem>>) target(%dma_start3A_94 : memref<10496xf32, #tpu.memory_space<vmem_shared>>) offsets(%dma_start3A_92 : memref<128xi32, #tpu.memory_space<vmem>>) semaphore(%run_scoped3A_89 : memref<!tpu.dma_semaphore, #tpu.memory_space<semaphore_mem>>) {add = true}
        %dma_wait3A_95 = arith.constant 0 : i32
        %dma_wait3A_96 = tpu.memref_slice %arg4[%run_scoped3A_88, %dma_wait3A_95] : memref<78x128xi32, #tpu.memory_space<vmem>> -> memref<1x128xi32, #tpu.memory_space<vmem>>
        %dma_wait3A_97 = tpu.memref_squeeze %dma_wait3A_96 : memref<1x128xi32, #tpu.memory_space<vmem>> -> memref<128xi32, #tpu.memory_space<vmem>>
        %dma_wait3A_98 = arith.constant 0 : i32
        %dma_wait3A_99 = tpu.memref_slice %arg8[%dma_wait3A_98] : memref<10496xf32, #tpu.memory_space<vmem_shared>> -> memref<10496xf32, #tpu.memory_space<vmem_shared>>
        tpu.wait_indirect_dma semaphore(%run_scoped3A_89 : memref<!tpu.dma_semaphore, #tpu.memory_space<semaphore_mem>>) src(%arg6 : memref<128xf32, #tpu.memory_space<vmem>>) dst(%dma_wait3A_99 : memref<10496xf32, #tpu.memory_space<vmem_shared>>)
        tpu.yield
      }) : () -> ()
    } else {
    }
    %barrier3A_78 = arith.constant 0 : index
    tpu.barrier barrier_id(%barrier3A_78)
    %mul3A_79 = arith.constant 656 : i32
    %mul3A_80 = arith.muli %arg1, %mul3A_79 : i32
    "tpu.region"() ({
      %run_scoped3A = tpu.sem_alloc : memref<!tpu.dma_semaphore, #tpu.memory_space<semaphore_mem>>
      %dma_start3A_86 = tpu.memref_slice %arg8[%mul3A_80] : memref<10496xf32, #tpu.memory_space<vmem_shared>> -> memref<656xf32, #tpu.memory_space<vmem_shared>>
      %dma_start3A_87 = tpu.memref_slice %arg8[%mul3A_80] : memref<10496xf32, #tpu.memory_space<vmem_shared>> -> memref<656xf32, #tpu.memory_space<vmem_shared>>
      tpu.enqueue_dma source(%dma_start3A_87 : memref<656xf32, #tpu.memory_space<vmem_shared>>) target(%arg7 : memref<656xf32, #tpu.memory_space<vmem>>) target_semaphore(%run_scoped3A : memref<!tpu.dma_semaphore, #tpu.memory_space<semaphore_mem>>)
      %dma_wait3A_88 = tpu.memref_slice %arg8[%mul3A_80] : memref<10496xf32, #tpu.memory_space<vmem_shared>> -> memref<656xf32, #tpu.memory_space<vmem_shared>>
      %dma_wait3A_89 = tpu.memref_slice %arg8[%mul3A_80] : memref<10496xf32, #tpu.memory_space<vmem_shared>> -> memref<656xf32, #tpu.memory_space<vmem_shared>>
      tpu.wait_dma2 semaphore(%run_scoped3A : memref<!tpu.dma_semaphore, #tpu.memory_space<semaphore_mem>>) src(%dma_wait3A_89 : memref<656xf32, #tpu.memory_space<vmem_shared>>) dst(%arg7 : memref<656xf32, #tpu.memory_space<vmem>>)
      tpu.yield
    }) : () -> ()
    %mul3A_81 = arith.constant 10496 : i32
    %mul3A_82 = arith.muli %arg0, %mul3A_81 : i32
    %mul3A_83 = arith.constant 656 : i32
    %mul3A_84 = arith.muli %arg1, %mul3A_83 : i32
    %add3A_85 = arith.addi %mul3A_82, %mul3A_84 : i32
    "tpu.region"() ({
      %run_scoped3A = tpu.sem_alloc : memref<!tpu.dma_semaphore, #tpu.memory_space<semaphore_mem>>
      %dma_start3A_86 = tpu.memref_slice %arg3[%add3A_85] : memref<20992xf32, #tpu.memory_space<hbm>> -> memref<656xf32, #tpu.memory_space<hbm>>
      %dma_start3A_87 = tpu.memref_slice %arg3[%add3A_85] : memref<20992xf32, #tpu.memory_space<hbm>> -> memref<656xf32, #tpu.memory_space<hbm>>
      tpu.enqueue_dma source(%arg7 : memref<656xf32, #tpu.memory_space<vmem>>) target(%dma_start3A_87 : memref<656xf32, #tpu.memory_space<hbm>>) target_semaphore(%run_scoped3A : memref<!tpu.dma_semaphore, #tpu.memory_space<semaphore_mem>>)
      %dma_wait3A_88 = tpu.memref_slice %arg3[%add3A_85] : memref<20992xf32, #tpu.memory_space<hbm>> -> memref<656xf32, #tpu.memory_space<hbm>>
      %dma_wait3A_89 = tpu.memref_slice %arg3[%add3A_85] : memref<20992xf32, #tpu.memory_space<hbm>> -> memref<656xf32, #tpu.memory_space<hbm>>
      tpu.wait_dma2 semaphore(%run_scoped3A : memref<!tpu.dma_semaphore, #tpu.memory_space<semaphore_mem>>) src(%arg7 : memref<656xf32, #tpu.memory_space<vmem>>) dst(%dma_wait3A_89 : memref<656xf32, #tpu.memory_space<hbm>>)
      tpu.yield
    }) : () -> ()
    return
  }
}

#map = affine_map<(d0, d1) -> (0, 0, 0)>
module attributes {stable_mosaic.version = 14 : i64} {
  func.func @_scat_body(%arg0: i32, %arg1: i32, %arg2: memref<2x10000x64xbf16, #tpu.memory_space<hbm>>, %arg3: memref<2x2500x128xi32, #tpu.memory_space<hbm>>, %arg4: memref<2x10496x64xbf16, #tpu.memory_space<hbm>>, %arg5: memref<2x156x128xi32, #tpu.memory_space<vmem>>, %arg6: memref<!tpu.dma_semaphore, #tpu.memory_space<semaphore_mem>>, %arg7: memref<512x64xbf16, #tpu.memory_space<vmem>>, %arg8: memref<!tpu.dma_semaphore, #tpu.memory_space<semaphore_mem>>, %arg9: memref<512x64xbf16, #tpu.memory_space<vmem>>, %arg10: memref<!tpu.dma_semaphore, #tpu.memory_space<semaphore_mem>>, %arg11: memref<10496x64xbf16, #tpu.memory_space<vmem_shared>>) attributes {dimension_semantics = [#tpu.dimension_semantics<core_parallel>, #tpu.dimension_semantics<subcore_parallel>], iteration_bounds = array<i64: 2, 16>, scalar_prefetch = 0 : i64, scratch_operands = 7 : i64, tpu.core_type = #tpu.core_type<sc_vector_subcore>, window_params = [{transform_indices = #map}, {transform_indices = #map}, {transform_indices = #map}]} {
    %mul3A = arith.constant 656 : i32
    %mul3A_0 = arith.muli %arg1, %mul3A : i32
    %mul3A_1 = arith.constant 156 : i32
    %mul3A_2 = arith.muli %arg1, %mul3A_1 : i32
    %dma_start3A = arith.constant 0 : i32
    %dma_start3A_3 = arith.constant 0 : i32
    %dma_start3A_4 = arith.constant 0 : i32
    %dma_start3A_5 = arith.constant 0 : i32
    %dma_start3A_6 = tpu.memref_slice %arg5[%dma_start3A_3, %dma_start3A_4, %dma_start3A_5] : memref<2x156x128xi32, #tpu.memory_space<vmem>> -> memref<1x156x128xi32, #tpu.memory_space<vmem>>
    %dma_start3A_7 = tpu.memref_squeeze %dma_start3A_6 : memref<1x156x128xi32, #tpu.memory_space<vmem>> -> memref<156x128xi32, #tpu.memory_space<vmem>>
    %dma_start3A_8 = arith.constant 0 : i32
    %dma_start3A_9 = tpu.memref_slice %arg3[%dma_start3A, %mul3A_2, %dma_start3A_8] : memref<2x2500x128xi32, #tpu.memory_space<hbm>> -> memref<1x156x128xi32, #tpu.memory_space<hbm>>
    %dma_start3A_10 = tpu.memref_squeeze %dma_start3A_9 : memref<1x156x128xi32, #tpu.memory_space<hbm>> -> memref<156x128xi32, #tpu.memory_space<hbm>>
    %dma_start3A_11 = arith.constant 0 : i32
    %dma_start3A_12 = arith.constant 0 : i32
    %dma_start3A_13 = tpu.memref_slice %arg5[%dma_start3A_3, %dma_start3A_11, %dma_start3A_12] : memref<2x156x128xi32, #tpu.memory_space<vmem>> -> memref<1x156x128xi32, #tpu.memory_space<vmem>>
    %dma_start3A_14 = tpu.memref_squeeze %dma_start3A_13 : memref<1x156x128xi32, #tpu.memory_space<vmem>> -> memref<156x128xi32, #tpu.memory_space<vmem>>
    %dma_start3A_15 = arith.constant 0 : i32
    %dma_start3A_16 = tpu.memref_slice %arg3[%dma_start3A, %mul3A_2, %dma_start3A_15] : memref<2x2500x128xi32, #tpu.memory_space<hbm>> -> memref<1x156x128xi32, #tpu.memory_space<hbm>>
    %dma_start3A_17 = tpu.memref_squeeze %dma_start3A_16 : memref<1x156x128xi32, #tpu.memory_space<hbm>> -> memref<156x128xi32, #tpu.memory_space<hbm>>
    tpu.enqueue_dma source(%dma_start3A_17 : memref<156x128xi32, #tpu.memory_space<hbm>>) target(%dma_start3A_14 : memref<156x128xi32, #tpu.memory_space<vmem>>) target_semaphore(%arg6 : memref<!tpu.dma_semaphore, #tpu.memory_space<semaphore_mem>>)
    %dma_start3A_18 = arith.constant 1 : i32
    %dma_start3A_19 = arith.constant 1 : i32
    %dma_start3A_20 = arith.constant 0 : i32
    %dma_start3A_21 = arith.constant 0 : i32
    %dma_start3A_22 = tpu.memref_slice %arg5[%dma_start3A_19, %dma_start3A_20, %dma_start3A_21] : memref<2x156x128xi32, #tpu.memory_space<vmem>> -> memref<1x156x128xi32, #tpu.memory_space<vmem>>
    %dma_start3A_23 = tpu.memref_squeeze %dma_start3A_22 : memref<1x156x128xi32, #tpu.memory_space<vmem>> -> memref<156x128xi32, #tpu.memory_space<vmem>>
    %dma_start3A_24 = arith.constant 0 : i32
    %dma_start3A_25 = tpu.memref_slice %arg3[%dma_start3A_18, %mul3A_2, %dma_start3A_24] : memref<2x2500x128xi32, #tpu.memory_space<hbm>> -> memref<1x156x128xi32, #tpu.memory_space<hbm>>
    %dma_start3A_26 = tpu.memref_squeeze %dma_start3A_25 : memref<1x156x128xi32, #tpu.memory_space<hbm>> -> memref<156x128xi32, #tpu.memory_space<hbm>>
    %dma_start3A_27 = arith.constant 0 : i32
    %dma_start3A_28 = arith.constant 0 : i32
    %dma_start3A_29 = tpu.memref_slice %arg5[%dma_start3A_19, %dma_start3A_27, %dma_start3A_28] : memref<2x156x128xi32, #tpu.memory_space<vmem>> -> memref<1x156x128xi32, #tpu.memory_space<vmem>>
    %dma_start3A_30 = tpu.memref_squeeze %dma_start3A_29 : memref<1x156x128xi32, #tpu.memory_space<vmem>> -> memref<156x128xi32, #tpu.memory_space<vmem>>
    %dma_start3A_31 = arith.constant 0 : i32
    %dma_start3A_32 = tpu.memref_slice %arg3[%dma_start3A_18, %mul3A_2, %dma_start3A_31] : memref<2x2500x128xi32, #tpu.memory_space<hbm>> -> memref<1x156x128xi32, #tpu.memory_space<hbm>>
    %dma_start3A_33 = tpu.memref_squeeze %dma_start3A_32 : memref<1x156x128xi32, #tpu.memory_space<hbm>> -> memref<156x128xi32, #tpu.memory_space<hbm>>
    tpu.enqueue_dma source(%dma_start3A_33 : memref<156x128xi32, #tpu.memory_space<hbm>>) target(%dma_start3A_30 : memref<156x128xi32, #tpu.memory_space<vmem>>) target_semaphore(%arg6 : memref<!tpu.dma_semaphore, #tpu.memory_space<semaphore_mem>>)
    %scan3A = arith.constant 0 : i32
    %scan3A_34 = arith.constant 0 : i32
    %scan3A_35 = arith.constant 512 : i32
    %scan3A_36 = arith.addi %scan3A_34, %scan3A_35 : i32
    %scan3A_37 = arith.constant 1 : i32
    scf.for %scan3A_305 = %scan3A_34 to %scan3A_36 step %scan3A_37  : i32 {
      %broadcast_in_dim3A = arith.constant 0.000000e+00 : bf16
      %broadcast_in_dim3A_306 = vector.broadcast %broadcast_in_dim3A : bf16 to vector<32xbf16>
      %swap3A = arith.index_cast %scan3A_305 : i32 to index
      %swap3A_307 = arith.constant 0 : index
      %swap3A_308 = tpu.vector_load %arg7[%swap3A, %swap3A_307] {strides = array<i32>} : memref<512x64xbf16, #tpu.memory_space<vmem>>, vector<1x32xbf16>,
      %swap3A_309 = vector.shape_cast %swap3A_308 : vector<1x32xbf16> to vector<32xbf16>
      %swap3A_310 = vector.shape_cast %broadcast_in_dim3A_306 : vector<32xbf16> to vector<1x32xbf16>
      tpu.vector_store %arg7[%swap3A, %swap3A_307], %swap3A_310 {strides = array<i32>} : memref<512x64xbf16, #tpu.memory_space<vmem>>, vector<1x32xbf16>,
      %broadcast_in_dim3A_311 = arith.constant 0.000000e+00 : bf16
      %broadcast_in_dim3A_312 = vector.broadcast %broadcast_in_dim3A_311 : bf16 to vector<32xbf16>
      %swap3A_313 = arith.index_cast %scan3A_305 : i32 to index
      %swap3A_314 = arith.constant 32 : index
      %swap3A_315 = tpu.vector_load %arg7[%swap3A_313, %swap3A_314] {strides = array<i32>} : memref<512x64xbf16, #tpu.memory_space<vmem>>, vector<1x32xbf16>,
      %swap3A_316 = vector.shape_cast %swap3A_315 : vector<1x32xbf16> to vector<32xbf16>
      %swap3A_317 = vector.shape_cast %broadcast_in_dim3A_312 : vector<32xbf16> to vector<1x32xbf16>
      tpu.vector_store %arg7[%swap3A_313, %swap3A_314], %swap3A_317 {strides = array<i32>} : memref<512x64xbf16, #tpu.memory_space<vmem>>, vector<1x32xbf16>,
    }
    %scan3A_38 = arith.constant 512 : i32
    "tpu.region"() ({
      %run_scoped3A_305 = tpu.sem_alloc : memref<!tpu.dma_semaphore, #tpu.memory_space<semaphore_mem>>
      %dma_start3A_306 = arith.constant 0 : i32
      %dma_start3A_307 = tpu.memref_slice %arg11[%mul3A_0, %dma_start3A_306] : memref<10496x64xbf16, #tpu.memory_space<vmem_shared>> -> memref<512x64xbf16, #tpu.memory_space<vmem_shared>>
      %dma_start3A_308 = arith.constant 0 : i32
      %dma_start3A_309 = tpu.memref_slice %arg11[%mul3A_0, %dma_start3A_308] : memref<10496x64xbf16, #tpu.memory_space<vmem_shared>> -> memref<512x64xbf16, #tpu.memory_space<vmem_shared>>
      tpu.enqueue_dma source(%arg7 : memref<512x64xbf16, #tpu.memory_space<vmem>>) target(%dma_start3A_309 : memref<512x64xbf16, #tpu.memory_space<vmem_shared>>) target_semaphore(%run_scoped3A_305 : memref<!tpu.dma_semaphore, #tpu.memory_space<semaphore_mem>>)
      %dma_wait3A_310 = arith.constant 0 : i32
      %dma_wait3A_311 = tpu.memref_slice %arg11[%mul3A_0, %dma_wait3A_310] : memref<10496x64xbf16, #tpu.memory_space<vmem_shared>> -> memref<512x64xbf16, #tpu.memory_space<vmem_shared>>
      %dma_wait3A_312 = arith.constant 0 : i32
      %dma_wait3A_313 = tpu.memref_slice %arg11[%mul3A_0, %dma_wait3A_312] : memref<10496x64xbf16, #tpu.memory_space<vmem_shared>> -> memref<512x64xbf16, #tpu.memory_space<vmem_shared>>
      tpu.wait_dma2 semaphore(%run_scoped3A_305 : memref<!tpu.dma_semaphore, #tpu.memory_space<semaphore_mem>>) src(%arg7 : memref<512x64xbf16, #tpu.memory_space<vmem>>) dst(%dma_wait3A_313 : memref<512x64xbf16, #tpu.memory_space<vmem_shared>>)
      tpu.yield
    }) : () -> ()
    %add3A = arith.constant 512 : i32
    %add3A_39 = arith.addi %mul3A_0, %add3A : i32
    "tpu.region"() ({
      %run_scoped3A_305 = tpu.sem_alloc : memref<!tpu.dma_semaphore, #tpu.memory_space<semaphore_mem>>
      %dma_start3A_306 = arith.constant 0 : i32
      %dma_start3A_307 = arith.constant 0 : i32
      %dma_start3A_308 = tpu.memref_slice %arg7[%dma_start3A_306, %dma_start3A_307] : memref<512x64xbf16, #tpu.memory_space<vmem>> -> memref<144x64xbf16, #tpu.memory_space<vmem>>
      %dma_start3A_309 = arith.constant 0 : i32
      %dma_start3A_310 = tpu.memref_slice %arg11[%add3A_39, %dma_start3A_309] : memref<10496x64xbf16, #tpu.memory_space<vmem_shared>> -> memref<144x64xbf16, #tpu.memory_space<vmem_shared>>
      %dma_start3A_311 = arith.constant 0 : i32
      %dma_start3A_312 = tpu.memref_slice %arg11[%add3A_39, %dma_start3A_311] : memref<10496x64xbf16, #tpu.memory_space<vmem_shared>> -> memref<144x64xbf16, #tpu.memory_space<vmem_shared>>
      %dma_start3A_313 = arith.constant 0 : i32
      %dma_start3A_314 = arith.constant 0 : i32
      %dma_start3A_315 = tpu.memref_slice %arg7[%dma_start3A_313, %dma_start3A_314] : memref<512x64xbf16, #tpu.memory_space<vmem>> -> memref<144x64xbf16, #tpu.memory_space<vmem>>
      tpu.enqueue_dma source(%dma_start3A_315 : memref<144x64xbf16, #tpu.memory_space<vmem>>) target(%dma_start3A_312 : memref<144x64xbf16, #tpu.memory_space<vmem_shared>>) target_semaphore(%run_scoped3A_305 : memref<!tpu.dma_semaphore, #tpu.memory_space<semaphore_mem>>)
      %dma_wait3A_316 = arith.constant 0 : i32
      %dma_wait3A_317 = arith.constant 0 : i32
      %dma_wait3A_318 = tpu.memref_slice %arg7[%dma_wait3A_316, %dma_wait3A_317] : memref<512x64xbf16, #tpu.memory_space<vmem>> -> memref<144x64xbf16, #tpu.memory_space<vmem>>
      %dma_wait3A_319 = arith.constant 0 : i32
      %dma_wait3A_320 = tpu.memref_slice %arg11[%add3A_39, %dma_wait3A_319] : memref<10496x64xbf16, #tpu.memory_space<vmem_shared>> -> memref<144x64xbf16, #tpu.memory_space<vmem_shared>>
      %dma_wait3A_321 = arith.constant 0 : i32
      %dma_wait3A_322 = tpu.memref_slice %arg11[%add3A_39, %dma_wait3A_321] : memref<10496x64xbf16, #tpu.memory_space<vmem_shared>> -> memref<144x64xbf16, #tpu.memory_space<vmem_shared>>
      %dma_wait3A_323 = arith.constant 0 : i32
      %dma_wait3A_324 = arith.constant 0 : i32
      %dma_wait3A_325 = tpu.memref_slice %arg7[%dma_wait3A_323, %dma_wait3A_324] : memref<512x64xbf16, #tpu.memory_space<vmem>> -> memref<144x64xbf16, #tpu.memory_space<vmem>>
      tpu.wait_dma2 semaphore(%run_scoped3A_305 : memref<!tpu.dma_semaphore, #tpu.memory_space<semaphore_mem>>) src(%dma_wait3A_325 : memref<144x64xbf16, #tpu.memory_space<vmem>>) dst(%dma_wait3A_322 : memref<144x64xbf16, #tpu.memory_space<vmem_shared>>)
      tpu.yield
    }) : () -> ()
    %dma_wait3A = arith.constant 0 : i32
    %dma_wait3A_40 = arith.constant 0 : i32
    %dma_wait3A_41 = arith.constant 0 : i32
    %dma_wait3A_42 = tpu.memref_slice %arg3[%dma_wait3A, %dma_wait3A_40, %dma_wait3A_41] : memref<2x2500x128xi32, #tpu.memory_space<hbm>> -> memref<2x156x128xi32, #tpu.memory_space<hbm>>
    %dma_wait3A_43 = arith.constant 0 : i32
    %dma_wait3A_44 = arith.constant 0 : i32
    %dma_wait3A_45 = arith.constant 0 : i32
    %dma_wait3A_46 = tpu.memref_slice %arg3[%dma_wait3A_43, %dma_wait3A_44, %dma_wait3A_45] : memref<2x2500x128xi32, #tpu.memory_space<hbm>> -> memref<2x156x128xi32, #tpu.memory_space<hbm>>
    tpu.wait_dma2 semaphore(%arg6 : memref<!tpu.dma_semaphore, #tpu.memory_space<semaphore_mem>>) src(%dma_wait3A_46 : memref<2x156x128xi32, #tpu.memory_space<hbm>>) dst(%arg5 : memref<2x156x128xi32, #tpu.memory_space<vmem>>)
    %barrier3A = arith.constant 0 : index
    tpu.barrier barrier_id(%barrier3A)
    %dma_start3A_47 = arith.constant 0 : i32
    %dma_start3A_48 = arith.constant 0 : i32
    %dma_start3A_49 = arith.constant 0 : i32
    %dma_start3A_50 = arith.constant 0 : i32
    %dma_start3A_51 = tpu.memref_slice %arg7[%dma_start3A_49, %dma_start3A_50] : memref<512x64xbf16, #tpu.memory_space<vmem>> -> memref<128x64xbf16, #tpu.memory_space<vmem>>
    %dma_start3A_52 = arith.constant 0 : i32
    %dma_start3A_53 = tpu.memref_slice %arg5[%dma_start3A_47, %dma_start3A_48, %dma_start3A_52] : memref<2x156x128xi32, #tpu.memory_space<vmem>> -> memref<1x1x128xi32, #tpu.memory_space<vmem>>
    %dma_start3A_54 = tpu.memref_squeeze %dma_start3A_53 : memref<1x1x128xi32, #tpu.memory_space<vmem>> -> memref<128xi32, #tpu.memory_space<vmem>>
    %dma_start3A_55 = arith.constant 0 : i32
    %dma_start3A_56 = arith.constant 0 : i32
    %dma_start3A_57 = tpu.memref_slice %arg2[%arg0, %dma_start3A_55, %dma_start3A_56] : memref<2x10000x64xbf16, #tpu.memory_space<hbm>> -> memref<1x10000x64xbf16, #tpu.memory_space<hbm>>
    %dma_start3A_58 = tpu.memref_squeeze %dma_start3A_57 : memref<1x10000x64xbf16, #tpu.memory_space<hbm>> -> memref<10000x64xbf16, #tpu.memory_space<hbm>>
    %dma_start3A_59 = arith.constant 0 : i32
    %dma_start3A_60 = arith.constant 0 : i32
    %dma_start3A_61 = tpu.memref_slice %dma_start3A_58[%dma_start3A_59, %dma_start3A_60] : memref<10000x64xbf16, #tpu.memory_space<hbm>> -> memref<10000x64xbf16, #tpu.memory_space<hbm>>
    tpu.enqueue_indirect_dma source(%dma_start3A_61 : memref<10000x64xbf16, #tpu.memory_space<hbm>>) target(%dma_start3A_51 : memref<128x64xbf16, #tpu.memory_space<vmem>>) offsets(%dma_start3A_54 : memref<128xi32, #tpu.memory_space<vmem>>) semaphore(%arg8 : memref<!tpu.dma_semaphore, #tpu.memory_space<semaphore_mem>>)
    %dma_start3A_62 = arith.constant 0 : i32
    %dma_start3A_63 = arith.constant 1 : i32
    %dma_start3A_64 = arith.constant 128 : i32
    %dma_start3A_65 = arith.constant 0 : i32
    %dma_start3A_66 = tpu.memref_slice %arg7[%dma_start3A_64, %dma_start3A_65] : memref<512x64xbf16, #tpu.memory_space<vmem>> -> memref<128x64xbf16, #tpu.memory_space<vmem>>
    %dma_start3A_67 = arith.constant 0 : i32
    %dma_start3A_68 = tpu.memref_slice %arg5[%dma_start3A_62, %dma_start3A_63, %dma_start3A_67] : memref<2x156x128xi32, #tpu.memory_space<vmem>> -> memref<1x1x128xi32, #tpu.memory_space<vmem>>
    %dma_start3A_69 = tpu.memref_squeeze %dma_start3A_68 : memref<1x1x128xi32, #tpu.memory_space<vmem>> -> memref<128xi32, #tpu.memory_space<vmem>>
    %dma_start3A_70 = arith.constant 0 : i32
    %dma_start3A_71 = arith.constant 0 : i32
    %dma_start3A_72 = tpu.memref_slice %arg2[%arg0, %dma_start3A_70, %dma_start3A_71] : memref<2x10000x64xbf16, #tpu.memory_space<hbm>> -> memref<1x10000x64xbf16, #tpu.memory_space<hbm>>
    %dma_start3A_73 = tpu.memref_squeeze %dma_start3A_72 : memref<1x10000x64xbf16, #tpu.memory_space<hbm>> -> memref<10000x64xbf16, #tpu.memory_space<hbm>>
    %dma_start3A_74 = arith.constant 0 : i32
    %dma_start3A_75 = arith.constant 0 : i32
    %dma_start3A_76 = tpu.memref_slice %dma_start3A_73[%dma_start3A_74, %dma_start3A_75] : memref<10000x64xbf16, #tpu.memory_space<hbm>> -> memref<10000x64xbf16, #tpu.memory_space<hbm>>
    tpu.enqueue_indirect_dma source(%dma_start3A_76 : memref<10000x64xbf16, #tpu.memory_space<hbm>>) target(%dma_start3A_66 : memref<128x64xbf16, #tpu.memory_space<vmem>>) offsets(%dma_start3A_69 : memref<128xi32, #tpu.memory_space<vmem>>) semaphore(%arg8 : memref<!tpu.dma_semaphore, #tpu.memory_space<semaphore_mem>>)
    %dma_start3A_77 = arith.constant 0 : i32
    %dma_start3A_78 = arith.constant 2 : i32
    %dma_start3A_79 = arith.constant 256 : i32
    %dma_start3A_80 = arith.constant 0 : i32
    %dma_start3A_81 = tpu.memref_slice %arg7[%dma_start3A_79, %dma_start3A_80] : memref<512x64xbf16, #tpu.memory_space<vmem>> -> memref<128x64xbf16, #tpu.memory_space<vmem>>
    %dma_start3A_82 = arith.constant 0 : i32
    %dma_start3A_83 = tpu.memref_slice %arg5[%dma_start3A_77, %dma_start3A_78, %dma_start3A_82] : memref<2x156x128xi32, #tpu.memory_space<vmem>> -> memref<1x1x128xi32, #tpu.memory_space<vmem>>
    %dma_start3A_84 = tpu.memref_squeeze %dma_start3A_83 : memref<1x1x128xi32, #tpu.memory_space<vmem>> -> memref<128xi32, #tpu.memory_space<vmem>>
    %dma_start3A_85 = arith.constant 0 : i32
    %dma_start3A_86 = arith.constant 0 : i32
    %dma_start3A_87 = tpu.memref_slice %arg2[%arg0, %dma_start3A_85, %dma_start3A_86] : memref<2x10000x64xbf16, #tpu.memory_space<hbm>> -> memref<1x10000x64xbf16, #tpu.memory_space<hbm>>
    %dma_start3A_88 = tpu.memref_squeeze %dma_start3A_87 : memref<1x10000x64xbf16, #tpu.memory_space<hbm>> -> memref<10000x64xbf16, #tpu.memory_space<hbm>>
    %dma_start3A_89 = arith.constant 0 : i32
    %dma_start3A_90 = arith.constant 0 : i32
    %dma_start3A_91 = tpu.memref_slice %dma_start3A_88[%dma_start3A_89, %dma_start3A_90] : memref<10000x64xbf16, #tpu.memory_space<hbm>> -> memref<10000x64xbf16, #tpu.memory_space<hbm>>
    tpu.enqueue_indirect_dma source(%dma_start3A_91 : memref<10000x64xbf16, #tpu.memory_space<hbm>>) target(%dma_start3A_81 : memref<128x64xbf16, #tpu.memory_space<vmem>>) offsets(%dma_start3A_84 : memref<128xi32, #tpu.memory_space<vmem>>) semaphore(%arg8 : memref<!tpu.dma_semaphore, #tpu.memory_space<semaphore_mem>>)
    %dma_start3A_92 = arith.constant 0 : i32
    %dma_start3A_93 = arith.constant 3 : i32
    %dma_start3A_94 = arith.constant 384 : i32
    %dma_start3A_95 = arith.constant 0 : i32
    %dma_start3A_96 = tpu.memref_slice %arg7[%dma_start3A_94, %dma_start3A_95] : memref<512x64xbf16, #tpu.memory_space<vmem>> -> memref<128x64xbf16, #tpu.memory_space<vmem>>
    %dma_start3A_97 = arith.constant 0 : i32
    %dma_start3A_98 = tpu.memref_slice %arg5[%dma_start3A_92, %dma_start3A_93, %dma_start3A_97] : memref<2x156x128xi32, #tpu.memory_space<vmem>> -> memref<1x1x128xi32, #tpu.memory_space<vmem>>
    %dma_start3A_99 = tpu.memref_squeeze %dma_start3A_98 : memref<1x1x128xi32, #tpu.memory_space<vmem>> -> memref<128xi32, #tpu.memory_space<vmem>>
    %dma_start3A_100 = arith.constant 0 : i32
    %dma_start3A_101 = arith.constant 0 : i32
    %dma_start3A_102 = tpu.memref_slice %arg2[%arg0, %dma_start3A_100, %dma_start3A_101] : memref<2x10000x64xbf16, #tpu.memory_space<hbm>> -> memref<1x10000x64xbf16, #tpu.memory_space<hbm>>
    %dma_start3A_103 = tpu.memref_squeeze %dma_start3A_102 : memref<1x10000x64xbf16, #tpu.memory_space<hbm>> -> memref<10000x64xbf16, #tpu.memory_space<hbm>>
    %dma_start3A_104 = arith.constant 0 : i32
    %dma_start3A_105 = arith.constant 0 : i32
    %dma_start3A_106 = tpu.memref_slice %dma_start3A_103[%dma_start3A_104, %dma_start3A_105] : memref<10000x64xbf16, #tpu.memory_space<hbm>> -> memref<10000x64xbf16, #tpu.memory_space<hbm>>
    tpu.enqueue_indirect_dma source(%dma_start3A_106 : memref<10000x64xbf16, #tpu.memory_space<hbm>>) target(%dma_start3A_96 : memref<128x64xbf16, #tpu.memory_space<vmem>>) offsets(%dma_start3A_99 : memref<128xi32, #tpu.memory_space<vmem>>) semaphore(%arg8 : memref<!tpu.dma_semaphore, #tpu.memory_space<semaphore_mem>>)
    %scan3A_107 = arith.constant 0 : i32
    %scan3A_108 = arith.constant 0 : i32
    %scan3A_109 = arith.constant 18 : i32
    %scan3A_110 = arith.addi %scan3A_108, %scan3A_109 : i32
    %scan3A_111 = arith.constant 1 : i32
    scf.for %scan3A_305 = %scan3A_108 to %scan3A_110 step %scan3A_111  : i32 {
      %mul3A_306 = arith.constant 2 : i32
      %mul3A_307 = arith.muli %mul3A_306, %scan3A_305 : i32
      %add3A_308 = arith.constant 1 : i32
      %add3A_309 = arith.addi %mul3A_307, %add3A_308 : i32
      %mul3A_310 = arith.constant 4 : i32
      %mul3A_311 = arith.muli %add3A_309, %mul3A_310 : i32
      %add3A_312 = arith.constant 0 : i32
      %add3A_313 = arith.addi %mul3A_311, %add3A_312 : i32
      %dma_start3A_314 = arith.constant 0 : i32
      %dma_start3A_315 = arith.constant 0 : i32
      %dma_start3A_316 = arith.constant 0 : i32
      %dma_start3A_317 = tpu.memref_slice %arg9[%dma_start3A_315, %dma_start3A_316] : memref<512x64xbf16, #tpu.memory_space<vmem>> -> memref<128x64xbf16, #tpu.memory_space<vmem>>
      %dma_start3A_318 = arith.constant 0 : i32
      %dma_start3A_319 = tpu.memref_slice %arg5[%dma_start3A_314, %add3A_313, %dma_start3A_318] : memref<2x156x128xi32, #tpu.memory_space<vmem>> -> memref<1x1x128xi32, #tpu.memory_space<vmem>>
      %dma_start3A_320 = tpu.memref_squeeze %dma_start3A_319 : memref<1x1x128xi32, #tpu.memory_space<vmem>> -> memref<128xi32, #tpu.memory_space<vmem>>
      %dma_start3A_321 = arith.constant 0 : i32
      %dma_start3A_322 = arith.constant 0 : i32
      %dma_start3A_323 = tpu.memref_slice %arg2[%arg0, %dma_start3A_321, %dma_start3A_322] : memref<2x10000x64xbf16, #tpu.memory_space<hbm>> -> memref<1x10000x64xbf16, #tpu.memory_space<hbm>>
      %dma_start3A_324 = tpu.memref_squeeze %dma_start3A_323 : memref<1x10000x64xbf16, #tpu.memory_space<hbm>> -> memref<10000x64xbf16, #tpu.memory_space<hbm>>
      %dma_start3A_325 = arith.constant 0 : i32
      %dma_start3A_326 = arith.constant 0 : i32
      %dma_start3A_327 = tpu.memref_slice %dma_start3A_324[%dma_start3A_325, %dma_start3A_326] : memref<10000x64xbf16, #tpu.memory_space<hbm>> -> memref<10000x64xbf16, #tpu.memory_space<hbm>>
      tpu.enqueue_indirect_dma source(%dma_start3A_327 : memref<10000x64xbf16, #tpu.memory_space<hbm>>) target(%dma_start3A_317 : memref<128x64xbf16, #tpu.memory_space<vmem>>) offsets(%dma_start3A_320 : memref<128xi32, #tpu.memory_space<vmem>>) semaphore(%arg10 : memref<!tpu.dma_semaphore, #tpu.memory_space<semaphore_mem>>)
      %mul3A_328 = arith.constant 4 : i32
      %mul3A_329 = arith.muli %add3A_309, %mul3A_328 : i32
      %add3A_330 = arith.constant 1 : i32
      %add3A_331 = arith.addi %mul3A_329, %add3A_330 : i32
      %dma_start3A_332 = arith.constant 0 : i32
      %dma_start3A_333 = arith.constant 128 : i32
      %dma_start3A_334 = arith.constant 0 : i32
      %dma_start3A_335 = tpu.memref_slice %arg9[%dma_start3A_333, %dma_start3A_334] : memref<512x64xbf16, #tpu.memory_space<vmem>> -> memref<128x64xbf16, #tpu.memory_space<vmem>>
      %dma_start3A_336 = arith.constant 0 : i32
      %dma_start3A_337 = tpu.memref_slice %arg5[%dma_start3A_332, %add3A_331, %dma_start3A_336] : memref<2x156x128xi32, #tpu.memory_space<vmem>> -> memref<1x1x128xi32, #tpu.memory_space<vmem>>
      %dma_start3A_338 = tpu.memref_squeeze %dma_start3A_337 : memref<1x1x128xi32, #tpu.memory_space<vmem>> -> memref<128xi32, #tpu.memory_space<vmem>>
      %dma_start3A_339 = arith.constant 0 : i32
      %dma_start3A_340 = arith.constant 0 : i32
      %dma_start3A_341 = tpu.memref_slice %arg2[%arg0, %dma_start3A_339, %dma_start3A_340] : memref<2x10000x64xbf16, #tpu.memory_space<hbm>> -> memref<1x10000x64xbf16, #tpu.memory_space<hbm>>
      %dma_start3A_342 = tpu.memref_squeeze %dma_start3A_341 : memref<1x10000x64xbf16, #tpu.memory_space<hbm>> -> memref<10000x64xbf16, #tpu.memory_space<hbm>>
      %dma_start3A_343 = arith.constant 0 : i32
      %dma_start3A_344 = arith.constant 0 : i32
      %dma_start3A_345 = tpu.memref_slice %dma_start3A_342[%dma_start3A_343, %dma_start3A_344] : memref<10000x64xbf16, #tpu.memory_space<hbm>> -> memref<10000x64xbf16, #tpu.memory_space<hbm>>
      tpu.enqueue_indirect_dma source(%dma_start3A_345 : memref<10000x64xbf16, #tpu.memory_space<hbm>>) target(%dma_start3A_335 : memref<128x64xbf16, #tpu.memory_space<vmem>>) offsets(%dma_start3A_338 : memref<128xi32, #tpu.memory_space<vmem>>) semaphore(%arg10 : memref<!tpu.dma_semaphore, #tpu.memory_space<semaphore_mem>>)
      %mul3A_346 = arith.constant 4 : i32
      %mul3A_347 = arith.muli %add3A_309, %mul3A_346 : i32
      %add3A_348 = arith.constant 2 : i32
      %add3A_349 = arith.addi %mul3A_347, %add3A_348 : i32
      %dma_start3A_350 = arith.constant 0 : i32
      %dma_start3A_351 = arith.constant 256 : i32
      %dma_start3A_352 = arith.constant 0 : i32
      %dma_start3A_353 = tpu.memref_slice %arg9[%dma_start3A_351, %dma_start3A_352] : memref<512x64xbf16, #tpu.memory_space<vmem>> -> memref<128x64xbf16, #tpu.memory_space<vmem>>
      %dma_start3A_354 = arith.constant 0 : i32
      %dma_start3A_355 = tpu.memref_slice %arg5[%dma_start3A_350, %add3A_349, %dma_start3A_354] : memref<2x156x128xi32, #tpu.memory_space<vmem>> -> memref<1x1x128xi32, #tpu.memory_space<vmem>>
      %dma_start3A_356 = tpu.memref_squeeze %dma_start3A_355 : memref<1x1x128xi32, #tpu.memory_space<vmem>> -> memref<128xi32, #tpu.memory_space<vmem>>
      %dma_start3A_357 = arith.constant 0 : i32
      %dma_start3A_358 = arith.constant 0 : i32
      %dma_start3A_359 = tpu.memref_slice %arg2[%arg0, %dma_start3A_357, %dma_start3A_358] : memref<2x10000x64xbf16, #tpu.memory_space<hbm>> -> memref<1x10000x64xbf16, #tpu.memory_space<hbm>>
      %dma_start3A_360 = tpu.memref_squeeze %dma_start3A_359 : memref<1x10000x64xbf16, #tpu.memory_space<hbm>> -> memref<10000x64xbf16, #tpu.memory_space<hbm>>
      %dma_start3A_361 = arith.constant 0 : i32
      %dma_start3A_362 = arith.constant 0 : i32
      %dma_start3A_363 = tpu.memref_slice %dma_start3A_360[%dma_start3A_361, %dma_start3A_362] : memref<10000x64xbf16, #tpu.memory_space<hbm>> -> memref<10000x64xbf16, #tpu.memory_space<hbm>>
      tpu.enqueue_indirect_dma source(%dma_start3A_363 : memref<10000x64xbf16, #tpu.memory_space<hbm>>) target(%dma_start3A_353 : memref<128x64xbf16, #tpu.memory_space<vmem>>) offsets(%dma_start3A_356 : memref<128xi32, #tpu.memory_space<vmem>>) semaphore(%arg10 : memref<!tpu.dma_semaphore, #tpu.memory_space<semaphore_mem>>)
      %mul3A_364 = arith.constant 4 : i32
      %mul3A_365 = arith.muli %add3A_309, %mul3A_364 : i32
      %add3A_366 = arith.constant 3 : i32
      %add3A_367 = arith.addi %mul3A_365, %add3A_366 : i32
      %dma_start3A_368 = arith.constant 0 : i32
      %dma_start3A_369 = arith.constant 384 : i32
      %dma_start3A_370 = arith.constant 0 : i32
      %dma_start3A_371 = tpu.memref_slice %arg9[%dma_start3A_369, %dma_start3A_370] : memref<512x64xbf16, #tpu.memory_space<vmem>> -> memref<128x64xbf16, #tpu.memory_space<vmem>>
      %dma_start3A_372 = arith.constant 0 : i32
      %dma_start3A_373 = tpu.memref_slice %arg5[%dma_start3A_368, %add3A_367, %dma_start3A_372] : memref<2x156x128xi32, #tpu.memory_space<vmem>> -> memref<1x1x128xi32, #tpu.memory_space<vmem>>
      %dma_start3A_374 = tpu.memref_squeeze %dma_start3A_373 : memref<1x1x128xi32, #tpu.memory_space<vmem>> -> memref<128xi32, #tpu.memory_space<vmem>>
      %dma_start3A_375 = arith.constant 0 : i32
      %dma_start3A_376 = arith.constant 0 : i32
      %dma_start3A_377 = tpu.memref_slice %arg2[%arg0, %dma_start3A_375, %dma_start3A_376] : memref<2x10000x64xbf16, #tpu.memory_space<hbm>> -> memref<1x10000x64xbf16, #tpu.memory_space<hbm>>
      %dma_start3A_378 = tpu.memref_squeeze %dma_start3A_377 : memref<1x10000x64xbf16, #tpu.memory_space<hbm>> -> memref<10000x64xbf16, #tpu.memory_space<hbm>>
      %dma_start3A_379 = arith.constant 0 : i32
      %dma_start3A_380 = arith.constant 0 : i32
      %dma_start3A_381 = tpu.memref_slice %dma_start3A_378[%dma_start3A_379, %dma_start3A_380] : memref<10000x64xbf16, #tpu.memory_space<hbm>> -> memref<10000x64xbf16, #tpu.memory_space<hbm>>
      tpu.enqueue_indirect_dma source(%dma_start3A_381 : memref<10000x64xbf16, #tpu.memory_space<hbm>>) target(%dma_start3A_371 : memref<128x64xbf16, #tpu.memory_space<vmem>>) offsets(%dma_start3A_374 : memref<128xi32, #tpu.memory_space<vmem>>) semaphore(%arg10 : memref<!tpu.dma_semaphore, #tpu.memory_space<semaphore_mem>>)
      %dma_wait3A_382 = arith.constant 0 : i32
      %dma_wait3A_383 = arith.constant 0 : i32
      %dma_wait3A_384 = tpu.memref_slice %arg2[%arg0, %dma_wait3A_382, %dma_wait3A_383] : memref<2x10000x64xbf16, #tpu.memory_space<hbm>> -> memref<1x10000x64xbf16, #tpu.memory_space<hbm>>
      %dma_wait3A_385 = tpu.memref_squeeze %dma_wait3A_384 : memref<1x10000x64xbf16, #tpu.memory_space<hbm>> -> memref<10000x64xbf16, #tpu.memory_space<hbm>>
      %dma_wait3A_386 = arith.constant 0 : i32
      %dma_wait3A_387 = arith.constant 0 : i32
      %dma_wait3A_388 = tpu.memref_slice %dma_wait3A_385[%dma_wait3A_386, %dma_wait3A_387] : memref<10000x64xbf16, #tpu.memory_space<hbm>> -> memref<512x64xbf16, #tpu.memory_space<hbm>>
      %dma_wait3A_389 = arith.constant 0 : i32
      %dma_wait3A_390 = arith.constant 0 : i32
      %dma_wait3A_391 = tpu.memref_slice %arg2[%arg0, %dma_wait3A_389, %dma_wait3A_390] : memref<2x10000x64xbf16, #tpu.memory_space<hbm>> -> memref<1x10000x64xbf16, #tpu.memory_space<hbm>>
      %dma_wait3A_392 = tpu.memref_squeeze %dma_wait3A_391 : memref<1x10000x64xbf16, #tpu.memory_space<hbm>> -> memref<10000x64xbf16, #tpu.memory_space<hbm>>
      %dma_wait3A_393 = arith.constant 0 : i32
      %dma_wait3A_394 = arith.constant 0 : i32
      %dma_wait3A_395 = tpu.memref_slice %dma_wait3A_392[%dma_wait3A_393, %dma_wait3A_394] : memref<10000x64xbf16, #tpu.memory_space<hbm>> -> memref<512x64xbf16, #tpu.memory_space<hbm>>
      tpu.wait_dma2 semaphore(%arg8 : memref<!tpu.dma_semaphore, #tpu.memory_space<semaphore_mem>>) src(%dma_wait3A_395 : memref<512x64xbf16, #tpu.memory_space<hbm>>) dst(%arg7 : memref<512x64xbf16, #tpu.memory_space<vmem>>)
      %mul3A_396 = arith.constant 4 : i32
      %mul3A_397 = arith.muli %mul3A_307, %mul3A_396 : i32
      %add3A_398 = arith.constant 0 : i32
      %add3A_399 = arith.addi %mul3A_397, %add3A_398 : i32
      %run_scoped3A_400 = arith.constant 1 : i32
      "tpu.region"() ({
        %run_scoped3A_526 = tpu.sem_alloc : memref<!tpu.dma_semaphore, #tpu.memory_space<semaphore_mem>>
        %dma_start3A_527 = arith.constant 0 : i32
        %dma_start3A_528 = arith.constant 0 : i32
        %dma_start3A_529 = tpu.memref_slice %arg7[%dma_start3A_527, %dma_start3A_528] : memref<512x64xbf16, #tpu.memory_space<vmem>> -> memref<128x64xbf16, #tpu.memory_space<vmem>>
        %dma_start3A_530 = arith.constant 0 : i32
        %dma_start3A_531 = tpu.memref_slice %arg5[%run_scoped3A_400, %add3A_399, %dma_start3A_530] : memref<2x156x128xi32, #tpu.memory_space<vmem>> -> memref<1x1x128xi32, #tpu.memory_space<vmem>>
        %dma_start3A_532 = tpu.memref_squeeze %dma_start3A_531 : memref<1x1x128xi32, #tpu.memory_space<vmem>> -> memref<128xi32, #tpu.memory_space<vmem>>
        %dma_start3A_533 = arith.constant 0 : i32
        %dma_start3A_534 = arith.constant 0 : i32
        %dma_start3A_535 = tpu.memref_slice %arg11[%dma_start3A_533, %dma_start3A_534] : memref<10496x64xbf16, #tpu.memory_space<vmem_shared>> -> memref<10496x64xbf16, #tpu.memory_space<vmem_shared>>
        tpu.enqueue_indirect_dma source(%dma_start3A_529 : memref<128x64xbf16, #tpu.memory_space<vmem>>) target(%dma_start3A_535 : memref<10496x64xbf16, #tpu.memory_space<vmem_shared>>) offsets(%dma_start3A_532 : memref<128xi32, #tpu.memory_space<vmem>>) semaphore(%run_scoped3A_526 : memref<!tpu.dma_semaphore, #tpu.memory_space<semaphore_mem>>) {add = true}
        %dma_wait3A_536 = arith.constant 0 : i32
        %dma_wait3A_537 = arith.constant 0 : i32
        %dma_wait3A_538 = tpu.memref_slice %arg7[%dma_wait3A_536, %dma_wait3A_537] : memref<512x64xbf16, #tpu.memory_space<vmem>> -> memref<128x64xbf16, #tpu.memory_space<vmem>>
        %dma_wait3A_539 = arith.constant 0 : i32
        %dma_wait3A_540 = tpu.memref_slice %arg5[%run_scoped3A_400, %add3A_399, %dma_wait3A_539] : memref<2x156x128xi32, #tpu.memory_space<vmem>> -> memref<1x1x128xi32, #tpu.memory_space<vmem>>
        %dma_wait3A_541 = tpu.memref_squeeze %dma_wait3A_540 : memref<1x1x128xi32, #tpu.memory_space<vmem>> -> memref<128xi32, #tpu.memory_space<vmem>>
        %dma_wait3A_542 = arith.constant 0 : i32
        %dma_wait3A_543 = arith.constant 0 : i32
        %dma_wait3A_544 = tpu.memref_slice %arg11[%dma_wait3A_542, %dma_wait3A_543] : memref<10496x64xbf16, #tpu.memory_space<vmem_shared>> -> memref<10496x64xbf16, #tpu.memory_space<vmem_shared>>
        tpu.wait_indirect_dma semaphore(%run_scoped3A_526 : memref<!tpu.dma_semaphore, #tpu.memory_space<semaphore_mem>>) src(%dma_wait3A_538 : memref<128x64xbf16, #tpu.memory_space<vmem>>) dst(%dma_wait3A_544 : memref<10496x64xbf16, #tpu.memory_space<vmem_shared>>)
        tpu.yield
      }) : () -> ()
      %mul3A_401 = arith.constant 4 : i32
      %mul3A_402 = arith.muli %mul3A_307, %mul3A_401 : i32
      %add3A_403 = arith.constant 1 : i32
      %add3A_404 = arith.addi %mul3A_402, %add3A_403 : i32
      %run_scoped3A_405 = arith.constant 1 : i32
      "tpu.region"() ({
        %run_scoped3A_526 = tpu.sem_alloc : memref<!tpu.dma_semaphore, #tpu.memory_space<semaphore_mem>>
        %dma_start3A_527 = arith.constant 128 : i32
        %dma_start3A_528 = arith.constant 0 : i32
        %dma_start3A_529 = tpu.memref_slice %arg7[%dma_start3A_527, %dma_start3A_528] : memref<512x64xbf16, #tpu.memory_space<vmem>> -> memref<128x64xbf16, #tpu.memory_space<vmem>>
        %dma_start3A_530 = arith.constant 0 : i32
        %dma_start3A_531 = tpu.memref_slice %arg5[%run_scoped3A_405, %add3A_404, %dma_start3A_530] : memref<2x156x128xi32, #tpu.memory_space<vmem>> -> memref<1x1x128xi32, #tpu.memory_space<vmem>>
        %dma_start3A_532 = tpu.memref_squeeze %dma_start3A_531 : memref<1x1x128xi32, #tpu.memory_space<vmem>> -> memref<128xi32, #tpu.memory_space<vmem>>
        %dma_start3A_533 = arith.constant 0 : i32
        %dma_start3A_534 = arith.constant 0 : i32
        %dma_start3A_535 = tpu.memref_slice %arg11[%dma_start3A_533, %dma_start3A_534] : memref<10496x64xbf16, #tpu.memory_space<vmem_shared>> -> memref<10496x64xbf16, #tpu.memory_space<vmem_shared>>
        tpu.enqueue_indirect_dma source(%dma_start3A_529 : memref<128x64xbf16, #tpu.memory_space<vmem>>) target(%dma_start3A_535 : memref<10496x64xbf16, #tpu.memory_space<vmem_shared>>) offsets(%dma_start3A_532 : memref<128xi32, #tpu.memory_space<vmem>>) semaphore(%run_scoped3A_526 : memref<!tpu.dma_semaphore, #tpu.memory_space<semaphore_mem>>) {add = true}
        %dma_wait3A_536 = arith.constant 128 : i32
        %dma_wait3A_537 = arith.constant 0 : i32
        %dma_wait3A_538 = tpu.memref_slice %arg7[%dma_wait3A_536, %dma_wait3A_537] : memref<512x64xbf16, #tpu.memory_space<vmem>> -> memref<128x64xbf16, #tpu.memory_space<vmem>>
        %dma_wait3A_539 = arith.constant 0 : i32
        %dma_wait3A_540 = tpu.memref_slice %arg5[%run_scoped3A_405, %add3A_404, %dma_wait3A_539] : memref<2x156x128xi32, #tpu.memory_space<vmem>> -> memref<1x1x128xi32, #tpu.memory_space<vmem>>
        %dma_wait3A_541 = tpu.memref_squeeze %dma_wait3A_540 : memref<1x1x128xi32, #tpu.memory_space<vmem>> -> memref<128xi32, #tpu.memory_space<vmem>>
        %dma_wait3A_542 = arith.constant 0 : i32
        %dma_wait3A_543 = arith.constant 0 : i32
        %dma_wait3A_544 = tpu.memref_slice %arg11[%dma_wait3A_542, %dma_wait3A_543] : memref<10496x64xbf16, #tpu.memory_space<vmem_shared>> -> memref<10496x64xbf16, #tpu.memory_space<vmem_shared>>
        tpu.wait_indirect_dma semaphore(%run_scoped3A_526 : memref<!tpu.dma_semaphore, #tpu.memory_space<semaphore_mem>>) src(%dma_wait3A_538 : memref<128x64xbf16, #tpu.memory_space<vmem>>) dst(%dma_wait3A_544 : memref<10496x64xbf16, #tpu.memory_space<vmem_shared>>)
        tpu.yield
      }) : () -> ()
      %mul3A_406 = arith.constant 4 : i32
      %mul3A_407 = arith.muli %mul3A_307, %mul3A_406 : i32
      %add3A_408 = arith.constant 2 : i32
      %add3A_409 = arith.addi %mul3A_407, %add3A_408 : i32
      %run_scoped3A_410 = arith.constant 1 : i32
      "tpu.region"() ({
        %run_scoped3A_526 = tpu.sem_alloc : memref<!tpu.dma_semaphore, #tpu.memory_space<semaphore_mem>>
        %dma_start3A_527 = arith.constant 256 : i32
        %dma_start3A_528 = arith.constant 0 : i32
        %dma_start3A_529 = tpu.memref_slice %arg7[%dma_start3A_527, %dma_start3A_528] : memref<512x64xbf16, #tpu.memory_space<vmem>> -> memref<128x64xbf16, #tpu.memory_space<vmem>>
        %dma_start3A_530 = arith.constant 0 : i32
        %dma_start3A_531 = tpu.memref_slice %arg5[%run_scoped3A_410, %add3A_409, %dma_start3A_530] : memref<2x156x128xi32, #tpu.memory_space<vmem>> -> memref<1x1x128xi32, #tpu.memory_space<vmem>>
        %dma_start3A_532 = tpu.memref_squeeze %dma_start3A_531 : memref<1x1x128xi32, #tpu.memory_space<vmem>> -> memref<128xi32, #tpu.memory_space<vmem>>
        %dma_start3A_533 = arith.constant 0 : i32
        %dma_start3A_534 = arith.constant 0 : i32
        %dma_start3A_535 = tpu.memref_slice %arg11[%dma_start3A_533, %dma_start3A_534] : memref<10496x64xbf16, #tpu.memory_space<vmem_shared>> -> memref<10496x64xbf16, #tpu.memory_space<vmem_shared>>
        tpu.enqueue_indirect_dma source(%dma_start3A_529 : memref<128x64xbf16, #tpu.memory_space<vmem>>) target(%dma_start3A_535 : memref<10496x64xbf16, #tpu.memory_space<vmem_shared>>) offsets(%dma_start3A_532 : memref<128xi32, #tpu.memory_space<vmem>>) semaphore(%run_scoped3A_526 : memref<!tpu.dma_semaphore, #tpu.memory_space<semaphore_mem>>) {add = true}
        %dma_wait3A_536 = arith.constant 256 : i32
        %dma_wait3A_537 = arith.constant 0 : i32
        %dma_wait3A_538 = tpu.memref_slice %arg7[%dma_wait3A_536, %dma_wait3A_537] : memref<512x64xbf16, #tpu.memory_space<vmem>> -> memref<128x64xbf16, #tpu.memory_space<vmem>>
        %dma_wait3A_539 = arith.constant 0 : i32
        %dma_wait3A_540 = tpu.memref_slice %arg5[%run_scoped3A_410, %add3A_409, %dma_wait3A_539] : memref<2x156x128xi32, #tpu.memory_space<vmem>> -> memref<1x1x128xi32, #tpu.memory_space<vmem>>
        %dma_wait3A_541 = tpu.memref_squeeze %dma_wait3A_540 : memref<1x1x128xi32, #tpu.memory_space<vmem>> -> memref<128xi32, #tpu.memory_space<vmem>>
        %dma_wait3A_542 = arith.constant 0 : i32
        %dma_wait3A_543 = arith.constant 0 : i32
        %dma_wait3A_544 = tpu.memref_slice %arg11[%dma_wait3A_542, %dma_wait3A_543] : memref<10496x64xbf16, #tpu.memory_space<vmem_shared>> -> memref<10496x64xbf16, #tpu.memory_space<vmem_shared>>
        tpu.wait_indirect_dma semaphore(%run_scoped3A_526 : memref<!tpu.dma_semaphore, #tpu.memory_space<semaphore_mem>>) src(%dma_wait3A_538 : memref<128x64xbf16, #tpu.memory_space<vmem>>) dst(%dma_wait3A_544 : memref<10496x64xbf16, #tpu.memory_space<vmem_shared>>)
        tpu.yield
      }) : () -> ()
      %mul3A_411 = arith.constant 4 : i32
      %mul3A_412 = arith.muli %mul3A_307, %mul3A_411 : i32
      %add3A_413 = arith.constant 3 : i32
      %add3A_414 = arith.addi %mul3A_412, %add3A_413 : i32
      %run_scoped3A_415 = arith.constant 1 : i32
      "tpu.region"() ({
        %run_scoped3A_526 = tpu.sem_alloc : memref<!tpu.dma_semaphore, #tpu.memory_space<semaphore_mem>>
        %dma_start3A_527 = arith.constant 384 : i32
        %dma_start3A_528 = arith.constant 0 : i32
        %dma_start3A_529 = tpu.memref_slice %arg7[%dma_start3A_527, %dma_start3A_528] : memref<512x64xbf16, #tpu.memory_space<vmem>> -> memref<128x64xbf16, #tpu.memory_space<vmem>>
        %dma_start3A_530 = arith.constant 0 : i32
        %dma_start3A_531 = tpu.memref_slice %arg5[%run_scoped3A_415, %add3A_414, %dma_start3A_530] : memref<2x156x128xi32, #tpu.memory_space<vmem>> -> memref<1x1x128xi32, #tpu.memory_space<vmem>>
        %dma_start3A_532 = tpu.memref_squeeze %dma_start3A_531 : memref<1x1x128xi32, #tpu.memory_space<vmem>> -> memref<128xi32, #tpu.memory_space<vmem>>
        %dma_start3A_533 = arith.constant 0 : i32
        %dma_start3A_534 = arith.constant 0 : i32
        %dma_start3A_535 = tpu.memref_slice %arg11[%dma_start3A_533, %dma_start3A_534] : memref<10496x64xbf16, #tpu.memory_space<vmem_shared>> -> memref<10496x64xbf16, #tpu.memory_space<vmem_shared>>
        tpu.enqueue_indirect_dma source(%dma_start3A_529 : memref<128x64xbf16, #tpu.memory_space<vmem>>) target(%dma_start3A_535 : memref<10496x64xbf16, #tpu.memory_space<vmem_shared>>) offsets(%dma_start3A_532 : memref<128xi32, #tpu.memory_space<vmem>>) semaphore(%run_scoped3A_526 : memref<!tpu.dma_semaphore, #tpu.memory_space<semaphore_mem>>) {add = true}
        %dma_wait3A_536 = arith.constant 384 : i32
        %dma_wait3A_537 = arith.constant 0 : i32
        %dma_wait3A_538 = tpu.memref_slice %arg7[%dma_wait3A_536, %dma_wait3A_537] : memref<512x64xbf16, #tpu.memory_space<vmem>> -> memref<128x64xbf16, #tpu.memory_space<vmem>>
        %dma_wait3A_539 = arith.constant 0 : i32
        %dma_wait3A_540 = tpu.memref_slice %arg5[%run_scoped3A_415, %add3A_414, %dma_wait3A_539] : memref<2x156x128xi32, #tpu.memory_space<vmem>> -> memref<1x1x128xi32, #tpu.memory_space<vmem>>
        %dma_wait3A_541 = tpu.memref_squeeze %dma_wait3A_540 : memref<1x1x128xi32, #tpu.memory_space<vmem>> -> memref<128xi32, #tpu.memory_space<vmem>>
        %dma_wait3A_542 = arith.constant 0 : i32
        %dma_wait3A_543 = arith.constant 0 : i32
        %dma_wait3A_544 = tpu.memref_slice %arg11[%dma_wait3A_542, %dma_wait3A_543] : memref<10496x64xbf16, #tpu.memory_space<vmem_shared>> -> memref<10496x64xbf16, #tpu.memory_space<vmem_shared>>
        tpu.wait_indirect_dma semaphore(%run_scoped3A_526 : memref<!tpu.dma_semaphore, #tpu.memory_space<semaphore_mem>>) src(%dma_wait3A_538 : memref<128x64xbf16, #tpu.memory_space<vmem>>) dst(%dma_wait3A_544 : memref<10496x64xbf16, #tpu.memory_space<vmem_shared>>)
        tpu.yield
      }) : () -> ()
      %add3A_416 = arith.constant 2 : i32
      %add3A_417 = arith.addi %mul3A_307, %add3A_416 : i32
      %mul3A_418 = arith.constant 4 : i32
      %mul3A_419 = arith.muli %add3A_417, %mul3A_418 : i32
      %add3A_420 = arith.constant 0 : i32
      %add3A_421 = arith.addi %mul3A_419, %add3A_420 : i32
      %dma_start3A_422 = arith.constant 0 : i32
      %dma_start3A_423 = arith.constant 0 : i32
      %dma_start3A_424 = arith.constant 0 : i32
      %dma_start3A_425 = tpu.memref_slice %arg7[%dma_start3A_423, %dma_start3A_424] : memref<512x64xbf16, #tpu.memory_space<vmem>> -> memref<128x64xbf16, #tpu.memory_space<vmem>>
      %dma_start3A_426 = arith.constant 0 : i32
      %dma_start3A_427 = tpu.memref_slice %arg5[%dma_start3A_422, %add3A_421, %dma_start3A_426] : memref<2x156x128xi32, #tpu.memory_space<vmem>> -> memref<1x1x128xi32, #tpu.memory_space<vmem>>
      %dma_start3A_428 = tpu.memref_squeeze %dma_start3A_427 : memref<1x1x128xi32, #tpu.memory_space<vmem>> -> memref<128xi32, #tpu.memory_space<vmem>>
      %dma_start3A_429 = arith.constant 0 : i32
      %dma_start3A_430 = arith.constant 0 : i32
      %dma_start3A_431 = tpu.memref_slice %arg2[%arg0, %dma_start3A_429, %dma_start3A_430] : memref<2x10000x64xbf16, #tpu.memory_space<hbm>> -> memref<1x10000x64xbf16, #tpu.memory_space<hbm>>
      %dma_start3A_432 = tpu.memref_squeeze %dma_start3A_431 : memref<1x10000x64xbf16, #tpu.memory_space<hbm>> -> memref<10000x64xbf16, #tpu.memory_space<hbm>>
      %dma_start3A_433 = arith.constant 0 : i32
      %dma_start3A_434 = arith.constant 0 : i32
      %dma_start3A_435 = tpu.memref_slice %dma_start3A_432[%dma_start3A_433, %dma_start3A_434] : memref<10000x64xbf16, #tpu.memory_space<hbm>> -> memref<10000x64xbf16, #tpu.memory_space<hbm>>
      tpu.enqueue_indirect_dma source(%dma_start3A_435 : memref<10000x64xbf16, #tpu.memory_space<hbm>>) target(%dma_start3A_425 : memref<128x64xbf16, #tpu.memory_space<vmem>>) offsets(%dma_start3A_428 : memref<128xi32, #tpu.memory_space<vmem>>) semaphore(%arg8 : memref<!tpu.dma_semaphore, #tpu.memory_space<semaphore_mem>>)
      %mul3A_436 = arith.constant 4 : i32
      %mul3A_437 = arith.muli %add3A_417, %mul3A_436 : i32
      %add3A_438 = arith.constant 1 : i32
      %add3A_439 = arith.addi %mul3A_437, %add3A_438 : i32
      %dma_start3A_440 = arith.constant 0 : i32
      %dma_start3A_441 = arith.constant 128 : i32
      %dma_start3A_442 = arith.constant 0 : i32
      %dma_start3A_443 = tpu.memref_slice %arg7[%dma_start3A_441, %dma_start3A_442] : memref<512x64xbf16, #tpu.memory_space<vmem>> -> memref<128x64xbf16, #tpu.memory_space<vmem>>
      %dma_start3A_444 = arith.constant 0 : i32
      %dma_start3A_445 = tpu.memref_slice %arg5[%dma_start3A_440, %add3A_439, %dma_start3A_444] : memref<2x156x128xi32, #tpu.memory_space<vmem>> -> memref<1x1x128xi32, #tpu.memory_space<vmem>>
      %dma_start3A_446 = tpu.memref_squeeze %dma_start3A_445 : memref<1x1x128xi32, #tpu.memory_space<vmem>> -> memref<128xi32, #tpu.memory_space<vmem>>
      %dma_start3A_447 = arith.constant 0 : i32
      %dma_start3A_448 = arith.constant 0 : i32
      %dma_start3A_449 = tpu.memref_slice %arg2[%arg0, %dma_start3A_447, %dma_start3A_448] : memref<2x10000x64xbf16, #tpu.memory_space<hbm>> -> memref<1x10000x64xbf16, #tpu.memory_space<hbm>>
      %dma_start3A_450 = tpu.memref_squeeze %dma_start3A_449 : memref<1x10000x64xbf16, #tpu.memory_space<hbm>> -> memref<10000x64xbf16, #tpu.memory_space<hbm>>
      %dma_start3A_451 = arith.constant 0 : i32
      %dma_start3A_452 = arith.constant 0 : i32
      %dma_start3A_453 = tpu.memref_slice %dma_start3A_450[%dma_start3A_451, %dma_start3A_452] : memref<10000x64xbf16, #tpu.memory_space<hbm>> -> memref<10000x64xbf16, #tpu.memory_space<hbm>>
      tpu.enqueue_indirect_dma source(%dma_start3A_453 : memref<10000x64xbf16, #tpu.memory_space<hbm>>) target(%dma_start3A_443 : memref<128x64xbf16, #tpu.memory_space<vmem>>) offsets(%dma_start3A_446 : memref<128xi32, #tpu.memory_space<vmem>>) semaphore(%arg8 : memref<!tpu.dma_semaphore, #tpu.memory_space<semaphore_mem>>)
      %mul3A_454 = arith.constant 4 : i32
      %mul3A_455 = arith.muli %add3A_417, %mul3A_454 : i32
      %add3A_456 = arith.constant 2 : i32
      %add3A_457 = arith.addi %mul3A_455, %add3A_456 : i32
      %dma_start3A_458 = arith.constant 0 : i32
      %dma_start3A_459 = arith.constant 256 : i32
      %dma_start3A_460 = arith.constant 0 : i32
      %dma_start3A_461 = tpu.memref_slice %arg7[%dma_start3A_459, %dma_start3A_460] : memref<512x64xbf16, #tpu.memory_space<vmem>> -> memref<128x64xbf16, #tpu.memory_space<vmem>>
      %dma_start3A_462 = arith.constant 0 : i32
      %dma_start3A_463 = tpu.memref_slice %arg5[%dma_start3A_458, %add3A_457, %dma_start3A_462] : memref<2x156x128xi32, #tpu.memory_space<vmem>> -> memref<1x1x128xi32, #tpu.memory_space<vmem>>
      %dma_start3A_464 = tpu.memref_squeeze %dma_start3A_463 : memref<1x1x128xi32, #tpu.memory_space<vmem>> -> memref<128xi32, #tpu.memory_space<vmem>>
      %dma_start3A_465 = arith.constant 0 : i32
      %dma_start3A_466 = arith.constant 0 : i32
      %dma_start3A_467 = tpu.memref_slice %arg2[%arg0, %dma_start3A_465, %dma_start3A_466] : memref<2x10000x64xbf16, #tpu.memory_space<hbm>> -> memref<1x10000x64xbf16, #tpu.memory_space<hbm>>
      %dma_start3A_468 = tpu.memref_squeeze %dma_start3A_467 : memref<1x10000x64xbf16, #tpu.memory_space<hbm>> -> memref<10000x64xbf16, #tpu.memory_space<hbm>>
      %dma_start3A_469 = arith.constant 0 : i32
      %dma_start3A_470 = arith.constant 0 : i32
      %dma_start3A_471 = tpu.memref_slice %dma_start3A_468[%dma_start3A_469, %dma_start3A_470] : memref<10000x64xbf16, #tpu.memory_space<hbm>> -> memref<10000x64xbf16, #tpu.memory_space<hbm>>
      tpu.enqueue_indirect_dma source(%dma_start3A_471 : memref<10000x64xbf16, #tpu.memory_space<hbm>>) target(%dma_start3A_461 : memref<128x64xbf16, #tpu.memory_space<vmem>>) offsets(%dma_start3A_464 : memref<128xi32, #tpu.memory_space<vmem>>) semaphore(%arg8 : memref<!tpu.dma_semaphore, #tpu.memory_space<semaphore_mem>>)
      %mul3A_472 = arith.constant 4 : i32
      %mul3A_473 = arith.muli %add3A_417, %mul3A_472 : i32
      %add3A_474 = arith.constant 3 : i32
      %add3A_475 = arith.addi %mul3A_473, %add3A_474 : i32
      %dma_start3A_476 = arith.constant 0 : i32
      %dma_start3A_477 = arith.constant 384 : i32
      %dma_start3A_478 = arith.constant 0 : i32
      %dma_start3A_479 = tpu.memref_slice %arg7[%dma_start3A_477, %dma_start3A_478] : memref<512x64xbf16, #tpu.memory_space<vmem>> -> memref<128x64xbf16, #tpu.memory_space<vmem>>
      %dma_start3A_480 = arith.constant 0 : i32
      %dma_start3A_481 = tpu.memref_slice %arg5[%dma_start3A_476, %add3A_475, %dma_start3A_480] : memref<2x156x128xi32, #tpu.memory_space<vmem>> -> memref<1x1x128xi32, #tpu.memory_space<vmem>>
      %dma_start3A_482 = tpu.memref_squeeze %dma_start3A_481 : memref<1x1x128xi32, #tpu.memory_space<vmem>> -> memref<128xi32, #tpu.memory_space<vmem>>
      %dma_start3A_483 = arith.constant 0 : i32
      %dma_start3A_484 = arith.constant 0 : i32
      %dma_start3A_485 = tpu.memref_slice %arg2[%arg0, %dma_start3A_483, %dma_start3A_484] : memref<2x10000x64xbf16, #tpu.memory_space<hbm>> -> memref<1x10000x64xbf16, #tpu.memory_space<hbm>>
      %dma_start3A_486 = tpu.memref_squeeze %dma_start3A_485 : memref<1x10000x64xbf16, #tpu.memory_space<hbm>> -> memref<10000x64xbf16, #tpu.memory_space<hbm>>
      %dma_start3A_487 = arith.constant 0 : i32
      %dma_start3A_488 = arith.constant 0 : i32
      %dma_start3A_489 = tpu.memref_slice %dma_start3A_486[%dma_start3A_487, %dma_start3A_488] : memref<10000x64xbf16, #tpu.memory_space<hbm>> -> memref<10000x64xbf16, #tpu.memory_space<hbm>>
      tpu.enqueue_indirect_dma source(%dma_start3A_489 : memref<10000x64xbf16, #tpu.memory_space<hbm>>) target(%dma_start3A_479 : memref<128x64xbf16, #tpu.memory_space<vmem>>) offsets(%dma_start3A_482 : memref<128xi32, #tpu.memory_space<vmem>>) semaphore(%arg8 : memref<!tpu.dma_semaphore, #tpu.memory_space<semaphore_mem>>)
      %add3A_490 = arith.constant 1 : i32
      %add3A_491 = arith.addi %mul3A_307, %add3A_490 : i32
      %dma_wait3A_492 = arith.constant 0 : i32
      %dma_wait3A_493 = arith.constant 0 : i32
      %dma_wait3A_494 = tpu.memref_slice %arg2[%arg0, %dma_wait3A_492, %dma_wait3A_493] : memref<2x10000x64xbf16, #tpu.memory_space<hbm>> -> memref<1x10000x64xbf16, #tpu.memory_space<hbm>>
      %dma_wait3A_495 = tpu.memref_squeeze %dma_wait3A_494 : memref<1x10000x64xbf16, #tpu.memory_space<hbm>> -> memref<10000x64xbf16, #tpu.memory_space<hbm>>
      %dma_wait3A_496 = arith.constant 0 : i32
      %dma_wait3A_497 = arith.constant 0 : i32
      %dma_wait3A_498 = tpu.memref_slice %dma_wait3A_495[%dma_wait3A_496, %dma_wait3A_497] : memref<10000x64xbf16, #tpu.memory_space<hbm>> -> memref<512x64xbf16, #tpu.memory_space<hbm>>
      %dma_wait3A_499 = arith.constant 0 : i32
      %dma_wait3A_500 = arith.constant 0 : i32
      %dma_wait3A_501 = tpu.memref_slice %arg2[%arg0, %dma_wait3A_499, %dma_wait3A_500] : memref<2x10000x64xbf16, #tpu.memory_space<hbm>> -> memref<1x10000x64xbf16, #tpu.memory_space<hbm>>
      %dma_wait3A_502 = tpu.memref_squeeze %dma_wait3A_501 : memref<1x10000x64xbf16, #tpu.memory_space<hbm>> -> memref<10000x64xbf16, #tpu.memory_space<hbm>>
      %dma_wait3A_503 = arith.constant 0 : i32
      %dma_wait3A_504 = arith.constant 0 : i32
      %dma_wait3A_505 = tpu.memref_slice %dma_wait3A_502[%dma_wait3A_503, %dma_wait3A_504] : memref<10000x64xbf16, #tpu.memory_space<hbm>> -> memref<512x64xbf16, #tpu.memory_space<hbm>>
      tpu.wait_dma2 semaphore(%arg10 : memref<!tpu.dma_semaphore, #tpu.memory_space<semaphore_mem>>) src(%dma_wait3A_505 : memref<512x64xbf16, #tpu.memory_space<hbm>>) dst(%arg9 : memref<512x64xbf16, #tpu.memory_space<vmem>>)
      %mul3A_506 = arith.constant 4 : i32
      %mul3A_507 = arith.muli %add3A_491, %mul3A_506 : i32
      %add3A_508 = arith.constant 0 : i32
      %add3A_509 = arith.addi %mul3A_507, %add3A_508 : i32
      %run_scoped3A_510 = arith.constant 1 : i32
      "tpu.region"() ({
        %run_scoped3A_526 = tpu.sem_alloc : memref<!tpu.dma_semaphore, #tpu.memory_space<semaphore_mem>>
        %dma_start3A_527 = arith.constant 0 : i32
        %dma_start3A_528 = arith.constant 0 : i32
        %dma_start3A_529 = tpu.memref_slice %arg9[%dma_start3A_527, %dma_start3A_528] : memref<512x64xbf16, #tpu.memory_space<vmem>> -> memref<128x64xbf16, #tpu.memory_space<vmem>>
        %dma_start3A_530 = arith.constant 0 : i32
        %dma_start3A_531 = tpu.memref_slice %arg5[%run_scoped3A_510, %add3A_509, %dma_start3A_530] : memref<2x156x128xi32, #tpu.memory_space<vmem>> -> memref<1x1x128xi32, #tpu.memory_space<vmem>>
        %dma_start3A_532 = tpu.memref_squeeze %dma_start3A_531 : memref<1x1x128xi32, #tpu.memory_space<vmem>> -> memref<128xi32, #tpu.memory_space<vmem>>
        %dma_start3A_533 = arith.constant 0 : i32
        %dma_start3A_534 = arith.constant 0 : i32
        %dma_start3A_535 = tpu.memref_slice %arg11[%dma_start3A_533, %dma_start3A_534] : memref<10496x64xbf16, #tpu.memory_space<vmem_shared>> -> memref<10496x64xbf16, #tpu.memory_space<vmem_shared>>
        tpu.enqueue_indirect_dma source(%dma_start3A_529 : memref<128x64xbf16, #tpu.memory_space<vmem>>) target(%dma_start3A_535 : memref<10496x64xbf16, #tpu.memory_space<vmem_shared>>) offsets(%dma_start3A_532 : memref<128xi32, #tpu.memory_space<vmem>>) semaphore(%run_scoped3A_526 : memref<!tpu.dma_semaphore, #tpu.memory_space<semaphore_mem>>) {add = true}
        %dma_wait3A_536 = arith.constant 0 : i32
        %dma_wait3A_537 = arith.constant 0 : i32
        %dma_wait3A_538 = tpu.memref_slice %arg9[%dma_wait3A_536, %dma_wait3A_537] : memref<512x64xbf16, #tpu.memory_space<vmem>> -> memref<128x64xbf16, #tpu.memory_space<vmem>>
        %dma_wait3A_539 = arith.constant 0 : i32
        %dma_wait3A_540 = tpu.memref_slice %arg5[%run_scoped3A_510, %add3A_509, %dma_wait3A_539] : memref<2x156x128xi32, #tpu.memory_space<vmem>> -> memref<1x1x128xi32, #tpu.memory_space<vmem>>
        %dma_wait3A_541 = tpu.memref_squeeze %dma_wait3A_540 : memref<1x1x128xi32, #tpu.memory_space<vmem>> -> memref<128xi32, #tpu.memory_space<vmem>>
        %dma_wait3A_542 = arith.constant 0 : i32
        %dma_wait3A_543 = arith.constant 0 : i32
        %dma_wait3A_544 = tpu.memref_slice %arg11[%dma_wait3A_542, %dma_wait3A_543] : memref<10496x64xbf16, #tpu.memory_space<vmem_shared>> -> memref<10496x64xbf16, #tpu.memory_space<vmem_shared>>
        tpu.wait_indirect_dma semaphore(%run_scoped3A_526 : memref<!tpu.dma_semaphore, #tpu.memory_space<semaphore_mem>>) src(%dma_wait3A_538 : memref<128x64xbf16, #tpu.memory_space<vmem>>) dst(%dma_wait3A_544 : memref<10496x64xbf16, #tpu.memory_space<vmem_shared>>)
        tpu.yield
      }) : () -> ()
      %mul3A_511 = arith.constant 4 : i32
      %mul3A_512 = arith.muli %add3A_491, %mul3A_511 : i32
      %add3A_513 = arith.constant 1 : i32
      %add3A_514 = arith.addi %mul3A_512, %add3A_513 : i32
      %run_scoped3A_515 = arith.constant 1 : i32
      "tpu.region"() ({
        %run_scoped3A_526 = tpu.sem_alloc : memref<!tpu.dma_semaphore, #tpu.memory_space<semaphore_mem>>
        %dma_start3A_527 = arith.constant 128 : i32
        %dma_start3A_528 = arith.constant 0 : i32
        %dma_start3A_529 = tpu.memref_slice %arg9[%dma_start3A_527, %dma_start3A_528] : memref<512x64xbf16, #tpu.memory_space<vmem>> -> memref<128x64xbf16, #tpu.memory_space<vmem>>
        %dma_start3A_530 = arith.constant 0 : i32
        %dma_start3A_531 = tpu.memref_slice %arg5[%run_scoped3A_515, %add3A_514, %dma_start3A_530] : memref<2x156x128xi32, #tpu.memory_space<vmem>> -> memref<1x1x128xi32, #tpu.memory_space<vmem>>
        %dma_start3A_532 = tpu.memref_squeeze %dma_start3A_531 : memref<1x1x128xi32, #tpu.memory_space<vmem>> -> memref<128xi32, #tpu.memory_space<vmem>>
        %dma_start3A_533 = arith.constant 0 : i32
        %dma_start3A_534 = arith.constant 0 : i32
        %dma_start3A_535 = tpu.memref_slice %arg11[%dma_start3A_533, %dma_start3A_534] : memref<10496x64xbf16, #tpu.memory_space<vmem_shared>> -> memref<10496x64xbf16, #tpu.memory_space<vmem_shared>>
        tpu.enqueue_indirect_dma source(%dma_start3A_529 : memref<128x64xbf16, #tpu.memory_space<vmem>>) target(%dma_start3A_535 : memref<10496x64xbf16, #tpu.memory_space<vmem_shared>>) offsets(%dma_start3A_532 : memref<128xi32, #tpu.memory_space<vmem>>) semaphore(%run_scoped3A_526 : memref<!tpu.dma_semaphore, #tpu.memory_space<semaphore_mem>>) {add = true}
        %dma_wait3A_536 = arith.constant 128 : i32
        %dma_wait3A_537 = arith.constant 0 : i32
        %dma_wait3A_538 = tpu.memref_slice %arg9[%dma_wait3A_536, %dma_wait3A_537] : memref<512x64xbf16, #tpu.memory_space<vmem>> -> memref<128x64xbf16, #tpu.memory_space<vmem>>
        %dma_wait3A_539 = arith.constant 0 : i32
        %dma_wait3A_540 = tpu.memref_slice %arg5[%run_scoped3A_515, %add3A_514, %dma_wait3A_539] : memref<2x156x128xi32, #tpu.memory_space<vmem>> -> memref<1x1x128xi32, #tpu.memory_space<vmem>>
        %dma_wait3A_541 = tpu.memref_squeeze %dma_wait3A_540 : memref<1x1x128xi32, #tpu.memory_space<vmem>> -> memref<128xi32, #tpu.memory_space<vmem>>
        %dma_wait3A_542 = arith.constant 0 : i32
        %dma_wait3A_543 = arith.constant 0 : i32
        %dma_wait3A_544 = tpu.memref_slice %arg11[%dma_wait3A_542, %dma_wait3A_543] : memref<10496x64xbf16, #tpu.memory_space<vmem_shared>> -> memref<10496x64xbf16, #tpu.memory_space<vmem_shared>>
        tpu.wait_indirect_dma semaphore(%run_scoped3A_526 : memref<!tpu.dma_semaphore, #tpu.memory_space<semaphore_mem>>) src(%dma_wait3A_538 : memref<128x64xbf16, #tpu.memory_space<vmem>>) dst(%dma_wait3A_544 : memref<10496x64xbf16, #tpu.memory_space<vmem_shared>>)
        tpu.yield
      }) : () -> ()
      %mul3A_516 = arith.constant 4 : i32
      %mul3A_517 = arith.muli %add3A_491, %mul3A_516 : i32
      %add3A_518 = arith.constant 2 : i32
      %add3A_519 = arith.addi %mul3A_517, %add3A_518 : i32
      %run_scoped3A_520 = arith.constant 1 : i32
      "tpu.region"() ({
        %run_scoped3A_526 = tpu.sem_alloc : memref<!tpu.dma_semaphore, #tpu.memory_space<semaphore_mem>>
        %dma_start3A_527 = arith.constant 256 : i32
        %dma_start3A_528 = arith.constant 0 : i32
        %dma_start3A_529 = tpu.memref_slice %arg9[%dma_start3A_527, %dma_start3A_528] : memref<512x64xbf16, #tpu.memory_space<vmem>> -> memref<128x64xbf16, #tpu.memory_space<vmem>>
        %dma_start3A_530 = arith.constant 0 : i32
        %dma_start3A_531 = tpu.memref_slice %arg5[%run_scoped3A_520, %add3A_519, %dma_start3A_530] : memref<2x156x128xi32, #tpu.memory_space<vmem>> -> memref<1x1x128xi32, #tpu.memory_space<vmem>>
        %dma_start3A_532 = tpu.memref_squeeze %dma_start3A_531 : memref<1x1x128xi32, #tpu.memory_space<vmem>> -> memref<128xi32, #tpu.memory_space<vmem>>
        %dma_start3A_533 = arith.constant 0 : i32
        %dma_start3A_534 = arith.constant 0 : i32
        %dma_start3A_535 = tpu.memref_slice %arg11[%dma_start3A_533, %dma_start3A_534] : memref<10496x64xbf16, #tpu.memory_space<vmem_shared>> -> memref<10496x64xbf16, #tpu.memory_space<vmem_shared>>
        tpu.enqueue_indirect_dma source(%dma_start3A_529 : memref<128x64xbf16, #tpu.memory_space<vmem>>) target(%dma_start3A_535 : memref<10496x64xbf16, #tpu.memory_space<vmem_shared>>) offsets(%dma_start3A_532 : memref<128xi32, #tpu.memory_space<vmem>>) semaphore(%run_scoped3A_526 : memref<!tpu.dma_semaphore, #tpu.memory_space<semaphore_mem>>) {add = true}
        %dma_wait3A_536 = arith.constant 256 : i32
        %dma_wait3A_537 = arith.constant 0 : i32
        %dma_wait3A_538 = tpu.memref_slice %arg9[%dma_wait3A_536, %dma_wait3A_537] : memref<512x64xbf16, #tpu.memory_space<vmem>> -> memref<128x64xbf16, #tpu.memory_space<vmem>>
        %dma_wait3A_539 = arith.constant 0 : i32
        %dma_wait3A_540 = tpu.memref_slice %arg5[%run_scoped3A_520, %add3A_519, %dma_wait3A_539] : memref<2x156x128xi32, #tpu.memory_space<vmem>> -> memref<1x1x128xi32, #tpu.memory_space<vmem>>
        %dma_wait3A_541 = tpu.memref_squeeze %dma_wait3A_540 : memref<1x1x128xi32, #tpu.memory_space<vmem>> -> memref<128xi32, #tpu.memory_space<vmem>>
        %dma_wait3A_542 = arith.constant 0 : i32
        %dma_wait3A_543 = arith.constant 0 : i32
        %dma_wait3A_544 = tpu.memref_slice %arg11[%dma_wait3A_542, %dma_wait3A_543] : memref<10496x64xbf16, #tpu.memory_space<vmem_shared>> -> memref<10496x64xbf16, #tpu.memory_space<vmem_shared>>
        tpu.wait_indirect_dma semaphore(%run_scoped3A_526 : memref<!tpu.dma_semaphore, #tpu.memory_space<semaphore_mem>>) src(%dma_wait3A_538 : memref<128x64xbf16, #tpu.memory_space<vmem>>) dst(%dma_wait3A_544 : memref<10496x64xbf16, #tpu.memory_space<vmem_shared>>)
        tpu.yield
      }) : () -> ()
      %mul3A_521 = arith.constant 4 : i32
      %mul3A_522 = arith.muli %add3A_491, %mul3A_521 : i32
      %add3A_523 = arith.constant 3 : i32
      %add3A_524 = arith.addi %mul3A_522, %add3A_523 : i32
      %run_scoped3A_525 = arith.constant 1 : i32
      "tpu.region"() ({
        %run_scoped3A_526 = tpu.sem_alloc : memref<!tpu.dma_semaphore, #tpu.memory_space<semaphore_mem>>
        %dma_start3A_527 = arith.constant 384 : i32
        %dma_start3A_528 = arith.constant 0 : i32
        %dma_start3A_529 = tpu.memref_slice %arg9[%dma_start3A_527, %dma_start3A_528] : memref<512x64xbf16, #tpu.memory_space<vmem>> -> memref<128x64xbf16, #tpu.memory_space<vmem>>
        %dma_start3A_530 = arith.constant 0 : i32
        %dma_start3A_531 = tpu.memref_slice %arg5[%run_scoped3A_525, %add3A_524, %dma_start3A_530] : memref<2x156x128xi32, #tpu.memory_space<vmem>> -> memref<1x1x128xi32, #tpu.memory_space<vmem>>
        %dma_start3A_532 = tpu.memref_squeeze %dma_start3A_531 : memref<1x1x128xi32, #tpu.memory_space<vmem>> -> memref<128xi32, #tpu.memory_space<vmem>>
        %dma_start3A_533 = arith.constant 0 : i32
        %dma_start3A_534 = arith.constant 0 : i32
        %dma_start3A_535 = tpu.memref_slice %arg11[%dma_start3A_533, %dma_start3A_534] : memref<10496x64xbf16, #tpu.memory_space<vmem_shared>> -> memref<10496x64xbf16, #tpu.memory_space<vmem_shared>>
        tpu.enqueue_indirect_dma source(%dma_start3A_529 : memref<128x64xbf16, #tpu.memory_space<vmem>>) target(%dma_start3A_535 : memref<10496x64xbf16, #tpu.memory_space<vmem_shared>>) offsets(%dma_start3A_532 : memref<128xi32, #tpu.memory_space<vmem>>) semaphore(%run_scoped3A_526 : memref<!tpu.dma_semaphore, #tpu.memory_space<semaphore_mem>>) {add = true}
        %dma_wait3A_536 = arith.constant 384 : i32
        %dma_wait3A_537 = arith.constant 0 : i32
        %dma_wait3A_538 = tpu.memref_slice %arg9[%dma_wait3A_536, %dma_wait3A_537] : memref<512x64xbf16, #tpu.memory_space<vmem>> -> memref<128x64xbf16, #tpu.memory_space<vmem>>
        %dma_wait3A_539 = arith.constant 0 : i32
        %dma_wait3A_540 = tpu.memref_slice %arg5[%run_scoped3A_525, %add3A_524, %dma_wait3A_539] : memref<2x156x128xi32, #tpu.memory_space<vmem>> -> memref<1x1x128xi32, #tpu.memory_space<vmem>>
        %dma_wait3A_541 = tpu.memref_squeeze %dma_wait3A_540 : memref<1x1x128xi32, #tpu.memory_space<vmem>> -> memref<128xi32, #tpu.memory_space<vmem>>
        %dma_wait3A_542 = arith.constant 0 : i32
        %dma_wait3A_543 = arith.constant 0 : i32
        %dma_wait3A_544 = tpu.memref_slice %arg11[%dma_wait3A_542, %dma_wait3A_543] : memref<10496x64xbf16, #tpu.memory_space<vmem_shared>> -> memref<10496x64xbf16, #tpu.memory_space<vmem_shared>>
        tpu.wait_indirect_dma semaphore(%run_scoped3A_526 : memref<!tpu.dma_semaphore, #tpu.memory_space<semaphore_mem>>) src(%dma_wait3A_538 : memref<128x64xbf16, #tpu.memory_space<vmem>>) dst(%dma_wait3A_544 : memref<10496x64xbf16, #tpu.memory_space<vmem_shared>>)
        tpu.yield
      }) : () -> ()
    }
    %scan3A_112 = arith.constant 18 : i32
    %dma_start3A_113 = arith.constant 0 : i32
    %dma_start3A_114 = arith.constant 148 : i32
    %dma_start3A_115 = arith.constant 0 : i32
    %dma_start3A_116 = arith.constant 0 : i32
    %dma_start3A_117 = tpu.memref_slice %arg9[%dma_start3A_115, %dma_start3A_116] : memref<512x64xbf16, #tpu.memory_space<vmem>> -> memref<128x64xbf16, #tpu.memory_space<vmem>>
    %dma_start3A_118 = arith.constant 0 : i32
    %dma_start3A_119 = tpu.memref_slice %arg5[%dma_start3A_113, %dma_start3A_114, %dma_start3A_118] : memref<2x156x128xi32, #tpu.memory_space<vmem>> -> memref<1x1x128xi32, #tpu.memory_space<vmem>>
    %dma_start3A_120 = tpu.memref_squeeze %dma_start3A_119 : memref<1x1x128xi32, #tpu.memory_space<vmem>> -> memref<128xi32, #tpu.memory_space<vmem>>
    %dma_start3A_121 = arith.constant 0 : i32
    %dma_start3A_122 = arith.constant 0 : i32
    %dma_start3A_123 = tpu.memref_slice %arg2[%arg0, %dma_start3A_121, %dma_start3A_122] : memref<2x10000x64xbf16, #tpu.memory_space<hbm>> -> memref<1x10000x64xbf16, #tpu.memory_space<hbm>>
    %dma_start3A_124 = tpu.memref_squeeze %dma_start3A_123 : memref<1x10000x64xbf16, #tpu.memory_space<hbm>> -> memref<10000x64xbf16, #tpu.memory_space<hbm>>
    %dma_start3A_125 = arith.constant 0 : i32
    %dma_start3A_126 = arith.constant 0 : i32
    %dma_start3A_127 = tpu.memref_slice %dma_start3A_124[%dma_start3A_125, %dma_start3A_126] : memref<10000x64xbf16, #tpu.memory_space<hbm>> -> memref<10000x64xbf16, #tpu.memory_space<hbm>>
    tpu.enqueue_indirect_dma source(%dma_start3A_127 : memref<10000x64xbf16, #tpu.memory_space<hbm>>) target(%dma_start3A_117 : memref<128x64xbf16, #tpu.memory_space<vmem>>) offsets(%dma_start3A_120 : memref<128xi32, #tpu.memory_space<vmem>>) semaphore(%arg10 : memref<!tpu.dma_semaphore, #tpu.memory_space<semaphore_mem>>)
    %dma_start3A_128 = arith.constant 0 : i32
    %dma_start3A_129 = arith.constant 149 : i32
    %dma_start3A_130 = arith.constant 128 : i32
    %dma_start3A_131 = arith.constant 0 : i32
    %dma_start3A_132 = tpu.memref_slice %arg9[%dma_start3A_130, %dma_start3A_131] : memref<512x64xbf16, #tpu.memory_space<vmem>> -> memref<128x64xbf16, #tpu.memory_space<vmem>>
    %dma_start3A_133 = arith.constant 0 : i32
    %dma_start3A_134 = tpu.memref_slice %arg5[%dma_start3A_128, %dma_start3A_129, %dma_start3A_133] : memref<2x156x128xi32, #tpu.memory_space<vmem>> -> memref<1x1x128xi32, #tpu.memory_space<vmem>>
    %dma_start3A_135 = tpu.memref_squeeze %dma_start3A_134 : memref<1x1x128xi32, #tpu.memory_space<vmem>> -> memref<128xi32, #tpu.memory_space<vmem>>
    %dma_start3A_136 = arith.constant 0 : i32
    %dma_start3A_137 = arith.constant 0 : i32
    %dma_start3A_138 = tpu.memref_slice %arg2[%arg0, %dma_start3A_136, %dma_start3A_137] : memref<2x10000x64xbf16, #tpu.memory_space<hbm>> -> memref<1x10000x64xbf16, #tpu.memory_space<hbm>>
    %dma_start3A_139 = tpu.memref_squeeze %dma_start3A_138 : memref<1x10000x64xbf16, #tpu.memory_space<hbm>> -> memref<10000x64xbf16, #tpu.memory_space<hbm>>
    %dma_start3A_140 = arith.constant 0 : i32
    %dma_start3A_141 = arith.constant 0 : i32
    %dma_start3A_142 = tpu.memref_slice %dma_start3A_139[%dma_start3A_140, %dma_start3A_141] : memref<10000x64xbf16, #tpu.memory_space<hbm>> -> memref<10000x64xbf16, #tpu.memory_space<hbm>>
    tpu.enqueue_indirect_dma source(%dma_start3A_142 : memref<10000x64xbf16, #tpu.memory_space<hbm>>) target(%dma_start3A_132 : memref<128x64xbf16, #tpu.memory_space<vmem>>) offsets(%dma_start3A_135 : memref<128xi32, #tpu.memory_space<vmem>>) semaphore(%arg10 : memref<!tpu.dma_semaphore, #tpu.memory_space<semaphore_mem>>)
    %dma_start3A_143 = arith.constant 0 : i32
    %dma_start3A_144 = arith.constant 150 : i32
    %dma_start3A_145 = arith.constant 256 : i32
    %dma_start3A_146 = arith.constant 0 : i32
    %dma_start3A_147 = tpu.memref_slice %arg9[%dma_start3A_145, %dma_start3A_146] : memref<512x64xbf16, #tpu.memory_space<vmem>> -> memref<128x64xbf16, #tpu.memory_space<vmem>>
    %dma_start3A_148 = arith.constant 0 : i32
    %dma_start3A_149 = tpu.memref_slice %arg5[%dma_start3A_143, %dma_start3A_144, %dma_start3A_148] : memref<2x156x128xi32, #tpu.memory_space<vmem>> -> memref<1x1x128xi32, #tpu.memory_space<vmem>>
    %dma_start3A_150 = tpu.memref_squeeze %dma_start3A_149 : memref<1x1x128xi32, #tpu.memory_space<vmem>> -> memref<128xi32, #tpu.memory_space<vmem>>
    %dma_start3A_151 = arith.constant 0 : i32
    %dma_start3A_152 = arith.constant 0 : i32
    %dma_start3A_153 = tpu.memref_slice %arg2[%arg0, %dma_start3A_151, %dma_start3A_152] : memref<2x10000x64xbf16, #tpu.memory_space<hbm>> -> memref<1x10000x64xbf16, #tpu.memory_space<hbm>>
    %dma_start3A_154 = tpu.memref_squeeze %dma_start3A_153 : memref<1x10000x64xbf16, #tpu.memory_space<hbm>> -> memref<10000x64xbf16, #tpu.memory_space<hbm>>
    %dma_start3A_155 = arith.constant 0 : i32
    %dma_start3A_156 = arith.constant 0 : i32
    %dma_start3A_157 = tpu.memref_slice %dma_start3A_154[%dma_start3A_155, %dma_start3A_156] : memref<10000x64xbf16, #tpu.memory_space<hbm>> -> memref<10000x64xbf16, #tpu.memory_space<hbm>>
    tpu.enqueue_indirect_dma source(%dma_start3A_157 : memref<10000x64xbf16, #tpu.memory_space<hbm>>) target(%dma_start3A_147 : memref<128x64xbf16, #tpu.memory_space<vmem>>) offsets(%dma_start3A_150 : memref<128xi32, #tpu.memory_space<vmem>>) semaphore(%arg10 : memref<!tpu.dma_semaphore, #tpu.memory_space<semaphore_mem>>)
    %dma_start3A_158 = arith.constant 0 : i32
    %dma_start3A_159 = arith.constant 151 : i32
    %dma_start3A_160 = arith.constant 384 : i32
    %dma_start3A_161 = arith.constant 0 : i32
    %dma_start3A_162 = tpu.memref_slice %arg9[%dma_start3A_160, %dma_start3A_161] : memref<512x64xbf16, #tpu.memory_space<vmem>> -> memref<128x64xbf16, #tpu.memory_space<vmem>>
    %dma_start3A_163 = arith.constant 0 : i32
    %dma_start3A_164 = tpu.memref_slice %arg5[%dma_start3A_158, %dma_start3A_159, %dma_start3A_163] : memref<2x156x128xi32, #tpu.memory_space<vmem>> -> memref<1x1x128xi32, #tpu.memory_space<vmem>>
    %dma_start3A_165 = tpu.memref_squeeze %dma_start3A_164 : memref<1x1x128xi32, #tpu.memory_space<vmem>> -> memref<128xi32, #tpu.memory_space<vmem>>
    %dma_start3A_166 = arith.constant 0 : i32
    %dma_start3A_167 = arith.constant 0 : i32
    %dma_start3A_168 = tpu.memref_slice %arg2[%arg0, %dma_start3A_166, %dma_start3A_167] : memref<2x10000x64xbf16, #tpu.memory_space<hbm>> -> memref<1x10000x64xbf16, #tpu.memory_space<hbm>>
    %dma_start3A_169 = tpu.memref_squeeze %dma_start3A_168 : memref<1x10000x64xbf16, #tpu.memory_space<hbm>> -> memref<10000x64xbf16, #tpu.memory_space<hbm>>
    %dma_start3A_170 = arith.constant 0 : i32
    %dma_start3A_171 = arith.constant 0 : i32
    %dma_start3A_172 = tpu.memref_slice %dma_start3A_169[%dma_start3A_170, %dma_start3A_171] : memref<10000x64xbf16, #tpu.memory_space<hbm>> -> memref<10000x64xbf16, #tpu.memory_space<hbm>>
    tpu.enqueue_indirect_dma source(%dma_start3A_172 : memref<10000x64xbf16, #tpu.memory_space<hbm>>) target(%dma_start3A_162 : memref<128x64xbf16, #tpu.memory_space<vmem>>) offsets(%dma_start3A_165 : memref<128xi32, #tpu.memory_space<vmem>>) semaphore(%arg10 : memref<!tpu.dma_semaphore, #tpu.memory_space<semaphore_mem>>)
    %dma_wait3A_173 = arith.constant 0 : i32
    %dma_wait3A_174 = arith.constant 0 : i32
    %dma_wait3A_175 = tpu.memref_slice %arg2[%arg0, %dma_wait3A_173, %dma_wait3A_174] : memref<2x10000x64xbf16, #tpu.memory_space<hbm>> -> memref<1x10000x64xbf16, #tpu.memory_space<hbm>>
    %dma_wait3A_176 = tpu.memref_squeeze %dma_wait3A_175 : memref<1x10000x64xbf16, #tpu.memory_space<hbm>> -> memref<10000x64xbf16, #tpu.memory_space<hbm>>
    %dma_wait3A_177 = arith.constant 0 : i32
    %dma_wait3A_178 = arith.constant 0 : i32
    %dma_wait3A_179 = tpu.memref_slice %dma_wait3A_176[%dma_wait3A_177, %dma_wait3A_178] : memref<10000x64xbf16, #tpu.memory_space<hbm>> -> memref<512x64xbf16, #tpu.memory_space<hbm>>
    %dma_wait3A_180 = arith.constant 0 : i32
    %dma_wait3A_181 = arith.constant 0 : i32
    %dma_wait3A_182 = tpu.memref_slice %arg2[%arg0, %dma_wait3A_180, %dma_wait3A_181] : memref<2x10000x64xbf16, #tpu.memory_space<hbm>> -> memref<1x10000x64xbf16, #tpu.memory_space<hbm>>
    %dma_wait3A_183 = tpu.memref_squeeze %dma_wait3A_182 : memref<1x10000x64xbf16, #tpu.memory_space<hbm>> -> memref<10000x64xbf16, #tpu.memory_space<hbm>>
    %dma_wait3A_184 = arith.constant 0 : i32
    %dma_wait3A_185 = arith.constant 0 : i32
    %dma_wait3A_186 = tpu.memref_slice %dma_wait3A_183[%dma_wait3A_184, %dma_wait3A_185] : memref<10000x64xbf16, #tpu.memory_space<hbm>> -> memref<512x64xbf16, #tpu.memory_space<hbm>>
    tpu.wait_dma2 semaphore(%arg8 : memref<!tpu.dma_semaphore, #tpu.memory_space<semaphore_mem>>) src(%dma_wait3A_186 : memref<512x64xbf16, #tpu.memory_space<hbm>>) dst(%arg7 : memref<512x64xbf16, #tpu.memory_space<vmem>>)
    %run_scoped3A = arith.constant 1 : i32
    %run_scoped3A_187 = arith.constant 144 : i32
    "tpu.region"() ({
      %run_scoped3A_305 = tpu.sem_alloc : memref<!tpu.dma_semaphore, #tpu.memory_space<semaphore_mem>>
      %dma_start3A_306 = arith.constant 0 : i32
      %dma_start3A_307 = arith.constant 0 : i32
      %dma_start3A_308 = tpu.memref_slice %arg7[%dma_start3A_306, %dma_start3A_307] : memref<512x64xbf16, #tpu.memory_space<vmem>> -> memref<128x64xbf16, #tpu.memory_space<vmem>>
      %dma_start3A_309 = arith.constant 0 : i32
      %dma_start3A_310 = tpu.memref_slice %arg5[%run_scoped3A, %run_scoped3A_187, %dma_start3A_309] : memref<2x156x128xi32, #tpu.memory_space<vmem>> -> memref<1x1x128xi32, #tpu.memory_space<vmem>>
      %dma_start3A_311 = tpu.memref_squeeze %dma_start3A_310 : memref<1x1x128xi32, #tpu.memory_space<vmem>> -> memref<128xi32, #tpu.memory_space<vmem>>
      %dma_start3A_312 = arith.constant 0 : i32
      %dma_start3A_313 = arith.constant 0 : i32
      %dma_start3A_314 = tpu.memref_slice %arg11[%dma_start3A_312, %dma_start3A_313] : memref<10496x64xbf16, #tpu.memory_space<vmem_shared>> -> memref<10496x64xbf16, #tpu.memory_space<vmem_shared>>
      tpu.enqueue_indirect_dma source(%dma_start3A_308 : memref<128x64xbf16, #tpu.memory_space<vmem>>) target(%dma_start3A_314 : memref<10496x64xbf16, #tpu.memory_space<vmem_shared>>) offsets(%dma_start3A_311 : memref<128xi32, #tpu.memory_space<vmem>>) semaphore(%run_scoped3A_305 : memref<!tpu.dma_semaphore, #tpu.memory_space<semaphore_mem>>) {add = true}
      %dma_wait3A_315 = arith.constant 0 : i32
      %dma_wait3A_316 = arith.constant 0 : i32
      %dma_wait3A_317 = tpu.memref_slice %arg7[%dma_wait3A_315, %dma_wait3A_316] : memref<512x64xbf16, #tpu.memory_space<vmem>> -> memref<128x64xbf16, #tpu.memory_space<vmem>>
      %dma_wait3A_318 = arith.constant 0 : i32
      %dma_wait3A_319 = tpu.memref_slice %arg5[%run_scoped3A, %run_scoped3A_187, %dma_wait3A_318] : memref<2x156x128xi32, #tpu.memory_space<vmem>> -> memref<1x1x128xi32, #tpu.memory_space<vmem>>
      %dma_wait3A_320 = tpu.memref_squeeze %dma_wait3A_319 : memref<1x1x128xi32, #tpu.memory_space<vmem>> -> memref<128xi32, #tpu.memory_space<vmem>>
      %dma_wait3A_321 = arith.constant 0 : i32
      %dma_wait3A_322 = arith.constant 0 : i32
      %dma_wait3A_323 = tpu.memref_slice %arg11[%dma_wait3A_321, %dma_wait3A_322] : memref<10496x64xbf16, #tpu.memory_space<vmem_shared>> -> memref<10496x64xbf16, #tpu.memory_space<vmem_shared>>
      tpu.wait_indirect_dma semaphore(%run_scoped3A_305 : memref<!tpu.dma_semaphore, #tpu.memory_space<semaphore_mem>>) src(%dma_wait3A_317 : memref<128x64xbf16, #tpu.memory_space<vmem>>) dst(%dma_wait3A_323 : memref<10496x64xbf16, #tpu.memory_space<vmem_shared>>)
      tpu.yield
    }) : () -> ()
    %run_scoped3A_188 = arith.constant 1 : i32
    %run_scoped3A_189 = arith.constant 145 : i32
    "tpu.region"() ({
      %run_scoped3A_305 = tpu.sem_alloc : memref<!tpu.dma_semaphore, #tpu.memory_space<semaphore_mem>>
      %dma_start3A_306 = arith.constant 128 : i32
      %dma_start3A_307 = arith.constant 0 : i32
      %dma_start3A_308 = tpu.memref_slice %arg7[%dma_start3A_306, %dma_start3A_307] : memref<512x64xbf16, #tpu.memory_space<vmem>> -> memref<128x64xbf16, #tpu.memory_space<vmem>>
      %dma_start3A_309 = arith.constant 0 : i32
      %dma_start3A_310 = tpu.memref_slice %arg5[%run_scoped3A_188, %run_scoped3A_189, %dma_start3A_309] : memref<2x156x128xi32, #tpu.memory_space<vmem>> -> memref<1x1x128xi32, #tpu.memory_space<vmem>>
      %dma_start3A_311 = tpu.memref_squeeze %dma_start3A_310 : memref<1x1x128xi32, #tpu.memory_space<vmem>> -> memref<128xi32, #tpu.memory_space<vmem>>
      %dma_start3A_312 = arith.constant 0 : i32
      %dma_start3A_313 = arith.constant 0 : i32
      %dma_start3A_314 = tpu.memref_slice %arg11[%dma_start3A_312, %dma_start3A_313] : memref<10496x64xbf16, #tpu.memory_space<vmem_shared>> -> memref<10496x64xbf16, #tpu.memory_space<vmem_shared>>
      tpu.enqueue_indirect_dma source(%dma_start3A_308 : memref<128x64xbf16, #tpu.memory_space<vmem>>) target(%dma_start3A_314 : memref<10496x64xbf16, #tpu.memory_space<vmem_shared>>) offsets(%dma_start3A_311 : memref<128xi32, #tpu.memory_space<vmem>>) semaphore(%run_scoped3A_305 : memref<!tpu.dma_semaphore, #tpu.memory_space<semaphore_mem>>) {add = true}
      %dma_wait3A_315 = arith.constant 128 : i32
      %dma_wait3A_316 = arith.constant 0 : i32
      %dma_wait3A_317 = tpu.memref_slice %arg7[%dma_wait3A_315, %dma_wait3A_316] : memref<512x64xbf16, #tpu.memory_space<vmem>> -> memref<128x64xbf16, #tpu.memory_space<vmem>>
      %dma_wait3A_318 = arith.constant 0 : i32
      %dma_wait3A_319 = tpu.memref_slice %arg5[%run_scoped3A_188, %run_scoped3A_189, %dma_wait3A_318] : memref<2x156x128xi32, #tpu.memory_space<vmem>> -> memref<1x1x128xi32, #tpu.memory_space<vmem>>
      %dma_wait3A_320 = tpu.memref_squeeze %dma_wait3A_319 : memref<1x1x128xi32, #tpu.memory_space<vmem>> -> memref<128xi32, #tpu.memory_space<vmem>>
      %dma_wait3A_321 = arith.constant 0 : i32
      %dma_wait3A_322 = arith.constant 0 : i32
      %dma_wait3A_323 = tpu.memref_slice %arg11[%dma_wait3A_321, %dma_wait3A_322] : memref<10496x64xbf16, #tpu.memory_space<vmem_shared>> -> memref<10496x64xbf16, #tpu.memory_space<vmem_shared>>
      tpu.wait_indirect_dma semaphore(%run_scoped3A_305 : memref<!tpu.dma_semaphore, #tpu.memory_space<semaphore_mem>>) src(%dma_wait3A_317 : memref<128x64xbf16, #tpu.memory_space<vmem>>) dst(%dma_wait3A_323 : memref<10496x64xbf16, #tpu.memory_space<vmem_shared>>)
      tpu.yield
    }) : () -> ()
    %run_scoped3A_190 = arith.constant 1 : i32
    %run_scoped3A_191 = arith.constant 146 : i32
    "tpu.region"() ({
      %run_scoped3A_305 = tpu.sem_alloc : memref<!tpu.dma_semaphore, #tpu.memory_space<semaphore_mem>>
      %dma_start3A_306 = arith.constant 256 : i32
      %dma_start3A_307 = arith.constant 0 : i32
      %dma_start3A_308 = tpu.memref_slice %arg7[%dma_start3A_306, %dma_start3A_307] : memref<512x64xbf16, #tpu.memory_space<vmem>> -> memref<128x64xbf16, #tpu.memory_space<vmem>>
      %dma_start3A_309 = arith.constant 0 : i32
      %dma_start3A_310 = tpu.memref_slice %arg5[%run_scoped3A_190, %run_scoped3A_191, %dma_start3A_309] : memref<2x156x128xi32, #tpu.memory_space<vmem>> -> memref<1x1x128xi32, #tpu.memory_space<vmem>>
      %dma_start3A_311 = tpu.memref_squeeze %dma_start3A_310 : memref<1x1x128xi32, #tpu.memory_space<vmem>> -> memref<128xi32, #tpu.memory_space<vmem>>
      %dma_start3A_312 = arith.constant 0 : i32
      %dma_start3A_313 = arith.constant 0 : i32
      %dma_start3A_314 = tpu.memref_slice %arg11[%dma_start3A_312, %dma_start3A_313] : memref<10496x64xbf16, #tpu.memory_space<vmem_shared>> -> memref<10496x64xbf16, #tpu.memory_space<vmem_shared>>
      tpu.enqueue_indirect_dma source(%dma_start3A_308 : memref<128x64xbf16, #tpu.memory_space<vmem>>) target(%dma_start3A_314 : memref<10496x64xbf16, #tpu.memory_space<vmem_shared>>) offsets(%dma_start3A_311 : memref<128xi32, #tpu.memory_space<vmem>>) semaphore(%run_scoped3A_305 : memref<!tpu.dma_semaphore, #tpu.memory_space<semaphore_mem>>) {add = true}
      %dma_wait3A_315 = arith.constant 256 : i32
      %dma_wait3A_316 = arith.constant 0 : i32
      %dma_wait3A_317 = tpu.memref_slice %arg7[%dma_wait3A_315, %dma_wait3A_316] : memref<512x64xbf16, #tpu.memory_space<vmem>> -> memref<128x64xbf16, #tpu.memory_space<vmem>>
      %dma_wait3A_318 = arith.constant 0 : i32
      %dma_wait3A_319 = tpu.memref_slice %arg5[%run_scoped3A_190, %run_scoped3A_191, %dma_wait3A_318] : memref<2x156x128xi32, #tpu.memory_space<vmem>> -> memref<1x1x128xi32, #tpu.memory_space<vmem>>
      %dma_wait3A_320 = tpu.memref_squeeze %dma_wait3A_319 : memref<1x1x128xi32, #tpu.memory_space<vmem>> -> memref<128xi32, #tpu.memory_space<vmem>>
      %dma_wait3A_321 = arith.constant 0 : i32
      %dma_wait3A_322 = arith.constant 0 : i32
      %dma_wait3A_323 = tpu.memref_slice %arg11[%dma_wait3A_321, %dma_wait3A_322] : memref<10496x64xbf16, #tpu.memory_space<vmem_shared>> -> memref<10496x64xbf16, #tpu.memory_space<vmem_shared>>
      tpu.wait_indirect_dma semaphore(%run_scoped3A_305 : memref<!tpu.dma_semaphore, #tpu.memory_space<semaphore_mem>>) src(%dma_wait3A_317 : memref<128x64xbf16, #tpu.memory_space<vmem>>) dst(%dma_wait3A_323 : memref<10496x64xbf16, #tpu.memory_space<vmem_shared>>)
      tpu.yield
    }) : () -> ()
    %run_scoped3A_192 = arith.constant 1 : i32
    %run_scoped3A_193 = arith.constant 147 : i32
    "tpu.region"() ({
      %run_scoped3A_305 = tpu.sem_alloc : memref<!tpu.dma_semaphore, #tpu.memory_space<semaphore_mem>>
      %dma_start3A_306 = arith.constant 384 : i32
      %dma_start3A_307 = arith.constant 0 : i32
      %dma_start3A_308 = tpu.memref_slice %arg7[%dma_start3A_306, %dma_start3A_307] : memref<512x64xbf16, #tpu.memory_space<vmem>> -> memref<128x64xbf16, #tpu.memory_space<vmem>>
      %dma_start3A_309 = arith.constant 0 : i32
      %dma_start3A_310 = tpu.memref_slice %arg5[%run_scoped3A_192, %run_scoped3A_193, %dma_start3A_309] : memref<2x156x128xi32, #tpu.memory_space<vmem>> -> memref<1x1x128xi32, #tpu.memory_space<vmem>>
      %dma_start3A_311 = tpu.memref_squeeze %dma_start3A_310 : memref<1x1x128xi32, #tpu.memory_space<vmem>> -> memref<128xi32, #tpu.memory_space<vmem>>
      %dma_start3A_312 = arith.constant 0 : i32
      %dma_start3A_313 = arith.constant 0 : i32
      %dma_start3A_314 = tpu.memref_slice %arg11[%dma_start3A_312, %dma_start3A_313] : memref<10496x64xbf16, #tpu.memory_space<vmem_shared>> -> memref<10496x64xbf16, #tpu.memory_space<vmem_shared>>
      tpu.enqueue_indirect_dma source(%dma_start3A_308 : memref<128x64xbf16, #tpu.memory_space<vmem>>) target(%dma_start3A_314 : memref<10496x64xbf16, #tpu.memory_space<vmem_shared>>) offsets(%dma_start3A_311 : memref<128xi32, #tpu.memory_space<vmem>>) semaphore(%run_scoped3A_305 : memref<!tpu.dma_semaphore, #tpu.memory_space<semaphore_mem>>) {add = true}
      %dma_wait3A_315 = arith.constant 384 : i32
      %dma_wait3A_316 = arith.constant 0 : i32
      %dma_wait3A_317 = tpu.memref_slice %arg7[%dma_wait3A_315, %dma_wait3A_316] : memref<512x64xbf16, #tpu.memory_space<vmem>> -> memref<128x64xbf16, #tpu.memory_space<vmem>>
      %dma_wait3A_318 = arith.constant 0 : i32
      %dma_wait3A_319 = tpu.memref_slice %arg5[%run_scoped3A_192, %run_scoped3A_193, %dma_wait3A_318] : memref<2x156x128xi32, #tpu.memory_space<vmem>> -> memref<1x1x128xi32, #tpu.memory_space<vmem>>
      %dma_wait3A_320 = tpu.memref_squeeze %dma_wait3A_319 : memref<1x1x128xi32, #tpu.memory_space<vmem>> -> memref<128xi32, #tpu.memory_space<vmem>>
      %dma_wait3A_321 = arith.constant 0 : i32
      %dma_wait3A_322 = arith.constant 0 : i32
      %dma_wait3A_323 = tpu.memref_slice %arg11[%dma_wait3A_321, %dma_wait3A_322] : memref<10496x64xbf16, #tpu.memory_space<vmem_shared>> -> memref<10496x64xbf16, #tpu.memory_space<vmem_shared>>
      tpu.wait_indirect_dma semaphore(%run_scoped3A_305 : memref<!tpu.dma_semaphore, #tpu.memory_space<semaphore_mem>>) src(%dma_wait3A_317 : memref<128x64xbf16, #tpu.memory_space<vmem>>) dst(%dma_wait3A_323 : memref<10496x64xbf16, #tpu.memory_space<vmem_shared>>)
      tpu.yield
    }) : () -> ()
    %dma_start3A_194 = arith.constant 0 : i32
    %dma_start3A_195 = arith.constant 152 : i32
    %dma_start3A_196 = arith.constant 0 : i32
    %dma_start3A_197 = arith.constant 0 : i32
    %dma_start3A_198 = tpu.memref_slice %arg7[%dma_start3A_196, %dma_start3A_197] : memref<512x64xbf16, #tpu.memory_space<vmem>> -> memref<128x64xbf16, #tpu.memory_space<vmem>>
    %dma_start3A_199 = arith.constant 0 : i32
    %dma_start3A_200 = tpu.memref_slice %arg5[%dma_start3A_194, %dma_start3A_195, %dma_start3A_199] : memref<2x156x128xi32, #tpu.memory_space<vmem>> -> memref<1x1x128xi32, #tpu.memory_space<vmem>>
    %dma_start3A_201 = tpu.memref_squeeze %dma_start3A_200 : memref<1x1x128xi32, #tpu.memory_space<vmem>> -> memref<128xi32, #tpu.memory_space<vmem>>
    %dma_start3A_202 = arith.constant 0 : i32
    %dma_start3A_203 = arith.constant 0 : i32
    %dma_start3A_204 = tpu.memref_slice %arg2[%arg0, %dma_start3A_202, %dma_start3A_203] : memref<2x10000x64xbf16, #tpu.memory_space<hbm>> -> memref<1x10000x64xbf16, #tpu.memory_space<hbm>>
    %dma_start3A_205 = tpu.memref_squeeze %dma_start3A_204 : memref<1x10000x64xbf16, #tpu.memory_space<hbm>> -> memref<10000x64xbf16, #tpu.memory_space<hbm>>
    %dma_start3A_206 = arith.constant 0 : i32
    %dma_start3A_207 = arith.constant 0 : i32
    %dma_start3A_208 = tpu.memref_slice %dma_start3A_205[%dma_start3A_206, %dma_start3A_207] : memref<10000x64xbf16, #tpu.memory_space<hbm>> -> memref<10000x64xbf16, #tpu.memory_space<hbm>>
    tpu.enqueue_indirect_dma source(%dma_start3A_208 : memref<10000x64xbf16, #tpu.memory_space<hbm>>) target(%dma_start3A_198 : memref<128x64xbf16, #tpu.memory_space<vmem>>) offsets(%dma_start3A_201 : memref<128xi32, #tpu.memory_space<vmem>>) semaphore(%arg8 : memref<!tpu.dma_semaphore, #tpu.memory_space<semaphore_mem>>)
    %dma_start3A_209 = arith.constant 0 : i32
    %dma_start3A_210 = arith.constant 153 : i32
    %dma_start3A_211 = arith.constant 128 : i32
    %dma_start3A_212 = arith.constant 0 : i32
    %dma_start3A_213 = tpu.memref_slice %arg7[%dma_start3A_211, %dma_start3A_212] : memref<512x64xbf16, #tpu.memory_space<vmem>> -> memref<128x64xbf16, #tpu.memory_space<vmem>>
    %dma_start3A_214 = arith.constant 0 : i32
    %dma_start3A_215 = tpu.memref_slice %arg5[%dma_start3A_209, %dma_start3A_210, %dma_start3A_214] : memref<2x156x128xi32, #tpu.memory_space<vmem>> -> memref<1x1x128xi32, #tpu.memory_space<vmem>>
    %dma_start3A_216 = tpu.memref_squeeze %dma_start3A_215 : memref<1x1x128xi32, #tpu.memory_space<vmem>> -> memref<128xi32, #tpu.memory_space<vmem>>
    %dma_start3A_217 = arith.constant 0 : i32
    %dma_start3A_218 = arith.constant 0 : i32
    %dma_start3A_219 = tpu.memref_slice %arg2[%arg0, %dma_start3A_217, %dma_start3A_218] : memref<2x10000x64xbf16, #tpu.memory_space<hbm>> -> memref<1x10000x64xbf16, #tpu.memory_space<hbm>>
    %dma_start3A_220 = tpu.memref_squeeze %dma_start3A_219 : memref<1x10000x64xbf16, #tpu.memory_space<hbm>> -> memref<10000x64xbf16, #tpu.memory_space<hbm>>
    %dma_start3A_221 = arith.constant 0 : i32
    %dma_start3A_222 = arith.constant 0 : i32
    %dma_start3A_223 = tpu.memref_slice %dma_start3A_220[%dma_start3A_221, %dma_start3A_222] : memref<10000x64xbf16, #tpu.memory_space<hbm>> -> memref<10000x64xbf16, #tpu.memory_space<hbm>>
    tpu.enqueue_indirect_dma source(%dma_start3A_223 : memref<10000x64xbf16, #tpu.memory_space<hbm>>) target(%dma_start3A_213 : memref<128x64xbf16, #tpu.memory_space<vmem>>) offsets(%dma_start3A_216 : memref<128xi32, #tpu.memory_space<vmem>>) semaphore(%arg8 : memref<!tpu.dma_semaphore, #tpu.memory_space<semaphore_mem>>)
    %dma_start3A_224 = arith.constant 0 : i32
    %dma_start3A_225 = arith.constant 154 : i32
    %dma_start3A_226 = arith.constant 256 : i32
    %dma_start3A_227 = arith.constant 0 : i32
    %dma_start3A_228 = tpu.memref_slice %arg7[%dma_start3A_226, %dma_start3A_227] : memref<512x64xbf16, #tpu.memory_space<vmem>> -> memref<128x64xbf16, #tpu.memory_space<vmem>>
    %dma_start3A_229 = arith.constant 0 : i32
    %dma_start3A_230 = tpu.memref_slice %arg5[%dma_start3A_224, %dma_start3A_225, %dma_start3A_229] : memref<2x156x128xi32, #tpu.memory_space<vmem>> -> memref<1x1x128xi32, #tpu.memory_space<vmem>>
    %dma_start3A_231 = tpu.memref_squeeze %dma_start3A_230 : memref<1x1x128xi32, #tpu.memory_space<vmem>> -> memref<128xi32, #tpu.memory_space<vmem>>
    %dma_start3A_232 = arith.constant 0 : i32
    %dma_start3A_233 = arith.constant 0 : i32
    %dma_start3A_234 = tpu.memref_slice %arg2[%arg0, %dma_start3A_232, %dma_start3A_233] : memref<2x10000x64xbf16, #tpu.memory_space<hbm>> -> memref<1x10000x64xbf16, #tpu.memory_space<hbm>>
    %dma_start3A_235 = tpu.memref_squeeze %dma_start3A_234 : memref<1x10000x64xbf16, #tpu.memory_space<hbm>> -> memref<10000x64xbf16, #tpu.memory_space<hbm>>
    %dma_start3A_236 = arith.constant 0 : i32
    %dma_start3A_237 = arith.constant 0 : i32
    %dma_start3A_238 = tpu.memref_slice %dma_start3A_235[%dma_start3A_236, %dma_start3A_237] : memref<10000x64xbf16, #tpu.memory_space<hbm>> -> memref<10000x64xbf16, #tpu.memory_space<hbm>>
    tpu.enqueue_indirect_dma source(%dma_start3A_238 : memref<10000x64xbf16, #tpu.memory_space<hbm>>) target(%dma_start3A_228 : memref<128x64xbf16, #tpu.memory_space<vmem>>) offsets(%dma_start3A_231 : memref<128xi32, #tpu.memory_space<vmem>>) semaphore(%arg8 : memref<!tpu.dma_semaphore, #tpu.memory_space<semaphore_mem>>)
    %dma_start3A_239 = arith.constant 0 : i32
    %dma_start3A_240 = arith.constant 155 : i32
    %dma_start3A_241 = arith.constant 384 : i32
    %dma_start3A_242 = arith.constant 0 : i32
    %dma_start3A_243 = tpu.memref_slice %arg7[%dma_start3A_241, %dma_start3A_242] : memref<512x64xbf16, #tpu.memory_space<vmem>> -> memref<128x64xbf16, #tpu.memory_space<vmem>>
    %dma_start3A_244 = arith.constant 0 : i32
    %dma_start3A_245 = tpu.memref_slice %arg5[%dma_start3A_239, %dma_start3A_240, %dma_start3A_244] : memref<2x156x128xi32, #tpu.memory_space<vmem>> -> memref<1x1x128xi32, #tpu.memory_space<vmem>>
    %dma_start3A_246 = tpu.memref_squeeze %dma_start3A_245 : memref<1x1x128xi32, #tpu.memory_space<vmem>> -> memref<128xi32, #tpu.memory_space<vmem>>
    %dma_start3A_247 = arith.constant 0 : i32
    %dma_start3A_248 = arith.constant 0 : i32
    %dma_start3A_249 = tpu.memref_slice %arg2[%arg0, %dma_start3A_247, %dma_start3A_248] : memref<2x10000x64xbf16, #tpu.memory_space<hbm>> -> memref<1x10000x64xbf16, #tpu.memory_space<hbm>>
    %dma_start3A_250 = tpu.memref_squeeze %dma_start3A_249 : memref<1x10000x64xbf16, #tpu.memory_space<hbm>> -> memref<10000x64xbf16, #tpu.memory_space<hbm>>
    %dma_start3A_251 = arith.constant 0 : i32
    %dma_start3A_252 = arith.constant 0 : i32
    %dma_start3A_253 = tpu.memref_slice %dma_start3A_250[%dma_start3A_251, %dma_start3A_252] : memref<10000x64xbf16, #tpu.memory_space<hbm>> -> memref<10000x64xbf16, #tpu.memory_space<hbm>>
    tpu.enqueue_indirect_dma source(%dma_start3A_253 : memref<10000x64xbf16, #tpu.memory_space<hbm>>) target(%dma_start3A_243 : memref<128x64xbf16, #tpu.memory_space<vmem>>) offsets(%dma_start3A_246 : memref<128xi32, #tpu.memory_space<vmem>>) semaphore(%arg8 : memref<!tpu.dma_semaphore, #tpu.memory_space<semaphore_mem>>)
    %dma_wait3A_254 = arith.constant 0 : i32
    %dma_wait3A_255 = arith.constant 0 : i32
    %dma_wait3A_256 = tpu.memref_slice %arg2[%arg0, %dma_wait3A_254, %dma_wait3A_255] : memref<2x10000x64xbf16, #tpu.memory_space<hbm>> -> memref<1x10000x64xbf16, #tpu.memory_space<hbm>>
    %dma_wait3A_257 = tpu.memref_squeeze %dma_wait3A_256 : memref<1x10000x64xbf16, #tpu.memory_space<hbm>> -> memref<10000x64xbf16, #tpu.memory_space<hbm>>
    %dma_wait3A_258 = arith.constant 0 : i32
    %dma_wait3A_259 = arith.constant 0 : i32
    %dma_wait3A_260 = tpu.memref_slice %dma_wait3A_257[%dma_wait3A_258, %dma_wait3A_259] : memref<10000x64xbf16, #tpu.memory_space<hbm>> -> memref<512x64xbf16, #tpu.memory_space<hbm>>
    %dma_wait3A_261 = arith.constant 0 : i32
    %dma_wait3A_262 = arith.constant 0 : i32
    %dma_wait3A_263 = tpu.memref_slice %arg2[%arg0, %dma_wait3A_261, %dma_wait3A_262] : memref<2x10000x64xbf16, #tpu.memory_space<hbm>> -> memref<1x10000x64xbf16, #tpu.memory_space<hbm>>
    %dma_wait3A_264 = tpu.memref_squeeze %dma_wait3A_263 : memref<1x10000x64xbf16, #tpu.memory_space<hbm>> -> memref<10000x64xbf16, #tpu.memory_space<hbm>>
    %dma_wait3A_265 = arith.constant 0 : i32
    %dma_wait3A_266 = arith.constant 0 : i32
    %dma_wait3A_267 = tpu.memref_slice %dma_wait3A_264[%dma_wait3A_265, %dma_wait3A_266] : memref<10000x64xbf16, #tpu.memory_space<hbm>> -> memref<512x64xbf16, #tpu.memory_space<hbm>>
    tpu.wait_dma2 semaphore(%arg10 : memref<!tpu.dma_semaphore, #tpu.memory_space<semaphore_mem>>) src(%dma_wait3A_267 : memref<512x64xbf16, #tpu.memory_space<hbm>>) dst(%arg9 : memref<512x64xbf16, #tpu.memory_space<vmem>>)
    %run_scoped3A_268 = arith.constant 1 : i32
    %run_scoped3A_269 = arith.constant 148 : i32
    "tpu.region"() ({
      %run_scoped3A_305 = tpu.sem_alloc : memref<!tpu.dma_semaphore, #tpu.memory_space<semaphore_mem>>
      %dma_start3A_306 = arith.constant 0 : i32
      %dma_start3A_307 = arith.constant 0 : i32
      %dma_start3A_308 = tpu.memref_slice %arg9[%dma_start3A_306, %dma_start3A_307] : memref<512x64xbf16, #tpu.memory_space<vmem>> -> memref<128x64xbf16, #tpu.memory_space<vmem>>
      %dma_start3A_309 = arith.constant 0 : i32
      %dma_start3A_310 = tpu.memref_slice %arg5[%run_scoped3A_268, %run_scoped3A_269, %dma_start3A_309] : memref<2x156x128xi32, #tpu.memory_space<vmem>> -> memref<1x1x128xi32, #tpu.memory_space<vmem>>
      %dma_start3A_311 = tpu.memref_squeeze %dma_start3A_310 : memref<1x1x128xi32, #tpu.memory_space<vmem>> -> memref<128xi32, #tpu.memory_space<vmem>>
      %dma_start3A_312 = arith.constant 0 : i32
      %dma_start3A_313 = arith.constant 0 : i32
      %dma_start3A_314 = tpu.memref_slice %arg11[%dma_start3A_312, %dma_start3A_313] : memref<10496x64xbf16, #tpu.memory_space<vmem_shared>> -> memref<10496x64xbf16, #tpu.memory_space<vmem_shared>>
      tpu.enqueue_indirect_dma source(%dma_start3A_308 : memref<128x64xbf16, #tpu.memory_space<vmem>>) target(%dma_start3A_314 : memref<10496x64xbf16, #tpu.memory_space<vmem_shared>>) offsets(%dma_start3A_311 : memref<128xi32, #tpu.memory_space<vmem>>) semaphore(%run_scoped3A_305 : memref<!tpu.dma_semaphore, #tpu.memory_space<semaphore_mem>>) {add = true}
      %dma_wait3A_315 = arith.constant 0 : i32
      %dma_wait3A_316 = arith.constant 0 : i32
      %dma_wait3A_317 = tpu.memref_slice %arg9[%dma_wait3A_315, %dma_wait3A_316] : memref<512x64xbf16, #tpu.memory_space<vmem>> -> memref<128x64xbf16, #tpu.memory_space<vmem>>
      %dma_wait3A_318 = arith.constant 0 : i32
      %dma_wait3A_319 = tpu.memref_slice %arg5[%run_scoped3A_268, %run_scoped3A_269, %dma_wait3A_318] : memref<2x156x128xi32, #tpu.memory_space<vmem>> -> memref<1x1x128xi32, #tpu.memory_space<vmem>>
      %dma_wait3A_320 = tpu.memref_squeeze %dma_wait3A_319 : memref<1x1x128xi32, #tpu.memory_space<vmem>> -> memref<128xi32, #tpu.memory_space<vmem>>
      %dma_wait3A_321 = arith.constant 0 : i32
      %dma_wait3A_322 = arith.constant 0 : i32
      %dma_wait3A_323 = tpu.memref_slice %arg11[%dma_wait3A_321, %dma_wait3A_322] : memref<10496x64xbf16, #tpu.memory_space<vmem_shared>> -> memref<10496x64xbf16, #tpu.memory_space<vmem_shared>>
      tpu.wait_indirect_dma semaphore(%run_scoped3A_305 : memref<!tpu.dma_semaphore, #tpu.memory_space<semaphore_mem>>) src(%dma_wait3A_317 : memref<128x64xbf16, #tpu.memory_space<vmem>>) dst(%dma_wait3A_323 : memref<10496x64xbf16, #tpu.memory_space<vmem_shared>>)
      tpu.yield
    }) : () -> ()
    %run_scoped3A_270 = arith.constant 1 : i32
    %run_scoped3A_271 = arith.constant 149 : i32
    "tpu.region"() ({
      %run_scoped3A_305 = tpu.sem_alloc : memref<!tpu.dma_semaphore, #tpu.memory_space<semaphore_mem>>
      %dma_start3A_306 = arith.constant 128 : i32
      %dma_start3A_307 = arith.constant 0 : i32
      %dma_start3A_308 = tpu.memref_slice %arg9[%dma_start3A_306, %dma_start3A_307] : memref<512x64xbf16, #tpu.memory_space<vmem>> -> memref<128x64xbf16, #tpu.memory_space<vmem>>
      %dma_start3A_309 = arith.constant 0 : i32
      %dma_start3A_310 = tpu.memref_slice %arg5[%run_scoped3A_270, %run_scoped3A_271, %dma_start3A_309] : memref<2x156x128xi32, #tpu.memory_space<vmem>> -> memref<1x1x128xi32, #tpu.memory_space<vmem>>
      %dma_start3A_311 = tpu.memref_squeeze %dma_start3A_310 : memref<1x1x128xi32, #tpu.memory_space<vmem>> -> memref<128xi32, #tpu.memory_space<vmem>>
      %dma_start3A_312 = arith.constant 0 : i32
      %dma_start3A_313 = arith.constant 0 : i32
      %dma_start3A_314 = tpu.memref_slice %arg11[%dma_start3A_312, %dma_start3A_313] : memref<10496x64xbf16, #tpu.memory_space<vmem_shared>> -> memref<10496x64xbf16, #tpu.memory_space<vmem_shared>>
      tpu.enqueue_indirect_dma source(%dma_start3A_308 : memref<128x64xbf16, #tpu.memory_space<vmem>>) target(%dma_start3A_314 : memref<10496x64xbf16, #tpu.memory_space<vmem_shared>>) offsets(%dma_start3A_311 : memref<128xi32, #tpu.memory_space<vmem>>) semaphore(%run_scoped3A_305 : memref<!tpu.dma_semaphore, #tpu.memory_space<semaphore_mem>>) {add = true}
      %dma_wait3A_315 = arith.constant 128 : i32
      %dma_wait3A_316 = arith.constant 0 : i32
      %dma_wait3A_317 = tpu.memref_slice %arg9[%dma_wait3A_315, %dma_wait3A_316] : memref<512x64xbf16, #tpu.memory_space<vmem>> -> memref<128x64xbf16, #tpu.memory_space<vmem>>
      %dma_wait3A_318 = arith.constant 0 : i32
      %dma_wait3A_319 = tpu.memref_slice %arg5[%run_scoped3A_270, %run_scoped3A_271, %dma_wait3A_318] : memref<2x156x128xi32, #tpu.memory_space<vmem>> -> memref<1x1x128xi32, #tpu.memory_space<vmem>>
      %dma_wait3A_320 = tpu.memref_squeeze %dma_wait3A_319 : memref<1x1x128xi32, #tpu.memory_space<vmem>> -> memref<128xi32, #tpu.memory_space<vmem>>
      %dma_wait3A_321 = arith.constant 0 : i32
      %dma_wait3A_322 = arith.constant 0 : i32
      %dma_wait3A_323 = tpu.memref_slice %arg11[%dma_wait3A_321, %dma_wait3A_322] : memref<10496x64xbf16, #tpu.memory_space<vmem_shared>> -> memref<10496x64xbf16, #tpu.memory_space<vmem_shared>>
      tpu.wait_indirect_dma semaphore(%run_scoped3A_305 : memref<!tpu.dma_semaphore, #tpu.memory_space<semaphore_mem>>) src(%dma_wait3A_317 : memref<128x64xbf16, #tpu.memory_space<vmem>>) dst(%dma_wait3A_323 : memref<10496x64xbf16, #tpu.memory_space<vmem_shared>>)
      tpu.yield
    }) : () -> ()
    %run_scoped3A_272 = arith.constant 1 : i32
    %run_scoped3A_273 = arith.constant 150 : i32
    "tpu.region"() ({
      %run_scoped3A_305 = tpu.sem_alloc : memref<!tpu.dma_semaphore, #tpu.memory_space<semaphore_mem>>
      %dma_start3A_306 = arith.constant 256 : i32
      %dma_start3A_307 = arith.constant 0 : i32
      %dma_start3A_308 = tpu.memref_slice %arg9[%dma_start3A_306, %dma_start3A_307] : memref<512x64xbf16, #tpu.memory_space<vmem>> -> memref<128x64xbf16, #tpu.memory_space<vmem>>
      %dma_start3A_309 = arith.constant 0 : i32
      %dma_start3A_310 = tpu.memref_slice %arg5[%run_scoped3A_272, %run_scoped3A_273, %dma_start3A_309] : memref<2x156x128xi32, #tpu.memory_space<vmem>> -> memref<1x1x128xi32, #tpu.memory_space<vmem>>
      %dma_start3A_311 = tpu.memref_squeeze %dma_start3A_310 : memref<1x1x128xi32, #tpu.memory_space<vmem>> -> memref<128xi32, #tpu.memory_space<vmem>>
      %dma_start3A_312 = arith.constant 0 : i32
      %dma_start3A_313 = arith.constant 0 : i32
      %dma_start3A_314 = tpu.memref_slice %arg11[%dma_start3A_312, %dma_start3A_313] : memref<10496x64xbf16, #tpu.memory_space<vmem_shared>> -> memref<10496x64xbf16, #tpu.memory_space<vmem_shared>>
      tpu.enqueue_indirect_dma source(%dma_start3A_308 : memref<128x64xbf16, #tpu.memory_space<vmem>>) target(%dma_start3A_314 : memref<10496x64xbf16, #tpu.memory_space<vmem_shared>>) offsets(%dma_start3A_311 : memref<128xi32, #tpu.memory_space<vmem>>) semaphore(%run_scoped3A_305 : memref<!tpu.dma_semaphore, #tpu.memory_space<semaphore_mem>>) {add = true}
      %dma_wait3A_315 = arith.constant 256 : i32
      %dma_wait3A_316 = arith.constant 0 : i32
      %dma_wait3A_317 = tpu.memref_slice %arg9[%dma_wait3A_315, %dma_wait3A_316] : memref<512x64xbf16, #tpu.memory_space<vmem>> -> memref<128x64xbf16, #tpu.memory_space<vmem>>
      %dma_wait3A_318 = arith.constant 0 : i32
      %dma_wait3A_319 = tpu.memref_slice %arg5[%run_scoped3A_272, %run_scoped3A_273, %dma_wait3A_318] : memref<2x156x128xi32, #tpu.memory_space<vmem>> -> memref<1x1x128xi32, #tpu.memory_space<vmem>>
      %dma_wait3A_320 = tpu.memref_squeeze %dma_wait3A_319 : memref<1x1x128xi32, #tpu.memory_space<vmem>> -> memref<128xi32, #tpu.memory_space<vmem>>
      %dma_wait3A_321 = arith.constant 0 : i32
      %dma_wait3A_322 = arith.constant 0 : i32
      %dma_wait3A_323 = tpu.memref_slice %arg11[%dma_wait3A_321, %dma_wait3A_322] : memref<10496x64xbf16, #tpu.memory_space<vmem_shared>> -> memref<10496x64xbf16, #tpu.memory_space<vmem_shared>>
      tpu.wait_indirect_dma semaphore(%run_scoped3A_305 : memref<!tpu.dma_semaphore, #tpu.memory_space<semaphore_mem>>) src(%dma_wait3A_317 : memref<128x64xbf16, #tpu.memory_space<vmem>>) dst(%dma_wait3A_323 : memref<10496x64xbf16, #tpu.memory_space<vmem_shared>>)
      tpu.yield
    }) : () -> ()
    %run_scoped3A_274 = arith.constant 1 : i32
    %run_scoped3A_275 = arith.constant 151 : i32
    "tpu.region"() ({
      %run_scoped3A_305 = tpu.sem_alloc : memref<!tpu.dma_semaphore, #tpu.memory_space<semaphore_mem>>
      %dma_start3A_306 = arith.constant 384 : i32
      %dma_start3A_307 = arith.constant 0 : i32
      %dma_start3A_308 = tpu.memref_slice %arg9[%dma_start3A_306, %dma_start3A_307] : memref<512x64xbf16, #tpu.memory_space<vmem>> -> memref<128x64xbf16, #tpu.memory_space<vmem>>
      %dma_start3A_309 = arith.constant 0 : i32
      %dma_start3A_310 = tpu.memref_slice %arg5[%run_scoped3A_274, %run_scoped3A_275, %dma_start3A_309] : memref<2x156x128xi32, #tpu.memory_space<vmem>> -> memref<1x1x128xi32, #tpu.memory_space<vmem>>
      %dma_start3A_311 = tpu.memref_squeeze %dma_start3A_310 : memref<1x1x128xi32, #tpu.memory_space<vmem>> -> memref<128xi32, #tpu.memory_space<vmem>>
      %dma_start3A_312 = arith.constant 0 : i32
      %dma_start3A_313 = arith.constant 0 : i32
      %dma_start3A_314 = tpu.memref_slice %arg11[%dma_start3A_312, %dma_start3A_313] : memref<10496x64xbf16, #tpu.memory_space<vmem_shared>> -> memref<10496x64xbf16, #tpu.memory_space<vmem_shared>>
      tpu.enqueue_indirect_dma source(%dma_start3A_308 : memref<128x64xbf16, #tpu.memory_space<vmem>>) target(%dma_start3A_314 : memref<10496x64xbf16, #tpu.memory_space<vmem_shared>>) offsets(%dma_start3A_311 : memref<128xi32, #tpu.memory_space<vmem>>) semaphore(%run_scoped3A_305 : memref<!tpu.dma_semaphore, #tpu.memory_space<semaphore_mem>>) {add = true}
      %dma_wait3A_315 = arith.constant 384 : i32
      %dma_wait3A_316 = arith.constant 0 : i32
      %dma_wait3A_317 = tpu.memref_slice %arg9[%dma_wait3A_315, %dma_wait3A_316] : memref<512x64xbf16, #tpu.memory_space<vmem>> -> memref<128x64xbf16, #tpu.memory_space<vmem>>
      %dma_wait3A_318 = arith.constant 0 : i32
      %dma_wait3A_319 = tpu.memref_slice %arg5[%run_scoped3A_274, %run_scoped3A_275, %dma_wait3A_318] : memref<2x156x128xi32, #tpu.memory_space<vmem>> -> memref<1x1x128xi32, #tpu.memory_space<vmem>>
      %dma_wait3A_320 = tpu.memref_squeeze %dma_wait3A_319 : memref<1x1x128xi32, #tpu.memory_space<vmem>> -> memref<128xi32, #tpu.memory_space<vmem>>
      %dma_wait3A_321 = arith.constant 0 : i32
      %dma_wait3A_322 = arith.constant 0 : i32
      %dma_wait3A_323 = tpu.memref_slice %arg11[%dma_wait3A_321, %dma_wait3A_322] : memref<10496x64xbf16, #tpu.memory_space<vmem_shared>> -> memref<10496x64xbf16, #tpu.memory_space<vmem_shared>>
      tpu.wait_indirect_dma semaphore(%run_scoped3A_305 : memref<!tpu.dma_semaphore, #tpu.memory_space<semaphore_mem>>) src(%dma_wait3A_317 : memref<128x64xbf16, #tpu.memory_space<vmem>>) dst(%dma_wait3A_323 : memref<10496x64xbf16, #tpu.memory_space<vmem_shared>>)
      tpu.yield
    }) : () -> ()
    %dma_wait3A_276 = arith.constant 0 : i32
    %dma_wait3A_277 = arith.constant 0 : i32
    %dma_wait3A_278 = tpu.memref_slice %arg2[%arg0, %dma_wait3A_276, %dma_wait3A_277] : memref<2x10000x64xbf16, #tpu.memory_space<hbm>> -> memref<1x10000x64xbf16, #tpu.memory_space<hbm>>
    %dma_wait3A_279 = tpu.memref_squeeze %dma_wait3A_278 : memref<1x10000x64xbf16, #tpu.memory_space<hbm>> -> memref<10000x64xbf16, #tpu.memory_space<hbm>>
    %dma_wait3A_280 = arith.constant 0 : i32
    %dma_wait3A_281 = arith.constant 0 : i32
    %dma_wait3A_282 = tpu.memref_slice %dma_wait3A_279[%dma_wait3A_280, %dma_wait3A_281] : memref<10000x64xbf16, #tpu.memory_space<hbm>> -> memref<512x64xbf16, #tpu.memory_space<hbm>>
    %dma_wait3A_283 = arith.constant 0 : i32
    %dma_wait3A_284 = arith.constant 0 : i32
    %dma_wait3A_285 = tpu.memref_slice %arg2[%arg0, %dma_wait3A_283, %dma_wait3A_284] : memref<2x10000x64xbf16, #tpu.memory_space<hbm>> -> memref<1x10000x64xbf16, #tpu.memory_space<hbm>>
    %dma_wait3A_286 = tpu.memref_squeeze %dma_wait3A_285 : memref<1x10000x64xbf16, #tpu.memory_space<hbm>> -> memref<10000x64xbf16, #tpu.memory_space<hbm>>
    %dma_wait3A_287 = arith.constant 0 : i32
    %dma_wait3A_288 = arith.constant 0 : i32
    %dma_wait3A_289 = tpu.memref_slice %dma_wait3A_286[%dma_wait3A_287, %dma_wait3A_288] : memref<10000x64xbf16, #tpu.memory_space<hbm>> -> memref<512x64xbf16, #tpu.memory_space<hbm>>
    tpu.wait_dma2 semaphore(%arg8 : memref<!tpu.dma_semaphore, #tpu.memory_space<semaphore_mem>>) src(%dma_wait3A_289 : memref<512x64xbf16, #tpu.memory_space<hbm>>) dst(%arg7 : memref<512x64xbf16, #tpu.memory_space<vmem>>)
    %run_scoped3A_290 = arith.constant 1 : i32
    %run_scoped3A_291 = arith.constant 152 : i32
    "tpu.region"() ({
      %run_scoped3A_305 = tpu.sem_alloc : memref<!tpu.dma_semaphore, #tpu.memory_space<semaphore_mem>>
      %dma_start3A_306 = arith.constant 0 : i32
      %dma_start3A_307 = arith.constant 0 : i32
      %dma_start3A_308 = tpu.memref_slice %arg7[%dma_start3A_306, %dma_start3A_307] : memref<512x64xbf16, #tpu.memory_space<vmem>> -> memref<128x64xbf16, #tpu.memory_space<vmem>>
      %dma_start3A_309 = arith.constant 0 : i32
      %dma_start3A_310 = tpu.memref_slice %arg5[%run_scoped3A_290, %run_scoped3A_291, %dma_start3A_309] : memref<2x156x128xi32, #tpu.memory_space<vmem>> -> memref<1x1x128xi32, #tpu.memory_space<vmem>>
      %dma_start3A_311 = tpu.memref_squeeze %dma_start3A_310 : memref<1x1x128xi32, #tpu.memory_space<vmem>> -> memref<128xi32, #tpu.memory_space<vmem>>
      %dma_start3A_312 = arith.constant 0 : i32
      %dma_start3A_313 = arith.constant 0 : i32
      %dma_start3A_314 = tpu.memref_slice %arg11[%dma_start3A_312, %dma_start3A_313] : memref<10496x64xbf16, #tpu.memory_space<vmem_shared>> -> memref<10496x64xbf16, #tpu.memory_space<vmem_shared>>
      tpu.enqueue_indirect_dma source(%dma_start3A_308 : memref<128x64xbf16, #tpu.memory_space<vmem>>) target(%dma_start3A_314 : memref<10496x64xbf16, #tpu.memory_space<vmem_shared>>) offsets(%dma_start3A_311 : memref<128xi32, #tpu.memory_space<vmem>>) semaphore(%run_scoped3A_305 : memref<!tpu.dma_semaphore, #tpu.memory_space<semaphore_mem>>) {add = true}
      %dma_wait3A_315 = arith.constant 0 : i32
      %dma_wait3A_316 = arith.constant 0 : i32
      %dma_wait3A_317 = tpu.memref_slice %arg7[%dma_wait3A_315, %dma_wait3A_316] : memref<512x64xbf16, #tpu.memory_space<vmem>> -> memref<128x64xbf16, #tpu.memory_space<vmem>>
      %dma_wait3A_318 = arith.constant 0 : i32
      %dma_wait3A_319 = tpu.memref_slice %arg5[%run_scoped3A_290, %run_scoped3A_291, %dma_wait3A_318] : memref<2x156x128xi32, #tpu.memory_space<vmem>> -> memref<1x1x128xi32, #tpu.memory_space<vmem>>
      %dma_wait3A_320 = tpu.memref_squeeze %dma_wait3A_319 : memref<1x1x128xi32, #tpu.memory_space<vmem>> -> memref<128xi32, #tpu.memory_space<vmem>>
      %dma_wait3A_321 = arith.constant 0 : i32
      %dma_wait3A_322 = arith.constant 0 : i32
      %dma_wait3A_323 = tpu.memref_slice %arg11[%dma_wait3A_321, %dma_wait3A_322] : memref<10496x64xbf16, #tpu.memory_space<vmem_shared>> -> memref<10496x64xbf16, #tpu.memory_space<vmem_shared>>
      tpu.wait_indirect_dma semaphore(%run_scoped3A_305 : memref<!tpu.dma_semaphore, #tpu.memory_space<semaphore_mem>>) src(%dma_wait3A_317 : memref<128x64xbf16, #tpu.memory_space<vmem>>) dst(%dma_wait3A_323 : memref<10496x64xbf16, #tpu.memory_space<vmem_shared>>)
      tpu.yield
    }) : () -> ()
    %run_scoped3A_292 = arith.constant 1 : i32
    %run_scoped3A_293 = arith.constant 153 : i32
    "tpu.region"() ({
      %run_scoped3A_305 = tpu.sem_alloc : memref<!tpu.dma_semaphore, #tpu.memory_space<semaphore_mem>>
      %dma_start3A_306 = arith.constant 128 : i32
      %dma_start3A_307 = arith.constant 0 : i32
      %dma_start3A_308 = tpu.memref_slice %arg7[%dma_start3A_306, %dma_start3A_307] : memref<512x64xbf16, #tpu.memory_space<vmem>> -> memref<128x64xbf16, #tpu.memory_space<vmem>>
      %dma_start3A_309 = arith.constant 0 : i32
      %dma_start3A_310 = tpu.memref_slice %arg5[%run_scoped3A_292, %run_scoped3A_293, %dma_start3A_309] : memref<2x156x128xi32, #tpu.memory_space<vmem>> -> memref<1x1x128xi32, #tpu.memory_space<vmem>>
      %dma_start3A_311 = tpu.memref_squeeze %dma_start3A_310 : memref<1x1x128xi32, #tpu.memory_space<vmem>> -> memref<128xi32, #tpu.memory_space<vmem>>
      %dma_start3A_312 = arith.constant 0 : i32
      %dma_start3A_313 = arith.constant 0 : i32
      %dma_start3A_314 = tpu.memref_slice %arg11[%dma_start3A_312, %dma_start3A_313] : memref<10496x64xbf16, #tpu.memory_space<vmem_shared>> -> memref<10496x64xbf16, #tpu.memory_space<vmem_shared>>
      tpu.enqueue_indirect_dma source(%dma_start3A_308 : memref<128x64xbf16, #tpu.memory_space<vmem>>) target(%dma_start3A_314 : memref<10496x64xbf16, #tpu.memory_space<vmem_shared>>) offsets(%dma_start3A_311 : memref<128xi32, #tpu.memory_space<vmem>>) semaphore(%run_scoped3A_305 : memref<!tpu.dma_semaphore, #tpu.memory_space<semaphore_mem>>) {add = true}
      %dma_wait3A_315 = arith.constant 128 : i32
      %dma_wait3A_316 = arith.constant 0 : i32
      %dma_wait3A_317 = tpu.memref_slice %arg7[%dma_wait3A_315, %dma_wait3A_316] : memref<512x64xbf16, #tpu.memory_space<vmem>> -> memref<128x64xbf16, #tpu.memory_space<vmem>>
      %dma_wait3A_318 = arith.constant 0 : i32
      %dma_wait3A_319 = tpu.memref_slice %arg5[%run_scoped3A_292, %run_scoped3A_293, %dma_wait3A_318] : memref<2x156x128xi32, #tpu.memory_space<vmem>> -> memref<1x1x128xi32, #tpu.memory_space<vmem>>
      %dma_wait3A_320 = tpu.memref_squeeze %dma_wait3A_319 : memref<1x1x128xi32, #tpu.memory_space<vmem>> -> memref<128xi32, #tpu.memory_space<vmem>>
      %dma_wait3A_321 = arith.constant 0 : i32
      %dma_wait3A_322 = arith.constant 0 : i32
      %dma_wait3A_323 = tpu.memref_slice %arg11[%dma_wait3A_321, %dma_wait3A_322] : memref<10496x64xbf16, #tpu.memory_space<vmem_shared>> -> memref<10496x64xbf16, #tpu.memory_space<vmem_shared>>
      tpu.wait_indirect_dma semaphore(%run_scoped3A_305 : memref<!tpu.dma_semaphore, #tpu.memory_space<semaphore_mem>>) src(%dma_wait3A_317 : memref<128x64xbf16, #tpu.memory_space<vmem>>) dst(%dma_wait3A_323 : memref<10496x64xbf16, #tpu.memory_space<vmem_shared>>)
      tpu.yield
    }) : () -> ()
    %run_scoped3A_294 = arith.constant 1 : i32
    %run_scoped3A_295 = arith.constant 154 : i32
    "tpu.region"() ({
      %run_scoped3A_305 = tpu.sem_alloc : memref<!tpu.dma_semaphore, #tpu.memory_space<semaphore_mem>>
      %dma_start3A_306 = arith.constant 256 : i32
      %dma_start3A_307 = arith.constant 0 : i32
      %dma_start3A_308 = tpu.memref_slice %arg7[%dma_start3A_306, %dma_start3A_307] : memref<512x64xbf16, #tpu.memory_space<vmem>> -> memref<128x64xbf16, #tpu.memory_space<vmem>>
      %dma_start3A_309 = arith.constant 0 : i32
      %dma_start3A_310 = tpu.memref_slice %arg5[%run_scoped3A_294, %run_scoped3A_295, %dma_start3A_309] : memref<2x156x128xi32, #tpu.memory_space<vmem>> -> memref<1x1x128xi32, #tpu.memory_space<vmem>>
      %dma_start3A_311 = tpu.memref_squeeze %dma_start3A_310 : memref<1x1x128xi32, #tpu.memory_space<vmem>> -> memref<128xi32, #tpu.memory_space<vmem>>
      %dma_start3A_312 = arith.constant 0 : i32
      %dma_start3A_313 = arith.constant 0 : i32
      %dma_start3A_314 = tpu.memref_slice %arg11[%dma_start3A_312, %dma_start3A_313] : memref<10496x64xbf16, #tpu.memory_space<vmem_shared>> -> memref<10496x64xbf16, #tpu.memory_space<vmem_shared>>
      tpu.enqueue_indirect_dma source(%dma_start3A_308 : memref<128x64xbf16, #tpu.memory_space<vmem>>) target(%dma_start3A_314 : memref<10496x64xbf16, #tpu.memory_space<vmem_shared>>) offsets(%dma_start3A_311 : memref<128xi32, #tpu.memory_space<vmem>>) semaphore(%run_scoped3A_305 : memref<!tpu.dma_semaphore, #tpu.memory_space<semaphore_mem>>) {add = true}
      %dma_wait3A_315 = arith.constant 256 : i32
      %dma_wait3A_316 = arith.constant 0 : i32
      %dma_wait3A_317 = tpu.memref_slice %arg7[%dma_wait3A_315, %dma_wait3A_316] : memref<512x64xbf16, #tpu.memory_space<vmem>> -> memref<128x64xbf16, #tpu.memory_space<vmem>>
      %dma_wait3A_318 = arith.constant 0 : i32
      %dma_wait3A_319 = tpu.memref_slice %arg5[%run_scoped3A_294, %run_scoped3A_295, %dma_wait3A_318] : memref<2x156x128xi32, #tpu.memory_space<vmem>> -> memref<1x1x128xi32, #tpu.memory_space<vmem>>
      %dma_wait3A_320 = tpu.memref_squeeze %dma_wait3A_319 : memref<1x1x128xi32, #tpu.memory_space<vmem>> -> memref<128xi32, #tpu.memory_space<vmem>>
      %dma_wait3A_321 = arith.constant 0 : i32
      %dma_wait3A_322 = arith.constant 0 : i32
      %dma_wait3A_323 = tpu.memref_slice %arg11[%dma_wait3A_321, %dma_wait3A_322] : memref<10496x64xbf16, #tpu.memory_space<vmem_shared>> -> memref<10496x64xbf16, #tpu.memory_space<vmem_shared>>
      tpu.wait_indirect_dma semaphore(%run_scoped3A_305 : memref<!tpu.dma_semaphore, #tpu.memory_space<semaphore_mem>>) src(%dma_wait3A_317 : memref<128x64xbf16, #tpu.memory_space<vmem>>) dst(%dma_wait3A_323 : memref<10496x64xbf16, #tpu.memory_space<vmem_shared>>)
      tpu.yield
    }) : () -> ()
    %run_scoped3A_296 = arith.constant 1 : i32
    %run_scoped3A_297 = arith.constant 155 : i32
    "tpu.region"() ({
      %run_scoped3A_305 = tpu.sem_alloc : memref<!tpu.dma_semaphore, #tpu.memory_space<semaphore_mem>>
      %dma_start3A_306 = arith.constant 384 : i32
      %dma_start3A_307 = arith.constant 0 : i32
      %dma_start3A_308 = tpu.memref_slice %arg7[%dma_start3A_306, %dma_start3A_307] : memref<512x64xbf16, #tpu.memory_space<vmem>> -> memref<128x64xbf16, #tpu.memory_space<vmem>>
      %dma_start3A_309 = arith.constant 0 : i32
      %dma_start3A_310 = tpu.memref_slice %arg5[%run_scoped3A_296, %run_scoped3A_297, %dma_start3A_309] : memref<2x156x128xi32, #tpu.memory_space<vmem>> -> memref<1x1x128xi32, #tpu.memory_space<vmem>>
      %dma_start3A_311 = tpu.memref_squeeze %dma_start3A_310 : memref<1x1x128xi32, #tpu.memory_space<vmem>> -> memref<128xi32, #tpu.memory_space<vmem>>
      %dma_start3A_312 = arith.constant 0 : i32
      %dma_start3A_313 = arith.constant 0 : i32
      %dma_start3A_314 = tpu.memref_slice %arg11[%dma_start3A_312, %dma_start3A_313] : memref<10496x64xbf16, #tpu.memory_space<vmem_shared>> -> memref<10496x64xbf16, #tpu.memory_space<vmem_shared>>
      tpu.enqueue_indirect_dma source(%dma_start3A_308 : memref<128x64xbf16, #tpu.memory_space<vmem>>) target(%dma_start3A_314 : memref<10496x64xbf16, #tpu.memory_space<vmem_shared>>) offsets(%dma_start3A_311 : memref<128xi32, #tpu.memory_space<vmem>>) semaphore(%run_scoped3A_305 : memref<!tpu.dma_semaphore, #tpu.memory_space<semaphore_mem>>) {add = true}
      %dma_wait3A_315 = arith.constant 384 : i32
      %dma_wait3A_316 = arith.constant 0 : i32
      %dma_wait3A_317 = tpu.memref_slice %arg7[%dma_wait3A_315, %dma_wait3A_316] : memref<512x64xbf16, #tpu.memory_space<vmem>> -> memref<128x64xbf16, #tpu.memory_space<vmem>>
      %dma_wait3A_318 = arith.constant 0 : i32
      %dma_wait3A_319 = tpu.memref_slice %arg5[%run_scoped3A_296, %run_scoped3A_297, %dma_wait3A_318] : memref<2x156x128xi32, #tpu.memory_space<vmem>> -> memref<1x1x128xi32, #tpu.memory_space<vmem>>
      %dma_wait3A_320 = tpu.memref_squeeze %dma_wait3A_319 : memref<1x1x128xi32, #tpu.memory_space<vmem>> -> memref<128xi32, #tpu.memory_space<vmem>>
      %dma_wait3A_321 = arith.constant 0 : i32
      %dma_wait3A_322 = arith.constant 0 : i32
      %dma_wait3A_323 = tpu.memref_slice %arg11[%dma_wait3A_321, %dma_wait3A_322] : memref<10496x64xbf16, #tpu.memory_space<vmem_shared>> -> memref<10496x64xbf16, #tpu.memory_space<vmem_shared>>
      tpu.wait_indirect_dma semaphore(%run_scoped3A_305 : memref<!tpu.dma_semaphore, #tpu.memory_space<semaphore_mem>>) src(%dma_wait3A_317 : memref<128x64xbf16, #tpu.memory_space<vmem>>) dst(%dma_wait3A_323 : memref<10496x64xbf16, #tpu.memory_space<vmem_shared>>)
      tpu.yield
    }) : () -> ()
    %lt3A = arith.constant 4 : i32
    %lt3A_298 = arith.cmpi slt, %arg1, %lt3A : i32
    %convert_element_type3A = arith.extui %lt3A_298 : i1 to i32
    %cond3A = arith.constant 0 : i32
    %cond3A_299 = arith.cmpi ne, %convert_element_type3A, %cond3A : i32
    scf.if %cond3A_299 {
      %add3A_305 = arith.constant 2496 : i32
      %add3A_306 = arith.addi %add3A_305, %arg1 : i32
      %run_scoped3A_307 = arith.constant 0 : i32
      %run_scoped3A_308 = arith.constant 0 : i32
      "tpu.region"() ({
        %run_scoped3A_348 = tpu.sem_alloc : memref<!tpu.dma_semaphore, #tpu.memory_space<semaphore_mem>>
        %dma_start3A_349 = arith.constant 0 : i32
        %dma_start3A_350 = arith.constant 0 : i32
        %dma_start3A_351 = tpu.memref_slice %arg5[%run_scoped3A_308, %dma_start3A_349, %dma_start3A_350] : memref<2x156x128xi32, #tpu.memory_space<vmem>> -> memref<1x1x128xi32, #tpu.memory_space<vmem>>
        %dma_start3A_352 = tpu.memref_squeeze %dma_start3A_351 : memref<1x1x128xi32, #tpu.memory_space<vmem>> -> memref<1x128xi32, #tpu.memory_space<vmem>>
        %dma_start3A_353 = arith.constant 0 : i32
        %dma_start3A_354 = tpu.memref_slice %arg3[%run_scoped3A_307, %add3A_306, %dma_start3A_353] : memref<2x2500x128xi32, #tpu.memory_space<hbm>> -> memref<1x1x128xi32, #tpu.memory_space<hbm>>
        %dma_start3A_355 = tpu.memref_squeeze %dma_start3A_354 : memref<1x1x128xi32, #tpu.memory_space<hbm>> -> memref<1x128xi32, #tpu.memory_space<hbm>>
        %dma_start3A_356 = arith.constant 0 : i32
        %dma_start3A_357 = arith.constant 0 : i32
        %dma_start3A_358 = tpu.memref_slice %arg5[%run_scoped3A_308, %dma_start3A_356, %dma_start3A_357] : memref<2x156x128xi32, #tpu.memory_space<vmem>> -> memref<1x1x128xi32, #tpu.memory_space<vmem>>
        %dma_start3A_359 = tpu.memref_squeeze %dma_start3A_358 : memref<1x1x128xi32, #tpu.memory_space<vmem>> -> memref<1x128xi32, #tpu.memory_space<vmem>>
        %dma_start3A_360 = arith.constant 0 : i32
        %dma_start3A_361 = tpu.memref_slice %arg3[%run_scoped3A_307, %add3A_306, %dma_start3A_360] : memref<2x2500x128xi32, #tpu.memory_space<hbm>> -> memref<1x1x128xi32, #tpu.memory_space<hbm>>
        %dma_start3A_362 = tpu.memref_squeeze %dma_start3A_361 : memref<1x1x128xi32, #tpu.memory_space<hbm>> -> memref<1x128xi32, #tpu.memory_space<hbm>>
        tpu.enqueue_dma source(%dma_start3A_362 : memref<1x128xi32, #tpu.memory_space<hbm>>) target(%dma_start3A_359 : memref<1x128xi32, #tpu.memory_space<vmem>>) target_semaphore(%run_scoped3A_348 : memref<!tpu.dma_semaphore, #tpu.memory_space<semaphore_mem>>)
        %dma_wait3A_363 = arith.constant 0 : i32
        %dma_wait3A_364 = arith.constant 0 : i32
        %dma_wait3A_365 = tpu.memref_slice %arg5[%run_scoped3A_308, %dma_wait3A_363, %dma_wait3A_364] : memref<2x156x128xi32, #tpu.memory_space<vmem>> -> memref<1x1x128xi32, #tpu.memory_space<vmem>>
        %dma_wait3A_366 = tpu.memref_squeeze %dma_wait3A_365 : memref<1x1x128xi32, #tpu.memory_space<vmem>> -> memref<1x128xi32, #tpu.memory_space<vmem>>
        %dma_wait3A_367 = arith.constant 0 : i32
        %dma_wait3A_368 = tpu.memref_slice %arg3[%run_scoped3A_307, %add3A_306, %dma_wait3A_367] : memref<2x2500x128xi32, #tpu.memory_space<hbm>> -> memref<1x1x128xi32, #tpu.memory_space<hbm>>
        %dma_wait3A_369 = tpu.memref_squeeze %dma_wait3A_368 : memref<1x1x128xi32, #tpu.memory_space<hbm>> -> memref<1x128xi32, #tpu.memory_space<hbm>>
        %dma_wait3A_370 = arith.constant 0 : i32
        %dma_wait3A_371 = arith.constant 0 : i32
        %dma_wait3A_372 = tpu.memref_slice %arg5[%run_scoped3A_308, %dma_wait3A_370, %dma_wait3A_371] : memref<2x156x128xi32, #tpu.memory_space<vmem>> -> memref<1x1x128xi32, #tpu.memory_space<vmem>>
        %dma_wait3A_373 = tpu.memref_squeeze %dma_wait3A_372 : memref<1x1x128xi32, #tpu.memory_space<vmem>> -> memref<1x128xi32, #tpu.memory_space<vmem>>
        %dma_wait3A_374 = arith.constant 0 : i32
        %dma_wait3A_375 = tpu.memref_slice %arg3[%run_scoped3A_307, %add3A_306, %dma_wait3A_374] : memref<2x2500x128xi32, #tpu.memory_space<hbm>> -> memref<1x1x128xi32, #tpu.memory_space<hbm>>
        %dma_wait3A_376 = tpu.memref_squeeze %dma_wait3A_375 : memref<1x1x128xi32, #tpu.memory_space<hbm>> -> memref<1x128xi32, #tpu.memory_space<hbm>>
        tpu.wait_dma2 semaphore(%run_scoped3A_348 : memref<!tpu.dma_semaphore, #tpu.memory_space<semaphore_mem>>) src(%dma_wait3A_376 : memref<1x128xi32, #tpu.memory_space<hbm>>) dst(%dma_wait3A_373 : memref<1x128xi32, #tpu.memory_space<vmem>>)
        tpu.yield
      }) : () -> ()
      %run_scoped3A_309 = arith.constant 1 : i32
      %run_scoped3A_310 = arith.constant 1 : i32
      "tpu.region"() ({
        %run_scoped3A_348 = tpu.sem_alloc : memref<!tpu.dma_semaphore, #tpu.memory_space<semaphore_mem>>
        %dma_start3A_349 = arith.constant 0 : i32
        %dma_start3A_350 = arith.constant 0 : i32
        %dma_start3A_351 = tpu.memref_slice %arg5[%run_scoped3A_310, %dma_start3A_349, %dma_start3A_350] : memref<2x156x128xi32, #tpu.memory_space<vmem>> -> memref<1x1x128xi32, #tpu.memory_space<vmem>>
        %dma_start3A_352 = tpu.memref_squeeze %dma_start3A_351 : memref<1x1x128xi32, #tpu.memory_space<vmem>> -> memref<1x128xi32, #tpu.memory_space<vmem>>
        %dma_start3A_353 = arith.constant 0 : i32
        %dma_start3A_354 = tpu.memref_slice %arg3[%run_scoped3A_309, %add3A_306, %dma_start3A_353] : memref<2x2500x128xi32, #tpu.memory_space<hbm>> -> memref<1x1x128xi32, #tpu.memory_space<hbm>>
        %dma_start3A_355 = tpu.memref_squeeze %dma_start3A_354 : memref<1x1x128xi32, #tpu.memory_space<hbm>> -> memref<1x128xi32, #tpu.memory_space<hbm>>
        %dma_start3A_356 = arith.constant 0 : i32
        %dma_start3A_357 = arith.constant 0 : i32
        %dma_start3A_358 = tpu.memref_slice %arg5[%run_scoped3A_310, %dma_start3A_356, %dma_start3A_357] : memref<2x156x128xi32, #tpu.memory_space<vmem>> -> memref<1x1x128xi32, #tpu.memory_space<vmem>>
        %dma_start3A_359 = tpu.memref_squeeze %dma_start3A_358 : memref<1x1x128xi32, #tpu.memory_space<vmem>> -> memref<1x128xi32, #tpu.memory_space<vmem>>
        %dma_start3A_360 = arith.constant 0 : i32
        %dma_start3A_361 = tpu.memref_slice %arg3[%run_scoped3A_309, %add3A_306, %dma_start3A_360] : memref<2x2500x128xi32, #tpu.memory_space<hbm>> -> memref<1x1x128xi32, #tpu.memory_space<hbm>>
        %dma_start3A_362 = tpu.memref_squeeze %dma_start3A_361 : memref<1x1x128xi32, #tpu.memory_space<hbm>> -> memref<1x128xi32, #tpu.memory_space<hbm>>
        tpu.enqueue_dma source(%dma_start3A_362 : memref<1x128xi32, #tpu.memory_space<hbm>>) target(%dma_start3A_359 : memref<1x128xi32, #tpu.memory_space<vmem>>) target_semaphore(%run_scoped3A_348 : memref<!tpu.dma_semaphore, #tpu.memory_space<semaphore_mem>>)
        %dma_wait3A_363 = arith.constant 0 : i32
        %dma_wait3A_364 = arith.constant 0 : i32
        %dma_wait3A_365 = tpu.memref_slice %arg5[%run_scoped3A_310, %dma_wait3A_363, %dma_wait3A_364] : memref<2x156x128xi32, #tpu.memory_space<vmem>> -> memref<1x1x128xi32, #tpu.memory_space<vmem>>
        %dma_wait3A_366 = tpu.memref_squeeze %dma_wait3A_365 : memref<1x1x128xi32, #tpu.memory_space<vmem>> -> memref<1x128xi32, #tpu.memory_space<vmem>>
        %dma_wait3A_367 = arith.constant 0 : i32
        %dma_wait3A_368 = tpu.memref_slice %arg3[%run_scoped3A_309, %add3A_306, %dma_wait3A_367] : memref<2x2500x128xi32, #tpu.memory_space<hbm>> -> memref<1x1x128xi32, #tpu.memory_space<hbm>>
        %dma_wait3A_369 = tpu.memref_squeeze %dma_wait3A_368 : memref<1x1x128xi32, #tpu.memory_space<hbm>> -> memref<1x128xi32, #tpu.memory_space<hbm>>
        %dma_wait3A_370 = arith.constant 0 : i32
        %dma_wait3A_371 = arith.constant 0 : i32
        %dma_wait3A_372 = tpu.memref_slice %arg5[%run_scoped3A_310, %dma_wait3A_370, %dma_wait3A_371] : memref<2x156x128xi32, #tpu.memory_space<vmem>> -> memref<1x1x128xi32, #tpu.memory_space<vmem>>
        %dma_wait3A_373 = tpu.memref_squeeze %dma_wait3A_372 : memref<1x1x128xi32, #tpu.memory_space<vmem>> -> memref<1x128xi32, #tpu.memory_space<vmem>>
        %dma_wait3A_374 = arith.constant 0 : i32
        %dma_wait3A_375 = tpu.memref_slice %arg3[%run_scoped3A_309, %add3A_306, %dma_wait3A_374] : memref<2x2500x128xi32, #tpu.memory_space<hbm>> -> memref<1x1x128xi32, #tpu.memory_space<hbm>>
        %dma_wait3A_376 = tpu.memref_squeeze %dma_wait3A_375 : memref<1x1x128xi32, #tpu.memory_space<hbm>> -> memref<1x128xi32, #tpu.memory_space<hbm>>
        tpu.wait_dma2 semaphore(%run_scoped3A_348 : memref<!tpu.dma_semaphore, #tpu.memory_space<semaphore_mem>>) src(%dma_wait3A_376 : memref<1x128xi32, #tpu.memory_space<hbm>>) dst(%dma_wait3A_373 : memref<1x128xi32, #tpu.memory_space<vmem>>)
        tpu.yield
      }) : () -> ()
      %dma_start3A_311 = arith.constant 0 : i32
      %dma_start3A_312 = arith.constant 0 : i32
      %dma_start3A_313 = arith.constant 0 : i32
      %dma_start3A_314 = arith.constant 0 : i32
      %dma_start3A_315 = tpu.memref_slice %arg9[%dma_start3A_313, %dma_start3A_314] : memref<512x64xbf16, #tpu.memory_space<vmem>> -> memref<128x64xbf16, #tpu.memory_space<vmem>>
      %dma_start3A_316 = arith.constant 0 : i32
      %dma_start3A_317 = tpu.memref_slice %arg5[%dma_start3A_311, %dma_start3A_312, %dma_start3A_316] : memref<2x156x128xi32, #tpu.memory_space<vmem>> -> memref<1x1x128xi32, #tpu.memory_space<vmem>>
      %dma_start3A_318 = tpu.memref_squeeze %dma_start3A_317 : memref<1x1x128xi32, #tpu.memory_space<vmem>> -> memref<128xi32, #tpu.memory_space<vmem>>
      %dma_start3A_319 = arith.constant 0 : i32
      %dma_start3A_320 = arith.constant 0 : i32
      %dma_start3A_321 = tpu.memref_slice %arg2[%arg0, %dma_start3A_319, %dma_start3A_320] : memref<2x10000x64xbf16, #tpu.memory_space<hbm>> -> memref<1x10000x64xbf16, #tpu.memory_space<hbm>>
      %dma_start3A_322 = tpu.memref_squeeze %dma_start3A_321 : memref<1x10000x64xbf16, #tpu.memory_space<hbm>> -> memref<10000x64xbf16, #tpu.memory_space<hbm>>
      %dma_start3A_323 = arith.constant 0 : i32
      %dma_start3A_324 = arith.constant 0 : i32
      %dma_start3A_325 = tpu.memref_slice %dma_start3A_322[%dma_start3A_323, %dma_start3A_324] : memref<10000x64xbf16, #tpu.memory_space<hbm>> -> memref<10000x64xbf16, #tpu.memory_space<hbm>>
      tpu.enqueue_indirect_dma source(%dma_start3A_325 : memref<10000x64xbf16, #tpu.memory_space<hbm>>) target(%dma_start3A_315 : memref<128x64xbf16, #tpu.memory_space<vmem>>) offsets(%dma_start3A_318 : memref<128xi32, #tpu.memory_space<vmem>>) semaphore(%arg10 : memref<!tpu.dma_semaphore, #tpu.memory_space<semaphore_mem>>)
      %dma_wait3A_326 = arith.constant 0 : i32
      %dma_wait3A_327 = arith.constant 0 : i32
      %dma_wait3A_328 = tpu.memref_slice %arg9[%dma_wait3A_326, %dma_wait3A_327] : memref<512x64xbf16, #tpu.memory_space<vmem>> -> memref<128x64xbf16, #tpu.memory_space<vmem>>
      %dma_wait3A_329 = arith.constant 0 : i32
      %dma_wait3A_330 = arith.constant 0 : i32
      %dma_wait3A_331 = tpu.memref_slice %arg2[%arg0, %dma_wait3A_329, %dma_wait3A_330] : memref<2x10000x64xbf16, #tpu.memory_space<hbm>> -> memref<1x10000x64xbf16, #tpu.memory_space<hbm>>
      %dma_wait3A_332 = tpu.memref_squeeze %dma_wait3A_331 : memref<1x10000x64xbf16, #tpu.memory_space<hbm>> -> memref<10000x64xbf16, #tpu.memory_space<hbm>>
      %dma_wait3A_333 = arith.constant 0 : i32
      %dma_wait3A_334 = arith.constant 0 : i32
      %dma_wait3A_335 = tpu.memref_slice %dma_wait3A_332[%dma_wait3A_333, %dma_wait3A_334] : memref<10000x64xbf16, #tpu.memory_space<hbm>> -> memref<128x64xbf16, #tpu.memory_space<hbm>>
      %dma_wait3A_336 = arith.constant 0 : i32
      %dma_wait3A_337 = arith.constant 0 : i32
      %dma_wait3A_338 = tpu.memref_slice %arg9[%dma_wait3A_336, %dma_wait3A_337] : memref<512x64xbf16, #tpu.memory_space<vmem>> -> memref<128x64xbf16, #tpu.memory_space<vmem>>
      %dma_wait3A_339 = arith.constant 0 : i32
      %dma_wait3A_340 = arith.constant 0 : i32
      %dma_wait3A_341 = tpu.memref_slice %arg2[%arg0, %dma_wait3A_339, %dma_wait3A_340] : memref<2x10000x64xbf16, #tpu.memory_space<hbm>> -> memref<1x10000x64xbf16, #tpu.memory_space<hbm>>
      %dma_wait3A_342 = tpu.memref_squeeze %dma_wait3A_341 : memref<1x10000x64xbf16, #tpu.memory_space<hbm>> -> memref<10000x64xbf16, #tpu.memory_space<hbm>>
      %dma_wait3A_343 = arith.constant 0 : i32
      %dma_wait3A_344 = arith.constant 0 : i32
      %dma_wait3A_345 = tpu.memref_slice %dma_wait3A_342[%dma_wait3A_343, %dma_wait3A_344] : memref<10000x64xbf16, #tpu.memory_space<hbm>> -> memref<128x64xbf16, #tpu.memory_space<hbm>>
      tpu.wait_dma2 semaphore(%arg10 : memref<!tpu.dma_semaphore, #tpu.memory_space<semaphore_mem>>) src(%dma_wait3A_345 : memref<128x64xbf16, #tpu.memory_space<hbm>>) dst(%dma_wait3A_338 : memref<128x64xbf16, #tpu.memory_space<vmem>>)
      %run_scoped3A_346 = arith.constant 1 : i32
      %run_scoped3A_347 = arith.constant 0 : i32
      "tpu.region"() ({
        %run_scoped3A_348 = tpu.sem_alloc : memref<!tpu.dma_semaphore, #tpu.memory_space<semaphore_mem>>
        %dma_start3A_349 = arith.constant 0 : i32
        %dma_start3A_350 = arith.constant 0 : i32
        %dma_start3A_351 = tpu.memref_slice %arg9[%dma_start3A_349, %dma_start3A_350] : memref<512x64xbf16, #tpu.memory_space<vmem>> -> memref<128x64xbf16, #tpu.memory_space<vmem>>
        %dma_start3A_352 = arith.constant 0 : i32
        %dma_start3A_353 = tpu.memref_slice %arg5[%run_scoped3A_346, %run_scoped3A_347, %dma_start3A_352] : memref<2x156x128xi32, #tpu.memory_space<vmem>> -> memref<1x1x128xi32, #tpu.memory_space<vmem>>
        %dma_start3A_354 = tpu.memref_squeeze %dma_start3A_353 : memref<1x1x128xi32, #tpu.memory_space<vmem>> -> memref<128xi32, #tpu.memory_space<vmem>>
        %dma_start3A_355 = arith.constant 0 : i32
        %dma_start3A_356 = arith.constant 0 : i32
        %dma_start3A_357 = tpu.memref_slice %arg11[%dma_start3A_355, %dma_start3A_356] : memref<10496x64xbf16, #tpu.memory_space<vmem_shared>> -> memref<10496x64xbf16, #tpu.memory_space<vmem_shared>>
        tpu.enqueue_indirect_dma source(%dma_start3A_351 : memref<128x64xbf16, #tpu.memory_space<vmem>>) target(%dma_start3A_357 : memref<10496x64xbf16, #tpu.memory_space<vmem_shared>>) offsets(%dma_start3A_354 : memref<128xi32, #tpu.memory_space<vmem>>) semaphore(%run_scoped3A_348 : memref<!tpu.dma_semaphore, #tpu.memory_space<semaphore_mem>>) {add = true}
        %dma_wait3A_358 = arith.constant 0 : i32
        %dma_wait3A_359 = arith.constant 0 : i32
        %dma_wait3A_360 = tpu.memref_slice %arg9[%dma_wait3A_358, %dma_wait3A_359] : memref<512x64xbf16, #tpu.memory_space<vmem>> -> memref<128x64xbf16, #tpu.memory_space<vmem>>
        %dma_wait3A_361 = arith.constant 0 : i32
        %dma_wait3A_362 = tpu.memref_slice %arg5[%run_scoped3A_346, %run_scoped3A_347, %dma_wait3A_361] : memref<2x156x128xi32, #tpu.memory_space<vmem>> -> memref<1x1x128xi32, #tpu.memory_space<vmem>>
        %dma_wait3A_363 = tpu.memref_squeeze %dma_wait3A_362 : memref<1x1x128xi32, #tpu.memory_space<vmem>> -> memref<128xi32, #tpu.memory_space<vmem>>
        %dma_wait3A_364 = arith.constant 0 : i32
        %dma_wait3A_365 = arith.constant 0 : i32
        %dma_wait3A_366 = tpu.memref_slice %arg11[%dma_wait3A_364, %dma_wait3A_365] : memref<10496x64xbf16, #tpu.memory_space<vmem_shared>> -> memref<10496x64xbf16, #tpu.memory_space<vmem_shared>>
        tpu.wait_indirect_dma semaphore(%run_scoped3A_348 : memref<!tpu.dma_semaphore, #tpu.memory_space<semaphore_mem>>) src(%dma_wait3A_360 : memref<128x64xbf16, #tpu.memory_space<vmem>>) dst(%dma_wait3A_366 : memref<10496x64xbf16, #tpu.memory_space<vmem_shared>>)
        tpu.yield
      }) : () -> ()
    } else {
    }
    %barrier3A_300 = arith.constant 0 : index
    tpu.barrier barrier_id(%barrier3A_300)
    "tpu.region"() ({
      %run_scoped3A_305 = tpu.sem_alloc : memref<!tpu.dma_semaphore, #tpu.memory_space<semaphore_mem>>
      %dma_start3A_306 = arith.constant 0 : i32
      %dma_start3A_307 = tpu.memref_slice %arg11[%mul3A_0, %dma_start3A_306] : memref<10496x64xbf16, #tpu.memory_space<vmem_shared>> -> memref<512x64xbf16, #tpu.memory_space<vmem_shared>>
      %dma_start3A_308 = arith.constant 0 : i32
      %dma_start3A_309 = tpu.memref_slice %arg11[%mul3A_0, %dma_start3A_308] : memref<10496x64xbf16, #tpu.memory_space<vmem_shared>> -> memref<512x64xbf16, #tpu.memory_space<vmem_shared>>
      tpu.enqueue_dma source(%dma_start3A_309 : memref<512x64xbf16, #tpu.memory_space<vmem_shared>>) target(%arg7 : memref<512x64xbf16, #tpu.memory_space<vmem>>) target_semaphore(%run_scoped3A_305 : memref<!tpu.dma_semaphore, #tpu.memory_space<semaphore_mem>>)
      %dma_wait3A_310 = arith.constant 0 : i32
      %dma_wait3A_311 = tpu.memref_slice %arg11[%mul3A_0, %dma_wait3A_310] : memref<10496x64xbf16, #tpu.memory_space<vmem_shared>> -> memref<512x64xbf16, #tpu.memory_space<vmem_shared>>
      %dma_wait3A_312 = arith.constant 0 : i32
      %dma_wait3A_313 = tpu.memref_slice %arg11[%mul3A_0, %dma_wait3A_312] : memref<10496x64xbf16, #tpu.memory_space<vmem_shared>> -> memref<512x64xbf16, #tpu.memory_space<vmem_shared>>
      tpu.wait_dma2 semaphore(%run_scoped3A_305 : memref<!tpu.dma_semaphore, #tpu.memory_space<semaphore_mem>>) src(%dma_wait3A_313 : memref<512x64xbf16, #tpu.memory_space<vmem_shared>>) dst(%arg7 : memref<512x64xbf16, #tpu.memory_space<vmem>>)
      tpu.yield
    }) : () -> ()
    "tpu.region"() ({
      %run_scoped3A_305 = tpu.sem_alloc : memref<!tpu.dma_semaphore, #tpu.memory_space<semaphore_mem>>
      %dma_start3A_306 = arith.constant 0 : i32
      %dma_start3A_307 = tpu.memref_slice %arg4[%arg0, %mul3A_0, %dma_start3A_306] : memref<2x10496x64xbf16, #tpu.memory_space<hbm>> -> memref<1x512x64xbf16, #tpu.memory_space<hbm>>
      %dma_start3A_308 = tpu.memref_squeeze %dma_start3A_307 : memref<1x512x64xbf16, #tpu.memory_space<hbm>> -> memref<512x64xbf16, #tpu.memory_space<hbm>>
      %dma_start3A_309 = arith.constant 0 : i32
      %dma_start3A_310 = tpu.memref_slice %arg4[%arg0, %mul3A_0, %dma_start3A_309] : memref<2x10496x64xbf16, #tpu.memory_space<hbm>> -> memref<1x512x64xbf16, #tpu.memory_space<hbm>>
      %dma_start3A_311 = tpu.memref_squeeze %dma_start3A_310 : memref<1x512x64xbf16, #tpu.memory_space<hbm>> -> memref<512x64xbf16, #tpu.memory_space<hbm>>
      tpu.enqueue_dma source(%arg7 : memref<512x64xbf16, #tpu.memory_space<vmem>>) target(%dma_start3A_311 : memref<512x64xbf16, #tpu.memory_space<hbm>>) target_semaphore(%run_scoped3A_305 : memref<!tpu.dma_semaphore, #tpu.memory_space<semaphore_mem>>)
      %dma_wait3A_312 = arith.constant 0 : i32
      %dma_wait3A_313 = tpu.memref_slice %arg4[%arg0, %mul3A_0, %dma_wait3A_312] : memref<2x10496x64xbf16, #tpu.memory_space<hbm>> -> memref<1x512x64xbf16, #tpu.memory_space<hbm>>
      %dma_wait3A_314 = tpu.memref_squeeze %dma_wait3A_313 : memref<1x512x64xbf16, #tpu.memory_space<hbm>> -> memref<512x64xbf16, #tpu.memory_space<hbm>>
      %dma_wait3A_315 = arith.constant 0 : i32
      %dma_wait3A_316 = tpu.memref_slice %arg4[%arg0, %mul3A_0, %dma_wait3A_315] : memref<2x10496x64xbf16, #tpu.memory_space<hbm>> -> memref<1x512x64xbf16, #tpu.memory_space<hbm>>
      %dma_wait3A_317 = tpu.memref_squeeze %dma_wait3A_316 : memref<1x512x64xbf16, #tpu.memory_space<hbm>> -> memref<512x64xbf16, #tpu.memory_space<hbm>>
      tpu.wait_dma2 semaphore(%run_scoped3A_305 : memref<!tpu.dma_semaphore, #tpu.memory_space<semaphore_mem>>) src(%arg7 : memref<512x64xbf16, #tpu.memory_space<vmem>>) dst(%dma_wait3A_317 : memref<512x64xbf16, #tpu.memory_space<hbm>>)
      tpu.yield
    }) : () -> ()
    %add3A_301 = arith.constant 512 : i32
    %add3A_302 = arith.addi %mul3A_0, %add3A_301 : i32
    "tpu.region"() ({
      %run_scoped3A_305 = tpu.sem_alloc : memref<!tpu.dma_semaphore, #tpu.memory_space<semaphore_mem>>
      %dma_start3A_306 = arith.constant 0 : i32
      %dma_start3A_307 = arith.constant 0 : i32
      %dma_start3A_308 = tpu.memref_slice %arg9[%dma_start3A_306, %dma_start3A_307] : memref<512x64xbf16, #tpu.memory_space<vmem>> -> memref<144x64xbf16, #tpu.memory_space<vmem>>
      %dma_start3A_309 = arith.constant 0 : i32
      %dma_start3A_310 = tpu.memref_slice %arg11[%add3A_302, %dma_start3A_309] : memref<10496x64xbf16, #tpu.memory_space<vmem_shared>> -> memref<144x64xbf16, #tpu.memory_space<vmem_shared>>
      %dma_start3A_311 = arith.constant 0 : i32
      %dma_start3A_312 = arith.constant 0 : i32
      %dma_start3A_313 = tpu.memref_slice %arg9[%dma_start3A_311, %dma_start3A_312] : memref<512x64xbf16, #tpu.memory_space<vmem>> -> memref<144x64xbf16, #tpu.memory_space<vmem>>
      %dma_start3A_314 = arith.constant 0 : i32
      %dma_start3A_315 = tpu.memref_slice %arg11[%add3A_302, %dma_start3A_314] : memref<10496x64xbf16, #tpu.memory_space<vmem_shared>> -> memref<144x64xbf16, #tpu.memory_space<vmem_shared>>
      tpu.enqueue_dma source(%dma_start3A_315 : memref<144x64xbf16, #tpu.memory_space<vmem_shared>>) target(%dma_start3A_313 : memref<144x64xbf16, #tpu.memory_space<vmem>>) target_semaphore(%run_scoped3A_305 : memref<!tpu.dma_semaphore, #tpu.memory_space<semaphore_mem>>)
      %dma_wait3A_316 = arith.constant 0 : i32
      %dma_wait3A_317 = arith.constant 0 : i32
      %dma_wait3A_318 = tpu.memref_slice %arg9[%dma_wait3A_316, %dma_wait3A_317] : memref<512x64xbf16, #tpu.memory_space<vmem>> -> memref<144x64xbf16, #tpu.memory_space<vmem>>
      %dma_wait3A_319 = arith.constant 0 : i32
      %dma_wait3A_320 = tpu.memref_slice %arg11[%add3A_302, %dma_wait3A_319] : memref<10496x64xbf16, #tpu.memory_space<vmem_shared>> -> memref<144x64xbf16, #tpu.memory_space<vmem_shared>>
      %dma_wait3A_321 = arith.constant 0 : i32
      %dma_wait3A_322 = arith.constant 0 : i32
      %dma_wait3A_323 = tpu.memref_slice %arg9[%dma_wait3A_321, %dma_wait3A_322] : memref<512x64xbf16, #tpu.memory_space<vmem>> -> memref<144x64xbf16, #tpu.memory_space<vmem>>
      %dma_wait3A_324 = arith.constant 0 : i32
      %dma_wait3A_325 = tpu.memref_slice %arg11[%add3A_302, %dma_wait3A_324] : memref<10496x64xbf16, #tpu.memory_space<vmem_shared>> -> memref<144x64xbf16, #tpu.memory_space<vmem_shared>>
      tpu.wait_dma2 semaphore(%run_scoped3A_305 : memref<!tpu.dma_semaphore, #tpu.memory_space<semaphore_mem>>) src(%dma_wait3A_325 : memref<144x64xbf16, #tpu.memory_space<vmem_shared>>) dst(%dma_wait3A_323 : memref<144x64xbf16, #tpu.memory_space<vmem>>)
      tpu.yield
    }) : () -> ()
    %add3A_303 = arith.constant 512 : i32
    %add3A_304 = arith.addi %mul3A_0, %add3A_303 : i32
    "tpu.region"() ({
      %run_scoped3A_305 = tpu.sem_alloc : memref<!tpu.dma_semaphore, #tpu.memory_space<semaphore_mem>>
      %dma_start3A_306 = arith.constant 0 : i32
      %dma_start3A_307 = arith.constant 0 : i32
      %dma_start3A_308 = tpu.memref_slice %arg9[%dma_start3A_306, %dma_start3A_307] : memref<512x64xbf16, #tpu.memory_space<vmem>> -> memref<144x64xbf16, #tpu.memory_space<vmem>>
      %dma_start3A_309 = arith.constant 0 : i32
      %dma_start3A_310 = tpu.memref_slice %arg4[%arg0, %add3A_304, %dma_start3A_309] : memref<2x10496x64xbf16, #tpu.memory_space<hbm>> -> memref<1x144x64xbf16, #tpu.memory_space<hbm>>
      %dma_start3A_311 = tpu.memref_squeeze %dma_start3A_310 : memref<1x144x64xbf16, #tpu.memory_space<hbm>> -> memref<144x64xbf16, #tpu.memory_space<hbm>>
      %dma_start3A_312 = arith.constant 0 : i32
      %dma_start3A_313 = tpu.memref_slice %arg4[%arg0, %add3A_304, %dma_start3A_312] : memref<2x10496x64xbf16, #tpu.memory_space<hbm>> -> memref<1x144x64xbf16, #tpu.memory_space<hbm>>
      %dma_start3A_314 = tpu.memref_squeeze %dma_start3A_313 : memref<1x144x64xbf16, #tpu.memory_space<hbm>> -> memref<144x64xbf16, #tpu.memory_space<hbm>>
      %dma_start3A_315 = arith.constant 0 : i32
      %dma_start3A_316 = arith.constant 0 : i32
      %dma_start3A_317 = tpu.memref_slice %arg9[%dma_start3A_315, %dma_start3A_316] : memref<512x64xbf16, #tpu.memory_space<vmem>> -> memref<144x64xbf16, #tpu.memory_space<vmem>>
      tpu.enqueue_dma source(%dma_start3A_317 : memref<144x64xbf16, #tpu.memory_space<vmem>>) target(%dma_start3A_314 : memref<144x64xbf16, #tpu.memory_space<hbm>>) target_semaphore(%run_scoped3A_305 : memref<!tpu.dma_semaphore, #tpu.memory_space<semaphore_mem>>)
      %dma_wait3A_318 = arith.constant 0 : i32
      %dma_wait3A_319 = arith.constant 0 : i32
      %dma_wait3A_320 = tpu.memref_slice %arg9[%dma_wait3A_318, %dma_wait3A_319] : memref<512x64xbf16, #tpu.memory_space<vmem>> -> memref<144x64xbf16, #tpu.memory_space<vmem>>
      %dma_wait3A_321 = arith.constant 0 : i32
      %dma_wait3A_322 = tpu.memref_slice %arg4[%arg0, %add3A_304, %dma_wait3A_321] : memref<2x10496x64xbf16, #tpu.memory_space<hbm>> -> memref<1x144x64xbf16, #tpu.memory_space<hbm>>
      %dma_wait3A_323 = tpu.memref_squeeze %dma_wait3A_322 : memref<1x144x64xbf16, #tpu.memory_space<hbm>> -> memref<144x64xbf16, #tpu.memory_space<hbm>>
      %dma_wait3A_324 = arith.constant 0 : i32
      %dma_wait3A_325 = tpu.memref_slice %arg4[%arg0, %add3A_304, %dma_wait3A_324] : memref<2x10496x64xbf16, #tpu.memory_space<hbm>> -> memref<1x144x64xbf16, #tpu.memory_space<hbm>>
      %dma_wait3A_326 = tpu.memref_squeeze %dma_wait3A_325 : memref<1x144x64xbf16, #tpu.memory_space<hbm>> -> memref<144x64xbf16, #tpu.memory_space<hbm>>
      %dma_wait3A_327 = arith.constant 0 : i32
      %dma_wait3A_328 = arith.constant 0 : i32
      %dma_wait3A_329 = tpu.memref_slice %arg9[%dma_wait3A_327, %dma_wait3A_328] : memref<512x64xbf16, #tpu.memory_space<vmem>> -> memref<144x64xbf16, #tpu.memory_space<vmem>>
      tpu.wait_dma2 semaphore(%run_scoped3A_305 : memref<!tpu.dma_semaphore, #tpu.memory_space<semaphore_mem>>) src(%dma_wait3A_329 : memref<144x64xbf16, #tpu.memory_space<vmem>>) dst(%dma_wait3A_326 : memref<144x64xbf16, #tpu.memory_space<hbm>>)
      tpu.yield
    }) : () -> ()
    return
  }
}

#map = affine_map<(d0, d1) -> (0, 0, 0)>
module attributes {stable_mosaic.version = 14 : i64} {
  func.func @_scat_body(%arg0: i32, %arg1: i32, %arg2: memref<2x10000x64xbf16, #tpu.memory_space<hbm>>, %arg3: memref<2x2500x128xi32, #tpu.memory_space<hbm>>, %arg4: memref<2x10496x64xbf16, #tpu.memory_space<hbm>>, %arg5: memref<2x156x128xi32, #tpu.memory_space<vmem>>, %arg6: memref<!tpu.dma_semaphore, #tpu.memory_space<semaphore_mem>>, %arg7: memref<512x64xbf16, #tpu.memory_space<vmem>>, %arg8: memref<!tpu.dma_semaphore, #tpu.memory_space<semaphore_mem>>, %arg9: memref<512x64xbf16, #tpu.memory_space<vmem>>, %arg10: memref<!tpu.dma_semaphore, #tpu.memory_space<semaphore_mem>>, %arg11: memref<10496x64xbf16, #tpu.memory_space<vmem_shared>>) attributes {dimension_semantics = [#tpu.dimension_semantics<core_parallel>, #tpu.dimension_semantics<subcore_parallel>], iteration_bounds = array<i64: 2, 16>, scalar_prefetch = 0 : i64, scratch_operands = 7 : i64, tpu.core_type = #tpu.core_type<sc_vector_subcore>, window_params = [{transform_indices = #map}, {transform_indices = #map}, {transform_indices = #map}]} {
    %mul3A = arith.constant 656 : i32
    %mul3A_0 = arith.muli %arg1, %mul3A : i32
    %mul3A_1 = arith.constant 156 : i32
    %mul3A_2 = arith.muli %arg1, %mul3A_1 : i32
    %dma_start3A = arith.constant 0 : i32
    %dma_start3A_3 = arith.constant 0 : i32
    %dma_start3A_4 = arith.constant 0 : i32
    %dma_start3A_5 = arith.constant 0 : i32
    %dma_start3A_6 = tpu.memref_slice %arg5[%dma_start3A_3, %dma_start3A_4, %dma_start3A_5] : memref<2x156x128xi32, #tpu.memory_space<vmem>> -> memref<1x156x128xi32, #tpu.memory_space<vmem>>
    %dma_start3A_7 = tpu.memref_squeeze %dma_start3A_6 : memref<1x156x128xi32, #tpu.memory_space<vmem>> -> memref<156x128xi32, #tpu.memory_space<vmem>>
    %dma_start3A_8 = arith.constant 0 : i32
    %dma_start3A_9 = tpu.memref_slice %arg3[%dma_start3A, %mul3A_2, %dma_start3A_8] : memref<2x2500x128xi32, #tpu.memory_space<hbm>> -> memref<1x156x128xi32, #tpu.memory_space<hbm>>
    %dma_start3A_10 = tpu.memref_squeeze %dma_start3A_9 : memref<1x156x128xi32, #tpu.memory_space<hbm>> -> memref<156x128xi32, #tpu.memory_space<hbm>>
    %dma_start3A_11 = arith.constant 0 : i32
    %dma_start3A_12 = arith.constant 0 : i32
    %dma_start3A_13 = tpu.memref_slice %arg5[%dma_start3A_3, %dma_start3A_11, %dma_start3A_12] : memref<2x156x128xi32, #tpu.memory_space<vmem>> -> memref<1x156x128xi32, #tpu.memory_space<vmem>>
    %dma_start3A_14 = tpu.memref_squeeze %dma_start3A_13 : memref<1x156x128xi32, #tpu.memory_space<vmem>> -> memref<156x128xi32, #tpu.memory_space<vmem>>
    %dma_start3A_15 = arith.constant 0 : i32
    %dma_start3A_16 = tpu.memref_slice %arg3[%dma_start3A, %mul3A_2, %dma_start3A_15] : memref<2x2500x128xi32, #tpu.memory_space<hbm>> -> memref<1x156x128xi32, #tpu.memory_space<hbm>>
    %dma_start3A_17 = tpu.memref_squeeze %dma_start3A_16 : memref<1x156x128xi32, #tpu.memory_space<hbm>> -> memref<156x128xi32, #tpu.memory_space<hbm>>
    tpu.enqueue_dma source(%dma_start3A_17 : memref<156x128xi32, #tpu.memory_space<hbm>>) target(%dma_start3A_14 : memref<156x128xi32, #tpu.memory_space<vmem>>) target_semaphore(%arg6 : memref<!tpu.dma_semaphore, #tpu.memory_space<semaphore_mem>>)
    %dma_start3A_18 = arith.constant 1 : i32
    %dma_start3A_19 = arith.constant 1 : i32
    %dma_start3A_20 = arith.constant 0 : i32
    %dma_start3A_21 = arith.constant 0 : i32
    %dma_start3A_22 = tpu.memref_slice %arg5[%dma_start3A_19, %dma_start3A_20, %dma_start3A_21] : memref<2x156x128xi32, #tpu.memory_space<vmem>> -> memref<1x156x128xi32, #tpu.memory_space<vmem>>
    %dma_start3A_23 = tpu.memref_squeeze %dma_start3A_22 : memref<1x156x128xi32, #tpu.memory_space<vmem>> -> memref<156x128xi32, #tpu.memory_space<vmem>>
    %dma_start3A_24 = arith.constant 0 : i32
    %dma_start3A_25 = tpu.memref_slice %arg3[%dma_start3A_18, %mul3A_2, %dma_start3A_24] : memref<2x2500x128xi32, #tpu.memory_space<hbm>> -> memref<1x156x128xi32, #tpu.memory_space<hbm>>
    %dma_start3A_26 = tpu.memref_squeeze %dma_start3A_25 : memref<1x156x128xi32, #tpu.memory_space<hbm>> -> memref<156x128xi32, #tpu.memory_space<hbm>>
    %dma_start3A_27 = arith.constant 0 : i32
    %dma_start3A_28 = arith.constant 0 : i32
    %dma_start3A_29 = tpu.memref_slice %arg5[%dma_start3A_19, %dma_start3A_27, %dma_start3A_28] : memref<2x156x128xi32, #tpu.memory_space<vmem>> -> memref<1x156x128xi32, #tpu.memory_space<vmem>>
    %dma_start3A_30 = tpu.memref_squeeze %dma_start3A_29 : memref<1x156x128xi32, #tpu.memory_space<vmem>> -> memref<156x128xi32, #tpu.memory_space<vmem>>
    %dma_start3A_31 = arith.constant 0 : i32
    %dma_start3A_32 = tpu.memref_slice %arg3[%dma_start3A_18, %mul3A_2, %dma_start3A_31] : memref<2x2500x128xi32, #tpu.memory_space<hbm>> -> memref<1x156x128xi32, #tpu.memory_space<hbm>>
    %dma_start3A_33 = tpu.memref_squeeze %dma_start3A_32 : memref<1x156x128xi32, #tpu.memory_space<hbm>> -> memref<156x128xi32, #tpu.memory_space<hbm>>
    tpu.enqueue_dma source(%dma_start3A_33 : memref<156x128xi32, #tpu.memory_space<hbm>>) target(%dma_start3A_30 : memref<156x128xi32, #tpu.memory_space<vmem>>) target_semaphore(%arg6 : memref<!tpu.dma_semaphore, #tpu.memory_space<semaphore_mem>>)
    %scan3A = arith.constant 0 : i32
    %scan3A_34 = arith.constant 0 : i32
    %scan3A_35 = arith.constant 512 : i32
    %scan3A_36 = arith.addi %scan3A_34, %scan3A_35 : i32
    %scan3A_37 = arith.constant 1 : i32
    scf.for %scan3A_305 = %scan3A_34 to %scan3A_36 step %scan3A_37  : i32 {
      %broadcast_in_dim3A = arith.constant 0.000000e+00 : bf16
      %broadcast_in_dim3A_306 = vector.broadcast %broadcast_in_dim3A : bf16 to vector<32xbf16>
      %swap3A = arith.index_cast %scan3A_305 : i32 to index
      %swap3A_307 = arith.constant 0 : index
      %swap3A_308 = tpu.vector_load %arg7[%swap3A, %swap3A_307] {strides = array<i32>} : memref<512x64xbf16, #tpu.memory_space<vmem>>, vector<1x32xbf16>,
      %swap3A_309 = vector.shape_cast %swap3A_308 : vector<1x32xbf16> to vector<32xbf16>
      %swap3A_310 = vector.shape_cast %broadcast_in_dim3A_306 : vector<32xbf16> to vector<1x32xbf16>
      tpu.vector_store %arg7[%swap3A, %swap3A_307], %swap3A_310 {strides = array<i32>} : memref<512x64xbf16, #tpu.memory_space<vmem>>, vector<1x32xbf16>,
      %broadcast_in_dim3A_311 = arith.constant 0.000000e+00 : bf16
      %broadcast_in_dim3A_312 = vector.broadcast %broadcast_in_dim3A_311 : bf16 to vector<32xbf16>
      %swap3A_313 = arith.index_cast %scan3A_305 : i32 to index
      %swap3A_314 = arith.constant 32 : index
      %swap3A_315 = tpu.vector_load %arg7[%swap3A_313, %swap3A_314] {strides = array<i32>} : memref<512x64xbf16, #tpu.memory_space<vmem>>, vector<1x32xbf16>,
      %swap3A_316 = vector.shape_cast %swap3A_315 : vector<1x32xbf16> to vector<32xbf16>
      %swap3A_317 = vector.shape_cast %broadcast_in_dim3A_312 : vector<32xbf16> to vector<1x32xbf16>
      tpu.vector_store %arg7[%swap3A_313, %swap3A_314], %swap3A_317 {strides = array<i32>} : memref<512x64xbf16, #tpu.memory_space<vmem>>, vector<1x32xbf16>,
    }
    %scan3A_38 = arith.constant 512 : i32
    "tpu.region"() ({
      %run_scoped3A_305 = tpu.sem_alloc : memref<!tpu.dma_semaphore, #tpu.memory_space<semaphore_mem>>
      %dma_start3A_306 = arith.constant 0 : i32
      %dma_start3A_307 = tpu.memref_slice %arg11[%mul3A_0, %dma_start3A_306] : memref<10496x64xbf16, #tpu.memory_space<vmem_shared>> -> memref<512x64xbf16, #tpu.memory_space<vmem_shared>>
      %dma_start3A_308 = arith.constant 0 : i32
      %dma_start3A_309 = tpu.memref_slice %arg11[%mul3A_0, %dma_start3A_308] : memref<10496x64xbf16, #tpu.memory_space<vmem_shared>> -> memref<512x64xbf16, #tpu.memory_space<vmem_shared>>
      tpu.enqueue_dma source(%arg7 : memref<512x64xbf16, #tpu.memory_space<vmem>>) target(%dma_start3A_309 : memref<512x64xbf16, #tpu.memory_space<vmem_shared>>) target_semaphore(%run_scoped3A_305 : memref<!tpu.dma_semaphore, #tpu.memory_space<semaphore_mem>>)
      %dma_wait3A_310 = arith.constant 0 : i32
      %dma_wait3A_311 = tpu.memref_slice %arg11[%mul3A_0, %dma_wait3A_310] : memref<10496x64xbf16, #tpu.memory_space<vmem_shared>> -> memref<512x64xbf16, #tpu.memory_space<vmem_shared>>
      %dma_wait3A_312 = arith.constant 0 : i32
      %dma_wait3A_313 = tpu.memref_slice %arg11[%mul3A_0, %dma_wait3A_312] : memref<10496x64xbf16, #tpu.memory_space<vmem_shared>> -> memref<512x64xbf16, #tpu.memory_space<vmem_shared>>
      tpu.wait_dma2 semaphore(%run_scoped3A_305 : memref<!tpu.dma_semaphore, #tpu.memory_space<semaphore_mem>>) src(%arg7 : memref<512x64xbf16, #tpu.memory_space<vmem>>) dst(%dma_wait3A_313 : memref<512x64xbf16, #tpu.memory_space<vmem_shared>>)
      tpu.yield
    }) : () -> ()
    %add3A = arith.constant 512 : i32
    %add3A_39 = arith.addi %mul3A_0, %add3A : i32
    "tpu.region"() ({
      %run_scoped3A_305 = tpu.sem_alloc : memref<!tpu.dma_semaphore, #tpu.memory_space<semaphore_mem>>
      %dma_start3A_306 = arith.constant 0 : i32
      %dma_start3A_307 = arith.constant 0 : i32
      %dma_start3A_308 = tpu.memref_slice %arg7[%dma_start3A_306, %dma_start3A_307] : memref<512x64xbf16, #tpu.memory_space<vmem>> -> memref<144x64xbf16, #tpu.memory_space<vmem>>
      %dma_start3A_309 = arith.constant 0 : i32
      %dma_start3A_310 = tpu.memref_slice %arg11[%add3A_39, %dma_start3A_309] : memref<10496x64xbf16, #tpu.memory_space<vmem_shared>> -> memref<144x64xbf16, #tpu.memory_space<vmem_shared>>
      %dma_start3A_311 = arith.constant 0 : i32
      %dma_start3A_312 = tpu.memref_slice %arg11[%add3A_39, %dma_start3A_311] : memref<10496x64xbf16, #tpu.memory_space<vmem_shared>> -> memref<144x64xbf16, #tpu.memory_space<vmem_shared>>
      %dma_start3A_313 = arith.constant 0 : i32
      %dma_start3A_314 = arith.constant 0 : i32
      %dma_start3A_315 = tpu.memref_slice %arg7[%dma_start3A_313, %dma_start3A_314] : memref<512x64xbf16, #tpu.memory_space<vmem>> -> memref<144x64xbf16, #tpu.memory_space<vmem>>
      tpu.enqueue_dma source(%dma_start3A_315 : memref<144x64xbf16, #tpu.memory_space<vmem>>) target(%dma_start3A_312 : memref<144x64xbf16, #tpu.memory_space<vmem_shared>>) target_semaphore(%run_scoped3A_305 : memref<!tpu.dma_semaphore, #tpu.memory_space<semaphore_mem>>)
      %dma_wait3A_316 = arith.constant 0 : i32
      %dma_wait3A_317 = arith.constant 0 : i32
      %dma_wait3A_318 = tpu.memref_slice %arg7[%dma_wait3A_316, %dma_wait3A_317] : memref<512x64xbf16, #tpu.memory_space<vmem>> -> memref<144x64xbf16, #tpu.memory_space<vmem>>
      %dma_wait3A_319 = arith.constant 0 : i32
      %dma_wait3A_320 = tpu.memref_slice %arg11[%add3A_39, %dma_wait3A_319] : memref<10496x64xbf16, #tpu.memory_space<vmem_shared>> -> memref<144x64xbf16, #tpu.memory_space<vmem_shared>>
      %dma_wait3A_321 = arith.constant 0 : i32
      %dma_wait3A_322 = tpu.memref_slice %arg11[%add3A_39, %dma_wait3A_321] : memref<10496x64xbf16, #tpu.memory_space<vmem_shared>> -> memref<144x64xbf16, #tpu.memory_space<vmem_shared>>
      %dma_wait3A_323 = arith.constant 0 : i32
      %dma_wait3A_324 = arith.constant 0 : i32
      %dma_wait3A_325 = tpu.memref_slice %arg7[%dma_wait3A_323, %dma_wait3A_324] : memref<512x64xbf16, #tpu.memory_space<vmem>> -> memref<144x64xbf16, #tpu.memory_space<vmem>>
      tpu.wait_dma2 semaphore(%run_scoped3A_305 : memref<!tpu.dma_semaphore, #tpu.memory_space<semaphore_mem>>) src(%dma_wait3A_325 : memref<144x64xbf16, #tpu.memory_space<vmem>>) dst(%dma_wait3A_322 : memref<144x64xbf16, #tpu.memory_space<vmem_shared>>)
      tpu.yield
    }) : () -> ()
    %dma_wait3A = arith.constant 0 : i32
    %dma_wait3A_40 = arith.constant 0 : i32
    %dma_wait3A_41 = arith.constant 0 : i32
    %dma_wait3A_42 = tpu.memref_slice %arg3[%dma_wait3A, %dma_wait3A_40, %dma_wait3A_41] : memref<2x2500x128xi32, #tpu.memory_space<hbm>> -> memref<2x156x128xi32, #tpu.memory_space<hbm>>
    %dma_wait3A_43 = arith.constant 0 : i32
    %dma_wait3A_44 = arith.constant 0 : i32
    %dma_wait3A_45 = arith.constant 0 : i32
    %dma_wait3A_46 = tpu.memref_slice %arg3[%dma_wait3A_43, %dma_wait3A_44, %dma_wait3A_45] : memref<2x2500x128xi32, #tpu.memory_space<hbm>> -> memref<2x156x128xi32, #tpu.memory_space<hbm>>
    tpu.wait_dma2 semaphore(%arg6 : memref<!tpu.dma_semaphore, #tpu.memory_space<semaphore_mem>>) src(%dma_wait3A_46 : memref<2x156x128xi32, #tpu.memory_space<hbm>>) dst(%arg5 : memref<2x156x128xi32, #tpu.memory_space<vmem>>)
    %barrier3A = arith.constant 0 : index
    tpu.barrier barrier_id(%barrier3A)
    %dma_start3A_47 = arith.constant 0 : i32
    %dma_start3A_48 = arith.constant 0 : i32
    %dma_start3A_49 = arith.constant 0 : i32
    %dma_start3A_50 = arith.constant 0 : i32
    %dma_start3A_51 = tpu.memref_slice %arg7[%dma_start3A_49, %dma_start3A_50] : memref<512x64xbf16, #tpu.memory_space<vmem>> -> memref<128x64xbf16, #tpu.memory_space<vmem>>
    %dma_start3A_52 = arith.constant 0 : i32
    %dma_start3A_53 = tpu.memref_slice %arg5[%dma_start3A_47, %dma_start3A_48, %dma_start3A_52] : memref<2x156x128xi32, #tpu.memory_space<vmem>> -> memref<1x1x128xi32, #tpu.memory_space<vmem>>
    %dma_start3A_54 = tpu.memref_squeeze %dma_start3A_53 : memref<1x1x128xi32, #tpu.memory_space<vmem>> -> memref<128xi32, #tpu.memory_space<vmem>>
    %dma_start3A_55 = arith.constant 0 : i32
    %dma_start3A_56 = arith.constant 0 : i32
    %dma_start3A_57 = tpu.memref_slice %arg2[%arg0, %dma_start3A_55, %dma_start3A_56] : memref<2x10000x64xbf16, #tpu.memory_space<hbm>> -> memref<1x10000x64xbf16, #tpu.memory_space<hbm>>
    %dma_start3A_58 = tpu.memref_squeeze %dma_start3A_57 : memref<1x10000x64xbf16, #tpu.memory_space<hbm>> -> memref<10000x64xbf16, #tpu.memory_space<hbm>>
    %dma_start3A_59 = arith.constant 0 : i32
    %dma_start3A_60 = arith.constant 0 : i32
    %dma_start3A_61 = tpu.memref_slice %dma_start3A_58[%dma_start3A_59, %dma_start3A_60] : memref<10000x64xbf16, #tpu.memory_space<hbm>> -> memref<10000x64xbf16, #tpu.memory_space<hbm>>
    tpu.enqueue_indirect_dma source(%dma_start3A_61 : memref<10000x64xbf16, #tpu.memory_space<hbm>>) target(%dma_start3A_51 : memref<128x64xbf16, #tpu.memory_space<vmem>>) offsets(%dma_start3A_54 : memref<128xi32, #tpu.memory_space<vmem>>) semaphore(%arg8 : memref<!tpu.dma_semaphore, #tpu.memory_space<semaphore_mem>>)
    %dma_start3A_62 = arith.constant 0 : i32
    %dma_start3A_63 = arith.constant 1 : i32
    %dma_start3A_64 = arith.constant 128 : i32
    %dma_start3A_65 = arith.constant 0 : i32
    %dma_start3A_66 = tpu.memref_slice %arg7[%dma_start3A_64, %dma_start3A_65] : memref<512x64xbf16, #tpu.memory_space<vmem>> -> memref<128x64xbf16, #tpu.memory_space<vmem>>
    %dma_start3A_67 = arith.constant 0 : i32
    %dma_start3A_68 = tpu.memref_slice %arg5[%dma_start3A_62, %dma_start3A_63, %dma_start3A_67] : memref<2x156x128xi32, #tpu.memory_space<vmem>> -> memref<1x1x128xi32, #tpu.memory_space<vmem>>
    %dma_start3A_69 = tpu.memref_squeeze %dma_start3A_68 : memref<1x1x128xi32, #tpu.memory_space<vmem>> -> memref<128xi32, #tpu.memory_space<vmem>>
    %dma_start3A_70 = arith.constant 0 : i32
    %dma_start3A_71 = arith.constant 0 : i32
    %dma_start3A_72 = tpu.memref_slice %arg2[%arg0, %dma_start3A_70, %dma_start3A_71] : memref<2x10000x64xbf16, #tpu.memory_space<hbm>> -> memref<1x10000x64xbf16, #tpu.memory_space<hbm>>
    %dma_start3A_73 = tpu.memref_squeeze %dma_start3A_72 : memref<1x10000x64xbf16, #tpu.memory_space<hbm>> -> memref<10000x64xbf16, #tpu.memory_space<hbm>>
    %dma_start3A_74 = arith.constant 0 : i32
    %dma_start3A_75 = arith.constant 0 : i32
    %dma_start3A_76 = tpu.memref_slice %dma_start3A_73[%dma_start3A_74, %dma_start3A_75] : memref<10000x64xbf16, #tpu.memory_space<hbm>> -> memref<10000x64xbf16, #tpu.memory_space<hbm>>
    tpu.enqueue_indirect_dma source(%dma_start3A_76 : memref<10000x64xbf16, #tpu.memory_space<hbm>>) target(%dma_start3A_66 : memref<128x64xbf16, #tpu.memory_space<vmem>>) offsets(%dma_start3A_69 : memref<128xi32, #tpu.memory_space<vmem>>) semaphore(%arg8 : memref<!tpu.dma_semaphore, #tpu.memory_space<semaphore_mem>>)
    %dma_start3A_77 = arith.constant 0 : i32
    %dma_start3A_78 = arith.constant 2 : i32
    %dma_start3A_79 = arith.constant 256 : i32
    %dma_start3A_80 = arith.constant 0 : i32
    %dma_start3A_81 = tpu.memref_slice %arg7[%dma_start3A_79, %dma_start3A_80] : memref<512x64xbf16, #tpu.memory_space<vmem>> -> memref<128x64xbf16, #tpu.memory_space<vmem>>
    %dma_start3A_82 = arith.constant 0 : i32
    %dma_start3A_83 = tpu.memref_slice %arg5[%dma_start3A_77, %dma_start3A_78, %dma_start3A_82] : memref<2x156x128xi32, #tpu.memory_space<vmem>> -> memref<1x1x128xi32, #tpu.memory_space<vmem>>
    %dma_start3A_84 = tpu.memref_squeeze %dma_start3A_83 : memref<1x1x128xi32, #tpu.memory_space<vmem>> -> memref<128xi32, #tpu.memory_space<vmem>>
    %dma_start3A_85 = arith.constant 0 : i32
    %dma_start3A_86 = arith.constant 0 : i32
    %dma_start3A_87 = tpu.memref_slice %arg2[%arg0, %dma_start3A_85, %dma_start3A_86] : memref<2x10000x64xbf16, #tpu.memory_space<hbm>> -> memref<1x10000x64xbf16, #tpu.memory_space<hbm>>
    %dma_start3A_88 = tpu.memref_squeeze %dma_start3A_87 : memref<1x10000x64xbf16, #tpu.memory_space<hbm>> -> memref<10000x64xbf16, #tpu.memory_space<hbm>>
    %dma_start3A_89 = arith.constant 0 : i32
    %dma_start3A_90 = arith.constant 0 : i32
    %dma_start3A_91 = tpu.memref_slice %dma_start3A_88[%dma_start3A_89, %dma_start3A_90] : memref<10000x64xbf16, #tpu.memory_space<hbm>> -> memref<10000x64xbf16, #tpu.memory_space<hbm>>
    tpu.enqueue_indirect_dma source(%dma_start3A_91 : memref<10000x64xbf16, #tpu.memory_space<hbm>>) target(%dma_start3A_81 : memref<128x64xbf16, #tpu.memory_space<vmem>>) offsets(%dma_start3A_84 : memref<128xi32, #tpu.memory_space<vmem>>) semaphore(%arg8 : memref<!tpu.dma_semaphore, #tpu.memory_space<semaphore_mem>>)
    %dma_start3A_92 = arith.constant 0 : i32
    %dma_start3A_93 = arith.constant 3 : i32
    %dma_start3A_94 = arith.constant 384 : i32
    %dma_start3A_95 = arith.constant 0 : i32
    %dma_start3A_96 = tpu.memref_slice %arg7[%dma_start3A_94, %dma_start3A_95] : memref<512x64xbf16, #tpu.memory_space<vmem>> -> memref<128x64xbf16, #tpu.memory_space<vmem>>
    %dma_start3A_97 = arith.constant 0 : i32
    %dma_start3A_98 = tpu.memref_slice %arg5[%dma_start3A_92, %dma_start3A_93, %dma_start3A_97] : memref<2x156x128xi32, #tpu.memory_space<vmem>> -> memref<1x1x128xi32, #tpu.memory_space<vmem>>
    %dma_start3A_99 = tpu.memref_squeeze %dma_start3A_98 : memref<1x1x128xi32, #tpu.memory_space<vmem>> -> memref<128xi32, #tpu.memory_space<vmem>>
    %dma_start3A_100 = arith.constant 0 : i32
    %dma_start3A_101 = arith.constant 0 : i32
    %dma_start3A_102 = tpu.memref_slice %arg2[%arg0, %dma_start3A_100, %dma_start3A_101] : memref<2x10000x64xbf16, #tpu.memory_space<hbm>> -> memref<1x10000x64xbf16, #tpu.memory_space<hbm>>
    %dma_start3A_103 = tpu.memref_squeeze %dma_start3A_102 : memref<1x10000x64xbf16, #tpu.memory_space<hbm>> -> memref<10000x64xbf16, #tpu.memory_space<hbm>>
    %dma_start3A_104 = arith.constant 0 : i32
    %dma_start3A_105 = arith.constant 0 : i32
    %dma_start3A_106 = tpu.memref_slice %dma_start3A_103[%dma_start3A_104, %dma_start3A_105] : memref<10000x64xbf16, #tpu.memory_space<hbm>> -> memref<10000x64xbf16, #tpu.memory_space<hbm>>
    tpu.enqueue_indirect_dma source(%dma_start3A_106 : memref<10000x64xbf16, #tpu.memory_space<hbm>>) target(%dma_start3A_96 : memref<128x64xbf16, #tpu.memory_space<vmem>>) offsets(%dma_start3A_99 : memref<128xi32, #tpu.memory_space<vmem>>) semaphore(%arg8 : memref<!tpu.dma_semaphore, #tpu.memory_space<semaphore_mem>>)
    %scan3A_107 = arith.constant 0 : i32
    %scan3A_108 = arith.constant 0 : i32
    %scan3A_109 = arith.constant 18 : i32
    %scan3A_110 = arith.addi %scan3A_108, %scan3A_109 : i32
    %scan3A_111 = arith.constant 1 : i32
    scf.for %scan3A_305 = %scan3A_108 to %scan3A_110 step %scan3A_111  : i32 {
      %mul3A_306 = arith.constant 2 : i32
      %mul3A_307 = arith.muli %mul3A_306, %scan3A_305 : i32
      %add3A_308 = arith.constant 1 : i32
      %add3A_309 = arith.addi %mul3A_307, %add3A_308 : i32
      %mul3A_310 = arith.constant 4 : i32
      %mul3A_311 = arith.muli %add3A_309, %mul3A_310 : i32
      %add3A_312 = arith.constant 0 : i32
      %add3A_313 = arith.addi %mul3A_311, %add3A_312 : i32
      %dma_start3A_314 = arith.constant 0 : i32
      %dma_start3A_315 = arith.constant 0 : i32
      %dma_start3A_316 = arith.constant 0 : i32
      %dma_start3A_317 = tpu.memref_slice %arg9[%dma_start3A_315, %dma_start3A_316] : memref<512x64xbf16, #tpu.memory_space<vmem>> -> memref<128x64xbf16, #tpu.memory_space<vmem>>
      %dma_start3A_318 = arith.constant 0 : i32
      %dma_start3A_319 = tpu.memref_slice %arg5[%dma_start3A_314, %add3A_313, %dma_start3A_318] : memref<2x156x128xi32, #tpu.memory_space<vmem>> -> memref<1x1x128xi32, #tpu.memory_space<vmem>>
      %dma_start3A_320 = tpu.memref_squeeze %dma_start3A_319 : memref<1x1x128xi32, #tpu.memory_space<vmem>> -> memref<128xi32, #tpu.memory_space<vmem>>
      %dma_start3A_321 = arith.constant 0 : i32
      %dma_start3A_322 = arith.constant 0 : i32
      %dma_start3A_323 = tpu.memref_slice %arg2[%arg0, %dma_start3A_321, %dma_start3A_322] : memref<2x10000x64xbf16, #tpu.memory_space<hbm>> -> memref<1x10000x64xbf16, #tpu.memory_space<hbm>>
      %dma_start3A_324 = tpu.memref_squeeze %dma_start3A_323 : memref<1x10000x64xbf16, #tpu.memory_space<hbm>> -> memref<10000x64xbf16, #tpu.memory_space<hbm>>
      %dma_start3A_325 = arith.constant 0 : i32
      %dma_start3A_326 = arith.constant 0 : i32
      %dma_start3A_327 = tpu.memref_slice %dma_start3A_324[%dma_start3A_325, %dma_start3A_326] : memref<10000x64xbf16, #tpu.memory_space<hbm>> -> memref<10000x64xbf16, #tpu.memory_space<hbm>>
      tpu.enqueue_indirect_dma source(%dma_start3A_327 : memref<10000x64xbf16, #tpu.memory_space<hbm>>) target(%dma_start3A_317 : memref<128x64xbf16, #tpu.memory_space<vmem>>) offsets(%dma_start3A_320 : memref<128xi32, #tpu.memory_space<vmem>>) semaphore(%arg10 : memref<!tpu.dma_semaphore, #tpu.memory_space<semaphore_mem>>)
      %mul3A_328 = arith.constant 4 : i32
      %mul3A_329 = arith.muli %add3A_309, %mul3A_328 : i32
      %add3A_330 = arith.constant 1 : i32
      %add3A_331 = arith.addi %mul3A_329, %add3A_330 : i32
      %dma_start3A_332 = arith.constant 0 : i32
      %dma_start3A_333 = arith.constant 128 : i32
      %dma_start3A_334 = arith.constant 0 : i32
      %dma_start3A_335 = tpu.memref_slice %arg9[%dma_start3A_333, %dma_start3A_334] : memref<512x64xbf16, #tpu.memory_space<vmem>> -> memref<128x64xbf16, #tpu.memory_space<vmem>>
      %dma_start3A_336 = arith.constant 0 : i32
      %dma_start3A_337 = tpu.memref_slice %arg5[%dma_start3A_332, %add3A_331, %dma_start3A_336] : memref<2x156x128xi32, #tpu.memory_space<vmem>> -> memref<1x1x128xi32, #tpu.memory_space<vmem>>
      %dma_start3A_338 = tpu.memref_squeeze %dma_start3A_337 : memref<1x1x128xi32, #tpu.memory_space<vmem>> -> memref<128xi32, #tpu.memory_space<vmem>>
      %dma_start3A_339 = arith.constant 0 : i32
      %dma_start3A_340 = arith.constant 0 : i32
      %dma_start3A_341 = tpu.memref_slice %arg2[%arg0, %dma_start3A_339, %dma_start3A_340] : memref<2x10000x64xbf16, #tpu.memory_space<hbm>> -> memref<1x10000x64xbf16, #tpu.memory_space<hbm>>
      %dma_start3A_342 = tpu.memref_squeeze %dma_start3A_341 : memref<1x10000x64xbf16, #tpu.memory_space<hbm>> -> memref<10000x64xbf16, #tpu.memory_space<hbm>>
      %dma_start3A_343 = arith.constant 0 : i32
      %dma_start3A_344 = arith.constant 0 : i32
      %dma_start3A_345 = tpu.memref_slice %dma_start3A_342[%dma_start3A_343, %dma_start3A_344] : memref<10000x64xbf16, #tpu.memory_space<hbm>> -> memref<10000x64xbf16, #tpu.memory_space<hbm>>
      tpu.enqueue_indirect_dma source(%dma_start3A_345 : memref<10000x64xbf16, #tpu.memory_space<hbm>>) target(%dma_start3A_335 : memref<128x64xbf16, #tpu.memory_space<vmem>>) offsets(%dma_start3A_338 : memref<128xi32, #tpu.memory_space<vmem>>) semaphore(%arg10 : memref<!tpu.dma_semaphore, #tpu.memory_space<semaphore_mem>>)
      %mul3A_346 = arith.constant 4 : i32
      %mul3A_347 = arith.muli %add3A_309, %mul3A_346 : i32
      %add3A_348 = arith.constant 2 : i32
      %add3A_349 = arith.addi %mul3A_347, %add3A_348 : i32
      %dma_start3A_350 = arith.constant 0 : i32
      %dma_start3A_351 = arith.constant 256 : i32
      %dma_start3A_352 = arith.constant 0 : i32
      %dma_start3A_353 = tpu.memref_slice %arg9[%dma_start3A_351, %dma_start3A_352] : memref<512x64xbf16, #tpu.memory_space<vmem>> -> memref<128x64xbf16, #tpu.memory_space<vmem>>
      %dma_start3A_354 = arith.constant 0 : i32
      %dma_start3A_355 = tpu.memref_slice %arg5[%dma_start3A_350, %add3A_349, %dma_start3A_354] : memref<2x156x128xi32, #tpu.memory_space<vmem>> -> memref<1x1x128xi32, #tpu.memory_space<vmem>>
      %dma_start3A_356 = tpu.memref_squeeze %dma_start3A_355 : memref<1x1x128xi32, #tpu.memory_space<vmem>> -> memref<128xi32, #tpu.memory_space<vmem>>
      %dma_start3A_357 = arith.constant 0 : i32
      %dma_start3A_358 = arith.constant 0 : i32
      %dma_start3A_359 = tpu.memref_slice %arg2[%arg0, %dma_start3A_357, %dma_start3A_358] : memref<2x10000x64xbf16, #tpu.memory_space<hbm>> -> memref<1x10000x64xbf16, #tpu.memory_space<hbm>>
      %dma_start3A_360 = tpu.memref_squeeze %dma_start3A_359 : memref<1x10000x64xbf16, #tpu.memory_space<hbm>> -> memref<10000x64xbf16, #tpu.memory_space<hbm>>
      %dma_start3A_361 = arith.constant 0 : i32
      %dma_start3A_362 = arith.constant 0 : i32
      %dma_start3A_363 = tpu.memref_slice %dma_start3A_360[%dma_start3A_361, %dma_start3A_362] : memref<10000x64xbf16, #tpu.memory_space<hbm>> -> memref<10000x64xbf16, #tpu.memory_space<hbm>>
      tpu.enqueue_indirect_dma source(%dma_start3A_363 : memref<10000x64xbf16, #tpu.memory_space<hbm>>) target(%dma_start3A_353 : memref<128x64xbf16, #tpu.memory_space<vmem>>) offsets(%dma_start3A_356 : memref<128xi32, #tpu.memory_space<vmem>>) semaphore(%arg10 : memref<!tpu.dma_semaphore, #tpu.memory_space<semaphore_mem>>)
      %mul3A_364 = arith.constant 4 : i32
      %mul3A_365 = arith.muli %add3A_309, %mul3A_364 : i32
      %add3A_366 = arith.constant 3 : i32
      %add3A_367 = arith.addi %mul3A_365, %add3A_366 : i32
      %dma_start3A_368 = arith.constant 0 : i32
      %dma_start3A_369 = arith.constant 384 : i32
      %dma_start3A_370 = arith.constant 0 : i32
      %dma_start3A_371 = tpu.memref_slice %arg9[%dma_start3A_369, %dma_start3A_370] : memref<512x64xbf16, #tpu.memory_space<vmem>> -> memref<128x64xbf16, #tpu.memory_space<vmem>>
      %dma_start3A_372 = arith.constant 0 : i32
      %dma_start3A_373 = tpu.memref_slice %arg5[%dma_start3A_368, %add3A_367, %dma_start3A_372] : memref<2x156x128xi32, #tpu.memory_space<vmem>> -> memref<1x1x128xi32, #tpu.memory_space<vmem>>
      %dma_start3A_374 = tpu.memref_squeeze %dma_start3A_373 : memref<1x1x128xi32, #tpu.memory_space<vmem>> -> memref<128xi32, #tpu.memory_space<vmem>>
      %dma_start3A_375 = arith.constant 0 : i32
      %dma_start3A_376 = arith.constant 0 : i32
      %dma_start3A_377 = tpu.memref_slice %arg2[%arg0, %dma_start3A_375, %dma_start3A_376] : memref<2x10000x64xbf16, #tpu.memory_space<hbm>> -> memref<1x10000x64xbf16, #tpu.memory_space<hbm>>
      %dma_start3A_378 = tpu.memref_squeeze %dma_start3A_377 : memref<1x10000x64xbf16, #tpu.memory_space<hbm>> -> memref<10000x64xbf16, #tpu.memory_space<hbm>>
      %dma_start3A_379 = arith.constant 0 : i32
      %dma_start3A_380 = arith.constant 0 : i32
      %dma_start3A_381 = tpu.memref_slice %dma_start3A_378[%dma_start3A_379, %dma_start3A_380] : memref<10000x64xbf16, #tpu.memory_space<hbm>> -> memref<10000x64xbf16, #tpu.memory_space<hbm>>
      tpu.enqueue_indirect_dma source(%dma_start3A_381 : memref<10000x64xbf16, #tpu.memory_space<hbm>>) target(%dma_start3A_371 : memref<128x64xbf16, #tpu.memory_space<vmem>>) offsets(%dma_start3A_374 : memref<128xi32, #tpu.memory_space<vmem>>) semaphore(%arg10 : memref<!tpu.dma_semaphore, #tpu.memory_space<semaphore_mem>>)
      %dma_wait3A_382 = arith.constant 0 : i32
      %dma_wait3A_383 = arith.constant 0 : i32
      %dma_wait3A_384 = tpu.memref_slice %arg2[%arg0, %dma_wait3A_382, %dma_wait3A_383] : memref<2x10000x64xbf16, #tpu.memory_space<hbm>> -> memref<1x10000x64xbf16, #tpu.memory_space<hbm>>
      %dma_wait3A_385 = tpu.memref_squeeze %dma_wait3A_384 : memref<1x10000x64xbf16, #tpu.memory_space<hbm>> -> memref<10000x64xbf16, #tpu.memory_space<hbm>>
      %dma_wait3A_386 = arith.constant 0 : i32
      %dma_wait3A_387 = arith.constant 0 : i32
      %dma_wait3A_388 = tpu.memref_slice %dma_wait3A_385[%dma_wait3A_386, %dma_wait3A_387] : memref<10000x64xbf16, #tpu.memory_space<hbm>> -> memref<512x64xbf16, #tpu.memory_space<hbm>>
      %dma_wait3A_389 = arith.constant 0 : i32
      %dma_wait3A_390 = arith.constant 0 : i32
      %dma_wait3A_391 = tpu.memref_slice %arg2[%arg0, %dma_wait3A_389, %dma_wait3A_390] : memref<2x10000x64xbf16, #tpu.memory_space<hbm>> -> memref<1x10000x64xbf16, #tpu.memory_space<hbm>>
      %dma_wait3A_392 = tpu.memref_squeeze %dma_wait3A_391 : memref<1x10000x64xbf16, #tpu.memory_space<hbm>> -> memref<10000x64xbf16, #tpu.memory_space<hbm>>
      %dma_wait3A_393 = arith.constant 0 : i32
      %dma_wait3A_394 = arith.constant 0 : i32
      %dma_wait3A_395 = tpu.memref_slice %dma_wait3A_392[%dma_wait3A_393, %dma_wait3A_394] : memref<10000x64xbf16, #tpu.memory_space<hbm>> -> memref<512x64xbf16, #tpu.memory_space<hbm>>
      tpu.wait_dma2 semaphore(%arg8 : memref<!tpu.dma_semaphore, #tpu.memory_space<semaphore_mem>>) src(%dma_wait3A_395 : memref<512x64xbf16, #tpu.memory_space<hbm>>) dst(%arg7 : memref<512x64xbf16, #tpu.memory_space<vmem>>)
      %mul3A_396 = arith.constant 4 : i32
      %mul3A_397 = arith.muli %mul3A_307, %mul3A_396 : i32
      %add3A_398 = arith.constant 0 : i32
      %add3A_399 = arith.addi %mul3A_397, %add3A_398 : i32
      %run_scoped3A_400 = arith.constant 1 : i32
      "tpu.region"() ({
        %run_scoped3A_526 = tpu.sem_alloc : memref<!tpu.dma_semaphore, #tpu.memory_space<semaphore_mem>>
        %dma_start3A_527 = arith.constant 0 : i32
        %dma_start3A_528 = arith.constant 0 : i32
        %dma_start3A_529 = tpu.memref_slice %arg7[%dma_start3A_527, %dma_start3A_528] : memref<512x64xbf16, #tpu.memory_space<vmem>> -> memref<128x64xbf16, #tpu.memory_space<vmem>>
        %dma_start3A_530 = arith.constant 0 : i32
        %dma_start3A_531 = tpu.memref_slice %arg5[%run_scoped3A_400, %add3A_399, %dma_start3A_530] : memref<2x156x128xi32, #tpu.memory_space<vmem>> -> memref<1x1x128xi32, #tpu.memory_space<vmem>>
        %dma_start3A_532 = tpu.memref_squeeze %dma_start3A_531 : memref<1x1x128xi32, #tpu.memory_space<vmem>> -> memref<128xi32, #tpu.memory_space<vmem>>
        %dma_start3A_533 = arith.constant 0 : i32
        %dma_start3A_534 = arith.constant 0 : i32
        %dma_start3A_535 = tpu.memref_slice %arg11[%dma_start3A_533, %dma_start3A_534] : memref<10496x64xbf16, #tpu.memory_space<vmem_shared>> -> memref<10496x64xbf16, #tpu.memory_space<vmem_shared>>
        tpu.enqueue_indirect_dma source(%dma_start3A_529 : memref<128x64xbf16, #tpu.memory_space<vmem>>) target(%dma_start3A_535 : memref<10496x64xbf16, #tpu.memory_space<vmem_shared>>) offsets(%dma_start3A_532 : memref<128xi32, #tpu.memory_space<vmem>>) semaphore(%run_scoped3A_526 : memref<!tpu.dma_semaphore, #tpu.memory_space<semaphore_mem>>) {add = true}
        %dma_wait3A_536 = arith.constant 0 : i32
        %dma_wait3A_537 = arith.constant 0 : i32
        %dma_wait3A_538 = tpu.memref_slice %arg7[%dma_wait3A_536, %dma_wait3A_537] : memref<512x64xbf16, #tpu.memory_space<vmem>> -> memref<128x64xbf16, #tpu.memory_space<vmem>>
        %dma_wait3A_539 = arith.constant 0 : i32
        %dma_wait3A_540 = tpu.memref_slice %arg5[%run_scoped3A_400, %add3A_399, %dma_wait3A_539] : memref<2x156x128xi32, #tpu.memory_space<vmem>> -> memref<1x1x128xi32, #tpu.memory_space<vmem>>
        %dma_wait3A_541 = tpu.memref_squeeze %dma_wait3A_540 : memref<1x1x128xi32, #tpu.memory_space<vmem>> -> memref<128xi32, #tpu.memory_space<vmem>>
        %dma_wait3A_542 = arith.constant 0 : i32
        %dma_wait3A_543 = arith.constant 0 : i32
        %dma_wait3A_544 = tpu.memref_slice %arg11[%dma_wait3A_542, %dma_wait3A_543] : memref<10496x64xbf16, #tpu.memory_space<vmem_shared>> -> memref<10496x64xbf16, #tpu.memory_space<vmem_shared>>
        tpu.wait_indirect_dma semaphore(%run_scoped3A_526 : memref<!tpu.dma_semaphore, #tpu.memory_space<semaphore_mem>>) src(%dma_wait3A_538 : memref<128x64xbf16, #tpu.memory_space<vmem>>) dst(%dma_wait3A_544 : memref<10496x64xbf16, #tpu.memory_space<vmem_shared>>)
        tpu.yield
      }) : () -> ()
      %mul3A_401 = arith.constant 4 : i32
      %mul3A_402 = arith.muli %mul3A_307, %mul3A_401 : i32
      %add3A_403 = arith.constant 1 : i32
      %add3A_404 = arith.addi %mul3A_402, %add3A_403 : i32
      %run_scoped3A_405 = arith.constant 1 : i32
      "tpu.region"() ({
        %run_scoped3A_526 = tpu.sem_alloc : memref<!tpu.dma_semaphore, #tpu.memory_space<semaphore_mem>>
        %dma_start3A_527 = arith.constant 128 : i32
        %dma_start3A_528 = arith.constant 0 : i32
        %dma_start3A_529 = tpu.memref_slice %arg7[%dma_start3A_527, %dma_start3A_528] : memref<512x64xbf16, #tpu.memory_space<vmem>> -> memref<128x64xbf16, #tpu.memory_space<vmem>>
        %dma_start3A_530 = arith.constant 0 : i32
        %dma_start3A_531 = tpu.memref_slice %arg5[%run_scoped3A_405, %add3A_404, %dma_start3A_530] : memref<2x156x128xi32, #tpu.memory_space<vmem>> -> memref<1x1x128xi32, #tpu.memory_space<vmem>>
        %dma_start3A_532 = tpu.memref_squeeze %dma_start3A_531 : memref<1x1x128xi32, #tpu.memory_space<vmem>> -> memref<128xi32, #tpu.memory_space<vmem>>
        %dma_start3A_533 = arith.constant 0 : i32
        %dma_start3A_534 = arith.constant 0 : i32
        %dma_start3A_535 = tpu.memref_slice %arg11[%dma_start3A_533, %dma_start3A_534] : memref<10496x64xbf16, #tpu.memory_space<vmem_shared>> -> memref<10496x64xbf16, #tpu.memory_space<vmem_shared>>
        tpu.enqueue_indirect_dma source(%dma_start3A_529 : memref<128x64xbf16, #tpu.memory_space<vmem>>) target(%dma_start3A_535 : memref<10496x64xbf16, #tpu.memory_space<vmem_shared>>) offsets(%dma_start3A_532 : memref<128xi32, #tpu.memory_space<vmem>>) semaphore(%run_scoped3A_526 : memref<!tpu.dma_semaphore, #tpu.memory_space<semaphore_mem>>) {add = true}
        %dma_wait3A_536 = arith.constant 128 : i32
        %dma_wait3A_537 = arith.constant 0 : i32
        %dma_wait3A_538 = tpu.memref_slice %arg7[%dma_wait3A_536, %dma_wait3A_537] : memref<512x64xbf16, #tpu.memory_space<vmem>> -> memref<128x64xbf16, #tpu.memory_space<vmem>>
        %dma_wait3A_539 = arith.constant 0 : i32
        %dma_wait3A_540 = tpu.memref_slice %arg5[%run_scoped3A_405, %add3A_404, %dma_wait3A_539] : memref<2x156x128xi32, #tpu.memory_space<vmem>> -> memref<1x1x128xi32, #tpu.memory_space<vmem>>
        %dma_wait3A_541 = tpu.memref_squeeze %dma_wait3A_540 : memref<1x1x128xi32, #tpu.memory_space<vmem>> -> memref<128xi32, #tpu.memory_space<vmem>>
        %dma_wait3A_542 = arith.constant 0 : i32
        %dma_wait3A_543 = arith.constant 0 : i32
        %dma_wait3A_544 = tpu.memref_slice %arg11[%dma_wait3A_542, %dma_wait3A_543] : memref<10496x64xbf16, #tpu.memory_space<vmem_shared>> -> memref<10496x64xbf16, #tpu.memory_space<vmem_shared>>
        tpu.wait_indirect_dma semaphore(%run_scoped3A_526 : memref<!tpu.dma_semaphore, #tpu.memory_space<semaphore_mem>>) src(%dma_wait3A_538 : memref<128x64xbf16, #tpu.memory_space<vmem>>) dst(%dma_wait3A_544 : memref<10496x64xbf16, #tpu.memory_space<vmem_shared>>)
        tpu.yield
      }) : () -> ()
      %mul3A_406 = arith.constant 4 : i32
      %mul3A_407 = arith.muli %mul3A_307, %mul3A_406 : i32
      %add3A_408 = arith.constant 2 : i32
      %add3A_409 = arith.addi %mul3A_407, %add3A_408 : i32
      %run_scoped3A_410 = arith.constant 1 : i32
      "tpu.region"() ({
        %run_scoped3A_526 = tpu.sem_alloc : memref<!tpu.dma_semaphore, #tpu.memory_space<semaphore_mem>>
        %dma_start3A_527 = arith.constant 256 : i32
        %dma_start3A_528 = arith.constant 0 : i32
        %dma_start3A_529 = tpu.memref_slice %arg7[%dma_start3A_527, %dma_start3A_528] : memref<512x64xbf16, #tpu.memory_space<vmem>> -> memref<128x64xbf16, #tpu.memory_space<vmem>>
        %dma_start3A_530 = arith.constant 0 : i32
        %dma_start3A_531 = tpu.memref_slice %arg5[%run_scoped3A_410, %add3A_409, %dma_start3A_530] : memref<2x156x128xi32, #tpu.memory_space<vmem>> -> memref<1x1x128xi32, #tpu.memory_space<vmem>>
        %dma_start3A_532 = tpu.memref_squeeze %dma_start3A_531 : memref<1x1x128xi32, #tpu.memory_space<vmem>> -> memref<128xi32, #tpu.memory_space<vmem>>
        %dma_start3A_533 = arith.constant 0 : i32
        %dma_start3A_534 = arith.constant 0 : i32
        %dma_start3A_535 = tpu.memref_slice %arg11[%dma_start3A_533, %dma_start3A_534] : memref<10496x64xbf16, #tpu.memory_space<vmem_shared>> -> memref<10496x64xbf16, #tpu.memory_space<vmem_shared>>
        tpu.enqueue_indirect_dma source(%dma_start3A_529 : memref<128x64xbf16, #tpu.memory_space<vmem>>) target(%dma_start3A_535 : memref<10496x64xbf16, #tpu.memory_space<vmem_shared>>) offsets(%dma_start3A_532 : memref<128xi32, #tpu.memory_space<vmem>>) semaphore(%run_scoped3A_526 : memref<!tpu.dma_semaphore, #tpu.memory_space<semaphore_mem>>) {add = true}
        %dma_wait3A_536 = arith.constant 256 : i32
        %dma_wait3A_537 = arith.constant 0 : i32
        %dma_wait3A_538 = tpu.memref_slice %arg7[%dma_wait3A_536, %dma_wait3A_537] : memref<512x64xbf16, #tpu.memory_space<vmem>> -> memref<128x64xbf16, #tpu.memory_space<vmem>>
        %dma_wait3A_539 = arith.constant 0 : i32
        %dma_wait3A_540 = tpu.memref_slice %arg5[%run_scoped3A_410, %add3A_409, %dma_wait3A_539] : memref<2x156x128xi32, #tpu.memory_space<vmem>> -> memref<1x1x128xi32, #tpu.memory_space<vmem>>
        %dma_wait3A_541 = tpu.memref_squeeze %dma_wait3A_540 : memref<1x1x128xi32, #tpu.memory_space<vmem>> -> memref<128xi32, #tpu.memory_space<vmem>>
        %dma_wait3A_542 = arith.constant 0 : i32
        %dma_wait3A_543 = arith.constant 0 : i32
        %dma_wait3A_544 = tpu.memref_slice %arg11[%dma_wait3A_542, %dma_wait3A_543] : memref<10496x64xbf16, #tpu.memory_space<vmem_shared>> -> memref<10496x64xbf16, #tpu.memory_space<vmem_shared>>
        tpu.wait_indirect_dma semaphore(%run_scoped3A_526 : memref<!tpu.dma_semaphore, #tpu.memory_space<semaphore_mem>>) src(%dma_wait3A_538 : memref<128x64xbf16, #tpu.memory_space<vmem>>) dst(%dma_wait3A_544 : memref<10496x64xbf16, #tpu.memory_space<vmem_shared>>)
        tpu.yield
      }) : () -> ()
      %mul3A_411 = arith.constant 4 : i32
      %mul3A_412 = arith.muli %mul3A_307, %mul3A_411 : i32
      %add3A_413 = arith.constant 3 : i32
      %add3A_414 = arith.addi %mul3A_412, %add3A_413 : i32
      %run_scoped3A_415 = arith.constant 1 : i32
      "tpu.region"() ({
        %run_scoped3A_526 = tpu.sem_alloc : memref<!tpu.dma_semaphore, #tpu.memory_space<semaphore_mem>>
        %dma_start3A_527 = arith.constant 384 : i32
        %dma_start3A_528 = arith.constant 0 : i32
        %dma_start3A_529 = tpu.memref_slice %arg7[%dma_start3A_527, %dma_start3A_528] : memref<512x64xbf16, #tpu.memory_space<vmem>> -> memref<128x64xbf16, #tpu.memory_space<vmem>>
        %dma_start3A_530 = arith.constant 0 : i32
        %dma_start3A_531 = tpu.memref_slice %arg5[%run_scoped3A_415, %add3A_414, %dma_start3A_530] : memref<2x156x128xi32, #tpu.memory_space<vmem>> -> memref<1x1x128xi32, #tpu.memory_space<vmem>>
        %dma_start3A_532 = tpu.memref_squeeze %dma_start3A_531 : memref<1x1x128xi32, #tpu.memory_space<vmem>> -> memref<128xi32, #tpu.memory_space<vmem>>
        %dma_start3A_533 = arith.constant 0 : i32
        %dma_start3A_534 = arith.constant 0 : i32
        %dma_start3A_535 = tpu.memref_slice %arg11[%dma_start3A_533, %dma_start3A_534] : memref<10496x64xbf16, #tpu.memory_space<vmem_shared>> -> memref<10496x64xbf16, #tpu.memory_space<vmem_shared>>
        tpu.enqueue_indirect_dma source(%dma_start3A_529 : memref<128x64xbf16, #tpu.memory_space<vmem>>) target(%dma_start3A_535 : memref<10496x64xbf16, #tpu.memory_space<vmem_shared>>) offsets(%dma_start3A_532 : memref<128xi32, #tpu.memory_space<vmem>>) semaphore(%run_scoped3A_526 : memref<!tpu.dma_semaphore, #tpu.memory_space<semaphore_mem>>) {add = true}
        %dma_wait3A_536 = arith.constant 384 : i32
        %dma_wait3A_537 = arith.constant 0 : i32
        %dma_wait3A_538 = tpu.memref_slice %arg7[%dma_wait3A_536, %dma_wait3A_537] : memref<512x64xbf16, #tpu.memory_space<vmem>> -> memref<128x64xbf16, #tpu.memory_space<vmem>>
        %dma_wait3A_539 = arith.constant 0 : i32
        %dma_wait3A_540 = tpu.memref_slice %arg5[%run_scoped3A_415, %add3A_414, %dma_wait3A_539] : memref<2x156x128xi32, #tpu.memory_space<vmem>> -> memref<1x1x128xi32, #tpu.memory_space<vmem>>
        %dma_wait3A_541 = tpu.memref_squeeze %dma_wait3A_540 : memref<1x1x128xi32, #tpu.memory_space<vmem>> -> memref<128xi32, #tpu.memory_space<vmem>>
        %dma_wait3A_542 = arith.constant 0 : i32
        %dma_wait3A_543 = arith.constant 0 : i32
        %dma_wait3A_544 = tpu.memref_slice %arg11[%dma_wait3A_542, %dma_wait3A_543] : memref<10496x64xbf16, #tpu.memory_space<vmem_shared>> -> memref<10496x64xbf16, #tpu.memory_space<vmem_shared>>
        tpu.wait_indirect_dma semaphore(%run_scoped3A_526 : memref<!tpu.dma_semaphore, #tpu.memory_space<semaphore_mem>>) src(%dma_wait3A_538 : memref<128x64xbf16, #tpu.memory_space<vmem>>) dst(%dma_wait3A_544 : memref<10496x64xbf16, #tpu.memory_space<vmem_shared>>)
        tpu.yield
      }) : () -> ()
      %add3A_416 = arith.constant 2 : i32
      %add3A_417 = arith.addi %mul3A_307, %add3A_416 : i32
      %mul3A_418 = arith.constant 4 : i32
      %mul3A_419 = arith.muli %add3A_417, %mul3A_418 : i32
      %add3A_420 = arith.constant 0 : i32
      %add3A_421 = arith.addi %mul3A_419, %add3A_420 : i32
      %dma_start3A_422 = arith.constant 0 : i32
      %dma_start3A_423 = arith.constant 0 : i32
      %dma_start3A_424 = arith.constant 0 : i32
      %dma_start3A_425 = tpu.memref_slice %arg7[%dma_start3A_423, %dma_start3A_424] : memref<512x64xbf16, #tpu.memory_space<vmem>> -> memref<128x64xbf16, #tpu.memory_space<vmem>>
      %dma_start3A_426 = arith.constant 0 : i32
      %dma_start3A_427 = tpu.memref_slice %arg5[%dma_start3A_422, %add3A_421, %dma_start3A_426] : memref<2x156x128xi32, #tpu.memory_space<vmem>> -> memref<1x1x128xi32, #tpu.memory_space<vmem>>
      %dma_start3A_428 = tpu.memref_squeeze %dma_start3A_427 : memref<1x1x128xi32, #tpu.memory_space<vmem>> -> memref<128xi32, #tpu.memory_space<vmem>>
      %dma_start3A_429 = arith.constant 0 : i32
      %dma_start3A_430 = arith.constant 0 : i32
      %dma_start3A_431 = tpu.memref_slice %arg2[%arg0, %dma_start3A_429, %dma_start3A_430] : memref<2x10000x64xbf16, #tpu.memory_space<hbm>> -> memref<1x10000x64xbf16, #tpu.memory_space<hbm>>
      %dma_start3A_432 = tpu.memref_squeeze %dma_start3A_431 : memref<1x10000x64xbf16, #tpu.memory_space<hbm>> -> memref<10000x64xbf16, #tpu.memory_space<hbm>>
      %dma_start3A_433 = arith.constant 0 : i32
      %dma_start3A_434 = arith.constant 0 : i32
      %dma_start3A_435 = tpu.memref_slice %dma_start3A_432[%dma_start3A_433, %dma_start3A_434] : memref<10000x64xbf16, #tpu.memory_space<hbm>> -> memref<10000x64xbf16, #tpu.memory_space<hbm>>
      tpu.enqueue_indirect_dma source(%dma_start3A_435 : memref<10000x64xbf16, #tpu.memory_space<hbm>>) target(%dma_start3A_425 : memref<128x64xbf16, #tpu.memory_space<vmem>>) offsets(%dma_start3A_428 : memref<128xi32, #tpu.memory_space<vmem>>) semaphore(%arg8 : memref<!tpu.dma_semaphore, #tpu.memory_space<semaphore_mem>>)
      %mul3A_436 = arith.constant 4 : i32
      %mul3A_437 = arith.muli %add3A_417, %mul3A_436 : i32
      %add3A_438 = arith.constant 1 : i32
      %add3A_439 = arith.addi %mul3A_437, %add3A_438 : i32
      %dma_start3A_440 = arith.constant 0 : i32
      %dma_start3A_441 = arith.constant 128 : i32
      %dma_start3A_442 = arith.constant 0 : i32
      %dma_start3A_443 = tpu.memref_slice %arg7[%dma_start3A_441, %dma_start3A_442] : memref<512x64xbf16, #tpu.memory_space<vmem>> -> memref<128x64xbf16, #tpu.memory_space<vmem>>
      %dma_start3A_444 = arith.constant 0 : i32
      %dma_start3A_445 = tpu.memref_slice %arg5[%dma_start3A_440, %add3A_439, %dma_start3A_444] : memref<2x156x128xi32, #tpu.memory_space<vmem>> -> memref<1x1x128xi32, #tpu.memory_space<vmem>>
      %dma_start3A_446 = tpu.memref_squeeze %dma_start3A_445 : memref<1x1x128xi32, #tpu.memory_space<vmem>> -> memref<128xi32, #tpu.memory_space<vmem>>
      %dma_start3A_447 = arith.constant 0 : i32
      %dma_start3A_448 = arith.constant 0 : i32
      %dma_start3A_449 = tpu.memref_slice %arg2[%arg0, %dma_start3A_447, %dma_start3A_448] : memref<2x10000x64xbf16, #tpu.memory_space<hbm>> -> memref<1x10000x64xbf16, #tpu.memory_space<hbm>>
      %dma_start3A_450 = tpu.memref_squeeze %dma_start3A_449 : memref<1x10000x64xbf16, #tpu.memory_space<hbm>> -> memref<10000x64xbf16, #tpu.memory_space<hbm>>
      %dma_start3A_451 = arith.constant 0 : i32
      %dma_start3A_452 = arith.constant 0 : i32
      %dma_start3A_453 = tpu.memref_slice %dma_start3A_450[%dma_start3A_451, %dma_start3A_452] : memref<10000x64xbf16, #tpu.memory_space<hbm>> -> memref<10000x64xbf16, #tpu.memory_space<hbm>>
      tpu.enqueue_indirect_dma source(%dma_start3A_453 : memref<10000x64xbf16, #tpu.memory_space<hbm>>) target(%dma_start3A_443 : memref<128x64xbf16, #tpu.memory_space<vmem>>) offsets(%dma_start3A_446 : memref<128xi32, #tpu.memory_space<vmem>>) semaphore(%arg8 : memref<!tpu.dma_semaphore, #tpu.memory_space<semaphore_mem>>)
      %mul3A_454 = arith.constant 4 : i32
      %mul3A_455 = arith.muli %add3A_417, %mul3A_454 : i32
      %add3A_456 = arith.constant 2 : i32
      %add3A_457 = arith.addi %mul3A_455, %add3A_456 : i32
      %dma_start3A_458 = arith.constant 0 : i32
      %dma_start3A_459 = arith.constant 256 : i32
      %dma_start3A_460 = arith.constant 0 : i32
      %dma_start3A_461 = tpu.memref_slice %arg7[%dma_start3A_459, %dma_start3A_460] : memref<512x64xbf16, #tpu.memory_space<vmem>> -> memref<128x64xbf16, #tpu.memory_space<vmem>>
      %dma_start3A_462 = arith.constant 0 : i32
      %dma_start3A_463 = tpu.memref_slice %arg5[%dma_start3A_458, %add3A_457, %dma_start3A_462] : memref<2x156x128xi32, #tpu.memory_space<vmem>> -> memref<1x1x128xi32, #tpu.memory_space<vmem>>
      %dma_start3A_464 = tpu.memref_squeeze %dma_start3A_463 : memref<1x1x128xi32, #tpu.memory_space<vmem>> -> memref<128xi32, #tpu.memory_space<vmem>>
      %dma_start3A_465 = arith.constant 0 : i32
      %dma_start3A_466 = arith.constant 0 : i32
      %dma_start3A_467 = tpu.memref_slice %arg2[%arg0, %dma_start3A_465, %dma_start3A_466] : memref<2x10000x64xbf16, #tpu.memory_space<hbm>> -> memref<1x10000x64xbf16, #tpu.memory_space<hbm>>
      %dma_start3A_468 = tpu.memref_squeeze %dma_start3A_467 : memref<1x10000x64xbf16, #tpu.memory_space<hbm>> -> memref<10000x64xbf16, #tpu.memory_space<hbm>>
      %dma_start3A_469 = arith.constant 0 : i32
      %dma_start3A_470 = arith.constant 0 : i32
      %dma_start3A_471 = tpu.memref_slice %dma_start3A_468[%dma_start3A_469, %dma_start3A_470] : memref<10000x64xbf16, #tpu.memory_space<hbm>> -> memref<10000x64xbf16, #tpu.memory_space<hbm>>
      tpu.enqueue_indirect_dma source(%dma_start3A_471 : memref<10000x64xbf16, #tpu.memory_space<hbm>>) target(%dma_start3A_461 : memref<128x64xbf16, #tpu.memory_space<vmem>>) offsets(%dma_start3A_464 : memref<128xi32, #tpu.memory_space<vmem>>) semaphore(%arg8 : memref<!tpu.dma_semaphore, #tpu.memory_space<semaphore_mem>>)
      %mul3A_472 = arith.constant 4 : i32
      %mul3A_473 = arith.muli %add3A_417, %mul3A_472 : i32
      %add3A_474 = arith.constant 3 : i32
      %add3A_475 = arith.addi %mul3A_473, %add3A_474 : i32
      %dma_start3A_476 = arith.constant 0 : i32
      %dma_start3A_477 = arith.constant 384 : i32
      %dma_start3A_478 = arith.constant 0 : i32
      %dma_start3A_479 = tpu.memref_slice %arg7[%dma_start3A_477, %dma_start3A_478] : memref<512x64xbf16, #tpu.memory_space<vmem>> -> memref<128x64xbf16, #tpu.memory_space<vmem>>
      %dma_start3A_480 = arith.constant 0 : i32
      %dma_start3A_481 = tpu.memref_slice %arg5[%dma_start3A_476, %add3A_475, %dma_start3A_480] : memref<2x156x128xi32, #tpu.memory_space<vmem>> -> memref<1x1x128xi32, #tpu.memory_space<vmem>>
      %dma_start3A_482 = tpu.memref_squeeze %dma_start3A_481 : memref<1x1x128xi32, #tpu.memory_space<vmem>> -> memref<128xi32, #tpu.memory_space<vmem>>
      %dma_start3A_483 = arith.constant 0 : i32
      %dma_start3A_484 = arith.constant 0 : i32
      %dma_start3A_485 = tpu.memref_slice %arg2[%arg0, %dma_start3A_483, %dma_start3A_484] : memref<2x10000x64xbf16, #tpu.memory_space<hbm>> -> memref<1x10000x64xbf16, #tpu.memory_space<hbm>>
      %dma_start3A_486 = tpu.memref_squeeze %dma_start3A_485 : memref<1x10000x64xbf16, #tpu.memory_space<hbm>> -> memref<10000x64xbf16, #tpu.memory_space<hbm>>
      %dma_start3A_487 = arith.constant 0 : i32
      %dma_start3A_488 = arith.constant 0 : i32
      %dma_start3A_489 = tpu.memref_slice %dma_start3A_486[%dma_start3A_487, %dma_start3A_488] : memref<10000x64xbf16, #tpu.memory_space<hbm>> -> memref<10000x64xbf16, #tpu.memory_space<hbm>>
      tpu.enqueue_indirect_dma source(%dma_start3A_489 : memref<10000x64xbf16, #tpu.memory_space<hbm>>) target(%dma_start3A_479 : memref<128x64xbf16, #tpu.memory_space<vmem>>) offsets(%dma_start3A_482 : memref<128xi32, #tpu.memory_space<vmem>>) semaphore(%arg8 : memref<!tpu.dma_semaphore, #tpu.memory_space<semaphore_mem>>)
      %add3A_490 = arith.constant 1 : i32
      %add3A_491 = arith.addi %mul3A_307, %add3A_490 : i32
      %dma_wait3A_492 = arith.constant 0 : i32
      %dma_wait3A_493 = arith.constant 0 : i32
      %dma_wait3A_494 = tpu.memref_slice %arg2[%arg0, %dma_wait3A_492, %dma_wait3A_493] : memref<2x10000x64xbf16, #tpu.memory_space<hbm>> -> memref<1x10000x64xbf16, #tpu.memory_space<hbm>>
      %dma_wait3A_495 = tpu.memref_squeeze %dma_wait3A_494 : memref<1x10000x64xbf16, #tpu.memory_space<hbm>> -> memref<10000x64xbf16, #tpu.memory_space<hbm>>
      %dma_wait3A_496 = arith.constant 0 : i32
      %dma_wait3A_497 = arith.constant 0 : i32
      %dma_wait3A_498 = tpu.memref_slice %dma_wait3A_495[%dma_wait3A_496, %dma_wait3A_497] : memref<10000x64xbf16, #tpu.memory_space<hbm>> -> memref<512x64xbf16, #tpu.memory_space<hbm>>
      %dma_wait3A_499 = arith.constant 0 : i32
      %dma_wait3A_500 = arith.constant 0 : i32
      %dma_wait3A_501 = tpu.memref_slice %arg2[%arg0, %dma_wait3A_499, %dma_wait3A_500] : memref<2x10000x64xbf16, #tpu.memory_space<hbm>> -> memref<1x10000x64xbf16, #tpu.memory_space<hbm>>
      %dma_wait3A_502 = tpu.memref_squeeze %dma_wait3A_501 : memref<1x10000x64xbf16, #tpu.memory_space<hbm>> -> memref<10000x64xbf16, #tpu.memory_space<hbm>>
      %dma_wait3A_503 = arith.constant 0 : i32
      %dma_wait3A_504 = arith.constant 0 : i32
      %dma_wait3A_505 = tpu.memref_slice %dma_wait3A_502[%dma_wait3A_503, %dma_wait3A_504] : memref<10000x64xbf16, #tpu.memory_space<hbm>> -> memref<512x64xbf16, #tpu.memory_space<hbm>>
      tpu.wait_dma2 semaphore(%arg10 : memref<!tpu.dma_semaphore, #tpu.memory_space<semaphore_mem>>) src(%dma_wait3A_505 : memref<512x64xbf16, #tpu.memory_space<hbm>>) dst(%arg9 : memref<512x64xbf16, #tpu.memory_space<vmem>>)
      %mul3A_506 = arith.constant 4 : i32
      %mul3A_507 = arith.muli %add3A_491, %mul3A_506 : i32
      %add3A_508 = arith.constant 0 : i32
      %add3A_509 = arith.addi %mul3A_507, %add3A_508 : i32
      %run_scoped3A_510 = arith.constant 1 : i32
      "tpu.region"() ({
        %run_scoped3A_526 = tpu.sem_alloc : memref<!tpu.dma_semaphore, #tpu.memory_space<semaphore_mem>>
        %dma_start3A_527 = arith.constant 0 : i32
        %dma_start3A_528 = arith.constant 0 : i32
        %dma_start3A_529 = tpu.memref_slice %arg9[%dma_start3A_527, %dma_start3A_528] : memref<512x64xbf16, #tpu.memory_space<vmem>> -> memref<128x64xbf16, #tpu.memory_space<vmem>>
        %dma_start3A_530 = arith.constant 0 : i32
        %dma_start3A_531 = tpu.memref_slice %arg5[%run_scoped3A_510, %add3A_509, %dma_start3A_530] : memref<2x156x128xi32, #tpu.memory_space<vmem>> -> memref<1x1x128xi32, #tpu.memory_space<vmem>>
        %dma_start3A_532 = tpu.memref_squeeze %dma_start3A_531 : memref<1x1x128xi32, #tpu.memory_space<vmem>> -> memref<128xi32, #tpu.memory_space<vmem>>
        %dma_start3A_533 = arith.constant 0 : i32
        %dma_start3A_534 = arith.constant 0 : i32
        %dma_start3A_535 = tpu.memref_slice %arg11[%dma_start3A_533, %dma_start3A_534] : memref<10496x64xbf16, #tpu.memory_space<vmem_shared>> -> memref<10496x64xbf16, #tpu.memory_space<vmem_shared>>
        tpu.enqueue_indirect_dma source(%dma_start3A_529 : memref<128x64xbf16, #tpu.memory_space<vmem>>) target(%dma_start3A_535 : memref<10496x64xbf16, #tpu.memory_space<vmem_shared>>) offsets(%dma_start3A_532 : memref<128xi32, #tpu.memory_space<vmem>>) semaphore(%run_scoped3A_526 : memref<!tpu.dma_semaphore, #tpu.memory_space<semaphore_mem>>) {add = true}
        %dma_wait3A_536 = arith.constant 0 : i32
        %dma_wait3A_537 = arith.constant 0 : i32
        %dma_wait3A_538 = tpu.memref_slice %arg9[%dma_wait3A_536, %dma_wait3A_537] : memref<512x64xbf16, #tpu.memory_space<vmem>> -> memref<128x64xbf16, #tpu.memory_space<vmem>>
        %dma_wait3A_539 = arith.constant 0 : i32
        %dma_wait3A_540 = tpu.memref_slice %arg5[%run_scoped3A_510, %add3A_509, %dma_wait3A_539] : memref<2x156x128xi32, #tpu.memory_space<vmem>> -> memref<1x1x128xi32, #tpu.memory_space<vmem>>
        %dma_wait3A_541 = tpu.memref_squeeze %dma_wait3A_540 : memref<1x1x128xi32, #tpu.memory_space<vmem>> -> memref<128xi32, #tpu.memory_space<vmem>>
        %dma_wait3A_542 = arith.constant 0 : i32
        %dma_wait3A_543 = arith.constant 0 : i32
        %dma_wait3A_544 = tpu.memref_slice %arg11[%dma_wait3A_542, %dma_wait3A_543] : memref<10496x64xbf16, #tpu.memory_space<vmem_shared>> -> memref<10496x64xbf16, #tpu.memory_space<vmem_shared>>
        tpu.wait_indirect_dma semaphore(%run_scoped3A_526 : memref<!tpu.dma_semaphore, #tpu.memory_space<semaphore_mem>>) src(%dma_wait3A_538 : memref<128x64xbf16, #tpu.memory_space<vmem>>) dst(%dma_wait3A_544 : memref<10496x64xbf16, #tpu.memory_space<vmem_shared>>)
        tpu.yield
      }) : () -> ()
      %mul3A_511 = arith.constant 4 : i32
      %mul3A_512 = arith.muli %add3A_491, %mul3A_511 : i32
      %add3A_513 = arith.constant 1 : i32
      %add3A_514 = arith.addi %mul3A_512, %add3A_513 : i32
      %run_scoped3A_515 = arith.constant 1 : i32
      "tpu.region"() ({
        %run_scoped3A_526 = tpu.sem_alloc : memref<!tpu.dma_semaphore, #tpu.memory_space<semaphore_mem>>
        %dma_start3A_527 = arith.constant 128 : i32
        %dma_start3A_528 = arith.constant 0 : i32
        %dma_start3A_529 = tpu.memref_slice %arg9[%dma_start3A_527, %dma_start3A_528] : memref<512x64xbf16, #tpu.memory_space<vmem>> -> memref<128x64xbf16, #tpu.memory_space<vmem>>
        %dma_start3A_530 = arith.constant 0 : i32
        %dma_start3A_531 = tpu.memref_slice %arg5[%run_scoped3A_515, %add3A_514, %dma_start3A_530] : memref<2x156x128xi32, #tpu.memory_space<vmem>> -> memref<1x1x128xi32, #tpu.memory_space<vmem>>
        %dma_start3A_532 = tpu.memref_squeeze %dma_start3A_531 : memref<1x1x128xi32, #tpu.memory_space<vmem>> -> memref<128xi32, #tpu.memory_space<vmem>>
        %dma_start3A_533 = arith.constant 0 : i32
        %dma_start3A_534 = arith.constant 0 : i32
        %dma_start3A_535 = tpu.memref_slice %arg11[%dma_start3A_533, %dma_start3A_534] : memref<10496x64xbf16, #tpu.memory_space<vmem_shared>> -> memref<10496x64xbf16, #tpu.memory_space<vmem_shared>>
        tpu.enqueue_indirect_dma source(%dma_start3A_529 : memref<128x64xbf16, #tpu.memory_space<vmem>>) target(%dma_start3A_535 : memref<10496x64xbf16, #tpu.memory_space<vmem_shared>>) offsets(%dma_start3A_532 : memref<128xi32, #tpu.memory_space<vmem>>) semaphore(%run_scoped3A_526 : memref<!tpu.dma_semaphore, #tpu.memory_space<semaphore_mem>>) {add = true}
        %dma_wait3A_536 = arith.constant 128 : i32
        %dma_wait3A_537 = arith.constant 0 : i32
        %dma_wait3A_538 = tpu.memref_slice %arg9[%dma_wait3A_536, %dma_wait3A_537] : memref<512x64xbf16, #tpu.memory_space<vmem>> -> memref<128x64xbf16, #tpu.memory_space<vmem>>
        %dma_wait3A_539 = arith.constant 0 : i32
        %dma_wait3A_540 = tpu.memref_slice %arg5[%run_scoped3A_515, %add3A_514, %dma_wait3A_539] : memref<2x156x128xi32, #tpu.memory_space<vmem>> -> memref<1x1x128xi32, #tpu.memory_space<vmem>>
        %dma_wait3A_541 = tpu.memref_squeeze %dma_wait3A_540 : memref<1x1x128xi32, #tpu.memory_space<vmem>> -> memref<128xi32, #tpu.memory_space<vmem>>
        %dma_wait3A_542 = arith.constant 0 : i32
        %dma_wait3A_543 = arith.constant 0 : i32
        %dma_wait3A_544 = tpu.memref_slice %arg11[%dma_wait3A_542, %dma_wait3A_543] : memref<10496x64xbf16, #tpu.memory_space<vmem_shared>> -> memref<10496x64xbf16, #tpu.memory_space<vmem_shared>>
        tpu.wait_indirect_dma semaphore(%run_scoped3A_526 : memref<!tpu.dma_semaphore, #tpu.memory_space<semaphore_mem>>) src(%dma_wait3A_538 : memref<128x64xbf16, #tpu.memory_space<vmem>>) dst(%dma_wait3A_544 : memref<10496x64xbf16, #tpu.memory_space<vmem_shared>>)
        tpu.yield
      }) : () -> ()
      %mul3A_516 = arith.constant 4 : i32
      %mul3A_517 = arith.muli %add3A_491, %mul3A_516 : i32
      %add3A_518 = arith.constant 2 : i32
      %add3A_519 = arith.addi %mul3A_517, %add3A_518 : i32
      %run_scoped3A_520 = arith.constant 1 : i32
      "tpu.region"() ({
        %run_scoped3A_526 = tpu.sem_alloc : memref<!tpu.dma_semaphore, #tpu.memory_space<semaphore_mem>>
        %dma_start3A_527 = arith.constant 256 : i32
        %dma_start3A_528 = arith.constant 0 : i32
        %dma_start3A_529 = tpu.memref_slice %arg9[%dma_start3A_527, %dma_start3A_528] : memref<512x64xbf16, #tpu.memory_space<vmem>> -> memref<128x64xbf16, #tpu.memory_space<vmem>>
        %dma_start3A_530 = arith.constant 0 : i32
        %dma_start3A_531 = tpu.memref_slice %arg5[%run_scoped3A_520, %add3A_519, %dma_start3A_530] : memref<2x156x128xi32, #tpu.memory_space<vmem>> -> memref<1x1x128xi32, #tpu.memory_space<vmem>>
        %dma_start3A_532 = tpu.memref_squeeze %dma_start3A_531 : memref<1x1x128xi32, #tpu.memory_space<vmem>> -> memref<128xi32, #tpu.memory_space<vmem>>
        %dma_start3A_533 = arith.constant 0 : i32
        %dma_start3A_534 = arith.constant 0 : i32
        %dma_start3A_535 = tpu.memref_slice %arg11[%dma_start3A_533, %dma_start3A_534] : memref<10496x64xbf16, #tpu.memory_space<vmem_shared>> -> memref<10496x64xbf16, #tpu.memory_space<vmem_shared>>
        tpu.enqueue_indirect_dma source(%dma_start3A_529 : memref<128x64xbf16, #tpu.memory_space<vmem>>) target(%dma_start3A_535 : memref<10496x64xbf16, #tpu.memory_space<vmem_shared>>) offsets(%dma_start3A_532 : memref<128xi32, #tpu.memory_space<vmem>>) semaphore(%run_scoped3A_526 : memref<!tpu.dma_semaphore, #tpu.memory_space<semaphore_mem>>) {add = true}
        %dma_wait3A_536 = arith.constant 256 : i32
        %dma_wait3A_537 = arith.constant 0 : i32
        %dma_wait3A_538 = tpu.memref_slice %arg9[%dma_wait3A_536, %dma_wait3A_537] : memref<512x64xbf16, #tpu.memory_space<vmem>> -> memref<128x64xbf16, #tpu.memory_space<vmem>>
        %dma_wait3A_539 = arith.constant 0 : i32
        %dma_wait3A_540 = tpu.memref_slice %arg5[%run_scoped3A_520, %add3A_519, %dma_wait3A_539] : memref<2x156x128xi32, #tpu.memory_space<vmem>> -> memref<1x1x128xi32, #tpu.memory_space<vmem>>
        %dma_wait3A_541 = tpu.memref_squeeze %dma_wait3A_540 : memref<1x1x128xi32, #tpu.memory_space<vmem>> -> memref<128xi32, #tpu.memory_space<vmem>>
        %dma_wait3A_542 = arith.constant 0 : i32
        %dma_wait3A_543 = arith.constant 0 : i32
        %dma_wait3A_544 = tpu.memref_slice %arg11[%dma_wait3A_542, %dma_wait3A_543] : memref<10496x64xbf16, #tpu.memory_space<vmem_shared>> -> memref<10496x64xbf16, #tpu.memory_space<vmem_shared>>
        tpu.wait_indirect_dma semaphore(%run_scoped3A_526 : memref<!tpu.dma_semaphore, #tpu.memory_space<semaphore_mem>>) src(%dma_wait3A_538 : memref<128x64xbf16, #tpu.memory_space<vmem>>) dst(%dma_wait3A_544 : memref<10496x64xbf16, #tpu.memory_space<vmem_shared>>)
        tpu.yield
      }) : () -> ()
      %mul3A_521 = arith.constant 4 : i32
      %mul3A_522 = arith.muli %add3A_491, %mul3A_521 : i32
      %add3A_523 = arith.constant 3 : i32
      %add3A_524 = arith.addi %mul3A_522, %add3A_523 : i32
      %run_scoped3A_525 = arith.constant 1 : i32
      "tpu.region"() ({
        %run_scoped3A_526 = tpu.sem_alloc : memref<!tpu.dma_semaphore, #tpu.memory_space<semaphore_mem>>
        %dma_start3A_527 = arith.constant 384 : i32
        %dma_start3A_528 = arith.constant 0 : i32
        %dma_start3A_529 = tpu.memref_slice %arg9[%dma_start3A_527, %dma_start3A_528] : memref<512x64xbf16, #tpu.memory_space<vmem>> -> memref<128x64xbf16, #tpu.memory_space<vmem>>
        %dma_start3A_530 = arith.constant 0 : i32
        %dma_start3A_531 = tpu.memref_slice %arg5[%run_scoped3A_525, %add3A_524, %dma_start3A_530] : memref<2x156x128xi32, #tpu.memory_space<vmem>> -> memref<1x1x128xi32, #tpu.memory_space<vmem>>
        %dma_start3A_532 = tpu.memref_squeeze %dma_start3A_531 : memref<1x1x128xi32, #tpu.memory_space<vmem>> -> memref<128xi32, #tpu.memory_space<vmem>>
        %dma_start3A_533 = arith.constant 0 : i32
        %dma_start3A_534 = arith.constant 0 : i32
        %dma_start3A_535 = tpu.memref_slice %arg11[%dma_start3A_533, %dma_start3A_534] : memref<10496x64xbf16, #tpu.memory_space<vmem_shared>> -> memref<10496x64xbf16, #tpu.memory_space<vmem_shared>>
        tpu.enqueue_indirect_dma source(%dma_start3A_529 : memref<128x64xbf16, #tpu.memory_space<vmem>>) target(%dma_start3A_535 : memref<10496x64xbf16, #tpu.memory_space<vmem_shared>>) offsets(%dma_start3A_532 : memref<128xi32, #tpu.memory_space<vmem>>) semaphore(%run_scoped3A_526 : memref<!tpu.dma_semaphore, #tpu.memory_space<semaphore_mem>>) {add = true}
        %dma_wait3A_536 = arith.constant 384 : i32
        %dma_wait3A_537 = arith.constant 0 : i32
        %dma_wait3A_538 = tpu.memref_slice %arg9[%dma_wait3A_536, %dma_wait3A_537] : memref<512x64xbf16, #tpu.memory_space<vmem>> -> memref<128x64xbf16, #tpu.memory_space<vmem>>
        %dma_wait3A_539 = arith.constant 0 : i32
        %dma_wait3A_540 = tpu.memref_slice %arg5[%run_scoped3A_525, %add3A_524, %dma_wait3A_539] : memref<2x156x128xi32, #tpu.memory_space<vmem>> -> memref<1x1x128xi32, #tpu.memory_space<vmem>>
        %dma_wait3A_541 = tpu.memref_squeeze %dma_wait3A_540 : memref<1x1x128xi32, #tpu.memory_space<vmem>> -> memref<128xi32, #tpu.memory_space<vmem>>
        %dma_wait3A_542 = arith.constant 0 : i32
        %dma_wait3A_543 = arith.constant 0 : i32
        %dma_wait3A_544 = tpu.memref_slice %arg11[%dma_wait3A_542, %dma_wait3A_543] : memref<10496x64xbf16, #tpu.memory_space<vmem_shared>> -> memref<10496x64xbf16, #tpu.memory_space<vmem_shared>>
        tpu.wait_indirect_dma semaphore(%run_scoped3A_526 : memref<!tpu.dma_semaphore, #tpu.memory_space<semaphore_mem>>) src(%dma_wait3A_538 : memref<128x64xbf16, #tpu.memory_space<vmem>>) dst(%dma_wait3A_544 : memref<10496x64xbf16, #tpu.memory_space<vmem_shared>>)
        tpu.yield
      }) : () -> ()
    }
    %scan3A_112 = arith.constant 18 : i32
    %dma_start3A_113 = arith.constant 0 : i32
    %dma_start3A_114 = arith.constant 148 : i32
    %dma_start3A_115 = arith.constant 0 : i32
    %dma_start3A_116 = arith.constant 0 : i32
    %dma_start3A_117 = tpu.memref_slice %arg9[%dma_start3A_115, %dma_start3A_116] : memref<512x64xbf16, #tpu.memory_space<vmem>> -> memref<128x64xbf16, #tpu.memory_space<vmem>>
    %dma_start3A_118 = arith.constant 0 : i32
    %dma_start3A_119 = tpu.memref_slice %arg5[%dma_start3A_113, %dma_start3A_114, %dma_start3A_118] : memref<2x156x128xi32, #tpu.memory_space<vmem>> -> memref<1x1x128xi32, #tpu.memory_space<vmem>>
    %dma_start3A_120 = tpu.memref_squeeze %dma_start3A_119 : memref<1x1x128xi32, #tpu.memory_space<vmem>> -> memref<128xi32, #tpu.memory_space<vmem>>
    %dma_start3A_121 = arith.constant 0 : i32
    %dma_start3A_122 = arith.constant 0 : i32
    %dma_start3A_123 = tpu.memref_slice %arg2[%arg0, %dma_start3A_121, %dma_start3A_122] : memref<2x10000x64xbf16, #tpu.memory_space<hbm>> -> memref<1x10000x64xbf16, #tpu.memory_space<hbm>>
    %dma_start3A_124 = tpu.memref_squeeze %dma_start3A_123 : memref<1x10000x64xbf16, #tpu.memory_space<hbm>> -> memref<10000x64xbf16, #tpu.memory_space<hbm>>
    %dma_start3A_125 = arith.constant 0 : i32
    %dma_start3A_126 = arith.constant 0 : i32
    %dma_start3A_127 = tpu.memref_slice %dma_start3A_124[%dma_start3A_125, %dma_start3A_126] : memref<10000x64xbf16, #tpu.memory_space<hbm>> -> memref<10000x64xbf16, #tpu.memory_space<hbm>>
    tpu.enqueue_indirect_dma source(%dma_start3A_127 : memref<10000x64xbf16, #tpu.memory_space<hbm>>) target(%dma_start3A_117 : memref<128x64xbf16, #tpu.memory_space<vmem>>) offsets(%dma_start3A_120 : memref<128xi32, #tpu.memory_space<vmem>>) semaphore(%arg10 : memref<!tpu.dma_semaphore, #tpu.memory_space<semaphore_mem>>)
    %dma_start3A_128 = arith.constant 0 : i32
    %dma_start3A_129 = arith.constant 149 : i32
    %dma_start3A_130 = arith.constant 128 : i32
    %dma_start3A_131 = arith.constant 0 : i32
    %dma_start3A_132 = tpu.memref_slice %arg9[%dma_start3A_130, %dma_start3A_131] : memref<512x64xbf16, #tpu.memory_space<vmem>> -> memref<128x64xbf16, #tpu.memory_space<vmem>>
    %dma_start3A_133 = arith.constant 0 : i32
    %dma_start3A_134 = tpu.memref_slice %arg5[%dma_start3A_128, %dma_start3A_129, %dma_start3A_133] : memref<2x156x128xi32, #tpu.memory_space<vmem>> -> memref<1x1x128xi32, #tpu.memory_space<vmem>>
    %dma_start3A_135 = tpu.memref_squeeze %dma_start3A_134 : memref<1x1x128xi32, #tpu.memory_space<vmem>> -> memref<128xi32, #tpu.memory_space<vmem>>
    %dma_start3A_136 = arith.constant 0 : i32
    %dma_start3A_137 = arith.constant 0 : i32
    %dma_start3A_138 = tpu.memref_slice %arg2[%arg0, %dma_start3A_136, %dma_start3A_137] : memref<2x10000x64xbf16, #tpu.memory_space<hbm>> -> memref<1x10000x64xbf16, #tpu.memory_space<hbm>>
    %dma_start3A_139 = tpu.memref_squeeze %dma_start3A_138 : memref<1x10000x64xbf16, #tpu.memory_space<hbm>> -> memref<10000x64xbf16, #tpu.memory_space<hbm>>
    %dma_start3A_140 = arith.constant 0 : i32
    %dma_start3A_141 = arith.constant 0 : i32
    %dma_start3A_142 = tpu.memref_slice %dma_start3A_139[%dma_start3A_140, %dma_start3A_141] : memref<10000x64xbf16, #tpu.memory_space<hbm>> -> memref<10000x64xbf16, #tpu.memory_space<hbm>>
    tpu.enqueue_indirect_dma source(%dma_start3A_142 : memref<10000x64xbf16, #tpu.memory_space<hbm>>) target(%dma_start3A_132 : memref<128x64xbf16, #tpu.memory_space<vmem>>) offsets(%dma_start3A_135 : memref<128xi32, #tpu.memory_space<vmem>>) semaphore(%arg10 : memref<!tpu.dma_semaphore, #tpu.memory_space<semaphore_mem>>)
    %dma_start3A_143 = arith.constant 0 : i32
    %dma_start3A_144 = arith.constant 150 : i32
    %dma_start3A_145 = arith.constant 256 : i32
    %dma_start3A_146 = arith.constant 0 : i32
    %dma_start3A_147 = tpu.memref_slice %arg9[%dma_start3A_145, %dma_start3A_146] : memref<512x64xbf16, #tpu.memory_space<vmem>> -> memref<128x64xbf16, #tpu.memory_space<vmem>>
    %dma_start3A_148 = arith.constant 0 : i32
    %dma_start3A_149 = tpu.memref_slice %arg5[%dma_start3A_143, %dma_start3A_144, %dma_start3A_148] : memref<2x156x128xi32, #tpu.memory_space<vmem>> -> memref<1x1x128xi32, #tpu.memory_space<vmem>>
    %dma_start3A_150 = tpu.memref_squeeze %dma_start3A_149 : memref<1x1x128xi32, #tpu.memory_space<vmem>> -> memref<128xi32, #tpu.memory_space<vmem>>
    %dma_start3A_151 = arith.constant 0 : i32
    %dma_start3A_152 = arith.constant 0 : i32
    %dma_start3A_153 = tpu.memref_slice %arg2[%arg0, %dma_start3A_151, %dma_start3A_152] : memref<2x10000x64xbf16, #tpu.memory_space<hbm>> -> memref<1x10000x64xbf16, #tpu.memory_space<hbm>>
    %dma_start3A_154 = tpu.memref_squeeze %dma_start3A_153 : memref<1x10000x64xbf16, #tpu.memory_space<hbm>> -> memref<10000x64xbf16, #tpu.memory_space<hbm>>
    %dma_start3A_155 = arith.constant 0 : i32
    %dma_start3A_156 = arith.constant 0 : i32
    %dma_start3A_157 = tpu.memref_slice %dma_start3A_154[%dma_start3A_155, %dma_start3A_156] : memref<10000x64xbf16, #tpu.memory_space<hbm>> -> memref<10000x64xbf16, #tpu.memory_space<hbm>>
    tpu.enqueue_indirect_dma source(%dma_start3A_157 : memref<10000x64xbf16, #tpu.memory_space<hbm>>) target(%dma_start3A_147 : memref<128x64xbf16, #tpu.memory_space<vmem>>) offsets(%dma_start3A_150 : memref<128xi32, #tpu.memory_space<vmem>>) semaphore(%arg10 : memref<!tpu.dma_semaphore, #tpu.memory_space<semaphore_mem>>)
    %dma_start3A_158 = arith.constant 0 : i32
    %dma_start3A_159 = arith.constant 151 : i32
    %dma_start3A_160 = arith.constant 384 : i32
    %dma_start3A_161 = arith.constant 0 : i32
    %dma_start3A_162 = tpu.memref_slice %arg9[%dma_start3A_160, %dma_start3A_161] : memref<512x64xbf16, #tpu.memory_space<vmem>> -> memref<128x64xbf16, #tpu.memory_space<vmem>>
    %dma_start3A_163 = arith.constant 0 : i32
    %dma_start3A_164 = tpu.memref_slice %arg5[%dma_start3A_158, %dma_start3A_159, %dma_start3A_163] : memref<2x156x128xi32, #tpu.memory_space<vmem>> -> memref<1x1x128xi32, #tpu.memory_space<vmem>>
    %dma_start3A_165 = tpu.memref_squeeze %dma_start3A_164 : memref<1x1x128xi32, #tpu.memory_space<vmem>> -> memref<128xi32, #tpu.memory_space<vmem>>
    %dma_start3A_166 = arith.constant 0 : i32
    %dma_start3A_167 = arith.constant 0 : i32
    %dma_start3A_168 = tpu.memref_slice %arg2[%arg0, %dma_start3A_166, %dma_start3A_167] : memref<2x10000x64xbf16, #tpu.memory_space<hbm>> -> memref<1x10000x64xbf16, #tpu.memory_space<hbm>>
    %dma_start3A_169 = tpu.memref_squeeze %dma_start3A_168 : memref<1x10000x64xbf16, #tpu.memory_space<hbm>> -> memref<10000x64xbf16, #tpu.memory_space<hbm>>
    %dma_start3A_170 = arith.constant 0 : i32
    %dma_start3A_171 = arith.constant 0 : i32
    %dma_start3A_172 = tpu.memref_slice %dma_start3A_169[%dma_start3A_170, %dma_start3A_171] : memref<10000x64xbf16, #tpu.memory_space<hbm>> -> memref<10000x64xbf16, #tpu.memory_space<hbm>>
    tpu.enqueue_indirect_dma source(%dma_start3A_172 : memref<10000x64xbf16, #tpu.memory_space<hbm>>) target(%dma_start3A_162 : memref<128x64xbf16, #tpu.memory_space<vmem>>) offsets(%dma_start3A_165 : memref<128xi32, #tpu.memory_space<vmem>>) semaphore(%arg10 : memref<!tpu.dma_semaphore, #tpu.memory_space<semaphore_mem>>)
    %dma_wait3A_173 = arith.constant 0 : i32
    %dma_wait3A_174 = arith.constant 0 : i32
    %dma_wait3A_175 = tpu.memref_slice %arg2[%arg0, %dma_wait3A_173, %dma_wait3A_174] : memref<2x10000x64xbf16, #tpu.memory_space<hbm>> -> memref<1x10000x64xbf16, #tpu.memory_space<hbm>>
    %dma_wait3A_176 = tpu.memref_squeeze %dma_wait3A_175 : memref<1x10000x64xbf16, #tpu.memory_space<hbm>> -> memref<10000x64xbf16, #tpu.memory_space<hbm>>
    %dma_wait3A_177 = arith.constant 0 : i32
    %dma_wait3A_178 = arith.constant 0 : i32
    %dma_wait3A_179 = tpu.memref_slice %dma_wait3A_176[%dma_wait3A_177, %dma_wait3A_178] : memref<10000x64xbf16, #tpu.memory_space<hbm>> -> memref<512x64xbf16, #tpu.memory_space<hbm>>
    %dma_wait3A_180 = arith.constant 0 : i32
    %dma_wait3A_181 = arith.constant 0 : i32
    %dma_wait3A_182 = tpu.memref_slice %arg2[%arg0, %dma_wait3A_180, %dma_wait3A_181] : memref<2x10000x64xbf16, #tpu.memory_space<hbm>> -> memref<1x10000x64xbf16, #tpu.memory_space<hbm>>
    %dma_wait3A_183 = tpu.memref_squeeze %dma_wait3A_182 : memref<1x10000x64xbf16, #tpu.memory_space<hbm>> -> memref<10000x64xbf16, #tpu.memory_space<hbm>>
    %dma_wait3A_184 = arith.constant 0 : i32
    %dma_wait3A_185 = arith.constant 0 : i32
    %dma_wait3A_186 = tpu.memref_slice %dma_wait3A_183[%dma_wait3A_184, %dma_wait3A_185] : memref<10000x64xbf16, #tpu.memory_space<hbm>> -> memref<512x64xbf16, #tpu.memory_space<hbm>>
    tpu.wait_dma2 semaphore(%arg8 : memref<!tpu.dma_semaphore, #tpu.memory_space<semaphore_mem>>) src(%dma_wait3A_186 : memref<512x64xbf16, #tpu.memory_space<hbm>>) dst(%arg7 : memref<512x64xbf16, #tpu.memory_space<vmem>>)
    %run_scoped3A = arith.constant 1 : i32
    %run_scoped3A_187 = arith.constant 144 : i32
    "tpu.region"() ({
      %run_scoped3A_305 = tpu.sem_alloc : memref<!tpu.dma_semaphore, #tpu.memory_space<semaphore_mem>>
      %dma_start3A_306 = arith.constant 0 : i32
      %dma_start3A_307 = arith.constant 0 : i32
      %dma_start3A_308 = tpu.memref_slice %arg7[%dma_start3A_306, %dma_start3A_307] : memref<512x64xbf16, #tpu.memory_space<vmem>> -> memref<128x64xbf16, #tpu.memory_space<vmem>>
      %dma_start3A_309 = arith.constant 0 : i32
      %dma_start3A_310 = tpu.memref_slice %arg5[%run_scoped3A, %run_scoped3A_187, %dma_start3A_309] : memref<2x156x128xi32, #tpu.memory_space<vmem>> -> memref<1x1x128xi32, #tpu.memory_space<vmem>>
      %dma_start3A_311 = tpu.memref_squeeze %dma_start3A_310 : memref<1x1x128xi32, #tpu.memory_space<vmem>> -> memref<128xi32, #tpu.memory_space<vmem>>
      %dma_start3A_312 = arith.constant 0 : i32
      %dma_start3A_313 = arith.constant 0 : i32
      %dma_start3A_314 = tpu.memref_slice %arg11[%dma_start3A_312, %dma_start3A_313] : memref<10496x64xbf16, #tpu.memory_space<vmem_shared>> -> memref<10496x64xbf16, #tpu.memory_space<vmem_shared>>
      tpu.enqueue_indirect_dma source(%dma_start3A_308 : memref<128x64xbf16, #tpu.memory_space<vmem>>) target(%dma_start3A_314 : memref<10496x64xbf16, #tpu.memory_space<vmem_shared>>) offsets(%dma_start3A_311 : memref<128xi32, #tpu.memory_space<vmem>>) semaphore(%run_scoped3A_305 : memref<!tpu.dma_semaphore, #tpu.memory_space<semaphore_mem>>) {add = true}
      %dma_wait3A_315 = arith.constant 0 : i32
      %dma_wait3A_316 = arith.constant 0 : i32
      %dma_wait3A_317 = tpu.memref_slice %arg7[%dma_wait3A_315, %dma_wait3A_316] : memref<512x64xbf16, #tpu.memory_space<vmem>> -> memref<128x64xbf16, #tpu.memory_space<vmem>>
      %dma_wait3A_318 = arith.constant 0 : i32
      %dma_wait3A_319 = tpu.memref_slice %arg5[%run_scoped3A, %run_scoped3A_187, %dma_wait3A_318] : memref<2x156x128xi32, #tpu.memory_space<vmem>> -> memref<1x1x128xi32, #tpu.memory_space<vmem>>
      %dma_wait3A_320 = tpu.memref_squeeze %dma_wait3A_319 : memref<1x1x128xi32, #tpu.memory_space<vmem>> -> memref<128xi32, #tpu.memory_space<vmem>>
      %dma_wait3A_321 = arith.constant 0 : i32
      %dma_wait3A_322 = arith.constant 0 : i32
      %dma_wait3A_323 = tpu.memref_slice %arg11[%dma_wait3A_321, %dma_wait3A_322] : memref<10496x64xbf16, #tpu.memory_space<vmem_shared>> -> memref<10496x64xbf16, #tpu.memory_space<vmem_shared>>
      tpu.wait_indirect_dma semaphore(%run_scoped3A_305 : memref<!tpu.dma_semaphore, #tpu.memory_space<semaphore_mem>>) src(%dma_wait3A_317 : memref<128x64xbf16, #tpu.memory_space<vmem>>) dst(%dma_wait3A_323 : memref<10496x64xbf16, #tpu.memory_space<vmem_shared>>)
      tpu.yield
    }) : () -> ()
    %run_scoped3A_188 = arith.constant 1 : i32
    %run_scoped3A_189 = arith.constant 145 : i32
    "tpu.region"() ({
      %run_scoped3A_305 = tpu.sem_alloc : memref<!tpu.dma_semaphore, #tpu.memory_space<semaphore_mem>>
      %dma_start3A_306 = arith.constant 128 : i32
      %dma_start3A_307 = arith.constant 0 : i32
      %dma_start3A_308 = tpu.memref_slice %arg7[%dma_start3A_306, %dma_start3A_307] : memref<512x64xbf16, #tpu.memory_space<vmem>> -> memref<128x64xbf16, #tpu.memory_space<vmem>>
      %dma_start3A_309 = arith.constant 0 : i32
      %dma_start3A_310 = tpu.memref_slice %arg5[%run_scoped3A_188, %run_scoped3A_189, %dma_start3A_309] : memref<2x156x128xi32, #tpu.memory_space<vmem>> -> memref<1x1x128xi32, #tpu.memory_space<vmem>>
      %dma_start3A_311 = tpu.memref_squeeze %dma_start3A_310 : memref<1x1x128xi32, #tpu.memory_space<vmem>> -> memref<128xi32, #tpu.memory_space<vmem>>
      %dma_start3A_312 = arith.constant 0 : i32
      %dma_start3A_313 = arith.constant 0 : i32
      %dma_start3A_314 = tpu.memref_slice %arg11[%dma_start3A_312, %dma_start3A_313] : memref<10496x64xbf16, #tpu.memory_space<vmem_shared>> -> memref<10496x64xbf16, #tpu.memory_space<vmem_shared>>
      tpu.enqueue_indirect_dma source(%dma_start3A_308 : memref<128x64xbf16, #tpu.memory_space<vmem>>) target(%dma_start3A_314 : memref<10496x64xbf16, #tpu.memory_space<vmem_shared>>) offsets(%dma_start3A_311 : memref<128xi32, #tpu.memory_space<vmem>>) semaphore(%run_scoped3A_305 : memref<!tpu.dma_semaphore, #tpu.memory_space<semaphore_mem>>) {add = true}
      %dma_wait3A_315 = arith.constant 128 : i32
      %dma_wait3A_316 = arith.constant 0 : i32
      %dma_wait3A_317 = tpu.memref_slice %arg7[%dma_wait3A_315, %dma_wait3A_316] : memref<512x64xbf16, #tpu.memory_space<vmem>> -> memref<128x64xbf16, #tpu.memory_space<vmem>>
      %dma_wait3A_318 = arith.constant 0 : i32
      %dma_wait3A_319 = tpu.memref_slice %arg5[%run_scoped3A_188, %run_scoped3A_189, %dma_wait3A_318] : memref<2x156x128xi32, #tpu.memory_space<vmem>> -> memref<1x1x128xi32, #tpu.memory_space<vmem>>
      %dma_wait3A_320 = tpu.memref_squeeze %dma_wait3A_319 : memref<1x1x128xi32, #tpu.memory_space<vmem>> -> memref<128xi32, #tpu.memory_space<vmem>>
      %dma_wait3A_321 = arith.constant 0 : i32
      %dma_wait3A_322 = arith.constant 0 : i32
      %dma_wait3A_323 = tpu.memref_slice %arg11[%dma_wait3A_321, %dma_wait3A_322] : memref<10496x64xbf16, #tpu.memory_space<vmem_shared>> -> memref<10496x64xbf16, #tpu.memory_space<vmem_shared>>
      tpu.wait_indirect_dma semaphore(%run_scoped3A_305 : memref<!tpu.dma_semaphore, #tpu.memory_space<semaphore_mem>>) src(%dma_wait3A_317 : memref<128x64xbf16, #tpu.memory_space<vmem>>) dst(%dma_wait3A_323 : memref<10496x64xbf16, #tpu.memory_space<vmem_shared>>)
      tpu.yield
    }) : () -> ()
    %run_scoped3A_190 = arith.constant 1 : i32
    %run_scoped3A_191 = arith.constant 146 : i32
    "tpu.region"() ({
      %run_scoped3A_305 = tpu.sem_alloc : memref<!tpu.dma_semaphore, #tpu.memory_space<semaphore_mem>>
      %dma_start3A_306 = arith.constant 256 : i32
      %dma_start3A_307 = arith.constant 0 : i32
      %dma_start3A_308 = tpu.memref_slice %arg7[%dma_start3A_306, %dma_start3A_307] : memref<512x64xbf16, #tpu.memory_space<vmem>> -> memref<128x64xbf16, #tpu.memory_space<vmem>>
      %dma_start3A_309 = arith.constant 0 : i32
      %dma_start3A_310 = tpu.memref_slice %arg5[%run_scoped3A_190, %run_scoped3A_191, %dma_start3A_309] : memref<2x156x128xi32, #tpu.memory_space<vmem>> -> memref<1x1x128xi32, #tpu.memory_space<vmem>>
      %dma_start3A_311 = tpu.memref_squeeze %dma_start3A_310 : memref<1x1x128xi32, #tpu.memory_space<vmem>> -> memref<128xi32, #tpu.memory_space<vmem>>
      %dma_start3A_312 = arith.constant 0 : i32
      %dma_start3A_313 = arith.constant 0 : i32
      %dma_start3A_314 = tpu.memref_slice %arg11[%dma_start3A_312, %dma_start3A_313] : memref<10496x64xbf16, #tpu.memory_space<vmem_shared>> -> memref<10496x64xbf16, #tpu.memory_space<vmem_shared>>
      tpu.enqueue_indirect_dma source(%dma_start3A_308 : memref<128x64xbf16, #tpu.memory_space<vmem>>) target(%dma_start3A_314 : memref<10496x64xbf16, #tpu.memory_space<vmem_shared>>) offsets(%dma_start3A_311 : memref<128xi32, #tpu.memory_space<vmem>>) semaphore(%run_scoped3A_305 : memref<!tpu.dma_semaphore, #tpu.memory_space<semaphore_mem>>) {add = true}
      %dma_wait3A_315 = arith.constant 256 : i32
      %dma_wait3A_316 = arith.constant 0 : i32
      %dma_wait3A_317 = tpu.memref_slice %arg7[%dma_wait3A_315, %dma_wait3A_316] : memref<512x64xbf16, #tpu.memory_space<vmem>> -> memref<128x64xbf16, #tpu.memory_space<vmem>>
      %dma_wait3A_318 = arith.constant 0 : i32
      %dma_wait3A_319 = tpu.memref_slice %arg5[%run_scoped3A_190, %run_scoped3A_191, %dma_wait3A_318] : memref<2x156x128xi32, #tpu.memory_space<vmem>> -> memref<1x1x128xi32, #tpu.memory_space<vmem>>
      %dma_wait3A_320 = tpu.memref_squeeze %dma_wait3A_319 : memref<1x1x128xi32, #tpu.memory_space<vmem>> -> memref<128xi32, #tpu.memory_space<vmem>>
      %dma_wait3A_321 = arith.constant 0 : i32
      %dma_wait3A_322 = arith.constant 0 : i32
      %dma_wait3A_323 = tpu.memref_slice %arg11[%dma_wait3A_321, %dma_wait3A_322] : memref<10496x64xbf16, #tpu.memory_space<vmem_shared>> -> memref<10496x64xbf16, #tpu.memory_space<vmem_shared>>
      tpu.wait_indirect_dma semaphore(%run_scoped3A_305 : memref<!tpu.dma_semaphore, #tpu.memory_space<semaphore_mem>>) src(%dma_wait3A_317 : memref<128x64xbf16, #tpu.memory_space<vmem>>) dst(%dma_wait3A_323 : memref<10496x64xbf16, #tpu.memory_space<vmem_shared>>)
      tpu.yield
    }) : () -> ()
    %run_scoped3A_192 = arith.constant 1 : i32
    %run_scoped3A_193 = arith.constant 147 : i32
    "tpu.region"() ({
      %run_scoped3A_305 = tpu.sem_alloc : memref<!tpu.dma_semaphore, #tpu.memory_space<semaphore_mem>>
      %dma_start3A_306 = arith.constant 384 : i32
      %dma_start3A_307 = arith.constant 0 : i32
      %dma_start3A_308 = tpu.memref_slice %arg7[%dma_start3A_306, %dma_start3A_307] : memref<512x64xbf16, #tpu.memory_space<vmem>> -> memref<128x64xbf16, #tpu.memory_space<vmem>>
      %dma_start3A_309 = arith.constant 0 : i32
      %dma_start3A_310 = tpu.memref_slice %arg5[%run_scoped3A_192, %run_scoped3A_193, %dma_start3A_309] : memref<2x156x128xi32, #tpu.memory_space<vmem>> -> memref<1x1x128xi32, #tpu.memory_space<vmem>>
      %dma_start3A_311 = tpu.memref_squeeze %dma_start3A_310 : memref<1x1x128xi32, #tpu.memory_space<vmem>> -> memref<128xi32, #tpu.memory_space<vmem>>
      %dma_start3A_312 = arith.constant 0 : i32
      %dma_start3A_313 = arith.constant 0 : i32
      %dma_start3A_314 = tpu.memref_slice %arg11[%dma_start3A_312, %dma_start3A_313] : memref<10496x64xbf16, #tpu.memory_space<vmem_shared>> -> memref<10496x64xbf16, #tpu.memory_space<vmem_shared>>
      tpu.enqueue_indirect_dma source(%dma_start3A_308 : memref<128x64xbf16, #tpu.memory_space<vmem>>) target(%dma_start3A_314 : memref<10496x64xbf16, #tpu.memory_space<vmem_shared>>) offsets(%dma_start3A_311 : memref<128xi32, #tpu.memory_space<vmem>>) semaphore(%run_scoped3A_305 : memref<!tpu.dma_semaphore, #tpu.memory_space<semaphore_mem>>) {add = true}
      %dma_wait3A_315 = arith.constant 384 : i32
      %dma_wait3A_316 = arith.constant 0 : i32
      %dma_wait3A_317 = tpu.memref_slice %arg7[%dma_wait3A_315, %dma_wait3A_316] : memref<512x64xbf16, #tpu.memory_space<vmem>> -> memref<128x64xbf16, #tpu.memory_space<vmem>>
      %dma_wait3A_318 = arith.constant 0 : i32
      %dma_wait3A_319 = tpu.memref_slice %arg5[%run_scoped3A_192, %run_scoped3A_193, %dma_wait3A_318] : memref<2x156x128xi32, #tpu.memory_space<vmem>> -> memref<1x1x128xi32, #tpu.memory_space<vmem>>
      %dma_wait3A_320 = tpu.memref_squeeze %dma_wait3A_319 : memref<1x1x128xi32, #tpu.memory_space<vmem>> -> memref<128xi32, #tpu.memory_space<vmem>>
      %dma_wait3A_321 = arith.constant 0 : i32
      %dma_wait3A_322 = arith.constant 0 : i32
      %dma_wait3A_323 = tpu.memref_slice %arg11[%dma_wait3A_321, %dma_wait3A_322] : memref<10496x64xbf16, #tpu.memory_space<vmem_shared>> -> memref<10496x64xbf16, #tpu.memory_space<vmem_shared>>
      tpu.wait_indirect_dma semaphore(%run_scoped3A_305 : memref<!tpu.dma_semaphore, #tpu.memory_space<semaphore_mem>>) src(%dma_wait3A_317 : memref<128x64xbf16, #tpu.memory_space<vmem>>) dst(%dma_wait3A_323 : memref<10496x64xbf16, #tpu.memory_space<vmem_shared>>)
      tpu.yield
    }) : () -> ()
    %dma_start3A_194 = arith.constant 0 : i32
    %dma_start3A_195 = arith.constant 152 : i32
    %dma_start3A_196 = arith.constant 0 : i32
    %dma_start3A_197 = arith.constant 0 : i32
    %dma_start3A_198 = tpu.memref_slice %arg7[%dma_start3A_196, %dma_start3A_197] : memref<512x64xbf16, #tpu.memory_space<vmem>> -> memref<128x64xbf16, #tpu.memory_space<vmem>>
    %dma_start3A_199 = arith.constant 0 : i32
    %dma_start3A_200 = tpu.memref_slice %arg5[%dma_start3A_194, %dma_start3A_195, %dma_start3A_199] : memref<2x156x128xi32, #tpu.memory_space<vmem>> -> memref<1x1x128xi32, #tpu.memory_space<vmem>>
    %dma_start3A_201 = tpu.memref_squeeze %dma_start3A_200 : memref<1x1x128xi32, #tpu.memory_space<vmem>> -> memref<128xi32, #tpu.memory_space<vmem>>
    %dma_start3A_202 = arith.constant 0 : i32
    %dma_start3A_203 = arith.constant 0 : i32
    %dma_start3A_204 = tpu.memref_slice %arg2[%arg0, %dma_start3A_202, %dma_start3A_203] : memref<2x10000x64xbf16, #tpu.memory_space<hbm>> -> memref<1x10000x64xbf16, #tpu.memory_space<hbm>>
    %dma_start3A_205 = tpu.memref_squeeze %dma_start3A_204 : memref<1x10000x64xbf16, #tpu.memory_space<hbm>> -> memref<10000x64xbf16, #tpu.memory_space<hbm>>
    %dma_start3A_206 = arith.constant 0 : i32
    %dma_start3A_207 = arith.constant 0 : i32
    %dma_start3A_208 = tpu.memref_slice %dma_start3A_205[%dma_start3A_206, %dma_start3A_207] : memref<10000x64xbf16, #tpu.memory_space<hbm>> -> memref<10000x64xbf16, #tpu.memory_space<hbm>>
    tpu.enqueue_indirect_dma source(%dma_start3A_208 : memref<10000x64xbf16, #tpu.memory_space<hbm>>) target(%dma_start3A_198 : memref<128x64xbf16, #tpu.memory_space<vmem>>) offsets(%dma_start3A_201 : memref<128xi32, #tpu.memory_space<vmem>>) semaphore(%arg8 : memref<!tpu.dma_semaphore, #tpu.memory_space<semaphore_mem>>)
    %dma_start3A_209 = arith.constant 0 : i32
    %dma_start3A_210 = arith.constant 153 : i32
    %dma_start3A_211 = arith.constant 128 : i32
    %dma_start3A_212 = arith.constant 0 : i32
    %dma_start3A_213 = tpu.memref_slice %arg7[%dma_start3A_211, %dma_start3A_212] : memref<512x64xbf16, #tpu.memory_space<vmem>> -> memref<128x64xbf16, #tpu.memory_space<vmem>>
    %dma_start3A_214 = arith.constant 0 : i32
    %dma_start3A_215 = tpu.memref_slice %arg5[%dma_start3A_209, %dma_start3A_210, %dma_start3A_214] : memref<2x156x128xi32, #tpu.memory_space<vmem>> -> memref<1x1x128xi32, #tpu.memory_space<vmem>>
    %dma_start3A_216 = tpu.memref_squeeze %dma_start3A_215 : memref<1x1x128xi32, #tpu.memory_space<vmem>> -> memref<128xi32, #tpu.memory_space<vmem>>
    %dma_start3A_217 = arith.constant 0 : i32
    %dma_start3A_218 = arith.constant 0 : i32
    %dma_start3A_219 = tpu.memref_slice %arg2[%arg0, %dma_start3A_217, %dma_start3A_218] : memref<2x10000x64xbf16, #tpu.memory_space<hbm>> -> memref<1x10000x64xbf16, #tpu.memory_space<hbm>>
    %dma_start3A_220 = tpu.memref_squeeze %dma_start3A_219 : memref<1x10000x64xbf16, #tpu.memory_space<hbm>> -> memref<10000x64xbf16, #tpu.memory_space<hbm>>
    %dma_start3A_221 = arith.constant 0 : i32
    %dma_start3A_222 = arith.constant 0 : i32
    %dma_start3A_223 = tpu.memref_slice %dma_start3A_220[%dma_start3A_221, %dma_start3A_222] : memref<10000x64xbf16, #tpu.memory_space<hbm>> -> memref<10000x64xbf16, #tpu.memory_space<hbm>>
    tpu.enqueue_indirect_dma source(%dma_start3A_223 : memref<10000x64xbf16, #tpu.memory_space<hbm>>) target(%dma_start3A_213 : memref<128x64xbf16, #tpu.memory_space<vmem>>) offsets(%dma_start3A_216 : memref<128xi32, #tpu.memory_space<vmem>>) semaphore(%arg8 : memref<!tpu.dma_semaphore, #tpu.memory_space<semaphore_mem>>)
    %dma_start3A_224 = arith.constant 0 : i32
    %dma_start3A_225 = arith.constant 154 : i32
    %dma_start3A_226 = arith.constant 256 : i32
    %dma_start3A_227 = arith.constant 0 : i32
    %dma_start3A_228 = tpu.memref_slice %arg7[%dma_start3A_226, %dma_start3A_227] : memref<512x64xbf16, #tpu.memory_space<vmem>> -> memref<128x64xbf16, #tpu.memory_space<vmem>>
    %dma_start3A_229 = arith.constant 0 : i32
    %dma_start3A_230 = tpu.memref_slice %arg5[%dma_start3A_224, %dma_start3A_225, %dma_start3A_229] : memref<2x156x128xi32, #tpu.memory_space<vmem>> -> memref<1x1x128xi32, #tpu.memory_space<vmem>>
    %dma_start3A_231 = tpu.memref_squeeze %dma_start3A_230 : memref<1x1x128xi32, #tpu.memory_space<vmem>> -> memref<128xi32, #tpu.memory_space<vmem>>
    %dma_start3A_232 = arith.constant 0 : i32
    %dma_start3A_233 = arith.constant 0 : i32
    %dma_start3A_234 = tpu.memref_slice %arg2[%arg0, %dma_start3A_232, %dma_start3A_233] : memref<2x10000x64xbf16, #tpu.memory_space<hbm>> -> memref<1x10000x64xbf16, #tpu.memory_space<hbm>>
    %dma_start3A_235 = tpu.memref_squeeze %dma_start3A_234 : memref<1x10000x64xbf16, #tpu.memory_space<hbm>> -> memref<10000x64xbf16, #tpu.memory_space<hbm>>
    %dma_start3A_236 = arith.constant 0 : i32
    %dma_start3A_237 = arith.constant 0 : i32
    %dma_start3A_238 = tpu.memref_slice %dma_start3A_235[%dma_start3A_236, %dma_start3A_237] : memref<10000x64xbf16, #tpu.memory_space<hbm>> -> memref<10000x64xbf16, #tpu.memory_space<hbm>>
    tpu.enqueue_indirect_dma source(%dma_start3A_238 : memref<10000x64xbf16, #tpu.memory_space<hbm>>) target(%dma_start3A_228 : memref<128x64xbf16, #tpu.memory_space<vmem>>) offsets(%dma_start3A_231 : memref<128xi32, #tpu.memory_space<vmem>>) semaphore(%arg8 : memref<!tpu.dma_semaphore, #tpu.memory_space<semaphore_mem>>)
    %dma_start3A_239 = arith.constant 0 : i32
    %dma_start3A_240 = arith.constant 155 : i32
    %dma_start3A_241 = arith.constant 384 : i32
    %dma_start3A_242 = arith.constant 0 : i32
    %dma_start3A_243 = tpu.memref_slice %arg7[%dma_start3A_241, %dma_start3A_242] : memref<512x64xbf16, #tpu.memory_space<vmem>> -> memref<128x64xbf16, #tpu.memory_space<vmem>>
    %dma_start3A_244 = arith.constant 0 : i32
    %dma_start3A_245 = tpu.memref_slice %arg5[%dma_start3A_239, %dma_start3A_240, %dma_start3A_244] : memref<2x156x128xi32, #tpu.memory_space<vmem>> -> memref<1x1x128xi32, #tpu.memory_space<vmem>>
    %dma_start3A_246 = tpu.memref_squeeze %dma_start3A_245 : memref<1x1x128xi32, #tpu.memory_space<vmem>> -> memref<128xi32, #tpu.memory_space<vmem>>
    %dma_start3A_247 = arith.constant 0 : i32
    %dma_start3A_248 = arith.constant 0 : i32
    %dma_start3A_249 = tpu.memref_slice %arg2[%arg0, %dma_start3A_247, %dma_start3A_248] : memref<2x10000x64xbf16, #tpu.memory_space<hbm>> -> memref<1x10000x64xbf16, #tpu.memory_space<hbm>>
    %dma_start3A_250 = tpu.memref_squeeze %dma_start3A_249 : memref<1x10000x64xbf16, #tpu.memory_space<hbm>> -> memref<10000x64xbf16, #tpu.memory_space<hbm>>
    %dma_start3A_251 = arith.constant 0 : i32
    %dma_start3A_252 = arith.constant 0 : i32
    %dma_start3A_253 = tpu.memref_slice %dma_start3A_250[%dma_start3A_251, %dma_start3A_252] : memref<10000x64xbf16, #tpu.memory_space<hbm>> -> memref<10000x64xbf16, #tpu.memory_space<hbm>>
    tpu.enqueue_indirect_dma source(%dma_start3A_253 : memref<10000x64xbf16, #tpu.memory_space<hbm>>) target(%dma_start3A_243 : memref<128x64xbf16, #tpu.memory_space<vmem>>) offsets(%dma_start3A_246 : memref<128xi32, #tpu.memory_space<vmem>>) semaphore(%arg8 : memref<!tpu.dma_semaphore, #tpu.memory_space<semaphore_mem>>)
    %dma_wait3A_254 = arith.constant 0 : i32
    %dma_wait3A_255 = arith.constant 0 : i32
    %dma_wait3A_256 = tpu.memref_slice %arg2[%arg0, %dma_wait3A_254, %dma_wait3A_255] : memref<2x10000x64xbf16, #tpu.memory_space<hbm>> -> memref<1x10000x64xbf16, #tpu.memory_space<hbm>>
    %dma_wait3A_257 = tpu.memref_squeeze %dma_wait3A_256 : memref<1x10000x64xbf16, #tpu.memory_space<hbm>> -> memref<10000x64xbf16, #tpu.memory_space<hbm>>
    %dma_wait3A_258 = arith.constant 0 : i32
    %dma_wait3A_259 = arith.constant 0 : i32
    %dma_wait3A_260 = tpu.memref_slice %dma_wait3A_257[%dma_wait3A_258, %dma_wait3A_259] : memref<10000x64xbf16, #tpu.memory_space<hbm>> -> memref<512x64xbf16, #tpu.memory_space<hbm>>
    %dma_wait3A_261 = arith.constant 0 : i32
    %dma_wait3A_262 = arith.constant 0 : i32
    %dma_wait3A_263 = tpu.memref_slice %arg2[%arg0, %dma_wait3A_261, %dma_wait3A_262] : memref<2x10000x64xbf16, #tpu.memory_space<hbm>> -> memref<1x10000x64xbf16, #tpu.memory_space<hbm>>
    %dma_wait3A_264 = tpu.memref_squeeze %dma_wait3A_263 : memref<1x10000x64xbf16, #tpu.memory_space<hbm>> -> memref<10000x64xbf16, #tpu.memory_space<hbm>>
    %dma_wait3A_265 = arith.constant 0 : i32
    %dma_wait3A_266 = arith.constant 0 : i32
    %dma_wait3A_267 = tpu.memref_slice %dma_wait3A_264[%dma_wait3A_265, %dma_wait3A_266] : memref<10000x64xbf16, #tpu.memory_space<hbm>> -> memref<512x64xbf16, #tpu.memory_space<hbm>>
    tpu.wait_dma2 semaphore(%arg10 : memref<!tpu.dma_semaphore, #tpu.memory_space<semaphore_mem>>) src(%dma_wait3A_267 : memref<512x64xbf16, #tpu.memory_space<hbm>>) dst(%arg9 : memref<512x64xbf16, #tpu.memory_space<vmem>>)
    %run_scoped3A_268 = arith.constant 1 : i32
    %run_scoped3A_269 = arith.constant 148 : i32
    "tpu.region"() ({
      %run_scoped3A_305 = tpu.sem_alloc : memref<!tpu.dma_semaphore, #tpu.memory_space<semaphore_mem>>
      %dma_start3A_306 = arith.constant 0 : i32
      %dma_start3A_307 = arith.constant 0 : i32
      %dma_start3A_308 = tpu.memref_slice %arg9[%dma_start3A_306, %dma_start3A_307] : memref<512x64xbf16, #tpu.memory_space<vmem>> -> memref<128x64xbf16, #tpu.memory_space<vmem>>
      %dma_start3A_309 = arith.constant 0 : i32
      %dma_start3A_310 = tpu.memref_slice %arg5[%run_scoped3A_268, %run_scoped3A_269, %dma_start3A_309] : memref<2x156x128xi32, #tpu.memory_space<vmem>> -> memref<1x1x128xi32, #tpu.memory_space<vmem>>
      %dma_start3A_311 = tpu.memref_squeeze %dma_start3A_310 : memref<1x1x128xi32, #tpu.memory_space<vmem>> -> memref<128xi32, #tpu.memory_space<vmem>>
      %dma_start3A_312 = arith.constant 0 : i32
      %dma_start3A_313 = arith.constant 0 : i32
      %dma_start3A_314 = tpu.memref_slice %arg11[%dma_start3A_312, %dma_start3A_313] : memref<10496x64xbf16, #tpu.memory_space<vmem_shared>> -> memref<10496x64xbf16, #tpu.memory_space<vmem_shared>>
      tpu.enqueue_indirect_dma source(%dma_start3A_308 : memref<128x64xbf16, #tpu.memory_space<vmem>>) target(%dma_start3A_314 : memref<10496x64xbf16, #tpu.memory_space<vmem_shared>>) offsets(%dma_start3A_311 : memref<128xi32, #tpu.memory_space<vmem>>) semaphore(%run_scoped3A_305 : memref<!tpu.dma_semaphore, #tpu.memory_space<semaphore_mem>>) {add = true}
      %dma_wait3A_315 = arith.constant 0 : i32
      %dma_wait3A_316 = arith.constant 0 : i32
      %dma_wait3A_317 = tpu.memref_slice %arg9[%dma_wait3A_315, %dma_wait3A_316] : memref<512x64xbf16, #tpu.memory_space<vmem>> -> memref<128x64xbf16, #tpu.memory_space<vmem>>
      %dma_wait3A_318 = arith.constant 0 : i32
      %dma_wait3A_319 = tpu.memref_slice %arg5[%run_scoped3A_268, %run_scoped3A_269, %dma_wait3A_318] : memref<2x156x128xi32, #tpu.memory_space<vmem>> -> memref<1x1x128xi32, #tpu.memory_space<vmem>>
      %dma_wait3A_320 = tpu.memref_squeeze %dma_wait3A_319 : memref<1x1x128xi32, #tpu.memory_space<vmem>> -> memref<128xi32, #tpu.memory_space<vmem>>
      %dma_wait3A_321 = arith.constant 0 : i32
      %dma_wait3A_322 = arith.constant 0 : i32
      %dma_wait3A_323 = tpu.memref_slice %arg11[%dma_wait3A_321, %dma_wait3A_322] : memref<10496x64xbf16, #tpu.memory_space<vmem_shared>> -> memref<10496x64xbf16, #tpu.memory_space<vmem_shared>>
      tpu.wait_indirect_dma semaphore(%run_scoped3A_305 : memref<!tpu.dma_semaphore, #tpu.memory_space<semaphore_mem>>) src(%dma_wait3A_317 : memref<128x64xbf16, #tpu.memory_space<vmem>>) dst(%dma_wait3A_323 : memref<10496x64xbf16, #tpu.memory_space<vmem_shared>>)
      tpu.yield
    }) : () -> ()
    %run_scoped3A_270 = arith.constant 1 : i32
    %run_scoped3A_271 = arith.constant 149 : i32
    "tpu.region"() ({
      %run_scoped3A_305 = tpu.sem_alloc : memref<!tpu.dma_semaphore, #tpu.memory_space<semaphore_mem>>
      %dma_start3A_306 = arith.constant 128 : i32
      %dma_start3A_307 = arith.constant 0 : i32
      %dma_start3A_308 = tpu.memref_slice %arg9[%dma_start3A_306, %dma_start3A_307] : memref<512x64xbf16, #tpu.memory_space<vmem>> -> memref<128x64xbf16, #tpu.memory_space<vmem>>
      %dma_start3A_309 = arith.constant 0 : i32
      %dma_start3A_310 = tpu.memref_slice %arg5[%run_scoped3A_270, %run_scoped3A_271, %dma_start3A_309] : memref<2x156x128xi32, #tpu.memory_space<vmem>> -> memref<1x1x128xi32, #tpu.memory_space<vmem>>
      %dma_start3A_311 = tpu.memref_squeeze %dma_start3A_310 : memref<1x1x128xi32, #tpu.memory_space<vmem>> -> memref<128xi32, #tpu.memory_space<vmem>>
      %dma_start3A_312 = arith.constant 0 : i32
      %dma_start3A_313 = arith.constant 0 : i32
      %dma_start3A_314 = tpu.memref_slice %arg11[%dma_start3A_312, %dma_start3A_313] : memref<10496x64xbf16, #tpu.memory_space<vmem_shared>> -> memref<10496x64xbf16, #tpu.memory_space<vmem_shared>>
      tpu.enqueue_indirect_dma source(%dma_start3A_308 : memref<128x64xbf16, #tpu.memory_space<vmem>>) target(%dma_start3A_314 : memref<10496x64xbf16, #tpu.memory_space<vmem_shared>>) offsets(%dma_start3A_311 : memref<128xi32, #tpu.memory_space<vmem>>) semaphore(%run_scoped3A_305 : memref<!tpu.dma_semaphore, #tpu.memory_space<semaphore_mem>>) {add = true}
      %dma_wait3A_315 = arith.constant 128 : i32
      %dma_wait3A_316 = arith.constant 0 : i32
      %dma_wait3A_317 = tpu.memref_slice %arg9[%dma_wait3A_315, %dma_wait3A_316] : memref<512x64xbf16, #tpu.memory_space<vmem>> -> memref<128x64xbf16, #tpu.memory_space<vmem>>
      %dma_wait3A_318 = arith.constant 0 : i32
      %dma_wait3A_319 = tpu.memref_slice %arg5[%run_scoped3A_270, %run_scoped3A_271, %dma_wait3A_318] : memref<2x156x128xi32, #tpu.memory_space<vmem>> -> memref<1x1x128xi32, #tpu.memory_space<vmem>>
      %dma_wait3A_320 = tpu.memref_squeeze %dma_wait3A_319 : memref<1x1x128xi32, #tpu.memory_space<vmem>> -> memref<128xi32, #tpu.memory_space<vmem>>
      %dma_wait3A_321 = arith.constant 0 : i32
      %dma_wait3A_322 = arith.constant 0 : i32
      %dma_wait3A_323 = tpu.memref_slice %arg11[%dma_wait3A_321, %dma_wait3A_322] : memref<10496x64xbf16, #tpu.memory_space<vmem_shared>> -> memref<10496x64xbf16, #tpu.memory_space<vmem_shared>>
      tpu.wait_indirect_dma semaphore(%run_scoped3A_305 : memref<!tpu.dma_semaphore, #tpu.memory_space<semaphore_mem>>) src(%dma_wait3A_317 : memref<128x64xbf16, #tpu.memory_space<vmem>>) dst(%dma_wait3A_323 : memref<10496x64xbf16, #tpu.memory_space<vmem_shared>>)
      tpu.yield
    }) : () -> ()
    %run_scoped3A_272 = arith.constant 1 : i32
    %run_scoped3A_273 = arith.constant 150 : i32
    "tpu.region"() ({
      %run_scoped3A_305 = tpu.sem_alloc : memref<!tpu.dma_semaphore, #tpu.memory_space<semaphore_mem>>
      %dma_start3A_306 = arith.constant 256 : i32
      %dma_start3A_307 = arith.constant 0 : i32
      %dma_start3A_308 = tpu.memref_slice %arg9[%dma_start3A_306, %dma_start3A_307] : memref<512x64xbf16, #tpu.memory_space<vmem>> -> memref<128x64xbf16, #tpu.memory_space<vmem>>
      %dma_start3A_309 = arith.constant 0 : i32
      %dma_start3A_310 = tpu.memref_slice %arg5[%run_scoped3A_272, %run_scoped3A_273, %dma_start3A_309] : memref<2x156x128xi32, #tpu.memory_space<vmem>> -> memref<1x1x128xi32, #tpu.memory_space<vmem>>
      %dma_start3A_311 = tpu.memref_squeeze %dma_start3A_310 : memref<1x1x128xi32, #tpu.memory_space<vmem>> -> memref<128xi32, #tpu.memory_space<vmem>>
      %dma_start3A_312 = arith.constant 0 : i32
      %dma_start3A_313 = arith.constant 0 : i32
      %dma_start3A_314 = tpu.memref_slice %arg11[%dma_start3A_312, %dma_start3A_313] : memref<10496x64xbf16, #tpu.memory_space<vmem_shared>> -> memref<10496x64xbf16, #tpu.memory_space<vmem_shared>>
      tpu.enqueue_indirect_dma source(%dma_start3A_308 : memref<128x64xbf16, #tpu.memory_space<vmem>>) target(%dma_start3A_314 : memref<10496x64xbf16, #tpu.memory_space<vmem_shared>>) offsets(%dma_start3A_311 : memref<128xi32, #tpu.memory_space<vmem>>) semaphore(%run_scoped3A_305 : memref<!tpu.dma_semaphore, #tpu.memory_space<semaphore_mem>>) {add = true}
      %dma_wait3A_315 = arith.constant 256 : i32
      %dma_wait3A_316 = arith.constant 0 : i32
      %dma_wait3A_317 = tpu.memref_slice %arg9[%dma_wait3A_315, %dma_wait3A_316] : memref<512x64xbf16, #tpu.memory_space<vmem>> -> memref<128x64xbf16, #tpu.memory_space<vmem>>
      %dma_wait3A_318 = arith.constant 0 : i32
      %dma_wait3A_319 = tpu.memref_slice %arg5[%run_scoped3A_272, %run_scoped3A_273, %dma_wait3A_318] : memref<2x156x128xi32, #tpu.memory_space<vmem>> -> memref<1x1x128xi32, #tpu.memory_space<vmem>>
      %dma_wait3A_320 = tpu.memref_squeeze %dma_wait3A_319 : memref<1x1x128xi32, #tpu.memory_space<vmem>> -> memref<128xi32, #tpu.memory_space<vmem>>
      %dma_wait3A_321 = arith.constant 0 : i32
      %dma_wait3A_322 = arith.constant 0 : i32
      %dma_wait3A_323 = tpu.memref_slice %arg11[%dma_wait3A_321, %dma_wait3A_322] : memref<10496x64xbf16, #tpu.memory_space<vmem_shared>> -> memref<10496x64xbf16, #tpu.memory_space<vmem_shared>>
      tpu.wait_indirect_dma semaphore(%run_scoped3A_305 : memref<!tpu.dma_semaphore, #tpu.memory_space<semaphore_mem>>) src(%dma_wait3A_317 : memref<128x64xbf16, #tpu.memory_space<vmem>>) dst(%dma_wait3A_323 : memref<10496x64xbf16, #tpu.memory_space<vmem_shared>>)
      tpu.yield
    }) : () -> ()
    %run_scoped3A_274 = arith.constant 1 : i32
    %run_scoped3A_275 = arith.constant 151 : i32
    "tpu.region"() ({
      %run_scoped3A_305 = tpu.sem_alloc : memref<!tpu.dma_semaphore, #tpu.memory_space<semaphore_mem>>
      %dma_start3A_306 = arith.constant 384 : i32
      %dma_start3A_307 = arith.constant 0 : i32
      %dma_start3A_308 = tpu.memref_slice %arg9[%dma_start3A_306, %dma_start3A_307] : memref<512x64xbf16, #tpu.memory_space<vmem>> -> memref<128x64xbf16, #tpu.memory_space<vmem>>
      %dma_start3A_309 = arith.constant 0 : i32
      %dma_start3A_310 = tpu.memref_slice %arg5[%run_scoped3A_274, %run_scoped3A_275, %dma_start3A_309] : memref<2x156x128xi32, #tpu.memory_space<vmem>> -> memref<1x1x128xi32, #tpu.memory_space<vmem>>
      %dma_start3A_311 = tpu.memref_squeeze %dma_start3A_310 : memref<1x1x128xi32, #tpu.memory_space<vmem>> -> memref<128xi32, #tpu.memory_space<vmem>>
      %dma_start3A_312 = arith.constant 0 : i32
      %dma_start3A_313 = arith.constant 0 : i32
      %dma_start3A_314 = tpu.memref_slice %arg11[%dma_start3A_312, %dma_start3A_313] : memref<10496x64xbf16, #tpu.memory_space<vmem_shared>> -> memref<10496x64xbf16, #tpu.memory_space<vmem_shared>>
      tpu.enqueue_indirect_dma source(%dma_start3A_308 : memref<128x64xbf16, #tpu.memory_space<vmem>>) target(%dma_start3A_314 : memref<10496x64xbf16, #tpu.memory_space<vmem_shared>>) offsets(%dma_start3A_311 : memref<128xi32, #tpu.memory_space<vmem>>) semaphore(%run_scoped3A_305 : memref<!tpu.dma_semaphore, #tpu.memory_space<semaphore_mem>>) {add = true}
      %dma_wait3A_315 = arith.constant 384 : i32
      %dma_wait3A_316 = arith.constant 0 : i32
      %dma_wait3A_317 = tpu.memref_slice %arg9[%dma_wait3A_315, %dma_wait3A_316] : memref<512x64xbf16, #tpu.memory_space<vmem>> -> memref<128x64xbf16, #tpu.memory_space<vmem>>
      %dma_wait3A_318 = arith.constant 0 : i32
      %dma_wait3A_319 = tpu.memref_slice %arg5[%run_scoped3A_274, %run_scoped3A_275, %dma_wait3A_318] : memref<2x156x128xi32, #tpu.memory_space<vmem>> -> memref<1x1x128xi32, #tpu.memory_space<vmem>>
      %dma_wait3A_320 = tpu.memref_squeeze %dma_wait3A_319 : memref<1x1x128xi32, #tpu.memory_space<vmem>> -> memref<128xi32, #tpu.memory_space<vmem>>
      %dma_wait3A_321 = arith.constant 0 : i32
      %dma_wait3A_322 = arith.constant 0 : i32
      %dma_wait3A_323 = tpu.memref_slice %arg11[%dma_wait3A_321, %dma_wait3A_322] : memref<10496x64xbf16, #tpu.memory_space<vmem_shared>> -> memref<10496x64xbf16, #tpu.memory_space<vmem_shared>>
      tpu.wait_indirect_dma semaphore(%run_scoped3A_305 : memref<!tpu.dma_semaphore, #tpu.memory_space<semaphore_mem>>) src(%dma_wait3A_317 : memref<128x64xbf16, #tpu.memory_space<vmem>>) dst(%dma_wait3A_323 : memref<10496x64xbf16, #tpu.memory_space<vmem_shared>>)
      tpu.yield
    }) : () -> ()
    %dma_wait3A_276 = arith.constant 0 : i32
    %dma_wait3A_277 = arith.constant 0 : i32
    %dma_wait3A_278 = tpu.memref_slice %arg2[%arg0, %dma_wait3A_276, %dma_wait3A_277] : memref<2x10000x64xbf16, #tpu.memory_space<hbm>> -> memref<1x10000x64xbf16, #tpu.memory_space<hbm>>
    %dma_wait3A_279 = tpu.memref_squeeze %dma_wait3A_278 : memref<1x10000x64xbf16, #tpu.memory_space<hbm>> -> memref<10000x64xbf16, #tpu.memory_space<hbm>>
    %dma_wait3A_280 = arith.constant 0 : i32
    %dma_wait3A_281 = arith.constant 0 : i32
    %dma_wait3A_282 = tpu.memref_slice %dma_wait3A_279[%dma_wait3A_280, %dma_wait3A_281] : memref<10000x64xbf16, #tpu.memory_space<hbm>> -> memref<512x64xbf16, #tpu.memory_space<hbm>>
    %dma_wait3A_283 = arith.constant 0 : i32
    %dma_wait3A_284 = arith.constant 0 : i32
    %dma_wait3A_285 = tpu.memref_slice %arg2[%arg0, %dma_wait3A_283, %dma_wait3A_284] : memref<2x10000x64xbf16, #tpu.memory_space<hbm>> -> memref<1x10000x64xbf16, #tpu.memory_space<hbm>>
    %dma_wait3A_286 = tpu.memref_squeeze %dma_wait3A_285 : memref<1x10000x64xbf16, #tpu.memory_space<hbm>> -> memref<10000x64xbf16, #tpu.memory_space<hbm>>
    %dma_wait3A_287 = arith.constant 0 : i32
    %dma_wait3A_288 = arith.constant 0 : i32
    %dma_wait3A_289 = tpu.memref_slice %dma_wait3A_286[%dma_wait3A_287, %dma_wait3A_288] : memref<10000x64xbf16, #tpu.memory_space<hbm>> -> memref<512x64xbf16, #tpu.memory_space<hbm>>
    tpu.wait_dma2 semaphore(%arg8 : memref<!tpu.dma_semaphore, #tpu.memory_space<semaphore_mem>>) src(%dma_wait3A_289 : memref<512x64xbf16, #tpu.memory_space<hbm>>) dst(%arg7 : memref<512x64xbf16, #tpu.memory_space<vmem>>)
    %run_scoped3A_290 = arith.constant 1 : i32
    %run_scoped3A_291 = arith.constant 152 : i32
    "tpu.region"() ({
      %run_scoped3A_305 = tpu.sem_alloc : memref<!tpu.dma_semaphore, #tpu.memory_space<semaphore_mem>>
      %dma_start3A_306 = arith.constant 0 : i32
      %dma_start3A_307 = arith.constant 0 : i32
      %dma_start3A_308 = tpu.memref_slice %arg7[%dma_start3A_306, %dma_start3A_307] : memref<512x64xbf16, #tpu.memory_space<vmem>> -> memref<128x64xbf16, #tpu.memory_space<vmem>>
      %dma_start3A_309 = arith.constant 0 : i32
      %dma_start3A_310 = tpu.memref_slice %arg5[%run_scoped3A_290, %run_scoped3A_291, %dma_start3A_309] : memref<2x156x128xi32, #tpu.memory_space<vmem>> -> memref<1x1x128xi32, #tpu.memory_space<vmem>>
      %dma_start3A_311 = tpu.memref_squeeze %dma_start3A_310 : memref<1x1x128xi32, #tpu.memory_space<vmem>> -> memref<128xi32, #tpu.memory_space<vmem>>
      %dma_start3A_312 = arith.constant 0 : i32
      %dma_start3A_313 = arith.constant 0 : i32
      %dma_start3A_314 = tpu.memref_slice %arg11[%dma_start3A_312, %dma_start3A_313] : memref<10496x64xbf16, #tpu.memory_space<vmem_shared>> -> memref<10496x64xbf16, #tpu.memory_space<vmem_shared>>
      tpu.enqueue_indirect_dma source(%dma_start3A_308 : memref<128x64xbf16, #tpu.memory_space<vmem>>) target(%dma_start3A_314 : memref<10496x64xbf16, #tpu.memory_space<vmem_shared>>) offsets(%dma_start3A_311 : memref<128xi32, #tpu.memory_space<vmem>>) semaphore(%run_scoped3A_305 : memref<!tpu.dma_semaphore, #tpu.memory_space<semaphore_mem>>) {add = true}
      %dma_wait3A_315 = arith.constant 0 : i32
      %dma_wait3A_316 = arith.constant 0 : i32
      %dma_wait3A_317 = tpu.memref_slice %arg7[%dma_wait3A_315, %dma_wait3A_316] : memref<512x64xbf16, #tpu.memory_space<vmem>> -> memref<128x64xbf16, #tpu.memory_space<vmem>>
      %dma_wait3A_318 = arith.constant 0 : i32
      %dma_wait3A_319 = tpu.memref_slice %arg5[%run_scoped3A_290, %run_scoped3A_291, %dma_wait3A_318] : memref<2x156x128xi32, #tpu.memory_space<vmem>> -> memref<1x1x128xi32, #tpu.memory_space<vmem>>
      %dma_wait3A_320 = tpu.memref_squeeze %dma_wait3A_319 : memref<1x1x128xi32, #tpu.memory_space<vmem>> -> memref<128xi32, #tpu.memory_space<vmem>>
      %dma_wait3A_321 = arith.constant 0 : i32
      %dma_wait3A_322 = arith.constant 0 : i32
      %dma_wait3A_323 = tpu.memref_slice %arg11[%dma_wait3A_321, %dma_wait3A_322] : memref<10496x64xbf16, #tpu.memory_space<vmem_shared>> -> memref<10496x64xbf16, #tpu.memory_space<vmem_shared>>
      tpu.wait_indirect_dma semaphore(%run_scoped3A_305 : memref<!tpu.dma_semaphore, #tpu.memory_space<semaphore_mem>>) src(%dma_wait3A_317 : memref<128x64xbf16, #tpu.memory_space<vmem>>) dst(%dma_wait3A_323 : memref<10496x64xbf16, #tpu.memory_space<vmem_shared>>)
      tpu.yield
    }) : () -> ()
    %run_scoped3A_292 = arith.constant 1 : i32
    %run_scoped3A_293 = arith.constant 153 : i32
    "tpu.region"() ({
      %run_scoped3A_305 = tpu.sem_alloc : memref<!tpu.dma_semaphore, #tpu.memory_space<semaphore_mem>>
      %dma_start3A_306 = arith.constant 128 : i32
      %dma_start3A_307 = arith.constant 0 : i32
      %dma_start3A_308 = tpu.memref_slice %arg7[%dma_start3A_306, %dma_start3A_307] : memref<512x64xbf16, #tpu.memory_space<vmem>> -> memref<128x64xbf16, #tpu.memory_space<vmem>>
      %dma_start3A_309 = arith.constant 0 : i32
      %dma_start3A_310 = tpu.memref_slice %arg5[%run_scoped3A_292, %run_scoped3A_293, %dma_start3A_309] : memref<2x156x128xi32, #tpu.memory_space<vmem>> -> memref<1x1x128xi32, #tpu.memory_space<vmem>>
      %dma_start3A_311 = tpu.memref_squeeze %dma_start3A_310 : memref<1x1x128xi32, #tpu.memory_space<vmem>> -> memref<128xi32, #tpu.memory_space<vmem>>
      %dma_start3A_312 = arith.constant 0 : i32
      %dma_start3A_313 = arith.constant 0 : i32
      %dma_start3A_314 = tpu.memref_slice %arg11[%dma_start3A_312, %dma_start3A_313] : memref<10496x64xbf16, #tpu.memory_space<vmem_shared>> -> memref<10496x64xbf16, #tpu.memory_space<vmem_shared>>
      tpu.enqueue_indirect_dma source(%dma_start3A_308 : memref<128x64xbf16, #tpu.memory_space<vmem>>) target(%dma_start3A_314 : memref<10496x64xbf16, #tpu.memory_space<vmem_shared>>) offsets(%dma_start3A_311 : memref<128xi32, #tpu.memory_space<vmem>>) semaphore(%run_scoped3A_305 : memref<!tpu.dma_semaphore, #tpu.memory_space<semaphore_mem>>) {add = true}
      %dma_wait3A_315 = arith.constant 128 : i32
      %dma_wait3A_316 = arith.constant 0 : i32
      %dma_wait3A_317 = tpu.memref_slice %arg7[%dma_wait3A_315, %dma_wait3A_316] : memref<512x64xbf16, #tpu.memory_space<vmem>> -> memref<128x64xbf16, #tpu.memory_space<vmem>>
      %dma_wait3A_318 = arith.constant 0 : i32
      %dma_wait3A_319 = tpu.memref_slice %arg5[%run_scoped3A_292, %run_scoped3A_293, %dma_wait3A_318] : memref<2x156x128xi32, #tpu.memory_space<vmem>> -> memref<1x1x128xi32, #tpu.memory_space<vmem>>
      %dma_wait3A_320 = tpu.memref_squeeze %dma_wait3A_319 : memref<1x1x128xi32, #tpu.memory_space<vmem>> -> memref<128xi32, #tpu.memory_space<vmem>>
      %dma_wait3A_321 = arith.constant 0 : i32
      %dma_wait3A_322 = arith.constant 0 : i32
      %dma_wait3A_323 = tpu.memref_slice %arg11[%dma_wait3A_321, %dma_wait3A_322] : memref<10496x64xbf16, #tpu.memory_space<vmem_shared>> -> memref<10496x64xbf16, #tpu.memory_space<vmem_shared>>
      tpu.wait_indirect_dma semaphore(%run_scoped3A_305 : memref<!tpu.dma_semaphore, #tpu.memory_space<semaphore_mem>>) src(%dma_wait3A_317 : memref<128x64xbf16, #tpu.memory_space<vmem>>) dst(%dma_wait3A_323 : memref<10496x64xbf16, #tpu.memory_space<vmem_shared>>)
      tpu.yield
    }) : () -> ()
    %run_scoped3A_294 = arith.constant 1 : i32
    %run_scoped3A_295 = arith.constant 154 : i32
    "tpu.region"() ({
      %run_scoped3A_305 = tpu.sem_alloc : memref<!tpu.dma_semaphore, #tpu.memory_space<semaphore_mem>>
      %dma_start3A_306 = arith.constant 256 : i32
      %dma_start3A_307 = arith.constant 0 : i32
      %dma_start3A_308 = tpu.memref_slice %arg7[%dma_start3A_306, %dma_start3A_307] : memref<512x64xbf16, #tpu.memory_space<vmem>> -> memref<128x64xbf16, #tpu.memory_space<vmem>>
      %dma_start3A_309 = arith.constant 0 : i32
      %dma_start3A_310 = tpu.memref_slice %arg5[%run_scoped3A_294, %run_scoped3A_295, %dma_start3A_309] : memref<2x156x128xi32, #tpu.memory_space<vmem>> -> memref<1x1x128xi32, #tpu.memory_space<vmem>>
      %dma_start3A_311 = tpu.memref_squeeze %dma_start3A_310 : memref<1x1x128xi32, #tpu.memory_space<vmem>> -> memref<128xi32, #tpu.memory_space<vmem>>
      %dma_start3A_312 = arith.constant 0 : i32
      %dma_start3A_313 = arith.constant 0 : i32
      %dma_start3A_314 = tpu.memref_slice %arg11[%dma_start3A_312, %dma_start3A_313] : memref<10496x64xbf16, #tpu.memory_space<vmem_shared>> -> memref<10496x64xbf16, #tpu.memory_space<vmem_shared>>
      tpu.enqueue_indirect_dma source(%dma_start3A_308 : memref<128x64xbf16, #tpu.memory_space<vmem>>) target(%dma_start3A_314 : memref<10496x64xbf16, #tpu.memory_space<vmem_shared>>) offsets(%dma_start3A_311 : memref<128xi32, #tpu.memory_space<vmem>>) semaphore(%run_scoped3A_305 : memref<!tpu.dma_semaphore, #tpu.memory_space<semaphore_mem>>) {add = true}
      %dma_wait3A_315 = arith.constant 256 : i32
      %dma_wait3A_316 = arith.constant 0 : i32
      %dma_wait3A_317 = tpu.memref_slice %arg7[%dma_wait3A_315, %dma_wait3A_316] : memref<512x64xbf16, #tpu.memory_space<vmem>> -> memref<128x64xbf16, #tpu.memory_space<vmem>>
      %dma_wait3A_318 = arith.constant 0 : i32
      %dma_wait3A_319 = tpu.memref_slice %arg5[%run_scoped3A_294, %run_scoped3A_295, %dma_wait3A_318] : memref<2x156x128xi32, #tpu.memory_space<vmem>> -> memref<1x1x128xi32, #tpu.memory_space<vmem>>
      %dma_wait3A_320 = tpu.memref_squeeze %dma_wait3A_319 : memref<1x1x128xi32, #tpu.memory_space<vmem>> -> memref<128xi32, #tpu.memory_space<vmem>>
      %dma_wait3A_321 = arith.constant 0 : i32
      %dma_wait3A_322 = arith.constant 0 : i32
      %dma_wait3A_323 = tpu.memref_slice %arg11[%dma_wait3A_321, %dma_wait3A_322] : memref<10496x64xbf16, #tpu.memory_space<vmem_shared>> -> memref<10496x64xbf16, #tpu.memory_space<vmem_shared>>
      tpu.wait_indirect_dma semaphore(%run_scoped3A_305 : memref<!tpu.dma_semaphore, #tpu.memory_space<semaphore_mem>>) src(%dma_wait3A_317 : memref<128x64xbf16, #tpu.memory_space<vmem>>) dst(%dma_wait3A_323 : memref<10496x64xbf16, #tpu.memory_space<vmem_shared>>)
      tpu.yield
    }) : () -> ()
    %run_scoped3A_296 = arith.constant 1 : i32
    %run_scoped3A_297 = arith.constant 155 : i32
    "tpu.region"() ({
      %run_scoped3A_305 = tpu.sem_alloc : memref<!tpu.dma_semaphore, #tpu.memory_space<semaphore_mem>>
      %dma_start3A_306 = arith.constant 384 : i32
      %dma_start3A_307 = arith.constant 0 : i32
      %dma_start3A_308 = tpu.memref_slice %arg7[%dma_start3A_306, %dma_start3A_307] : memref<512x64xbf16, #tpu.memory_space<vmem>> -> memref<128x64xbf16, #tpu.memory_space<vmem>>
      %dma_start3A_309 = arith.constant 0 : i32
      %dma_start3A_310 = tpu.memref_slice %arg5[%run_scoped3A_296, %run_scoped3A_297, %dma_start3A_309] : memref<2x156x128xi32, #tpu.memory_space<vmem>> -> memref<1x1x128xi32, #tpu.memory_space<vmem>>
      %dma_start3A_311 = tpu.memref_squeeze %dma_start3A_310 : memref<1x1x128xi32, #tpu.memory_space<vmem>> -> memref<128xi32, #tpu.memory_space<vmem>>
      %dma_start3A_312 = arith.constant 0 : i32
      %dma_start3A_313 = arith.constant 0 : i32
      %dma_start3A_314 = tpu.memref_slice %arg11[%dma_start3A_312, %dma_start3A_313] : memref<10496x64xbf16, #tpu.memory_space<vmem_shared>> -> memref<10496x64xbf16, #tpu.memory_space<vmem_shared>>
      tpu.enqueue_indirect_dma source(%dma_start3A_308 : memref<128x64xbf16, #tpu.memory_space<vmem>>) target(%dma_start3A_314 : memref<10496x64xbf16, #tpu.memory_space<vmem_shared>>) offsets(%dma_start3A_311 : memref<128xi32, #tpu.memory_space<vmem>>) semaphore(%run_scoped3A_305 : memref<!tpu.dma_semaphore, #tpu.memory_space<semaphore_mem>>) {add = true}
      %dma_wait3A_315 = arith.constant 384 : i32
      %dma_wait3A_316 = arith.constant 0 : i32
      %dma_wait3A_317 = tpu.memref_slice %arg7[%dma_wait3A_315, %dma_wait3A_316] : memref<512x64xbf16, #tpu.memory_space<vmem>> -> memref<128x64xbf16, #tpu.memory_space<vmem>>
      %dma_wait3A_318 = arith.constant 0 : i32
      %dma_wait3A_319 = tpu.memref_slice %arg5[%run_scoped3A_296, %run_scoped3A_297, %dma_wait3A_318] : memref<2x156x128xi32, #tpu.memory_space<vmem>> -> memref<1x1x128xi32, #tpu.memory_space<vmem>>
      %dma_wait3A_320 = tpu.memref_squeeze %dma_wait3A_319 : memref<1x1x128xi32, #tpu.memory_space<vmem>> -> memref<128xi32, #tpu.memory_space<vmem>>
      %dma_wait3A_321 = arith.constant 0 : i32
      %dma_wait3A_322 = arith.constant 0 : i32
      %dma_wait3A_323 = tpu.memref_slice %arg11[%dma_wait3A_321, %dma_wait3A_322] : memref<10496x64xbf16, #tpu.memory_space<vmem_shared>> -> memref<10496x64xbf16, #tpu.memory_space<vmem_shared>>
      tpu.wait_indirect_dma semaphore(%run_scoped3A_305 : memref<!tpu.dma_semaphore, #tpu.memory_space<semaphore_mem>>) src(%dma_wait3A_317 : memref<128x64xbf16, #tpu.memory_space<vmem>>) dst(%dma_wait3A_323 : memref<10496x64xbf16, #tpu.memory_space<vmem_shared>>)
      tpu.yield
    }) : () -> ()
    %lt3A = arith.constant 4 : i32
    %lt3A_298 = arith.cmpi slt, %arg1, %lt3A : i32
    %convert_element_type3A = arith.extui %lt3A_298 : i1 to i32
    %cond3A = arith.constant 0 : i32
    %cond3A_299 = arith.cmpi ne, %convert_element_type3A, %cond3A : i32
    scf.if %cond3A_299 {
      %add3A_305 = arith.constant 2496 : i32
      %add3A_306 = arith.addi %add3A_305, %arg1 : i32
      %run_scoped3A_307 = arith.constant 0 : i32
      %run_scoped3A_308 = arith.constant 0 : i32
      "tpu.region"() ({
        %run_scoped3A_348 = tpu.sem_alloc : memref<!tpu.dma_semaphore, #tpu.memory_space<semaphore_mem>>
        %dma_start3A_349 = arith.constant 0 : i32
        %dma_start3A_350 = arith.constant 0 : i32
        %dma_start3A_351 = tpu.memref_slice %arg5[%run_scoped3A_308, %dma_start3A_349, %dma_start3A_350] : memref<2x156x128xi32, #tpu.memory_space<vmem>> -> memref<1x1x128xi32, #tpu.memory_space<vmem>>
        %dma_start3A_352 = tpu.memref_squeeze %dma_start3A_351 : memref<1x1x128xi32, #tpu.memory_space<vmem>> -> memref<1x128xi32, #tpu.memory_space<vmem>>
        %dma_start3A_353 = arith.constant 0 : i32
        %dma_start3A_354 = tpu.memref_slice %arg3[%run_scoped3A_307, %add3A_306, %dma_start3A_353] : memref<2x2500x128xi32, #tpu.memory_space<hbm>> -> memref<1x1x128xi32, #tpu.memory_space<hbm>>
        %dma_start3A_355 = tpu.memref_squeeze %dma_start3A_354 : memref<1x1x128xi32, #tpu.memory_space<hbm>> -> memref<1x128xi32, #tpu.memory_space<hbm>>
        %dma_start3A_356 = arith.constant 0 : i32
        %dma_start3A_357 = arith.constant 0 : i32
        %dma_start3A_358 = tpu.memref_slice %arg5[%run_scoped3A_308, %dma_start3A_356, %dma_start3A_357] : memref<2x156x128xi32, #tpu.memory_space<vmem>> -> memref<1x1x128xi32, #tpu.memory_space<vmem>>
        %dma_start3A_359 = tpu.memref_squeeze %dma_start3A_358 : memref<1x1x128xi32, #tpu.memory_space<vmem>> -> memref<1x128xi32, #tpu.memory_space<vmem>>
        %dma_start3A_360 = arith.constant 0 : i32
        %dma_start3A_361 = tpu.memref_slice %arg3[%run_scoped3A_307, %add3A_306, %dma_start3A_360] : memref<2x2500x128xi32, #tpu.memory_space<hbm>> -> memref<1x1x128xi32, #tpu.memory_space<hbm>>
        %dma_start3A_362 = tpu.memref_squeeze %dma_start3A_361 : memref<1x1x128xi32, #tpu.memory_space<hbm>> -> memref<1x128xi32, #tpu.memory_space<hbm>>
        tpu.enqueue_dma source(%dma_start3A_362 : memref<1x128xi32, #tpu.memory_space<hbm>>) target(%dma_start3A_359 : memref<1x128xi32, #tpu.memory_space<vmem>>) target_semaphore(%run_scoped3A_348 : memref<!tpu.dma_semaphore, #tpu.memory_space<semaphore_mem>>)
        %dma_wait3A_363 = arith.constant 0 : i32
        %dma_wait3A_364 = arith.constant 0 : i32
        %dma_wait3A_365 = tpu.memref_slice %arg5[%run_scoped3A_308, %dma_wait3A_363, %dma_wait3A_364] : memref<2x156x128xi32, #tpu.memory_space<vmem>> -> memref<1x1x128xi32, #tpu.memory_space<vmem>>
        %dma_wait3A_366 = tpu.memref_squeeze %dma_wait3A_365 : memref<1x1x128xi32, #tpu.memory_space<vmem>> -> memref<1x128xi32, #tpu.memory_space<vmem>>
        %dma_wait3A_367 = arith.constant 0 : i32
        %dma_wait3A_368 = tpu.memref_slice %arg3[%run_scoped3A_307, %add3A_306, %dma_wait3A_367] : memref<2x2500x128xi32, #tpu.memory_space<hbm>> -> memref<1x1x128xi32, #tpu.memory_space<hbm>>
        %dma_wait3A_369 = tpu.memref_squeeze %dma_wait3A_368 : memref<1x1x128xi32, #tpu.memory_space<hbm>> -> memref<1x128xi32, #tpu.memory_space<hbm>>
        %dma_wait3A_370 = arith.constant 0 : i32
        %dma_wait3A_371 = arith.constant 0 : i32
        %dma_wait3A_372 = tpu.memref_slice %arg5[%run_scoped3A_308, %dma_wait3A_370, %dma_wait3A_371] : memref<2x156x128xi32, #tpu.memory_space<vmem>> -> memref<1x1x128xi32, #tpu.memory_space<vmem>>
        %dma_wait3A_373 = tpu.memref_squeeze %dma_wait3A_372 : memref<1x1x128xi32, #tpu.memory_space<vmem>> -> memref<1x128xi32, #tpu.memory_space<vmem>>
        %dma_wait3A_374 = arith.constant 0 : i32
        %dma_wait3A_375 = tpu.memref_slice %arg3[%run_scoped3A_307, %add3A_306, %dma_wait3A_374] : memref<2x2500x128xi32, #tpu.memory_space<hbm>> -> memref<1x1x128xi32, #tpu.memory_space<hbm>>
        %dma_wait3A_376 = tpu.memref_squeeze %dma_wait3A_375 : memref<1x1x128xi32, #tpu.memory_space<hbm>> -> memref<1x128xi32, #tpu.memory_space<hbm>>
        tpu.wait_dma2 semaphore(%run_scoped3A_348 : memref<!tpu.dma_semaphore, #tpu.memory_space<semaphore_mem>>) src(%dma_wait3A_376 : memref<1x128xi32, #tpu.memory_space<hbm>>) dst(%dma_wait3A_373 : memref<1x128xi32, #tpu.memory_space<vmem>>)
        tpu.yield
      }) : () -> ()
      %run_scoped3A_309 = arith.constant 1 : i32
      %run_scoped3A_310 = arith.constant 1 : i32
      "tpu.region"() ({
        %run_scoped3A_348 = tpu.sem_alloc : memref<!tpu.dma_semaphore, #tpu.memory_space<semaphore_mem>>
        %dma_start3A_349 = arith.constant 0 : i32
        %dma_start3A_350 = arith.constant 0 : i32
        %dma_start3A_351 = tpu.memref_slice %arg5[%run_scoped3A_310, %dma_start3A_349, %dma_start3A_350] : memref<2x156x128xi32, #tpu.memory_space<vmem>> -> memref<1x1x128xi32, #tpu.memory_space<vmem>>
        %dma_start3A_352 = tpu.memref_squeeze %dma_start3A_351 : memref<1x1x128xi32, #tpu.memory_space<vmem>> -> memref<1x128xi32, #tpu.memory_space<vmem>>
        %dma_start3A_353 = arith.constant 0 : i32
        %dma_start3A_354 = tpu.memref_slice %arg3[%run_scoped3A_309, %add3A_306, %dma_start3A_353] : memref<2x2500x128xi32, #tpu.memory_space<hbm>> -> memref<1x1x128xi32, #tpu.memory_space<hbm>>
        %dma_start3A_355 = tpu.memref_squeeze %dma_start3A_354 : memref<1x1x128xi32, #tpu.memory_space<hbm>> -> memref<1x128xi32, #tpu.memory_space<hbm>>
        %dma_start3A_356 = arith.constant 0 : i32
        %dma_start3A_357 = arith.constant 0 : i32
        %dma_start3A_358 = tpu.memref_slice %arg5[%run_scoped3A_310, %dma_start3A_356, %dma_start3A_357] : memref<2x156x128xi32, #tpu.memory_space<vmem>> -> memref<1x1x128xi32, #tpu.memory_space<vmem>>
        %dma_start3A_359 = tpu.memref_squeeze %dma_start3A_358 : memref<1x1x128xi32, #tpu.memory_space<vmem>> -> memref<1x128xi32, #tpu.memory_space<vmem>>
        %dma_start3A_360 = arith.constant 0 : i32
        %dma_start3A_361 = tpu.memref_slice %arg3[%run_scoped3A_309, %add3A_306, %dma_start3A_360] : memref<2x2500x128xi32, #tpu.memory_space<hbm>> -> memref<1x1x128xi32, #tpu.memory_space<hbm>>
        %dma_start3A_362 = tpu.memref_squeeze %dma_start3A_361 : memref<1x1x128xi32, #tpu.memory_space<hbm>> -> memref<1x128xi32, #tpu.memory_space<hbm>>
        tpu.enqueue_dma source(%dma_start3A_362 : memref<1x128xi32, #tpu.memory_space<hbm>>) target(%dma_start3A_359 : memref<1x128xi32, #tpu.memory_space<vmem>>) target_semaphore(%run_scoped3A_348 : memref<!tpu.dma_semaphore, #tpu.memory_space<semaphore_mem>>)
        %dma_wait3A_363 = arith.constant 0 : i32
        %dma_wait3A_364 = arith.constant 0 : i32
        %dma_wait3A_365 = tpu.memref_slice %arg5[%run_scoped3A_310, %dma_wait3A_363, %dma_wait3A_364] : memref<2x156x128xi32, #tpu.memory_space<vmem>> -> memref<1x1x128xi32, #tpu.memory_space<vmem>>
        %dma_wait3A_366 = tpu.memref_squeeze %dma_wait3A_365 : memref<1x1x128xi32, #tpu.memory_space<vmem>> -> memref<1x128xi32, #tpu.memory_space<vmem>>
        %dma_wait3A_367 = arith.constant 0 : i32
        %dma_wait3A_368 = tpu.memref_slice %arg3[%run_scoped3A_309, %add3A_306, %dma_wait3A_367] : memref<2x2500x128xi32, #tpu.memory_space<hbm>> -> memref<1x1x128xi32, #tpu.memory_space<hbm>>
        %dma_wait3A_369 = tpu.memref_squeeze %dma_wait3A_368 : memref<1x1x128xi32, #tpu.memory_space<hbm>> -> memref<1x128xi32, #tpu.memory_space<hbm>>
        %dma_wait3A_370 = arith.constant 0 : i32
        %dma_wait3A_371 = arith.constant 0 : i32
        %dma_wait3A_372 = tpu.memref_slice %arg5[%run_scoped3A_310, %dma_wait3A_370, %dma_wait3A_371] : memref<2x156x128xi32, #tpu.memory_space<vmem>> -> memref<1x1x128xi32, #tpu.memory_space<vmem>>
        %dma_wait3A_373 = tpu.memref_squeeze %dma_wait3A_372 : memref<1x1x128xi32, #tpu.memory_space<vmem>> -> memref<1x128xi32, #tpu.memory_space<vmem>>
        %dma_wait3A_374 = arith.constant 0 : i32
        %dma_wait3A_375 = tpu.memref_slice %arg3[%run_scoped3A_309, %add3A_306, %dma_wait3A_374] : memref<2x2500x128xi32, #tpu.memory_space<hbm>> -> memref<1x1x128xi32, #tpu.memory_space<hbm>>
        %dma_wait3A_376 = tpu.memref_squeeze %dma_wait3A_375 : memref<1x1x128xi32, #tpu.memory_space<hbm>> -> memref<1x128xi32, #tpu.memory_space<hbm>>
        tpu.wait_dma2 semaphore(%run_scoped3A_348 : memref<!tpu.dma_semaphore, #tpu.memory_space<semaphore_mem>>) src(%dma_wait3A_376 : memref<1x128xi32, #tpu.memory_space<hbm>>) dst(%dma_wait3A_373 : memref<1x128xi32, #tpu.memory_space<vmem>>)
        tpu.yield
      }) : () -> ()
      %dma_start3A_311 = arith.constant 0 : i32
      %dma_start3A_312 = arith.constant 0 : i32
      %dma_start3A_313 = arith.constant 0 : i32
      %dma_start3A_314 = arith.constant 0 : i32
      %dma_start3A_315 = tpu.memref_slice %arg9[%dma_start3A_313, %dma_start3A_314] : memref<512x64xbf16, #tpu.memory_space<vmem>> -> memref<128x64xbf16, #tpu.memory_space<vmem>>
      %dma_start3A_316 = arith.constant 0 : i32
      %dma_start3A_317 = tpu.memref_slice %arg5[%dma_start3A_311, %dma_start3A_312, %dma_start3A_316] : memref<2x156x128xi32, #tpu.memory_space<vmem>> -> memref<1x1x128xi32, #tpu.memory_space<vmem>>
      %dma_start3A_318 = tpu.memref_squeeze %dma_start3A_317 : memref<1x1x128xi32, #tpu.memory_space<vmem>> -> memref<128xi32, #tpu.memory_space<vmem>>
      %dma_start3A_319 = arith.constant 0 : i32
      %dma_start3A_320 = arith.constant 0 : i32
      %dma_start3A_321 = tpu.memref_slice %arg2[%arg0, %dma_start3A_319, %dma_start3A_320] : memref<2x10000x64xbf16, #tpu.memory_space<hbm>> -> memref<1x10000x64xbf16, #tpu.memory_space<hbm>>
      %dma_start3A_322 = tpu.memref_squeeze %dma_start3A_321 : memref<1x10000x64xbf16, #tpu.memory_space<hbm>> -> memref<10000x64xbf16, #tpu.memory_space<hbm>>
      %dma_start3A_323 = arith.constant 0 : i32
      %dma_start3A_324 = arith.constant 0 : i32
      %dma_start3A_325 = tpu.memref_slice %dma_start3A_322[%dma_start3A_323, %dma_start3A_324] : memref<10000x64xbf16, #tpu.memory_space<hbm>> -> memref<10000x64xbf16, #tpu.memory_space<hbm>>
      tpu.enqueue_indirect_dma source(%dma_start3A_325 : memref<10000x64xbf16, #tpu.memory_space<hbm>>) target(%dma_start3A_315 : memref<128x64xbf16, #tpu.memory_space<vmem>>) offsets(%dma_start3A_318 : memref<128xi32, #tpu.memory_space<vmem>>) semaphore(%arg10 : memref<!tpu.dma_semaphore, #tpu.memory_space<semaphore_mem>>)
      %dma_wait3A_326 = arith.constant 0 : i32
      %dma_wait3A_327 = arith.constant 0 : i32
      %dma_wait3A_328 = tpu.memref_slice %arg9[%dma_wait3A_326, %dma_wait3A_327] : memref<512x64xbf16, #tpu.memory_space<vmem>> -> memref<128x64xbf16, #tpu.memory_space<vmem>>
      %dma_wait3A_329 = arith.constant 0 : i32
      %dma_wait3A_330 = arith.constant 0 : i32
      %dma_wait3A_331 = tpu.memref_slice %arg2[%arg0, %dma_wait3A_329, %dma_wait3A_330] : memref<2x10000x64xbf16, #tpu.memory_space<hbm>> -> memref<1x10000x64xbf16, #tpu.memory_space<hbm>>
      %dma_wait3A_332 = tpu.memref_squeeze %dma_wait3A_331 : memref<1x10000x64xbf16, #tpu.memory_space<hbm>> -> memref<10000x64xbf16, #tpu.memory_space<hbm>>
      %dma_wait3A_333 = arith.constant 0 : i32
      %dma_wait3A_334 = arith.constant 0 : i32
      %dma_wait3A_335 = tpu.memref_slice %dma_wait3A_332[%dma_wait3A_333, %dma_wait3A_334] : memref<10000x64xbf16, #tpu.memory_space<hbm>> -> memref<128x64xbf16, #tpu.memory_space<hbm>>
      %dma_wait3A_336 = arith.constant 0 : i32
      %dma_wait3A_337 = arith.constant 0 : i32
      %dma_wait3A_338 = tpu.memref_slice %arg9[%dma_wait3A_336, %dma_wait3A_337] : memref<512x64xbf16, #tpu.memory_space<vmem>> -> memref<128x64xbf16, #tpu.memory_space<vmem>>
      %dma_wait3A_339 = arith.constant 0 : i32
      %dma_wait3A_340 = arith.constant 0 : i32
      %dma_wait3A_341 = tpu.memref_slice %arg2[%arg0, %dma_wait3A_339, %dma_wait3A_340] : memref<2x10000x64xbf16, #tpu.memory_space<hbm>> -> memref<1x10000x64xbf16, #tpu.memory_space<hbm>>
      %dma_wait3A_342 = tpu.memref_squeeze %dma_wait3A_341 : memref<1x10000x64xbf16, #tpu.memory_space<hbm>> -> memref<10000x64xbf16, #tpu.memory_space<hbm>>
      %dma_wait3A_343 = arith.constant 0 : i32
      %dma_wait3A_344 = arith.constant 0 : i32
      %dma_wait3A_345 = tpu.memref_slice %dma_wait3A_342[%dma_wait3A_343, %dma_wait3A_344] : memref<10000x64xbf16, #tpu.memory_space<hbm>> -> memref<128x64xbf16, #tpu.memory_space<hbm>>
      tpu.wait_dma2 semaphore(%arg10 : memref<!tpu.dma_semaphore, #tpu.memory_space<semaphore_mem>>) src(%dma_wait3A_345 : memref<128x64xbf16, #tpu.memory_space<hbm>>) dst(%dma_wait3A_338 : memref<128x64xbf16, #tpu.memory_space<vmem>>)
      %run_scoped3A_346 = arith.constant 1 : i32
      %run_scoped3A_347 = arith.constant 0 : i32
      "tpu.region"() ({
        %run_scoped3A_348 = tpu.sem_alloc : memref<!tpu.dma_semaphore, #tpu.memory_space<semaphore_mem>>
        %dma_start3A_349 = arith.constant 0 : i32
        %dma_start3A_350 = arith.constant 0 : i32
        %dma_start3A_351 = tpu.memref_slice %arg9[%dma_start3A_349, %dma_start3A_350] : memref<512x64xbf16, #tpu.memory_space<vmem>> -> memref<128x64xbf16, #tpu.memory_space<vmem>>
        %dma_start3A_352 = arith.constant 0 : i32
        %dma_start3A_353 = tpu.memref_slice %arg5[%run_scoped3A_346, %run_scoped3A_347, %dma_start3A_352] : memref<2x156x128xi32, #tpu.memory_space<vmem>> -> memref<1x1x128xi32, #tpu.memory_space<vmem>>
        %dma_start3A_354 = tpu.memref_squeeze %dma_start3A_353 : memref<1x1x128xi32, #tpu.memory_space<vmem>> -> memref<128xi32, #tpu.memory_space<vmem>>
        %dma_start3A_355 = arith.constant 0 : i32
        %dma_start3A_356 = arith.constant 0 : i32
        %dma_start3A_357 = tpu.memref_slice %arg11[%dma_start3A_355, %dma_start3A_356] : memref<10496x64xbf16, #tpu.memory_space<vmem_shared>> -> memref<10496x64xbf16, #tpu.memory_space<vmem_shared>>
        tpu.enqueue_indirect_dma source(%dma_start3A_351 : memref<128x64xbf16, #tpu.memory_space<vmem>>) target(%dma_start3A_357 : memref<10496x64xbf16, #tpu.memory_space<vmem_shared>>) offsets(%dma_start3A_354 : memref<128xi32, #tpu.memory_space<vmem>>) semaphore(%run_scoped3A_348 : memref<!tpu.dma_semaphore, #tpu.memory_space<semaphore_mem>>) {add = true}
        %dma_wait3A_358 = arith.constant 0 : i32
        %dma_wait3A_359 = arith.constant 0 : i32
        %dma_wait3A_360 = tpu.memref_slice %arg9[%dma_wait3A_358, %dma_wait3A_359] : memref<512x64xbf16, #tpu.memory_space<vmem>> -> memref<128x64xbf16, #tpu.memory_space<vmem>>
        %dma_wait3A_361 = arith.constant 0 : i32
        %dma_wait3A_362 = tpu.memref_slice %arg5[%run_scoped3A_346, %run_scoped3A_347, %dma_wait3A_361] : memref<2x156x128xi32, #tpu.memory_space<vmem>> -> memref<1x1x128xi32, #tpu.memory_space<vmem>>
        %dma_wait3A_363 = tpu.memref_squeeze %dma_wait3A_362 : memref<1x1x128xi32, #tpu.memory_space<vmem>> -> memref<128xi32, #tpu.memory_space<vmem>>
        %dma_wait3A_364 = arith.constant 0 : i32
        %dma_wait3A_365 = arith.constant 0 : i32
        %dma_wait3A_366 = tpu.memref_slice %arg11[%dma_wait3A_364, %dma_wait3A_365] : memref<10496x64xbf16, #tpu.memory_space<vmem_shared>> -> memref<10496x64xbf16, #tpu.memory_space<vmem_shared>>
        tpu.wait_indirect_dma semaphore(%run_scoped3A_348 : memref<!tpu.dma_semaphore, #tpu.memory_space<semaphore_mem>>) src(%dma_wait3A_360 : memref<128x64xbf16, #tpu.memory_space<vmem>>) dst(%dma_wait3A_366 : memref<10496x64xbf16, #tpu.memory_space<vmem_shared>>)
        tpu.yield
      }) : () -> ()
    } else {
    }
    %barrier3A_300 = arith.constant 0 : index
    tpu.barrier barrier_id(%barrier3A_300)
    "tpu.region"() ({
      %run_scoped3A_305 = tpu.sem_alloc : memref<!tpu.dma_semaphore, #tpu.memory_space<semaphore_mem>>
      %dma_start3A_306 = arith.constant 0 : i32
      %dma_start3A_307 = tpu.memref_slice %arg11[%mul3A_0, %dma_start3A_306] : memref<10496x64xbf16, #tpu.memory_space<vmem_shared>> -> memref<512x64xbf16, #tpu.memory_space<vmem_shared>>
      %dma_start3A_308 = arith.constant 0 : i32
      %dma_start3A_309 = tpu.memref_slice %arg11[%mul3A_0, %dma_start3A_308] : memref<10496x64xbf16, #tpu.memory_space<vmem_shared>> -> memref<512x64xbf16, #tpu.memory_space<vmem_shared>>
      tpu.enqueue_dma source(%dma_start3A_309 : memref<512x64xbf16, #tpu.memory_space<vmem_shared>>) target(%arg7 : memref<512x64xbf16, #tpu.memory_space<vmem>>) target_semaphore(%run_scoped3A_305 : memref<!tpu.dma_semaphore, #tpu.memory_space<semaphore_mem>>)
      %dma_wait3A_310 = arith.constant 0 : i32
      %dma_wait3A_311 = tpu.memref_slice %arg11[%mul3A_0, %dma_wait3A_310] : memref<10496x64xbf16, #tpu.memory_space<vmem_shared>> -> memref<512x64xbf16, #tpu.memory_space<vmem_shared>>
      %dma_wait3A_312 = arith.constant 0 : i32
      %dma_wait3A_313 = tpu.memref_slice %arg11[%mul3A_0, %dma_wait3A_312] : memref<10496x64xbf16, #tpu.memory_space<vmem_shared>> -> memref<512x64xbf16, #tpu.memory_space<vmem_shared>>
      tpu.wait_dma2 semaphore(%run_scoped3A_305 : memref<!tpu.dma_semaphore, #tpu.memory_space<semaphore_mem>>) src(%dma_wait3A_313 : memref<512x64xbf16, #tpu.memory_space<vmem_shared>>) dst(%arg7 : memref<512x64xbf16, #tpu.memory_space<vmem>>)
      tpu.yield
    }) : () -> ()
    "tpu.region"() ({
      %run_scoped3A_305 = tpu.sem_alloc : memref<!tpu.dma_semaphore, #tpu.memory_space<semaphore_mem>>
      %dma_start3A_306 = arith.constant 0 : i32
      %dma_start3A_307 = tpu.memref_slice %arg4[%arg0, %mul3A_0, %dma_start3A_306] : memref<2x10496x64xbf16, #tpu.memory_space<hbm>> -> memref<1x512x64xbf16, #tpu.memory_space<hbm>>
      %dma_start3A_308 = tpu.memref_squeeze %dma_start3A_307 : memref<1x512x64xbf16, #tpu.memory_space<hbm>> -> memref<512x64xbf16, #tpu.memory_space<hbm>>
      %dma_start3A_309 = arith.constant 0 : i32
      %dma_start3A_310 = tpu.memref_slice %arg4[%arg0, %mul3A_0, %dma_start3A_309] : memref<2x10496x64xbf16, #tpu.memory_space<hbm>> -> memref<1x512x64xbf16, #tpu.memory_space<hbm>>
      %dma_start3A_311 = tpu.memref_squeeze %dma_start3A_310 : memref<1x512x64xbf16, #tpu.memory_space<hbm>> -> memref<512x64xbf16, #tpu.memory_space<hbm>>
      tpu.enqueue_dma source(%arg7 : memref<512x64xbf16, #tpu.memory_space<vmem>>) target(%dma_start3A_311 : memref<512x64xbf16, #tpu.memory_space<hbm>>) target_semaphore(%run_scoped3A_305 : memref<!tpu.dma_semaphore, #tpu.memory_space<semaphore_mem>>)
      %dma_wait3A_312 = arith.constant 0 : i32
      %dma_wait3A_313 = tpu.memref_slice %arg4[%arg0, %mul3A_0, %dma_wait3A_312] : memref<2x10496x64xbf16, #tpu.memory_space<hbm>> -> memref<1x512x64xbf16, #tpu.memory_space<hbm>>
      %dma_wait3A_314 = tpu.memref_squeeze %dma_wait3A_313 : memref<1x512x64xbf16, #tpu.memory_space<hbm>> -> memref<512x64xbf16, #tpu.memory_space<hbm>>
      %dma_wait3A_315 = arith.constant 0 : i32
      %dma_wait3A_316 = tpu.memref_slice %arg4[%arg0, %mul3A_0, %dma_wait3A_315] : memref<2x10496x64xbf16, #tpu.memory_space<hbm>> -> memref<1x512x64xbf16, #tpu.memory_space<hbm>>
      %dma_wait3A_317 = tpu.memref_squeeze %dma_wait3A_316 : memref<1x512x64xbf16, #tpu.memory_space<hbm>> -> memref<512x64xbf16, #tpu.memory_space<hbm>>
      tpu.wait_dma2 semaphore(%run_scoped3A_305 : memref<!tpu.dma_semaphore, #tpu.memory_space<semaphore_mem>>) src(%arg7 : memref<512x64xbf16, #tpu.memory_space<vmem>>) dst(%dma_wait3A_317 : memref<512x64xbf16, #tpu.memory_space<hbm>>)
      tpu.yield
    }) : () -> ()
    %add3A_301 = arith.constant 512 : i32
    %add3A_302 = arith.addi %mul3A_0, %add3A_301 : i32
    "tpu.region"() ({
      %run_scoped3A_305 = tpu.sem_alloc : memref<!tpu.dma_semaphore, #tpu.memory_space<semaphore_mem>>
      %dma_start3A_306 = arith.constant 0 : i32
      %dma_start3A_307 = arith.constant 0 : i32
      %dma_start3A_308 = tpu.memref_slice %arg9[%dma_start3A_306, %dma_start3A_307] : memref<512x64xbf16, #tpu.memory_space<vmem>> -> memref<144x64xbf16, #tpu.memory_space<vmem>>
      %dma_start3A_309 = arith.constant 0 : i32
      %dma_start3A_310 = tpu.memref_slice %arg11[%add3A_302, %dma_start3A_309] : memref<10496x64xbf16, #tpu.memory_space<vmem_shared>> -> memref<144x64xbf16, #tpu.memory_space<vmem_shared>>
      %dma_start3A_311 = arith.constant 0 : i32
      %dma_start3A_312 = arith.constant 0 : i32
      %dma_start3A_313 = tpu.memref_slice %arg9[%dma_start3A_311, %dma_start3A_312] : memref<512x64xbf16, #tpu.memory_space<vmem>> -> memref<144x64xbf16, #tpu.memory_space<vmem>>
      %dma_start3A_314 = arith.constant 0 : i32
      %dma_start3A_315 = tpu.memref_slice %arg11[%add3A_302, %dma_start3A_314] : memref<10496x64xbf16, #tpu.memory_space<vmem_shared>> -> memref<144x64xbf16, #tpu.memory_space<vmem_shared>>
      tpu.enqueue_dma source(%dma_start3A_315 : memref<144x64xbf16, #tpu.memory_space<vmem_shared>>) target(%dma_start3A_313 : memref<144x64xbf16, #tpu.memory_space<vmem>>) target_semaphore(%run_scoped3A_305 : memref<!tpu.dma_semaphore, #tpu.memory_space<semaphore_mem>>)
      %dma_wait3A_316 = arith.constant 0 : i32
      %dma_wait3A_317 = arith.constant 0 : i32
      %dma_wait3A_318 = tpu.memref_slice %arg9[%dma_wait3A_316, %dma_wait3A_317] : memref<512x64xbf16, #tpu.memory_space<vmem>> -> memref<144x64xbf16, #tpu.memory_space<vmem>>
      %dma_wait3A_319 = arith.constant 0 : i32
      %dma_wait3A_320 = tpu.memref_slice %arg11[%add3A_302, %dma_wait3A_319] : memref<10496x64xbf16, #tpu.memory_space<vmem_shared>> -> memref<144x64xbf16, #tpu.memory_space<vmem_shared>>
      %dma_wait3A_321 = arith.constant 0 : i32
      %dma_wait3A_322 = arith.constant 0 : i32
      %dma_wait3A_323 = tpu.memref_slice %arg9[%dma_wait3A_321, %dma_wait3A_322] : memref<512x64xbf16, #tpu.memory_space<vmem>> -> memref<144x64xbf16, #tpu.memory_space<vmem>>
      %dma_wait3A_324 = arith.constant 0 : i32
      %dma_wait3A_325 = tpu.memref_slice %arg11[%add3A_302, %dma_wait3A_324] : memref<10496x64xbf16, #tpu.memory_space<vmem_shared>> -> memref<144x64xbf16, #tpu.memory_space<vmem_shared>>
      tpu.wait_dma2 semaphore(%run_scoped3A_305 : memref<!tpu.dma_semaphore, #tpu.memory_space<semaphore_mem>>) src(%dma_wait3A_325 : memref<144x64xbf16, #tpu.memory_space<vmem_shared>>) dst(%dma_wait3A_323 : memref<144x64xbf16, #tpu.memory_space<vmem>>)
      tpu.yield
    }) : () -> ()
    %add3A_303 = arith.constant 512 : i32
    %add3A_304 = arith.addi %mul3A_0, %add3A_303 : i32
    "tpu.region"() ({
      %run_scoped3A_305 = tpu.sem_alloc : memref<!tpu.dma_semaphore, #tpu.memory_space<semaphore_mem>>
      %dma_start3A_306 = arith.constant 0 : i32
      %dma_start3A_307 = arith.constant 0 : i32
      %dma_start3A_308 = tpu.memref_slice %arg9[%dma_start3A_306, %dma_start3A_307] : memref<512x64xbf16, #tpu.memory_space<vmem>> -> memref<144x64xbf16, #tpu.memory_space<vmem>>
      %dma_start3A_309 = arith.constant 0 : i32
      %dma_start3A_310 = tpu.memref_slice %arg4[%arg0, %add3A_304, %dma_start3A_309] : memref<2x10496x64xbf16, #tpu.memory_space<hbm>> -> memref<1x144x64xbf16, #tpu.memory_space<hbm>>
      %dma_start3A_311 = tpu.memref_squeeze %dma_start3A_310 : memref<1x144x64xbf16, #tpu.memory_space<hbm>> -> memref<144x64xbf16, #tpu.memory_space<hbm>>
      %dma_start3A_312 = arith.constant 0 : i32
      %dma_start3A_313 = tpu.memref_slice %arg4[%arg0, %add3A_304, %dma_start3A_312] : memref<2x10496x64xbf16, #tpu.memory_space<hbm>> -> memref<1x144x64xbf16, #tpu.memory_space<hbm>>
      %dma_start3A_314 = tpu.memref_squeeze %dma_start3A_313 : memref<1x144x64xbf16, #tpu.memory_space<hbm>> -> memref<144x64xbf16, #tpu.memory_space<hbm>>
      %dma_start3A_315 = arith.constant 0 : i32
      %dma_start3A_316 = arith.constant 0 : i32
      %dma_start3A_317 = tpu.memref_slice %arg9[%dma_start3A_315, %dma_start3A_316] : memref<512x64xbf16, #tpu.memory_space<vmem>> -> memref<144x64xbf16, #tpu.memory_space<vmem>>
      tpu.enqueue_dma source(%dma_start3A_317 : memref<144x64xbf16, #tpu.memory_space<vmem>>) target(%dma_start3A_314 : memref<144x64xbf16, #tpu.memory_space<hbm>>) target_semaphore(%run_scoped3A_305 : memref<!tpu.dma_semaphore, #tpu.memory_space<semaphore_mem>>)
      %dma_wait3A_318 = arith.constant 0 : i32
      %dma_wait3A_319 = arith.constant 0 : i32
      %dma_wait3A_320 = tpu.memref_slice %arg9[%dma_wait3A_318, %dma_wait3A_319] : memref<512x64xbf16, #tpu.memory_space<vmem>> -> memref<144x64xbf16, #tpu.memory_space<vmem>>
      %dma_wait3A_321 = arith.constant 0 : i32
      %dma_wait3A_322 = tpu.memref_slice %arg4[%arg0, %add3A_304, %dma_wait3A_321] : memref<2x10496x64xbf16, #tpu.memory_space<hbm>> -> memref<1x144x64xbf16, #tpu.memory_space<hbm>>
      %dma_wait3A_323 = tpu.memref_squeeze %dma_wait3A_322 : memref<1x144x64xbf16, #tpu.memory_space<hbm>> -> memref<144x64xbf16, #tpu.memory_space<hbm>>
      %dma_wait3A_324 = arith.constant 0 : i32
      %dma_wait3A_325 = tpu.memref_slice %arg4[%arg0, %add3A_304, %dma_wait3A_324] : memref<2x10496x64xbf16, #tpu.memory_space<hbm>> -> memref<1x144x64xbf16, #tpu.memory_space<hbm>>
      %dma_wait3A_326 = tpu.memref_squeeze %dma_wait3A_325 : memref<1x144x64xbf16, #tpu.memory_space<hbm>> -> memref<144x64xbf16, #tpu.memory_space<hbm>>
      %dma_wait3A_327 = arith.constant 0 : i32
      %dma_wait3A_328 = arith.constant 0 : i32
      %dma_wait3A_329 = tpu.memref_slice %arg9[%dma_wait3A_327, %dma_wait3A_328] : memref<512x64xbf16, #tpu.memory_space<vmem>> -> memref<144x64xbf16, #tpu.memory_space<vmem>>
      tpu.wait_dma2 semaphore(%run_scoped3A_305 : memref<!tpu.dma_semaphore, #tpu.memory_space<semaphore_mem>>) src(%dma_wait3A_329 : memref<144x64xbf16, #tpu.memory_space<vmem>>) dst(%dma_wait3A_326 : memref<144x64xbf16, #tpu.memory_space<hbm>>)
      tpu.yield
    }) : () -> ()
    return
  }
}

module attributes {stable_mosaic.version = 14 : i64} {
  func.func @_k1a_body(%arg0: i32, %arg1: memref<1000x128xf32, #tpu.memory_space<vmem>>, %arg2: memref<128x128xf32, #tpu.memory_space<vmem>>, %arg3: memref<1000x128xf32, #tpu.memory_space<vmem>>) attributes {dimension_semantics = [#tpu.dimension_semantics<arbitrary>], iteration_bounds = array<i64: 10>, scalar_prefetch = 0 : i64, scratch_operands = 0 : i64, tpu.core_type = #tpu.core_type<tc>, window_params = [{transform_indices = @transform_0, window_bounds = array<i64: 1000, 128>}, {pipeline_mode = #tpu.pipeline_mode<synchronous>, transform_indices = @transform_1, window_bounds = array<i64: 128, 128>}, {transform_indices = @transform_2, window_bounds = array<i64: 1000, 128>}]} {
    %get3A = arith.constant 0 : index
    %get3A_0 = arith.constant 0 : index
    %get3A_1 = vector.load %arg1[%get3A, %get3A_0] : memref<1000x128xf32, #tpu.memory_space<vmem>>, vector<1000x128xf32>
    %get3A_2 = arith.constant 0 : index
    %get3A_3 = arith.constant 0 : index
    %get3A_4 = vector.load %arg2[%get3A_2, %get3A_3] : memref<128x128xf32, #tpu.memory_space<vmem>>, vector<128x128xf32>
    %dot_general3A = arith.constant dense<0.000000e+00> : vector<1000x128xf32>
    %dot_general3A_5 = tpu.matmul %get3A_1, %get3A_4, %dot_general3A {dimension_numbers = #tpu.dot_dimension_numbers<[1], [0], [0], [1], [0, 0, 1, 1], [], []>, transpose_lhs_hint = false} : vector<1000x128xf32>, vector<128x128xf32>, vector<1000x128xf32> -> vector<1000x128xf32>
    %swap3A = arith.constant 0 : index
    %swap3A_6 = arith.constant 0 : index
    %swap3A_7 = vector.load %arg3[%swap3A, %swap3A_6] : memref<1000x128xf32, #tpu.memory_space<vmem>>, vector<1000x128xf32>
    tpu.vector_store %arg3[%swap3A, %swap3A_6], %dot_general3A_5 {strides = array<i32>} : memref<1000x128xf32, #tpu.memory_space<vmem>>, vector<1000x128xf32>,
    return
  }
  func.func @transform_0(%arg0: i32) -> (i32, i32) {
    %c0_i32 = arith.constant 0 : i32
    %c0_i32_0 = arith.constant 0 : i32
    return %arg0, %c0_i32 : i32, i32
  }
  func.func @transform_1(%arg0: i32) -> (i32, i32) {
    %c0_i32 = arith.constant 0 : i32
    %c0_i32_0 = arith.constant 0 : i32
    %c0_i32_1 = arith.constant 0 : i32
    return %c0_i32, %c0_i32_0 : i32, i32
  }
  func.func @transform_2(%arg0: i32) -> (i32, i32) {
    %c0_i32 = arith.constant 0 : i32
    %c0_i32_0 = arith.constant 0 : i32
    return %arg0, %c0_i32 : i32, i32
  }
}

module attributes {stable_mosaic.version = 14 : i64} {
  func.func @_k1b_body(%arg0: i32, %arg1: memref<1000x128xf32, #tpu.memory_space<vmem>>, %arg2: memref<1000x1xf32, #tpu.memory_space<vmem>>, %arg3: memref<2x1000x64xbf16, #tpu.memory_space<vmem>>, %arg4: memref<1000x1xf32, #tpu.memory_space<vmem>>) attributes {dimension_semantics = [#tpu.dimension_semantics<arbitrary>], iteration_bounds = array<i64: 10>, scalar_prefetch = 0 : i64, scratch_operands = 0 : i64, tpu.core_type = #tpu.core_type<tc>, window_params = [{transform_indices = @transform_0, window_bounds = array<i64: 1000, 128>}, {transform_indices = @transform_1, window_bounds = array<i64: 1000, 1>}, {transform_indices = @transform_2, window_bounds = array<i64: 2, 1000, 64>}, {transform_indices = @transform_3, window_bounds = array<i64: 1000, 1>}]} {
    %get3A = arith.constant 0 : index
    %get3A_0 = arith.constant 0 : index
    %get3A_1 = vector.load %arg2[%get3A, %get3A_0] : memref<1000x1xf32, #tpu.memory_space<vmem>>, vector<1000x1xf32>
    %add3A = arith.constant 1.000000e+00 : f32
    %add3A_2 = vector.broadcast %add3A : f32 to vector<1000x1xf32>
    %add3A_3 = arith.addf %get3A_1, %add3A_2 : vector<1000x1xf32>
    %rsqrt3A = math.rsqrt %add3A_3 : vector<1000x1xf32>
    %get3A_4 = arith.constant 0 : index
    %get3A_5 = arith.constant 0 : index
    %get3A_6 = vector.load %arg1[%get3A_4, %get3A_5] : memref<1000x128xf32, #tpu.memory_space<vmem>>, vector<1000x128xf32>
    %mul3A = vector.broadcast %rsqrt3A : vector<1000x1xf32> to vector<1000x128xf32>
    %mul3A_7 = arith.mulf %get3A_6, %mul3A : vector<1000x128xf32>
    %convert_element_type3A = arith.truncf %mul3A_7 : vector<1000x128xf32> to vector<1000x128xbf16>
    %slice3A = vector.extract_strided_slice %convert_element_type3A {offsets = [0, 0], sizes = [1000, 64], strides = [1, 1]} : vector<1000x128xbf16> to vector<1000x64xbf16>
    %swap3A = arith.constant 0 : index
    %swap3A_8 = arith.constant 0 : index
    %swap3A_9 = arith.constant 0 : index
    %swap3A_10 = vector.load %arg3[%swap3A, %swap3A_8, %swap3A_9] : memref<2x1000x64xbf16, #tpu.memory_space<vmem>>, vector<1x1000x64xbf16>
    %swap3A_11 = vector.shape_cast %swap3A_10 : vector<1x1000x64xbf16> to vector<1000x64xbf16>
    %swap3A_12 = vector.shape_cast %slice3A : vector<1000x64xbf16> to vector<1x1000x64xbf16>
    tpu.vector_store %arg3[%swap3A, %swap3A_8, %swap3A_9], %swap3A_12 {strides = array<i32>} : memref<2x1000x64xbf16, #tpu.memory_space<vmem>>, vector<1x1000x64xbf16>,
    %slice3A_13 = vector.extract_strided_slice %convert_element_type3A {offsets = [0, 64], sizes = [1000, 64], strides = [1, 1]} : vector<1000x128xbf16> to vector<1000x64xbf16>
    %swap3A_14 = arith.constant 1 : index
    %swap3A_15 = arith.constant 0 : index
    %swap3A_16 = arith.constant 0 : index
    %swap3A_17 = vector.load %arg3[%swap3A_14, %swap3A_15, %swap3A_16] : memref<2x1000x64xbf16, #tpu.memory_space<vmem>>, vector<1x1000x64xbf16>
    %swap3A_18 = vector.shape_cast %swap3A_17 : vector<1x1000x64xbf16> to vector<1000x64xbf16>
    %swap3A_19 = vector.shape_cast %slice3A_13 : vector<1000x64xbf16> to vector<1x1000x64xbf16>
    tpu.vector_store %arg3[%swap3A_14, %swap3A_15, %swap3A_16], %swap3A_19 {strides = array<i32>} : memref<2x1000x64xbf16, #tpu.memory_space<vmem>>, vector<1x1000x64xbf16>,
    %swap3A_20 = arith.constant 0 : index
    %swap3A_21 = arith.constant 0 : index
    %swap3A_22 = vector.load %arg4[%swap3A_20, %swap3A_21] : memref<1000x1xf32, #tpu.memory_space<vmem>>, vector<1000x1xf32>
    tpu.vector_store %arg4[%swap3A_20, %swap3A_21], %rsqrt3A {strides = array<i32>} : memref<1000x1xf32, #tpu.memory_space<vmem>>, vector<1000x1xf32>,
    return
  }
  func.func @transform_0(%arg0: i32) -> (i32, i32) {
    %c0_i32 = arith.constant 0 : i32
    %c0_i32_0 = arith.constant 0 : i32
    return %arg0, %c0_i32 : i32, i32
  }
  func.func @transform_1(%arg0: i32) -> (i32, i32) {
    %c0_i32 = arith.constant 0 : i32
    %c0_i32_0 = arith.constant 0 : i32
    return %arg0, %c0_i32 : i32, i32
  }
  func.func @transform_2(%arg0: i32) -> (i32, i32, i32) {
    %c0_i32 = arith.constant 0 : i32
    %c0_i32_0 = arith.constant 0 : i32
    %c0_i32_1 = arith.constant 0 : i32
    return %c0_i32, %arg0, %c0_i32_0 : i32, i32, i32
  }
  func.func @transform_3(%arg0: i32) -> (i32, i32) {
    %c0_i32 = arith.constant 0 : i32
    %c0_i32_0 = arith.constant 0 : i32
    return %arg0, %c0_i32 : i32, i32
  }
}

module attributes {stable_mosaic.version = 14 : i64} {
  func.func @_k2_body(%arg0: i32, %arg1: memref<2x1000x64xbf16, #tpu.memory_space<vmem>>, %arg2: memref<2x1000x64xbf16, #tpu.memory_space<vmem>>, %arg3: memref<1000x1xf32, #tpu.memory_space<vmem>>, %arg4: memref<1x128xf32, #tpu.memory_space<vmem>>, %arg5: memref<1x128xf32, #tpu.memory_space<vmem>>, %arg6: memref<1x128xf32, #tpu.memory_space<vmem>>, %arg7: memref<128x128xf32, #tpu.memory_space<vmem>>, %arg8: memref<2x1000x64xbf16, #tpu.memory_space<vmem>>) attributes {dimension_semantics = [#tpu.dimension_semantics<arbitrary>], iteration_bounds = array<i64: 10>, scalar_prefetch = 0 : i64, scratch_operands = 0 : i64, tpu.core_type = #tpu.core_type<tc>, window_params = [{transform_indices = @transform_0, window_bounds = array<i64: 2, 1000, 64>}, {transform_indices = @transform_1, window_bounds = array<i64: 2, 1000, 64>}, {transform_indices = @transform_2, window_bounds = array<i64: 1000, 1>}, {pipeline_mode = #tpu.pipeline_mode<synchronous>, transform_indices = @transform_3, window_bounds = array<i64: 1, 128>}, {pipeline_mode = #tpu.pipeline_mode<synchronous>, transform_indices = @transform_4, window_bounds = array<i64: 1, 128>}, {pipeline_mode = #tpu.pipeline_mode<synchronous>, transform_indices = @transform_5, window_bounds = array<i64: 1, 128>}, {pipeline_mode = #tpu.pipeline_mode<synchronous>, transform_indices = @transform_6, window_bounds = array<i64: 128, 128>}, {transform_indices = @transform_7, window_bounds = array<i64: 2, 1000, 64>}]} {
    %get3A = arith.constant 0 : index
    %get3A_0 = arith.constant 0 : index
    %get3A_1 = arith.constant 0 : index
    %get3A_2 = vector.load %arg1[%get3A, %get3A_0, %get3A_1] : memref<2x1000x64xbf16, #tpu.memory_space<vmem>>, vector<1x1000x64xbf16>
    %get3A_3 = vector.shape_cast %get3A_2 : vector<1x1000x64xbf16> to vector<1000x64xbf16>
    %convert_element_type3A = arith.extf %get3A_3 : vector<1000x64xbf16> to vector<1000x64xf32>
    %get3A_4 = arith.constant 0 : index
    %get3A_5 = arith.constant 0 : index
    %get3A_6 = arith.constant 0 : index
    %get3A_7 = vector.load %arg2[%get3A_4, %get3A_5, %get3A_6] : memref<2x1000x64xbf16, #tpu.memory_space<vmem>>, vector<1x1000x64xbf16>
    %get3A_8 = vector.shape_cast %get3A_7 : vector<1x1000x64xbf16> to vector<1000x64xbf16>
    %convert_element_type3A_9 = arith.extf %get3A_8 : vector<1000x64xbf16> to vector<1000x64xf32>
    %add3A = arith.addf %convert_element_type3A, %convert_element_type3A_9 : vector<1000x64xf32>
    %get3A_10 = arith.constant 1 : index
    %get3A_11 = arith.constant 0 : index
    %get3A_12 = arith.constant 0 : index
    %get3A_13 = vector.load %arg1[%get3A_10, %get3A_11, %get3A_12] : memref<2x1000x64xbf16, #tpu.memory_space<vmem>>, vector<1x1000x64xbf16>
    %get3A_14 = vector.shape_cast %get3A_13 : vector<1x1000x64xbf16> to vector<1000x64xbf16>
    %convert_element_type3A_15 = arith.extf %get3A_14 : vector<1000x64xbf16> to vector<1000x64xf32>
    %get3A_16 = arith.constant 1 : index
    %get3A_17 = arith.constant 0 : index
    %get3A_18 = arith.constant 0 : index
    %get3A_19 = vector.load %arg2[%get3A_16, %get3A_17, %get3A_18] : memref<2x1000x64xbf16, #tpu.memory_space<vmem>>, vector<1x1000x64xbf16>
    %get3A_20 = vector.shape_cast %get3A_19 : vector<1x1000x64xbf16> to vector<1000x64xbf16>
    %convert_element_type3A_21 = arith.extf %get3A_20 : vector<1000x64xbf16> to vector<1000x64xf32>
    %add3A_22 = arith.addf %convert_element_type3A_15, %convert_element_type3A_21 : vector<1000x64xf32>
    %concatenate3A = tpu.concatenate %add3A, %add3A_22 in 1 : vector<1000x64xf32>, vector<1000x64xf32> -> vector<1000x128xf32>
    %get3A_23 = arith.constant 0 : index
    %get3A_24 = arith.constant 0 : index
    %get3A_25 = vector.load %arg3[%get3A_23, %get3A_24] : memref<1000x1xf32, #tpu.memory_space<vmem>>, vector<1000x1xf32>
    %mul3A = vector.broadcast %get3A_25 : vector<1000x1xf32> to vector<1000x128xf32>
    %mul3A_26 = arith.mulf %concatenate3A, %mul3A : vector<1000x128xf32>
    %get3A_27 = arith.constant 0 : index
    %get3A_28 = arith.constant 0 : index
    %get3A_29 = vector.load %arg4[%get3A_27, %get3A_28] : memref<1x128xf32, #tpu.memory_space<vmem>>, vector<1x128xf32>
    %add3A_30 = vector.broadcast %get3A_29 : vector<1x128xf32> to vector<1000x128xf32>
    %add3A_31 = arith.addf %mul3A_26, %add3A_30 : vector<1000x128xf32>
    %get3A_32 = arith.constant 0 : index
    %get3A_33 = arith.constant 0 : index
    %get3A_34 = vector.load %arg5[%get3A_32, %get3A_33] : memref<1x128xf32, #tpu.memory_space<vmem>>, vector<1x128xf32>
    %mul3A_35 = arith.constant 0.999994993 : f32
    %mul3A_36 = vector.broadcast %mul3A_35 : f32 to vector<1x128xf32>
    %mul3A_37 = arith.mulf %get3A_34, %mul3A_36 : vector<1x128xf32>
    %mul3A_38 = vector.broadcast %mul3A_37 : vector<1x128xf32> to vector<1000x128xf32>
    %mul3A_39 = arith.mulf %add3A_31, %mul3A_38 : vector<1000x128xf32>
    %get3A_40 = arith.constant 0 : index
    %get3A_41 = arith.constant 0 : index
    %get3A_42 = vector.load %arg6[%get3A_40, %get3A_41] : memref<1x128xf32, #tpu.memory_space<vmem>>, vector<1x128xf32>
    %add3A_43 = vector.broadcast %get3A_42 : vector<1x128xf32> to vector<1000x128xf32>
    %add3A_44 = arith.addf %mul3A_39, %add3A_43 : vector<1000x128xf32>
    %max3A = arith.constant 0.000000e+00 : f32
    %max3A_45 = vector.broadcast %max3A : f32 to vector<1000x128xf32>
    %max3A_46 = arith.maximumf %add3A_44, %max3A_45 : vector<1000x128xf32>
    %get3A_47 = arith.constant 0 : index
    %get3A_48 = arith.constant 0 : index
    %get3A_49 = vector.load %arg7[%get3A_47, %get3A_48] : memref<128x128xf32, #tpu.memory_space<vmem>>, vector<128x128xf32>
    %dot_general3A = arith.constant dense<0.000000e+00> : vector<1000x128xf32>
    %dot_general3A_50 = tpu.matmul %max3A_46, %get3A_49, %dot_general3A {dimension_numbers = #tpu.dot_dimension_numbers<[1], [0], [0], [1], [0, 0, 1, 1], [], []>, transpose_lhs_hint = false} : vector<1000x128xf32>, vector<128x128xf32>, vector<1000x128xf32> -> vector<1000x128xf32>
    %get3A_51 = arith.constant 0 : index
    %get3A_52 = arith.constant 0 : index
    %get3A_53 = vector.load %arg3[%get3A_51, %get3A_52] : memref<1000x1xf32, #tpu.memory_space<vmem>>, vector<1000x1xf32>
    %mul3A_54 = vector.broadcast %get3A_53 : vector<1000x1xf32> to vector<1000x128xf32>
    %mul3A_55 = arith.mulf %dot_general3A_50, %mul3A_54 : vector<1000x128xf32>
    %convert_element_type3A_56 = arith.truncf %mul3A_55 : vector<1000x128xf32> to vector<1000x128xbf16>
    %slice3A = vector.extract_strided_slice %convert_element_type3A_56 {offsets = [0, 0], sizes = [1000, 64], strides = [1, 1]} : vector<1000x128xbf16> to vector<1000x64xbf16>
    %swap3A = arith.constant 0 : index
    %swap3A_57 = arith.constant 0 : index
    %swap3A_58 = arith.constant 0 : index
    %swap3A_59 = vector.load %arg8[%swap3A, %swap3A_57, %swap3A_58] : memref<2x1000x64xbf16, #tpu.memory_space<vmem>>, vector<1x1000x64xbf16>
    %swap3A_60 = vector.shape_cast %swap3A_59 : vector<1x1000x64xbf16> to vector<1000x64xbf16>
    %swap3A_61 = vector.shape_cast %slice3A : vector<1000x64xbf16> to vector<1x1000x64xbf16>
    tpu.vector_store %arg8[%swap3A, %swap3A_57, %swap3A_58], %swap3A_61 {strides = array<i32>} : memref<2x1000x64xbf16, #tpu.memory_space<vmem>>, vector<1x1000x64xbf16>,
    %slice3A_62 = vector.extract_strided_slice %convert_element_type3A_56 {offsets = [0, 64], sizes = [1000, 64], strides = [1, 1]} : vector<1000x128xbf16> to vector<1000x64xbf16>
    %swap3A_63 = arith.constant 1 : index
    %swap3A_64 = arith.constant 0 : index
    %swap3A_65 = arith.constant 0 : index
    %swap3A_66 = vector.load %arg8[%swap3A_63, %swap3A_64, %swap3A_65] : memref<2x1000x64xbf16, #tpu.memory_space<vmem>>, vector<1x1000x64xbf16>
    %swap3A_67 = vector.shape_cast %swap3A_66 : vector<1x1000x64xbf16> to vector<1000x64xbf16>
    %swap3A_68 = vector.shape_cast %slice3A_62 : vector<1000x64xbf16> to vector<1x1000x64xbf16>
    tpu.vector_store %arg8[%swap3A_63, %swap3A_64, %swap3A_65], %swap3A_68 {strides = array<i32>} : memref<2x1000x64xbf16, #tpu.memory_space<vmem>>, vector<1x1000x64xbf16>,
    return
  }
  func.func @transform_0(%arg0: i32) -> (i32, i32, i32) {
    %c0_i32 = arith.constant 0 : i32
    %c0_i32_0 = arith.constant 0 : i32
    %c0_i32_1 = arith.constant 0 : i32
    return %c0_i32, %arg0, %c0_i32_0 : i32, i32, i32
  }
  func.func @transform_1(%arg0: i32) -> (i32, i32, i32) {
    %c0_i32 = arith.constant 0 : i32
    %c0_i32_0 = arith.constant 0 : i32
    %c0_i32_1 = arith.constant 0 : i32
    return %c0_i32, %arg0, %c0_i32_0 : i32, i32, i32
  }
  func.func @transform_2(%arg0: i32) -> (i32, i32) {
    %c0_i32 = arith.constant 0 : i32
    %c0_i32_0 = arith.constant 0 : i32
    return %arg0, %c0_i32 : i32, i32
  }
  func.func @transform_3(%arg0: i32) -> (i32, i32) {
    %c0_i32 = arith.constant 0 : i32
    %c0_i32_0 = arith.constant 0 : i32
    %c0_i32_1 = arith.constant 0 : i32
    return %c0_i32, %c0_i32_0 : i32, i32
  }
  func.func @transform_4(%arg0: i32) -> (i32, i32) {
    %c0_i32 = arith.constant 0 : i32
    %c0_i32_0 = arith.constant 0 : i32
    %c0_i32_1 = arith.constant 0 : i32
    return %c0_i32, %c0_i32_0 : i32, i32
  }
  func.func @transform_5(%arg0: i32) -> (i32, i32) {
    %c0_i32 = arith.constant 0 : i32
    %c0_i32_0 = arith.constant 0 : i32
    %c0_i32_1 = arith.constant 0 : i32
    return %c0_i32, %c0_i32_0 : i32, i32
  }
  func.func @transform_6(%arg0: i32) -> (i32, i32) {
    %c0_i32 = arith.constant 0 : i32
    %c0_i32_0 = arith.constant 0 : i32
    %c0_i32_1 = arith.constant 0 : i32
    return %c0_i32, %c0_i32_0 : i32, i32
  }
  func.func @transform_7(%arg0: i32) -> (i32, i32, i32) {
    %c0_i32 = arith.constant 0 : i32
    %c0_i32_0 = arith.constant 0 : i32
    %c0_i32_1 = arith.constant 0 : i32
    return %c0_i32, %arg0, %c0_i32_0 : i32, i32, i32
  }
}

module attributes {stable_mosaic.version = 14 : i64} {
  func.func @_k3_body(%arg0: i32, %arg1: memref<2x1000x64xbf16, #tpu.memory_space<vmem>>, %arg2: memref<2x1000x64xbf16, #tpu.memory_space<vmem>>, %arg3: memref<1000x1xf32, #tpu.memory_space<vmem>>, %arg4: memref<1x128xf32, #tpu.memory_space<vmem>>, %arg5: memref<1000x128xf32, #tpu.memory_space<vmem>>, %arg6: memref<1000x128xf32, #tpu.memory_space<vmem>>) attributes {dimension_semantics = [#tpu.dimension_semantics<arbitrary>], iteration_bounds = array<i64: 10>, scalar_prefetch = 0 : i64, scratch_operands = 0 : i64, tpu.core_type = #tpu.core_type<tc>, window_params = [{transform_indices = @transform_0, window_bounds = array<i64: 2, 1000, 64>}, {transform_indices = @transform_1, window_bounds = array<i64: 2, 1000, 64>}, {transform_indices = @transform_2, window_bounds = array<i64: 1000, 1>}, {pipeline_mode = #tpu.pipeline_mode<synchronous>, transform_indices = @transform_3, window_bounds = array<i64: 1, 128>}, {transform_indices = @transform_4, window_bounds = array<i64: 1000, 128>}, {transform_indices = @transform_5, window_bounds = array<i64: 1000, 128>}]} {
    %get3A = arith.constant 0 : index
    %get3A_0 = arith.constant 0 : index
    %get3A_1 = arith.constant 0 : index
    %get3A_2 = vector.load %arg1[%get3A, %get3A_0, %get3A_1] : memref<2x1000x64xbf16, #tpu.memory_space<vmem>>, vector<1x1000x64xbf16>
    %get3A_3 = vector.shape_cast %get3A_2 : vector<1x1000x64xbf16> to vector<1000x64xbf16>
    %convert_element_type3A = arith.extf %get3A_3 : vector<1000x64xbf16> to vector<1000x64xf32>
    %get3A_4 = arith.constant 0 : index
    %get3A_5 = arith.constant 0 : index
    %get3A_6 = arith.constant 0 : index
    %get3A_7 = vector.load %arg2[%get3A_4, %get3A_5, %get3A_6] : memref<2x1000x64xbf16, #tpu.memory_space<vmem>>, vector<1x1000x64xbf16>
    %get3A_8 = vector.shape_cast %get3A_7 : vector<1x1000x64xbf16> to vector<1000x64xbf16>
    %convert_element_type3A_9 = arith.extf %get3A_8 : vector<1000x64xbf16> to vector<1000x64xf32>
    %add3A = arith.addf %convert_element_type3A, %convert_element_type3A_9 : vector<1000x64xf32>
    %get3A_10 = arith.constant 1 : index
    %get3A_11 = arith.constant 0 : index
    %get3A_12 = arith.constant 0 : index
    %get3A_13 = vector.load %arg1[%get3A_10, %get3A_11, %get3A_12] : memref<2x1000x64xbf16, #tpu.memory_space<vmem>>, vector<1x1000x64xbf16>
    %get3A_14 = vector.shape_cast %get3A_13 : vector<1x1000x64xbf16> to vector<1000x64xbf16>
    %convert_element_type3A_15 = arith.extf %get3A_14 : vector<1000x64xbf16> to vector<1000x64xf32>
    %get3A_16 = arith.constant 1 : index
    %get3A_17 = arith.constant 0 : index
    %get3A_18 = arith.constant 0 : index
    %get3A_19 = vector.load %arg2[%get3A_16, %get3A_17, %get3A_18] : memref<2x1000x64xbf16, #tpu.memory_space<vmem>>, vector<1x1000x64xbf16>
    %get3A_20 = vector.shape_cast %get3A_19 : vector<1x1000x64xbf16> to vector<1000x64xbf16>
    %convert_element_type3A_21 = arith.extf %get3A_20 : vector<1000x64xbf16> to vector<1000x64xf32>
    %add3A_22 = arith.addf %convert_element_type3A_15, %convert_element_type3A_21 : vector<1000x64xf32>
    %concatenate3A = tpu.concatenate %add3A, %add3A_22 in 1 : vector<1000x64xf32>, vector<1000x64xf32> -> vector<1000x128xf32>
    %get3A_23 = arith.constant 0 : index
    %get3A_24 = arith.constant 0 : index
    %get3A_25 = vector.load %arg3[%get3A_23, %get3A_24] : memref<1000x1xf32, #tpu.memory_space<vmem>>, vector<1000x1xf32>
    %mul3A = vector.broadcast %get3A_25 : vector<1000x1xf32> to vector<1000x128xf32>
    %mul3A_26 = arith.mulf %concatenate3A, %mul3A : vector<1000x128xf32>
    %get3A_27 = arith.constant 0 : index
    %get3A_28 = arith.constant 0 : index
    %get3A_29 = vector.load %arg4[%get3A_27, %get3A_28] : memref<1x128xf32, #tpu.memory_space<vmem>>, vector<1x128xf32>
    %add3A_30 = vector.broadcast %get3A_29 : vector<1x128xf32> to vector<1000x128xf32>
    %add3A_31 = arith.addf %mul3A_26, %add3A_30 : vector<1000x128xf32>
    %get3A_32 = arith.constant 0 : index
    %get3A_33 = arith.constant 0 : index
    %get3A_34 = vector.load %arg5[%get3A_32, %get3A_33] : memref<1000x128xf32, #tpu.memory_space<vmem>>, vector<1000x128xf32>
    %add3A_35 = arith.addf %add3A_31, %get3A_34 : vector<1000x128xf32>
    %swap3A = arith.constant 0 : index
    %swap3A_36 = arith.constant 0 : index
    %swap3A_37 = vector.load %arg6[%swap3A, %swap3A_36] : memref<1000x128xf32, #tpu.memory_space<vmem>>, vector<1000x128xf32>
    tpu.vector_store %arg6[%swap3A, %swap3A_36], %add3A_35 {strides = array<i32>} : memref<1000x128xf32, #tpu.memory_space<vmem>>, vector<1000x128xf32>,
    return
  }
  func.func @transform_0(%arg0: i32) -> (i32, i32, i32) {
    %c0_i32 = arith.constant 0 : i32
    %c0_i32_0 = arith.constant 0 : i32
    %c0_i32_1 = arith.constant 0 : i32
    return %c0_i32, %arg0, %c0_i32_0 : i32, i32, i32
  }
  func.func @transform_1(%arg0: i32) -> (i32, i32, i32) {
    %c0_i32 = arith.constant 0 : i32
    %c0_i32_0 = arith.constant 0 : i32
    %c0_i32_1 = arith.constant 0 : i32
    return %c0_i32, %arg0, %c0_i32_0 : i32, i32, i32
  }
  func.func @transform_2(%arg0: i32) -> (i32, i32) {
    %c0_i32 = arith.constant 0 : i32
    %c0_i32_0 = arith.constant 0 : i32
    return %arg0, %c0_i32 : i32, i32
  }
  func.func @transform_3(%arg0: i32) -> (i32, i32) {
    %c0_i32 = arith.constant 0 : i32
    %c0_i32_0 = arith.constant 0 : i32
    %c0_i32_1 = arith.constant 0 : i32
    return %c0_i32, %c0_i32_0 : i32, i32
  }
  func.func @transform_4(%arg0: i32) -> (i32, i32) {
    %c0_i32 = arith.constant 0 : i32
    %c0_i32_0 = arith.constant 0 : i32
    return %arg0, %c0_i32 : i32, i32
  }
  func.func @transform_5(%arg0: i32) -> (i32, i32) {
    %c0_i32 = arith.constant 0 : i32
    %c0_i32_0 = arith.constant 0 : i32
    return %arg0, %c0_i32 : i32, i32
  }
}

</mosaic_0001>

<sc_bundles>
// kernel: kernel.12.cloned.1.call-start
scs
__scs_entry_jumppad:
0x0: {  	(pc) =	sbr.rel $0x88, $3  }
0x1: {  	(tag) =	ssettag $0x0;
	lr =	simm.s32 $0x1  }
0x2: {  	[smem:$0x3F99] =	sst lr;
	_ =	strace $0xD0000000  }
0x3: {  	_ = 	snop  }
0x4: {  	_ = 	snop  }
0x5: {  	_ = 	snop  }
0x6: {  	_ = 	snop  }
0x7: {  	_ = 	snop  }
__scs_overlays_trampoline_lowered:
0x8: {  	[smem:$0x3FA8] =	sst s0  }
0x9: {  	[smem:$0x3FA9] =	sst s1  }
0xa: {  	[smem:$0x3FAA] =	sst s2  }
0xb: {  	[smem:$0x3FAB] =	sst s3  }
0xc: {  	[smem:$0x3FAC] =	sst s4  }
0xd: {  	[smem:$0x3FAD] =	sst s5  }
0xe: {  	[smem:$0x3FAE] =	sst s6  }
0xf: {  	[smem:$0x3FAF] =	sst s7  }
0x10: {  	[smem:$0x3FB0] =	sst s8  }
0x11: {  	[smem:$0x3FB1] =	sst s9;
	s0 =	simm.s32 @!p0 $0x0  }
0x12: {  	s1 =	sld [smem:$0x3F97];
	s0 =	simm.s32 @p0 $0x1  }
0x13: {  	[smem:$0x3FB2] =	sst s0;
	s0 =	simm.s32 @!p1 $0x0  }
0x14: {  	s2 =	sld [smem:$0x3F96];
	s0 =	simm.s32 @p1 $0x1  }
0x15: {  	[smem:$0x3FB3] =	sst s0;
	s0 =	simm.s32 @!p2 $0x0  }
0x16: {  	s3 =	sld [smem:$0x3FDB];
	s0 =	simm.s32 @p2 $0x1  }
0x17: {  	s4 =	simm.s32 $0x1BF5;
	[smem:$0x3FB5] =	sst s0  }
0x18: {  	s0 =	sld [smem:$0x3F98];
	_ =	swait.ge [sflag:s4], $0x0  }
0x19: {  	s7 =	sld [smem:$0x3F99]  }
0x1a: {  	s8 =	sadd.s32 $0xFFFFE003, lr  }
0x1b: {  	s9 =	sadd.s32 $0xFFFFFEF7, lr;
	s5 =	simm.s32 $0xFFFFFFFF;
	p2 =	slt.u32 s8, $0xFFFFF086  }
0x1c: {  	p1 =	slt.u32 s9, $0xF7A;
	s5 =	simm.s32 @!p2 $0x0  }
0x1d: {  	s5 =	simm.s32 @p1 $0x1;
	p0 =	seq.s32 s7, s2  }
0x1e: {  	s7 =	smul.u32 @!p0 $0xF7A, s2;
	p2 =	seq.s32 @!p0 s5, $0x0  }
0x1f: {  	s9 =	smul.u32 $0xF7A, s1;
	s8 =	simm.s32 @!p0 $0x1BF5;
	p2 =	por !p2, p0  }
0x20: {  	[sflag:s8] =	ssyncset.s32 @!p0 $0xFFFFF086;
	s6 =	sadd.s32 @!p0 s3, s7;
	s7 =	simm.s32 @!p0 $0x108  }
0x21: {  	s3 =	sadd.s32 s3, s9;
	s6 =	sadd.s32 @!p0 $0x88, s6;
	s7 =	simm.s32 @p2 $0x1082  }
0x22: {  	[simem:s7], [sflag:s8] =	dma.local @!p0 [hbm:s6], $0xF7A  }
0x23: {  	s9 =	sor.u32 $0xD0000000, s2;
	s6 =	simm.s32 $0x108;
	_ =	swait.ge @!p0 [sflag:s8], $0x0  }
0x24: {  	s3 =	sadd.s32 $0x88, s3;
	s6 =	simm.s32 @!p1 $0x1082;
	[sflag:s4] =	ssyncset.s32 $0xFFFFF086  }
0x25: {  	[simem:s6], [sflag:s4] =	dma.local [hbm:s3], $0xF7A  }
0x26: {  	[smem:$0x3F99] =	sst s1;
	(tag) =	ssettag s2;
	_ =	strace s9  }
0x27: {  	s1 =	sld [smem:$0x3FA9]  }
0x28: {  	s2 =	sld [smem:$0x3FAA]  }
0x29: {  	s4 =	sld [smem:$0x3FAC]  }
0x2a: {  	p0 =	seq.s32 s5, $0x0;
	s5 =	sld [smem:$0x3FAD]  }
0x2b: {  	s6 =	sld [smem:$0x3FAE]  }
0x2c: {  	s7 =	sld [smem:$0x3FAF]  }
0x2d: {  	s3 =	simm.s32 $0x108;
	s8 =	sld [smem:$0x3FB0]  }
0x2e: {  	s3 =	simm.s32 @!p0 $0x1082;
	s9 =	sld [smem:$0x3FB1]  }
0x2f: {  	lr =	sadd.s32 s0, s3;
	s0 =	sld [smem:$0x3FA8]  }
0x30: {  	s3 =	sld [smem:$0x3FAB]  }
0x31: {  	[smem:$0x3FB4] =	sst s10  }
0x32: {  	s10 =	sld [smem:$0x3FB2];
	_ =	sdelay $0x3  }
0x33: {  	p0 =	seq.s32 s10, $0x1;
	s10 =	sld [smem:$0x3FB4];
	_ =	sdelay $0x3  }
0x34: {  	[smem:$0x3FB4] =	sst s10  }
0x35: {  	s10 =	sld [smem:$0x3FB3];
	_ =	sdelay $0x3  }
0x36: {  	p1 =	seq.s32 s10, $0x1;
	s10 =	sld [smem:$0x3FB4];
	_ =	sdelay $0x3  }
0x37: {  	[smem:$0x3FB4] =	sst s10  }
0x38: {  	s10 =	sld [smem:$0x3FB5]  }
0x39: {  	_ = 	snop;
	(pc) =	sbr.ind lr, $3  }
0x3a: {  	_ = 	snop  }
0x3b: {  	_ = 	snop  }
0x3c: {  	p2 =	seq.s32 s10, $0x1;
	s10 =	sld [smem:$0x3FB4]  }
0x3d: {  	_ =	shalt  }
0x3e: {  	_ =	shalt  }
0x3f: {  	_ =	shalt  }
0x40: {  	_ =	shalt  }
0x41: {  	_ =	shalt  }
0x42: {  	_ =	shalt  }
0x43: {  	_ =	shalt  }
0x44: {  	_ =	shalt  }
0x45: {  	_ =	shalt  }
0x46: {  	_ =	shalt  }
0x47: {  	_ =	shalt  }
0x48: {  	_ =	shalt  }
0x49: {  	_ =	shalt  }
0x4a: {  	_ =	shalt  }
0x4b: {  	_ =	shalt  }
0x4c: {  	_ =	shalt  }
0x4d: {  	_ =	shalt  }
0x4e: {  	_ =	shalt  }
0x4f: {  	_ =	shalt  }
0x50: {  	_ =	shalt  }
0x51: {  	_ =	shalt  }
0x52: {  	_ =	shalt  }
0x53: {  	_ =	shalt  }
0x54: {  	_ =	shalt  }
0x55: {  	_ =	shalt  }
0x56: {  	_ =	shalt  }
0x57: {  	_ =	shalt  }
0x58: {  	_ =	shalt  }
0x59: {  	_ =	shalt  }
0x5a: {  	_ =	shalt  }
0x5b: {  	_ =	shalt  }
0x5c: {  	_ =	shalt  }
0x5d: {  	_ =	shalt  }
0x5e: {  	_ =	shalt  }
0x5f: {  	_ =	shalt  }
0x60: {  	_ =	shalt  }
0x61: {  	_ =	shalt  }
0x62: {  	_ =	shalt  }
0x63: {  	_ =	shalt  }
0x64: {  	_ =	shalt  }
0x65: {  	_ =	shalt  }
0x66: {  	_ =	shalt  }
0x67: {  	_ =	shalt  }
0x68: {  	_ =	shalt  }
0x69: {  	_ =	shalt  }
0x6a: {  	_ =	shalt  }
0x6b: {  	_ =	shalt  }
0x6c: {  	_ =	shalt  }
0x6d: {  	_ =	shalt  }
0x6e: {  	_ =	shalt  }
0x6f: {  	_ =	shalt  }
0x70: {  	_ =	shalt  }
0x71: {  	_ =	shalt  }
0x72: {  	_ =	shalt  }
0x73: {  	_ =	shalt  }
0x74: {  	_ =	shalt  }
0x75: {  	_ =	shalt  }
0x76: {  	_ =	shalt  }
0x77: {  	_ =	shalt  }
0x78: {  	_ =	shalt  }
0x79: {  	_ =	shalt  }
0x7a: {  	_ =	shalt  }
0x7b: {  	_ =	shalt  }
0x7c: {  	_ =	shalt  }
0x7d: {  	_ =	shalt  }
0x7e: {  	_ =	shalt  }
0x7f: {  	_ =	shalt  }
0x80: {  	_ =	shalt  }
0x81: {  	_ =	shalt  }
0x82: {  	_ =	shalt  }
0x83: {  	_ =	shalt  }
0x84: {  	_ =	shalt  }
0x85: {  	_ =	shalt  }
0x86: {  	_ =	shalt  }
0x87: {  	_ =	shalt  }
.Lfunc_end0:
.L_simem_size_0:
called_computation.1_lowered:
.L_overlay_start_0:
0x88: {  	s2 =	sld [smem:$0x3FD9]  }
0x89: {  	s3 =	sld [smem:$0x3FFE];
	_ =	sdelay $0x1  }
0x8a: {  	s1 =	srdreg.scid  }
0x8b: {  	s0 =	sand.u32 $0x1, s1  }
0x8c: {  	s17 =	sshll.u32 s0, $0xA;
	s2 =	sadd.s32 s3, s2  }
0x8d: {  	s2 =	sadd.s32 s2, s17  }
0x8e: {  	[smem:$0x3FC0] =	sst s2  }
0x8f: {  	_ = 	snop  }
0x90: {  	s2 =	sld [smem:$0x3FD0];
	(tm) =	ssettm $0x1  }
0x91: {  	s18 =	sld [smem:$0x3FFB];
	_ =	sdelay $0x3  }
0x92: {  	_ =	strace s18  }
0x93: {  	s3 =	sld [smem:$0x3FFC];
	_ =	sdelay $0x3  }
0x94: {  	_ =	strace s3  }
0x95: {  	s3 =	sld [smem:$0x3FFD];
	_ =	sdelay $0x3  }
0x96: {  	_ =	strace s3  }
0x97: {  	_ =	strace $0x8FFFFFFF  }
0x98: {  	s19 =	sld [smem:$0x3FDB];
	_ =	sdelay $0x1  }
0x99: {  	s4 =	simm.s32 $_scs_section_size  }
0x9a: {  	s5 =	simm.s32 $_size__tile_overlayer_lowered;
	s6 =	simm.s32 $_tile_overlayer_lowered  }
0x9b: {  	s22 =	simm.s32 $0x1BFF;
	s21 =	sshll.u32 s6, $0x1;
	s3 =	sadd.s32 s4, s19  }
0x9c: {  	s7 =	simm.s32 $0x0;
	s20 =	sshll.u32 s5, $0x1;
	s5 =	sadd.s32 s21, s3  }
0x9d: {  	[timem:s7], [sflag:s22] =	dma.local [hbm:s5], s20  }
0x9e: {  	_ =	swait.ge [sflag:s22], s20  }
0x9f: {  	s4 =	ssub.s32 $0x0, s20;
	[sflag:s22] =	ssyncset.done $0x0  }
0xa0: {  	[sflag:s22] =	ssyncadd.s32 s4;
	_ =	sdelay $0x1  }
0xa1: {  	s23 =	simm.s32 $0x1B8B  }
0xa2: {  	_ =	swait.ge [sflag:s23], $0x1  }
0xa3: {  	[sflag:s23] =	ssyncset.done $0x0  }
0xa4: {  	s25 =	simm.s32 $0x1B8E;
	s24 =	sld [smem:$0x3FFE];
	[sflag:s23] =	ssyncadd.s32 $0xFFFFFFFF  }
0xa5: {  	s26 =	simm.s32 $execute0_lowered;
	[smem:$0x3FD2] =	sst s25  }
0xa6: {  	s5 =	sshll.u32 s26, $0x1;
	_ =	strace $0x80000049;
	[dreg:$0x1] =	wrdreg $0xFFFFFFFF  }
0xa7: {  	s28 =	simm.s32 $_size_execute0_lowered;
	s3 =	sadd.s32 s3, s5;
	[dreg:$0x0] =	wrdreg $0x0  }
0xa8: {  	s5 =	sshll.u32 s28, $0x1;
	[dreg:$0x2] =	wrdreg s3  }
0xa9: {  	[dreg:$0x3] =	wrdreg s5  }
0xaa: {  	[dreg:$0x4] =	wrdreg $0xC0  }
0xab: {  	_ =	task [dreg:s7], $0x5FFFF  }
0xac: {  	[dreg:$0x1] =	wrdreg $0xFFFFFFFF  }
0xad: {  	[dreg:$0x0] =	wrdreg $0x60  }
0xae: {  	[dreg:$0x2] =	wrdreg s24  }
0xaf: {  	[dreg:$0x3] =	wrdreg s2  }
0xb0: {  	[dreg:$0x4] =	wrdreg $0x11C000  }
0xb1: {  	[dreg:$0x5] =	wrdreg $0x9  }
0xb2: {  	_ =	task.clear_ibuf [dreg:s7], $0x6FFFF;
	_ =	strace $0x90000049  }
0xb3: {  	s29 =	simm.s32 $0x9;
	_ =	strace $0x8000004B  }
0xb4: {  	_ =	swait.ge [sflag:s29], $0x1  }
0xb5: {  	[sflag:s29] =	ssyncadd.s32 $0xFFFFFFFF  }
0xb6: {  	_ =	strace $0x9000004B  }
0xb7: {  	_ =	sfence  }
0xb8: {  	s30 =	sld [smem:$0x0];
	_ =	sdelay $0x2  }
0xb9: {  	s31 =	sshll.u32 s1, $0xD;
	s1 =	sshrl.u32 s1, $0x2  }
0xba: {  	s3 =	sand.u32 $0x4000, s31;
	s1 =	sadd.s32 s1, s30  }
0xbb: {  	s0 =	sor.u32 s3, s0;
	s1 =	sshll.u32 s1, $0x11  }
0xbc: {  	s0 =	sor.u32 s1, s0  }
0xbd: {  	s0 =	sadd.s32 $0x8F2B, s0  }
0xbe: {  	[sflag:s0] =	ssyncadd.remote.s32 $0x1  }
0xbf: {  	_ =	sfence.sel $0xFFFF  }
0xc0: {  	[dreg:$0x0] =	wrdreg $0xFFFFFFFF;
	(pc) =	sbr.abs _section_cstart, $3  }
0xc1: {  	[dreg:$0x1] =	wrdreg $0xFFFFFFFF  }
0xc2: {  	_ =	task.clear_ibuf [dreg:s7], $0x2FFFF;
	_ =	strace $0x9FFFFFFF  }
0xc3: {  	(tm) =	ssettm $0x7FFFFFFF  }
tec
execute0_lowered:
.L_overlay_start_1:
0x0: {  	(tag) =	ssettag $0x1  }
0x1: {  	s0 =	rddreg [dreg:$0x0]  }
0x2: {  	s2 =	rddreg [dreg:$0x1]  }
0x3: {  	s1 =	rddreg [dreg:$0x2];
	s3 =	simm.s32 $0x0;
	s4 =	srdreg.scid  }
0x4: {  	s20 =	stileid.u32;
	s15 =	simm.s32 $0x9C00;
	s16 =	simm.s32 $0x4  }
0x5: {  	s17 =	simm.s32 $0x1;
	s18 =	simm.s32 $0x80;
	s19 =	simm.s32 $0xAC00  }
0x6: {  	s21 =	simm.s32 $0xBC00;
	s28 =	simm.s32 $0x10C00;
	s29 =	simm.s32 $0x2  }
0x7: {  	s30 =	simm.s32 $0x3;
	[smem:$0x7FF] =	sst s3;
	s23 =	smul.u32 $0x4E00, s20  }
0x8: {  	s7 =	sand.u32 $0x1, s4;
	s9 =	sadd.s32 $0x2400, s0;
	s10 =	smul.u32 $0xA400, s20  }
0x9: {  	s26 =	sshll.u32 s20, $0x4;
	p0 =	sgt.u32 s20, $0x3;
	s5 =	smul.u32 $0x9C40, s7  }
0xa: {  	_ =	strace $0x8000004A;
	s6 =	ssub.s32 $0x2, s7;
	s12 =	smul.u32 $0xA4000, s7  }
0xb: {  	s8 =	sshrl.u32 s6, $0x1;
	s4 =	sshrl.u32 s23, $0x3;
	s24 =	sshrl.u32 s10, $0x1  }
0xc: {  	s11 =	sadd.s32 $0x8000, s10;
	s23 =	simm.s32 $0xCC00;
	s0 =	sadd.s32 s5, s0  }
0xd: {  	s13 =	ssub.s32 s6, s8;
	s4 =	sadd.s32 s9, s4;
	s6 =	sadd.s32 s24, s1  }
0xe: {  	s25 =	sshrl.u32 s11, $0x1;
	s10 =	sadd.s32 s10, s12;
	s11 =	sadd.s32 s12, s11  }
0xf: {  	s24 =	simm.s32 $0xDC00;
	s5 =	sadd.s32 $0x9C40, s4;
	s7 =	sadd.s32 s25, s1  }
0x10: {  	s8 =	sadd.s32 $0x15E00, s0;
	s0 =	sadd.s32 s26, s9;
	s31 =	sshrl.u32 s10, $0x4  }
0x11: {  	s14 =	sshrl.u32 s11, $0x4;
	s13 =	smax.u32 s13, $0x1;
	s25 =	simm.s32 $0xEC00  }
0x12: {  	s26 =	simm.s32 $0xFC00;
	s9 =	sadd.s32 $0x9C00, s0;
	s10 =	sadd.s32 $0x13840, s0  }
0x13: {  	v0 =	vimm.bf16 $0.0e+00;
	s11 =	sadd.s32 s2, s31;
	s12 =	sadd.s32 s2, s14;
	s2 =	simm.s32 $0x0  }
.LBB2_1:
0x14: {  	[tilespmem:s3], [sflag:$0x1] =	stream.linear.gather [hbm4b:s4+s3], $0x4E00, $0x38;
	[tilespmem:$0x16E00] =	vst v63  }
0x15: {  	s0 =	simm.s32 $0x4E00;
	s14 =	simm.s32 $0x80;
	s20 =	simm.s32 $0x0  }
0x16: {  	[tilespmem:s0], [sflag:$0x1] =	stream.linear.gather [hbm4b:s5+s3], $0x4E00, $0x38;
	[tilespmem:$0x16E00] =	vst v63  }
.LBB2_2:
0x17: {  	p1 =	sne.s32 s14, $0xFF80;
	[tilespmem:s20+$0x9C00] =	vst v0;
	s22 =	smov.u32 s14;
	s14 =	sadd.s32 $0x80, s14  }
.Ltmp0:
0x18: {  	[tilespmem:s20+$0x9C10] =	vst v0;
	(pc) =	sbr.rel @p1 .LBB2_2-.Ltmp0, $2  }
0x19: {  	_ =	sdelay $0x2  }
0x1a: {  	s20 =	sshra.s32 s22, $0x2  }
0x1b: {  	[tilespmem:s20+$0x9C00] =	vst v0  }
0x1c: {  	[tilespmem:s20+$0x9C10] =	vst v0  }
0x1d: {  	[spmem:s6] =	stream.linear.scatter [tilespmem:s15], [sflag:$0x4], $0x4000, $0x38;
	[tilespmem:$0x16E00] =	vst v63  }
0x1e: {  	_ =	swait.ge [sflag:s16], $0x4000  }
0x1f: {  	[sflag:s16] =	ssyncset.done $0x0  }
0x20: {  	[sflag:s16] =	ssyncadd.s32 $0xFFFFC000  }
0x21: {  	[spmem:s7] =	stream.linear.scatter [tilespmem:s15], [sflag:$0x4], $0x1200, $0x38;
	[tilespmem:$0x16E00] =	vst v63  }
0x22: {  	_ =	swait.ge [sflag:s16], $0x1200  }
0x23: {  	[sflag:s16] =	ssyncset.done $0x0  }
0x24: {  	[sflag:s16] =	ssyncadd.s32 $0xFFFFEE00  }
0x25: {  	_ =	swait.ge [sflag:s17], $0x9C00  }
0x26: {  	[sflag:s17] =	ssyncset.done $0x0  }
0x27: {  	[sflag:s17] =	ssyncadd.s32 $0xFFFF6400  }
0x28: {  	s14 =	simm.s32 $0x0;
	[bflag:$0x0] =	sbarrier.arrive $0xFFFF  }
0x29: {  	[tilespmem:s15], [sflag:$0x2] =	stream.indirect.gather [hbm4b:s8+s18], $0x20, s14, s18, $0xb8;
	[tilespmem:$0x16E00] =	vst v63  }
0x2a: {  	_ = 	snop  }
0x2b: {  	[tilespmem:s19], [sflag:$0x2] =	stream.indirect.gather [hbm4b:s8+s18], $0x20, s18, s18, $0xb8;
	[tilespmem:$0x16E00] =	vst v63  }
0x2c: {  	s0 =	simm.s32 $0x100  }
0x2d: {  	[tilespmem:s21], [sflag:$0x2] =	stream.indirect.gather [hbm4b:s8+s18], $0x20, s0, s18, $0xb8;
	[tilespmem:$0x16E00] =	vst v63  }
0x2e: {  	s31 =	simm.s32 $0x180  }
0x2f: {  	[tilespmem:s23], [sflag:$0x2] =	stream.indirect.gather [hbm4b:s8+s18], $0x20, s31, s18, $0xb8;
	[tilespmem:$0x16E00] =	vst v63  }
0x30: {  	s0 =	simm.s32 $0x200  }
0x31: {  	[tilespmem:s24], [sflag:$0x3] =	stream.indirect.gather [hbm4b:s8+s18], $0x20, s0, s18, $0xb8;
	[tilespmem:$0x16E00] =	vst v63  }
0x32: {  	s20 =	simm.s32 $0x280  }
0x33: {  	[tilespmem:s25], [sflag:$0x3] =	stream.indirect.gather [hbm4b:s8+s18], $0x20, s20, s18, $0xb8;
	[tilespmem:$0x16E00] =	vst v63  }
0x34: {  	s22 =	simm.s32 $0x300  }
0x35: {  	[tilespmem:s26], [sflag:$0x3] =	stream.indirect.gather [hbm4b:s8+s18], $0x20, s22, s18, $0xb8;
	[tilespmem:$0x16E00] =	vst v63  }
0x36: {  	s31 =	simm.s32 $0x380  }
0x37: {  	[tilespmem:s28], [sflag:$0x3] =	stream.indirect.gather [hbm4b:s8+s18], $0x20, s31, s18, $0xb8;
	[tilespmem:$0x16E00] =	vst v63  }
0x38: {  	_ =	swait.ge [sflag:s29], $0x4000  }
0x39: {  	[sflag:s29] =	ssyncset.done $0x0  }
0x3a: {  	s0 =	simm.s32 $0x4E00;
	[sflag:s29] =	ssyncadd.s32 $0xFFFFC000  }
0x3b: {  	[spmem:s1] =	stream.indirect.scatter.add.bf16 [tilespmem:s15], [sflag:$0x4], $0x20, s0, s18, $0xb8;
	[tilespmem:$0x16E00] =	vst v63  }
0x3c: {  	_ =	swait.ge [sflag:s16], $0x1000  }
0x3d: {  	[sflag:s16] =	ssyncset.done $0x0  }
0x3e: {  	s20 =	simm.s32 $0x4E80;
	[sflag:s16] =	ssyncadd.s32 $0xFFFFF000  }
0x3f: {  	[spmem:s1] =	stream.indirect.scatter.add.bf16 [tilespmem:s19], [sflag:$0x4], $0x20, s20, s18, $0xb8;
	[tilespmem:$0x16E00] =	vst v63  }
0x40: {  	_ =	swait.ge [sflag:s16], $0x1000  }
0x41: {  	[sflag:s16] =	ssyncset.done $0x0  }
0x42: {  	s22 =	simm.s32 $0x4F00;
	[sflag:s16] =	ssyncadd.s32 $0xFFFFF000  }
0x43: {  	[spmem:s1] =	stream.indirect.scatter.add.bf16 [tilespmem:s21], [sflag:$0x4], $0x20, s22, s18, $0xb8;
	[tilespmem:$0x16E00] =	vst v63  }
0x44: {  	_ =	swait.ge [sflag:s16], $0x1000  }
0x45: {  	[sflag:s16] =	ssyncset.done $0x0  }
0x46: {  	s31 =	simm.s32 $0x4F80;
	[sflag:s16] =	ssyncadd.s32 $0xFFFFF000  }
0x47: {  	[spmem:s1] =	stream.indirect.scatter.add.bf16 [tilespmem:s23], [sflag:$0x4], $0x20, s31, s18, $0xb8;
	[tilespmem:$0x16E00] =	vst v63  }
0x48: {  	_ =	swait.ge [sflag:s16], $0x1000  }
0x49: {  	[sflag:s16] =	ssyncset.done $0x0  }
0x4a: {  	s0 =	simm.s32 $0x400;
	[sflag:s16] =	ssyncadd.s32 $0xFFFFF000  }
0x4b: {  	[tilespmem:s15], [sflag:$0x2] =	stream.indirect.gather [hbm4b:s8+s18], $0x20, s0, s18, $0xb8;
	[tilespmem:$0x16E00] =	vst v63  }
0x4c: {  	s20 =	simm.s32 $0x480  }
0x4d: {  	[tilespmem:s19], [sflag:$0x2] =	stream.indirect.gather [hbm4b:s8+s18], $0x20, s20, s18, $0xb8;
	[tilespmem:$0x16E00] =	vst v63  }
0x4e: {  	s22 =	simm.s32 $0x500  }
0x4f: {  	[tilespmem:s21], [sflag:$0x2] =	stream.indirect.gather [hbm4b:s8+s18], $0x20, s22, s18, $0xb8;
	[tilespmem:$0x16E00] =	vst v63  }
0x50: {  	s31 =	simm.s32 $0x580  }
0x51: {  	[tilespmem:s23], [sflag:$0x2] =	stream.indirect.gather [hbm4b:s8+s18], $0x20, s31, s18, $0xb8;
	[tilespmem:$0x16E00] =	vst v63  }
0x52: {  	_ =	swait.ge [sflag:s30], $0x4000  }
0x53: {  	[sflag:s30] =	ssyncset.done $0x0  }
0x54: {  	s0 =	simm.s32 $0x5000;
	[sflag:s30] =	ssyncadd.s32 $0xFFFFC000  }
0x55: {  	[spmem:s1] =	stream.indirect.scatter.add.bf16 [tilespmem:s24], [sflag:$0x4], $0x20, s0, s18, $0xb8;
	[tilespmem:$0x16E00] =	vst v63  }
0x56: {  	_ =	swait.ge [sflag:s16], $0x1000  }
0x57: {  	[sflag:s16] =	ssyncset.done $0x0  }
0x58: {  	s20 =	simm.s32 $0x5080;
	[sflag:s16] =	ssyncadd.s32 $0xFFFFF000  }
0x59: {  	[spmem:s1] =	stream.indirect.scatter.add.bf16 [tilespmem:s25], [sflag:$0x4], $0x20, s20, s18, $0xb8;
	[tilespmem:$0x16E00] =	vst v63  }
0x5a: {  	_ =	swait.ge [sflag:s16], $0x1000  }
0x5b: {  	[sflag:s16] =	ssyncset.done $0x0  }
0x5c: {  	s22 =	simm.s32 $0x5100;
	[sflag:s16] =	ssyncadd.s32 $0xFFFFF000  }
0x5d: {  	[spmem:s1] =	stream.indirect.scatter.add.bf16 [tilespmem:s26], [sflag:$0x4], $0x20, s22, s18, $0xb8;
	[tilespmem:$0x16E00] =	vst v63  }
0x5e: {  	_ =	swait.ge [sflag:s16], $0x1000  }
0x5f: {  	[sflag:s16] =	ssyncset.done $0x0  }
0x60: {  	s31 =	simm.s32 $0x5180;
	[sflag:s16] =	ssyncadd.s32 $0xFFFFF000  }
0x61: {  	[spmem:s1] =	stream.indirect.scatter.add.bf16 [tilespmem:s28], [sflag:$0x4], $0x20, s31, s18, $0xb8;
	[tilespmem:$0x16E00] =	vst v63  }
0x62: {  	_ =	swait.ge [sflag:s16], $0x1000  }
0x63: {  	s14 =	simm.s32 $0x400;
	s20 =	simm.s32 $0x2000;
	[sflag:s16] =	ssyncset.done $0x0  }
.LBB2_4:
0x64: {  	s0 =	sadd.s32 $0x200, s14  }
0x65: {  	[sflag:s16] =	ssyncadd.s32 $0xFFFFF000;
	s22 =	smov.u32 s20;
	s31 =	sadd.s32 $0x1000, s20  }
0x66: {  	[tilespmem:s24], [sflag:$0x3] =	stream.indirect.gather [hbm4b:s8+s18], $0x20, s0, s18, $0xb8;
	[tilespmem:$0x16E00] =	vst v63  }
0x67: {  	p1 =	sne.s32 s20, $0x11000;
	s0 =	sadd.s32 $0x280, s14  }
0x68: {  	[tilespmem:s25], [sflag:$0x3] =	stream.indirect.gather [hbm4b:s8+s18], $0x20, s0, s18, $0xb8;
	[tilespmem:$0x16E00] =	vst v63  }
0x69: {  	s0 =	sadd.s32 $0x300, s14  }
0x6a: {  	[tilespmem:s26], [sflag:$0x3] =	stream.indirect.gather [hbm4b:s8+s18], $0x20, s0, s18, $0xb8;
	[tilespmem:$0x16E00] =	vst v63  }
0x6b: {  	s0 =	sadd.s32 $0x380, s14  }
0x6c: {  	[tilespmem:s28], [sflag:$0x3] =	stream.indirect.gather [hbm4b:s8+s18], $0x20, s0, s18, $0xb8;
	[tilespmem:$0x16E00] =	vst v63  }
0x6d: {  	_ =	swait.ge [sflag:s29], $0x4000  }
0x6e: {  	[sflag:s29] =	ssyncset.done $0x0  }
0x6f: {  	s0 =	sadd.s32 $0x4E00, s14;
	[sflag:s29] =	ssyncadd.s32 $0xFFFFC000  }
0x70: {  	[spmem:s1] =	stream.indirect.scatter.add.bf16 [tilespmem:s15], [sflag:$0x4], $0x20, s0, s18, $0xb8;
	[tilespmem:$0x16E00] =	vst v63  }
0x71: {  	_ =	swait.ge [sflag:s16], $0x1000  }
0x72: {  	[sflag:s16] =	ssyncset.done $0x0  }
0x73: {  	s0 =	sadd.s32 $0x4E80, s14;
	[sflag:s16] =	ssyncadd.s32 $0xFFFFF000  }
0x74: {  	[spmem:s1] =	stream.indirect.scatter.add.bf16 [tilespmem:s19], [sflag:$0x4], $0x20, s0, s18, $0xb8;
	[tilespmem:$0x16E00] =	vst v63  }
0x75: {  	_ =	swait.ge [sflag:s16], $0x1000  }
0x76: {  	[sflag:s16] =	ssyncset.done $0x0  }
0x77: {  	s0 =	sadd.s32 $0x4F00, s14;
	[sflag:s16] =	ssyncadd.s32 $0xFFFFF000  }
0x78: {  	[spmem:s1] =	stream.indirect.scatter.add.bf16 [tilespmem:s21], [sflag:$0x4], $0x20, s0, s18, $0xb8;
	[tilespmem:$0x16E00] =	vst v63  }
0x79: {  	_ =	swait.ge [sflag:s16], $0x1000  }
0x7a: {  	[sflag:s16] =	ssyncset.done $0x0  }
0x7b: {  	s0 =	sadd.s32 $0x4F80, s14;
	[sflag:s16] =	ssyncadd.s32 $0xFFFFF000  }
0x7c: {  	[spmem:s1] =	stream.indirect.scatter.add.bf16 [tilespmem:s23], [sflag:$0x4], $0x20, s0, s18, $0xb8;
	[tilespmem:$0x16E00] =	vst v63  }
0x7d: {  	_ =	swait.ge [sflag:s16], $0x1000  }
0x7e: {  	[sflag:s16] =	ssyncset.done $0x0  }
0x7f: {  	s0 =	sadd.s32 $0x400, s14;
	[sflag:s16] =	ssyncadd.s32 $0xFFFFF000  }
0x80: {  	[tilespmem:s15], [sflag:$0x2] =	stream.indirect.gather [hbm4b:s8+s18], $0x20, s0, s18, $0xb8;
	[tilespmem:$0x16E00] =	vst v63  }
0x81: {  	s0 =	sadd.s32 $0x480, s14  }
0x82: {  	[tilespmem:s19], [sflag:$0x2] =	stream.indirect.gather [hbm4b:s8+s18], $0x20, s0, s18, $0xb8;
	[tilespmem:$0x16E00] =	vst v63  }
0x83: {  	s0 =	sadd.s32 $0x500, s14  }
0x84: {  	[tilespmem:s21], [sflag:$0x2] =	stream.indirect.gather [hbm4b:s8+s18], $0x20, s0, s18, $0xb8;
	[tilespmem:$0x16E00] =	vst v63  }
0x85: {  	s0 =	sadd.s32 $0x580, s14  }
0x86: {  	[tilespmem:s23], [sflag:$0x2] =	stream.indirect.gather [hbm4b:s8+s18], $0x20, s0, s18, $0xb8;
	[tilespmem:$0x16E00] =	vst v63  }
0x87: {  	_ =	swait.ge [sflag:s30], $0x4000  }
0x88: {  	[sflag:s30] =	ssyncset.done $0x0  }
0x89: {  	s0 =	sadd.s32 $0x5000, s14;
	[sflag:s30] =	ssyncadd.s32 $0xFFFFC000  }
0x8a: {  	[spmem:s1] =	stream.indirect.scatter.add.bf16 [tilespmem:s24], [sflag:$0x4], $0x20, s0, s18, $0xb8;
	[tilespmem:$0x16E00] =	vst v63  }
0x8b: {  	_ =	swait.ge [sflag:s16], $0x1000  }
0x8c: {  	[sflag:s16] =	ssyncset.done $0x0  }
0x8d: {  	s0 =	sadd.s32 $0x5080, s14;
	[sflag:s16] =	ssyncadd.s32 $0xFFFFF000  }
0x8e: {  	[spmem:s1] =	stream.indirect.scatter.add.bf16 [tilespmem:s25], [sflag:$0x4], $0x20, s0, s18, $0xb8;
	[tilespmem:$0x16E00] =	vst v63  }
0x8f: {  	_ =	swait.ge [sflag:s16], $0x1000  }
0x90: {  	[sflag:s16] =	ssyncset.done $0x0  }
0x91: {  	s0 =	sadd.s32 $0x5100, s14;
	[sflag:s16] =	ssyncadd.s32 $0xFFFFF000  }
0x92: {  	[spmem:s1] =	stream.indirect.scatter.add.bf16 [tilespmem:s26], [sflag:$0x4], $0x20, s0, s18, $0xb8;
	[tilespmem:$0x16E00] =	vst v63  }
0x93: {  	_ =	swait.ge [sflag:s16], $0x1000  }
.Ltmp1:
0x94: {  	[sflag:s16] =	ssyncset.done $0x0;
	(pc) =	sbr.rel @p1 .LBB2_4-.Ltmp1, $4  }
0x95: {  	s0 =	sadd.s32 $0x5180, s14;
	[sflag:s16] =	ssyncadd.s32 $0xFFFFF000  }
0x96: {  	[spmem:s1] =	stream.indirect.scatter.add.bf16 [tilespmem:s28], [sflag:$0x4], $0x20, s0, s18, $0xb8;
	[tilespmem:$0x16E00] =	vst v63  }
0x97: {  	_ =	swait.ge [sflag:s16], $0x1000  }
0x98: {  	s20 =	smov.u32 s31;
	s14 =	sshra.s32 s22, $0x2;
	[sflag:s16] =	ssyncset.done $0x0  }
0x99: {  	s0 =	sadd.s32 $0x200, s14;
	[sflag:s16] =	ssyncadd.s32 $0xFFFFF000  }
0x9a: {  	[tilespmem:s24], [sflag:$0x3] =	stream.indirect.gather [hbm4b:s8+s18], $0x20, s0, s18, $0xb8;
	[tilespmem:$0x16E00] =	vst v63  }
0x9b: {  	s20 =	sadd.s32 $0x280, s14  }
0x9c: {  	[tilespmem:s25], [sflag:$0x3] =	stream.indirect.gather [hbm4b:s8+s18], $0x20, s20, s18, $0xb8;
	[tilespmem:$0x16E00] =	vst v63  }
0x9d: {  	s22 =	sadd.s32 $0x300, s14  }
0x9e: {  	[tilespmem:s26], [sflag:$0x3] =	stream.indirect.gather [hbm4b:s8+s18], $0x20, s22, s18, $0xb8;
	[tilespmem:$0x16E00] =	vst v63  }
0x9f: {  	s31 =	sadd.s32 $0x380, s14  }
0xa0: {  	[tilespmem:s28], [sflag:$0x3] =	stream.indirect.gather [hbm4b:s8+s18], $0x20, s31, s18, $0xb8;
	[tilespmem:$0x16E00] =	vst v63  }
0xa1: {  	_ =	swait.ge [sflag:s29], $0x4000  }
0xa2: {  	[sflag:s29] =	ssyncset.done $0x0  }
0xa3: {  	s20 =	sadd.s32 $0x4E00, s14;
	[sflag:s29] =	ssyncadd.s32 $0xFFFFC000  }
0xa4: {  	[spmem:s1] =	stream.indirect.scatter.add.bf16 [tilespmem:s15], [sflag:$0x4], $0x20, s20, s18, $0xb8;
	[tilespmem:$0x16E00] =	vst v63  }
0xa5: {  	_ =	swait.ge [sflag:s16], $0x1000  }
0xa6: {  	[sflag:s16] =	ssyncset.done $0x0  }
0xa7: {  	s22 =	sadd.s32 $0x4E80, s14;
	[sflag:s16] =	ssyncadd.s32 $0xFFFFF000  }
0xa8: {  	[spmem:s1] =	stream.indirect.scatter.add.bf16 [tilespmem:s19], [sflag:$0x4], $0x20, s22, s18, $0xb8;
	[tilespmem:$0x16E00] =	vst v63  }
0xa9: {  	_ =	swait.ge [sflag:s16], $0x1000  }
0xaa: {  	[sflag:s16] =	ssyncset.done $0x0  }
0xab: {  	s31 =	sadd.s32 $0x4F00, s14;
	[sflag:s16] =	ssyncadd.s32 $0xFFFFF000  }
0xac: {  	[spmem:s1] =	stream.indirect.scatter.add.bf16 [tilespmem:s21], [sflag:$0x4], $0x20, s31, s18, $0xb8;
	[tilespmem:$0x16E00] =	vst v63  }
0xad: {  	_ =	swait.ge [sflag:s16], $0x1000  }
0xae: {  	[sflag:s16] =	ssyncset.done $0x0  }
0xaf: {  	s20 =	sadd.s32 $0x4F80, s14;
	[sflag:s16] =	ssyncadd.s32 $0xFFFFF000  }
0xb0: {  	[spmem:s1] =	stream.indirect.scatter.add.bf16 [tilespmem:s23], [sflag:$0x4], $0x20, s20, s18, $0xb8;
	[tilespmem:$0x16E00] =	vst v63  }
0xb1: {  	_ =	swait.ge [sflag:s16], $0x1000  }
0xb2: {  	[sflag:s16] =	ssyncset.done $0x0  }
0xb3: {  	s22 =	sadd.s32 $0x400, s14;
	[sflag:s16] =	ssyncadd.s32 $0xFFFFF000  }
0xb4: {  	[tilespmem:s15], [sflag:$0x2] =	stream.indirect.gather [hbm4b:s8+s18], $0x20, s22, s18, $0xb8;
	[tilespmem:$0x16E00] =	vst v63  }
0xb5: {  	s31 =	sadd.s32 $0x480, s14  }
0xb6: {  	[tilespmem:s19], [sflag:$0x2] =	stream.indirect.gather [hbm4b:s8+s18], $0x20, s31, s18, $0xb8;
	[tilespmem:$0x16E00] =	vst v63  }
0xb7: {  	s20 =	sadd.s32 $0x500, s14  }
0xb8: {  	[tilespmem:s21], [sflag:$0x2] =	stream.indirect.gather [hbm4b:s8+s18], $0x20, s20, s18, $0xb8;
	[tilespmem:$0x16E00] =	vst v63  }
0xb9: {  	s22 =	sadd.s32 $0x580, s14  }
0xba: {  	[tilespmem:s23], [sflag:$0x2] =	stream.indirect.gather [hbm4b:s8+s18], $0x20, s22, s18, $0xb8;
	[tilespmem:$0x16E00] =	vst v63  }
0xbb: {  	_ =	swait.ge [sflag:s30], $0x4000  }
0xbc: {  	[sflag:s30] =	ssyncset.done $0x0  }
0xbd: {  	s31 =	sadd.s32 $0x5000, s14;
	[sflag:s30] =	ssyncadd.s32 $0xFFFFC000  }
0xbe: {  	[spmem:s1] =	stream.indirect.scatter.add.bf16 [tilespmem:s24], [sflag:$0x4], $0x20, s31, s18, $0xb8;
	[tilespmem:$0x16E00] =	vst v63  }
0xbf: {  	_ =	swait.ge [sflag:s16], $0x1000  }
0xc0: {  	[sflag:s16] =	ssyncset.done $0x0  }
0xc1: {  	s20 =	sadd.s32 $0x5080, s14;
	[sflag:s16] =	ssyncadd.s32 $0xFFFFF000  }
0xc2: {  	[spmem:s1] =	stream.indirect.scatter.add.bf16 [tilespmem:s25], [sflag:$0x4], $0x20, s20, s18, $0xb8;
	[tilespmem:$0x16E00] =	vst v63  }
0xc3: {  	_ =	swait.ge [sflag:s16], $0x1000  }
0xc4: {  	[sflag:s16] =	ssyncset.done $0x0  }
0xc5: {  	s22 =	sadd.s32 $0x5100, s14;
	[sflag:s16] =	ssyncadd.s32 $0xFFFFF000  }
0xc6: {  	[spmem:s1] =	stream.indirect.scatter.add.bf16 [tilespmem:s26], [sflag:$0x4], $0x20, s22, s18, $0xb8;
	[tilespmem:$0x16E00] =	vst v63  }
0xc7: {  	_ =	swait.ge [sflag:s16], $0x1000  }
0xc8: {  	[sflag:s16] =	ssyncset.done $0x0  }
0xc9: {  	s31 =	sadd.s32 $0x5180, s14;
	[sflag:s16] =	ssyncadd.s32 $0xFFFFF000  }
0xca: {  	[spmem:s1] =	stream.indirect.scatter.add.bf16 [tilespmem:s28], [sflag:$0x4], $0x20, s31, s18, $0xb8;
	[tilespmem:$0x16E00] =	vst v63  }
0xcb: {  	_ =	swait.ge [sflag:s16], $0x1000  }
0xcc: {  	[sflag:s16] =	ssyncset.done $0x0  }
0xcd: {  	s14 =	simm.s32 $0x4A00;
	[sflag:s16] =	ssyncadd.s32 $0xFFFFF000  }
0xce: {  	[tilespmem:s24], [sflag:$0x3] =	stream.indirect.gather [hbm4b:s8+s18], $0x20, s14, s18, $0xb8;
	[tilespmem:$0x16E00] =	vst v63  }
0xcf: {  	s20 =	simm.s32 $0x4A80  }
0xd0: {  	[tilespmem:s25], [sflag:$0x3] =	stream.indirect.gather [hbm4b:s8+s18], $0x20, s20, s18, $0xb8;
	[tilespmem:$0x16E00] =	vst v63  }
0xd1: {  	s22 =	simm.s32 $0x4B00  }
0xd2: {  	[tilespmem:s26], [sflag:$0x3] =	stream.indirect.gather [hbm4b:s8+s18], $0x20, s22, s18, $0xb8;
	[tilespmem:$0x16E00] =	vst v63  }
0xd3: {  	s31 =	simm.s32 $0x4B80  }
0xd4: {  	[tilespmem:s28], [sflag:$0x3] =	stream.indirect.gather [hbm4b:s8+s18], $0x20, s31, s18, $0xb8;
	[tilespmem:$0x16E00] =	vst v63  }
0xd5: {  	_ =	swait.ge [sflag:s29], $0x4000  }
0xd6: {  	[sflag:s29] =	ssyncset.done $0x0  }
0xd7: {  	s14 =	simm.s32 $0x9600;
	[sflag:s29] =	ssyncadd.s32 $0xFFFFC000  }
0xd8: {  	[spmem:s1] =	stream.indirect.scatter.add.bf16 [tilespmem:s15], [sflag:$0x4], $0x20, s14, s18, $0xb8;
	[tilespmem:$0x16E00] =	vst v63  }
0xd9: {  	_ =	swait.ge [sflag:s16], $0x1000  }
0xda: {  	[sflag:s16] =	ssyncset.done $0x0  }
0xdb: {  	s20 =	simm.s32 $0x9680;
	[sflag:s16] =	ssyncadd.s32 $0xFFFFF000  }
0xdc: {  	[spmem:s1] =	stream.indirect.scatter.add.bf16 [tilespmem:s19], [sflag:$0x4], $0x20, s20, s18, $0xb8;
	[tilespmem:$0x16E00] =	vst v63  }
0xdd: {  	_ =	swait.ge [sflag:s16], $0x1000  }
0xde: {  	[sflag:s16] =	ssyncset.done $0x0  }
0xdf: {  	s22 =	simm.s32 $0x9700;
	[sflag:s16] =	ssyncadd.s32 $0xFFFFF000  }
0xe0: {  	[spmem:s1] =	stream.indirect.scatter.add.bf16 [tilespmem:s21], [sflag:$0x4], $0x20, s22, s18, $0xb8;
	[tilespmem:$0x16E00] =	vst v63  }
0xe1: {  	_ =	swait.ge [sflag:s16], $0x1000  }
0xe2: {  	[sflag:s16] =	ssyncset.done $0x0  }
0xe3: {  	s31 =	simm.s32 $0x9780;
	[sflag:s16] =	ssyncadd.s32 $0xFFFFF000  }
0xe4: {  	[spmem:s1] =	stream.indirect.scatter.add.bf16 [tilespmem:s23], [sflag:$0x4], $0x20, s31, s18, $0xb8;
	[tilespmem:$0x16E00] =	vst v63  }
0xe5: {  	_ =	swait.ge [sflag:s16], $0x1000  }
0xe6: {  	[sflag:s16] =	ssyncset.done $0x0  }
0xe7: {  	s14 =	simm.s32 $0x4C00;
	[sflag:s16] =	ssyncadd.s32 $0xFFFFF000  }
0xe8: {  	[tilespmem:s15], [sflag:$0x2] =	stream.indirect.gather [hbm4b:s8+s18], $0x20, s14, s18, $0xb8;
	[tilespmem:$0x16E00] =	vst v63  }
0xe9: {  	s20 =	simm.s32 $0x4C80  }
0xea: {  	[tilespmem:s19], [sflag:$0x2] =	stream.indirect.gather [hbm4b:s8+s18], $0x20, s20, s18, $0xb8;
	[tilespmem:$0x16E00] =	vst v63  }
0xeb: {  	s22 =	simm.s32 $0x4D00  }
0xec: {  	[tilespmem:s21], [sflag:$0x2] =	stream.indirect.gather [hbm4b:s8+s18], $0x20, s22, s18, $0xb8;
	[tilespmem:$0x16E00] =	vst v63  }
0xed: {  	s31 =	simm.s32 $0x4D80  }
0xee: {  	[tilespmem:s23], [sflag:$0x2] =	stream.indirect.gather [hbm4b:s8+s18], $0x20, s31, s18, $0xb8;
	[tilespmem:$0x16E00] =	vst v63  }
0xef: {  	_ =	swait.ge [sflag:s30], $0x4000  }
0xf0: {  	[sflag:s30] =	ssyncset.done $0x0  }
0xf1: {  	s14 =	simm.s32 $0x9800;
	[sflag:s30] =	ssyncadd.s32 $0xFFFFC000  }
0xf2: {  	[spmem:s1] =	stream.indirect.scatter.add.bf16 [tilespmem:s24], [sflag:$0x4], $0x20, s14, s18, $0xb8;
	[tilespmem:$0x16E00] =	vst v63  }
0xf3: {  	_ =	swait.ge [sflag:s16], $0x1000  }
0xf4: {  	[sflag:s16] =	ssyncset.done $0x0  }
0xf5: {  	s20 =	simm.s32 $0x9880;
	[sflag:s16] =	ssyncadd.s32 $0xFFFFF000  }
0xf6: {  	[spmem:s1] =	stream.indirect.scatter.add.bf16 [tilespmem:s25], [sflag:$0x4], $0x20, s20, s18, $0xb8;
	[tilespmem:$0x16E00] =	vst v63  }
0xf7: {  	_ =	swait.ge [sflag:s16], $0x1000  }
0xf8: {  	[sflag:s16] =	ssyncset.done $0x0  }
0xf9: {  	s22 =	simm.s32 $0x9900;
	[sflag:s16] =	ssyncadd.s32 $0xFFFFF000  }
0xfa: {  	[spmem:s1] =	stream.indirect.scatter.add.bf16 [tilespmem:s26], [sflag:$0x4], $0x20, s22, s18, $0xb8;
	[tilespmem:$0x16E00] =	vst v63  }
0xfb: {  	_ =	swait.ge [sflag:s16], $0x1000  }
0xfc: {  	[sflag:s16] =	ssyncset.done $0x0  }
0xfd: {  	s31 =	simm.s32 $0x9980;
	[sflag:s16] =	ssyncadd.s32 $0xFFFFF000  }
0xfe: {  	[spmem:s1] =	stream.indirect.scatter.add.bf16 [tilespmem:s28], [sflag:$0x4], $0x20, s31, s18, $0xb8;
	[tilespmem:$0x16E00] =	vst v63  }
0xff: {  	_ =	swait.ge [sflag:s16], $0x1000  }
0x100: {  	[sflag:s16] =	ssyncset.done $0x0  }
0x101: {  	[sflag:s16] =	ssyncadd.s32 $0xFFFFF000  }
0x102: {  	_ =	swait.ge [sflag:s29], $0x4000  }
0x103: {  	[sflag:s29] =	ssyncset.done $0x0  }
0x104: {  	s14 =	simm.s32 $0x9A00;
	[sflag:s29] =	ssyncadd.s32 $0xFFFFC000  }
0x105: {  	[spmem:s1] =	stream.indirect.scatter.add.bf16 [tilespmem:s15], [sflag:$0x4], $0x20, s14, s18, $0xb8;
	[tilespmem:$0x16E00] =	vst v63  }
0x106: {  	_ =	swait.ge [sflag:s16], $0x1000  }
0x107: {  	[sflag:s16] =	ssyncset.done $0x0  }
0x108: {  	s20 =	simm.s32 $0x9A80;
	[sflag:s16] =	ssyncadd.s32 $0xFFFFF000  }
0x109: {  	[spmem:s1] =	stream.indirect.scatter.add.bf16 [tilespmem:s19], [sflag:$0x4], $0x20, s20, s18, $0xb8;
	[tilespmem:$0x16E00] =	vst v63  }
0x10a: {  	_ =	swait.ge [sflag:s16], $0x1000  }
0x10b: {  	[sflag:s16] =	ssyncset.done $0x0  }
0x10c: {  	s22 =	simm.s32 $0x9B00;
	[sflag:s16] =	ssyncadd.s32 $0xFFFFF000  }
0x10d: {  	[spmem:s1] =	stream.indirect.scatter.add.bf16 [tilespmem:s21], [sflag:$0x4], $0x20, s22, s18, $0xb8;
	[tilespmem:$0x16E00] =	vst v63  }
0x10e: {  	_ =	swait.ge [sflag:s16], $0x1000  }
0x10f: {  	[sflag:s16] =	ssyncset.done $0x0  }
0x110: {  	s31 =	simm.s32 $0x9B80;
	[sflag:s16] =	ssyncadd.s32 $0xFFFFF000  }
0x111: {  	[spmem:s1] =	stream.indirect.scatter.add.bf16 [tilespmem:s23], [sflag:$0x4], $0x20, s31, s18, $0xb8;
	[tilespmem:$0x16E00] =	vst v63  }
0x112: {  	_ =	swait.ge [sflag:s16], $0x1000  }
0x113: {  	[sflag:s16] =	ssyncset.done $0x0  }
0x114: {  	s0 =	simm.s32 @!p0 $0x0;
	s14 =	simm.s32 @!p0 $0x4;
	[sflag:s16] =	ssyncadd.s32 $0xFFFFF000  }
0x115: {  	[tilespmem:s0], [sflag:$0x4] =	stream.linear.gather @!p0 [hbm4b:s9+s0], $0x80, $0x38;
	[tilespmem:$0x16E00] =	vst v63  }
0x116: {  	_ =	swait.ge @!p0 [sflag:s14], $0x80  }
0x117: {  	[sflag:s14] =	ssyncset.done @!p0 $0x0  }
0x118: {  	s20 =	simm.s32 @!p0 $0x4E00;
	[sflag:s14] =	ssyncadd.s32 @!p0 $0xFFFFFF80  }
0x119: {  	[tilespmem:s20], [sflag:$0x4] =	stream.linear.gather @!p0 [hbm4b:s10+s0], $0x80, $0x38;
	[tilespmem:$0x16E00] =	vst v63  }
0x11a: {  	_ =	swait.ge @!p0 [sflag:s14], $0x80  }
0x11b: {  	[sflag:s14] =	ssyncset.done @!p0 $0x0  }
0x11c: {  	s22 =	simm.s32 @!p0 $0x80;
	s31 =	simm.s32 @!p0 $0xDC00;
	[sflag:s14] =	ssyncadd.s32 @!p0 $0xFFFFFF80  }
0x11d: {  	[tilespmem:s31], [sflag:$0x3] =	stream.indirect.gather @!p0 [hbm4b:s8+s22], $0x20, s0, s22, $0xb8;
	[tilespmem:$0x16E00] =	vst v63  }
0x11e: {  	s0 =	simm.s32 @!p0 $0x3  }
0x11f: {  	_ =	swait.ge @!p0 [sflag:s0], $0x1000  }
0x120: {  	[sflag:s0] =	ssyncset.done @!p0 $0x0  }
0x121: {  	[sflag:s0] =	ssyncadd.s32 @!p0 $0xFFFFF000  }
0x122: {  	[spmem:s1] =	stream.indirect.scatter.add.bf16 @!p0 [tilespmem:s31], [sflag:$0x4], $0x20, s20, s22, $0xb8;
	[tilespmem:$0x16E00] =	vst v63  }
0x123: {  	_ =	swait.ge @!p0 [sflag:s14], $0x1000  }
0x124: {  	[sflag:s14] =	ssyncset.done @!p0 $0x0  }
0x125: {  	[sflag:s14] =	ssyncadd.s32 @!p0 $0xFFFFF000  }
0x126: {  	[bflag:$0x0] =	sbarrier.arrive $0xFFFF  }
0x127: {  	[tilespmem:s15], [sflag:$0x4] =	stream.linear.gather [spmem:s6], $0x4000, $0x38;
	[tilespmem:$0x16E00] =	vst v63  }
0x128: {  	_ =	swait.ge [sflag:s16], $0x4000  }
0x129: {  	[sflag:s16] =	ssyncset.done $0x0  }
0x12a: {  	[sflag:s16] =	ssyncadd.s32 $0xFFFFC000  }
0x12b: {  	[hbm4b:s11+s3] =	stream.linear.scatter [tilespmem:s15], [sflag:$0x4], $0x4000, $0x38;
	[tilespmem:$0x16E00] =	vst v63  }
0x12c: {  	_ =	swait.ge [sflag:s16], $0x4000  }
0x12d: {  	[sflag:s16] =	ssyncset.done $0x0  }
0x12e: {  	[sflag:s16] =	ssyncadd.s32 $0xFFFFC000  }
0x12f: {  	[tilespmem:s24], [sflag:$0x4] =	stream.linear.gather [spmem:s7], $0x1200, $0x38;
	[tilespmem:$0x16E00] =	vst v63  }
0x130: {  	s2 =	sadd.s32 $0x1, s2;
	_ =	swait.ge [sflag:s16], $0x1200  }
0x131: {  	p1 =	sne.s32 s2, s13;
	[sflag:s16] =	ssyncset.done $0x0  }
.Ltmp2:
0x132: {  	[sflag:s16] =	ssyncadd.s32 $0xFFFFEE00;
	(pc) =	sbr.rel @p1 .LBB2_1-.Ltmp2, $4  }
0x133: {  	[hbm4b:s12+s3] =	stream.linear.scatter [tilespmem:s24], [sflag:$0x4], $0x1200, $0x38;
	[tilespmem:$0x16E00] =	vst v63  }
0x134: {  	_ =	swait.ge [sflag:s16], $0x1200  }
0x135: {  	[sflag:s16] =	ssyncset.done $0x0  }
0x136: {  	[sflag:s16] =	ssyncadd.s32 $0xFFFFEE00  }
0x137: {  	_ =	sfence.sel $0x180000  }
0x138: {  	[bflag:$0x0] =	sbarrier.arrive $0xFFFF  }
0x139: {  	_ =	strace $0x9000004A  }
0x13a: {  	s0 =	stileid.u32;
	[bflag:$0x2] =	sbarrier.arrive $0xFFFF  }
0x13b: {  	p0 =	sne.s32 s0, $0x0;
	s0 =	rddreg [dreg:$0x3]  }
0x13c: {  	s0 =	sadd.s32 @!p0 $0x100000, s0  }
0x13d: {  	[sflag:s0] =	ssyncadd.tile.s32 @!p0 $0x1;
	_ =	shalt  }
.Lfunc_end2:
_tile_overlayer_lowered:
.L_overlay_start_2:
0x13e: {  	(tag) =	ssettag $0x2  }
0x13f: {  	s0 =	rddreg [dreg:$0x0];
	s2 =	stileid.u32  }
0x140: {  	s1 =	rddreg [dreg:$0x1];
	p0 =	sne.s32 s2, $0x0  }
0x141: {  	s3 =	rddreg [dreg:$0x2];
	[bflag:$0x3] =	sbarrier.arrive $0xFFFF;
	s2 =	simm.s32 @!p0 $0x1C04  }
0x142: {  	[timem:s3], [sflag:s2] =	dma.local @!p0 [hbm:s0], s1  }
0x143: {  	s0 =	simm.s32 @!p0 $0x4  }
0x144: {  	_ =	swait.ge @!p0 [sflag:s0], s1  }
0x145: {  	s1 =	ssub.s32 @!p0 $0x0, s1;
	[sflag:s0] =	ssyncset.done @!p0 $0x0  }
0x146: {  	[sflag:s0] =	ssyncadd.s32 @!p0 s1  }
0x147: {  	[bflag:$0x3] =	sbarrier.arrive $0xFFFF  }
0x148: {  	_ =	shalt  }

// kernel: kernel.15.cloned.1.call-start
scs
__scs_entry_jumppad:
0x0: {  	(pc) =	sbr.rel $0x88, $3  }
0x1: {  	(tag) =	ssettag $0x0;
	lr =	simm.s32 $0x1  }
0x2: {  	[smem:$0x3F99] =	sst lr;
	_ =	strace $0xD0000000  }
0x3: {  	_ = 	snop  }
0x4: {  	_ = 	snop  }
0x5: {  	_ = 	snop  }
0x6: {  	_ = 	snop  }
0x7: {  	_ = 	snop  }
__scs_overlays_trampoline_lowered:
0x8: {  	[smem:$0x3FA8] =	sst s0  }
0x9: {  	[smem:$0x3FA9] =	sst s1  }
0xa: {  	[smem:$0x3FAA] =	sst s2  }
0xb: {  	[smem:$0x3FAB] =	sst s3  }
0xc: {  	[smem:$0x3FAC] =	sst s4  }
0xd: {  	[smem:$0x3FAD] =	sst s5  }
0xe: {  	[smem:$0x3FAE] =	sst s6  }
0xf: {  	[smem:$0x3FAF] =	sst s7  }
0x10: {  	[smem:$0x3FB0] =	sst s8  }
0x11: {  	[smem:$0x3FB1] =	sst s9;
	s0 =	simm.s32 @!p0 $0x0  }
0x12: {  	s1 =	sld [smem:$0x3F97];
	s0 =	simm.s32 @p0 $0x1  }
0x13: {  	[smem:$0x3FB2] =	sst s0;
	s0 =	simm.s32 @!p1 $0x0  }
0x14: {  	s2 =	sld [smem:$0x3F96];
	s0 =	simm.s32 @p1 $0x1  }
0x15: {  	[smem:$0x3FB3] =	sst s0;
	s0 =	simm.s32 @!p2 $0x0  }
0x16: {  	s3 =	sld [smem:$0x3FDB];
	s0 =	simm.s32 @p2 $0x1  }
0x17: {  	s4 =	simm.s32 $0x1BF5;
	[smem:$0x3FB5] =	sst s0  }
0x18: {  	s0 =	sld [smem:$0x3F98];
	_ =	swait.ge [sflag:s4], $0x0  }
0x19: {  	s7 =	sld [smem:$0x3F99]  }
0x1a: {  	s8 =	sadd.s32 $0xFFFFE003, lr  }
0x1b: {  	s9 =	sadd.s32 $0xFFFFFEF7, lr;
	s5 =	simm.s32 $0xFFFFFFFF;
	p2 =	slt.u32 s8, $0xFFFFF086  }
0x1c: {  	p1 =	slt.u32 s9, $0xF7A;
	s5 =	simm.s32 @!p2 $0x0  }
0x1d: {  	s5 =	simm.s32 @p1 $0x1;
	p0 =	seq.s32 s7, s2  }
0x1e: {  	s7 =	smul.u32 @!p0 $0xF7A, s2;
	p2 =	seq.s32 @!p0 s5, $0x0  }
0x1f: {  	s9 =	smul.u32 $0xF7A, s1;
	s8 =	simm.s32 @!p0 $0x1BF5;
	p2 =	por !p2, p0  }
0x20: {  	[sflag:s8] =	ssyncset.s32 @!p0 $0xFFFFF086;
	s6 =	sadd.s32 @!p0 s3, s7;
	s7 =	simm.s32 @!p0 $0x108  }
0x21: {  	s3 =	sadd.s32 s3, s9;
	s6 =	sadd.s32 @!p0 $0x88, s6;
	s7 =	simm.s32 @p2 $0x1082  }
0x22: {  	[simem:s7], [sflag:s8] =	dma.local @!p0 [hbm:s6], $0xF7A  }
0x23: {  	s9 =	sor.u32 $0xD0000000, s2;
	s6 =	simm.s32 $0x108;
	_ =	swait.ge @!p0 [sflag:s8], $0x0  }
0x24: {  	s3 =	sadd.s32 $0x88, s3;
	s6 =	simm.s32 @!p1 $0x1082;
	[sflag:s4] =	ssyncset.s32 $0xFFFFF086  }
0x25: {  	[simem:s6], [sflag:s4] =	dma.local [hbm:s3], $0xF7A  }
0x26: {  	[smem:$0x3F99] =	sst s1;
	(tag) =	ssettag s2;
	_ =	strace s9  }
0x27: {  	s1 =	sld [smem:$0x3FA9]  }
0x28: {  	s2 =	sld [smem:$0x3FAA]  }
0x29: {  	s4 =	sld [smem:$0x3FAC]  }
0x2a: {  	p0 =	seq.s32 s5, $0x0;
	s5 =	sld [smem:$0x3FAD]  }
0x2b: {  	s6 =	sld [smem:$0x3FAE]  }
0x2c: {  	s7 =	sld [smem:$0x3FAF]  }
0x2d: {  	s3 =	simm.s32 $0x108;
	s8 =	sld [smem:$0x3FB0]  }
0x2e: {  	s3 =	simm.s32 @!p0 $0x1082;
	s9 =	sld [smem:$0x3FB1]  }
0x2f: {  	lr =	sadd.s32 s0, s3;
	s0 =	sld [smem:$0x3FA8]  }
0x30: {  	s3 =	sld [smem:$0x3FAB]  }
0x31: {  	[smem:$0x3FB4] =	sst s10  }
0x32: {  	s10 =	sld [smem:$0x3FB2];
	_ =	sdelay $0x3  }
0x33: {  	p0 =	seq.s32 s10, $0x1;
	s10 =	sld [smem:$0x3FB4];
	_ =	sdelay $0x3  }
0x34: {  	[smem:$0x3FB4] =	sst s10  }
0x35: {  	s10 =	sld [smem:$0x3FB3];
	_ =	sdelay $0x3  }
0x36: {  	p1 =	seq.s32 s10, $0x1;
	s10 =	sld [smem:$0x3FB4];
	_ =	sdelay $0x3  }
0x37: {  	[smem:$0x3FB4] =	sst s10  }
0x38: {  	s10 =	sld [smem:$0x3FB5]  }
0x39: {  	_ = 	snop;
	(pc) =	sbr.ind lr, $3  }
0x3a: {  	_ = 	snop  }
0x3b: {  	_ = 	snop  }
0x3c: {  	p2 =	seq.s32 s10, $0x1;
	s10 =	sld [smem:$0x3FB4]  }
0x3d: {  	_ =	shalt  }
0x3e: {  	_ =	shalt  }
0x3f: {  	_ =	shalt  }
0x40: {  	_ =	shalt  }
0x41: {  	_ =	shalt  }
0x42: {  	_ =	shalt  }
0x43: {  	_ =	shalt  }
0x44: {  	_ =	shalt  }
0x45: {  	_ =	shalt  }
0x46: {  	_ =	shalt  }
0x47: {  	_ =	shalt  }
0x48: {  	_ =	shalt  }
0x49: {  	_ =	shalt  }
0x4a: {  	_ =	shalt  }
0x4b: {  	_ =	shalt  }
0x4c: {  	_ =	shalt  }
0x4d: {  	_ =	shalt  }
0x4e: {  	_ =	shalt  }
0x4f: {  	_ =	shalt  }
0x50: {  	_ =	shalt  }
0x51: {  	_ =	shalt  }
0x52: {  	_ =	shalt  }
0x53: {  	_ =	shalt  }
0x54: {  	_ =	shalt  }
0x55: {  	_ =	shalt  }
0x56: {  	_ =	shalt  }
0x57: {  	_ =	shalt  }
0x58: {  	_ =	shalt  }
0x59: {  	_ =	shalt  }
0x5a: {  	_ =	shalt  }
0x5b: {  	_ =	shalt  }
0x5c: {  	_ =	shalt  }
0x5d: {  	_ =	shalt  }
0x5e: {  	_ =	shalt  }
0x5f: {  	_ =	shalt  }
0x60: {  	_ =	shalt  }
0x61: {  	_ =	shalt  }
0x62: {  	_ =	shalt  }
0x63: {  	_ =	shalt  }
0x64: {  	_ =	shalt  }
0x65: {  	_ =	shalt  }
0x66: {  	_ =	shalt  }
0x67: {  	_ =	shalt  }
0x68: {  	_ =	shalt  }
0x69: {  	_ =	shalt  }
0x6a: {  	_ =	shalt  }
0x6b: {  	_ =	shalt  }
0x6c: {  	_ =	shalt  }
0x6d: {  	_ =	shalt  }
0x6e: {  	_ =	shalt  }
0x6f: {  	_ =	shalt  }
0x70: {  	_ =	shalt  }
0x71: {  	_ =	shalt  }
0x72: {  	_ =	shalt  }
0x73: {  	_ =	shalt  }
0x74: {  	_ =	shalt  }
0x75: {  	_ =	shalt  }
0x76: {  	_ =	shalt  }
0x77: {  	_ =	shalt  }
0x78: {  	_ =	shalt  }
0x79: {  	_ =	shalt  }
0x7a: {  	_ =	shalt  }
0x7b: {  	_ =	shalt  }
0x7c: {  	_ =	shalt  }
0x7d: {  	_ =	shalt  }
0x7e: {  	_ =	shalt  }
0x7f: {  	_ =	shalt  }
0x80: {  	_ =	shalt  }
0x81: {  	_ =	shalt  }
0x82: {  	_ =	shalt  }
0x83: {  	_ =	shalt  }
0x84: {  	_ =	shalt  }
0x85: {  	_ =	shalt  }
0x86: {  	_ =	shalt  }
0x87: {  	_ =	shalt  }
.Lfunc_end0:
.L_simem_size_0:
called_computation.2_lowered:
.L_overlay_start_0:
0x88: {  	s2 =	sld [smem:$0x3FD9]  }
0x89: {  	s3 =	sld [smem:$0x3FFE];
	_ =	sdelay $0x1  }
0x8a: {  	s1 =	srdreg.scid  }
0x8b: {  	s0 =	sand.u32 $0x1, s1  }
0x8c: {  	s17 =	sshll.u32 s0, $0xA;
	s2 =	sadd.s32 s3, s2  }
0x8d: {  	s2 =	sadd.s32 s2, s17  }
0x8e: {  	[smem:$0x3FC0] =	sst s2  }
0x8f: {  	_ = 	snop  }
0x90: {  	s2 =	sld [smem:$0x3FD0];
	(tm) =	ssettm $0x1  }
0x91: {  	s18 =	sld [smem:$0x3FFB];
	_ =	sdelay $0x3  }
0x92: {  	_ =	strace s18  }
0x93: {  	s3 =	sld [smem:$0x3FFC];
	_ =	sdelay $0x3  }
0x94: {  	_ =	strace s3  }
0x95: {  	s3 =	sld [smem:$0x3FFD];
	_ =	sdelay $0x3  }
0x96: {  	_ =	strace s3  }
0x97: {  	_ =	strace $0x8FFFFFFF  }
0x98: {  	s19 =	sld [smem:$0x3FDB];
	_ =	sdelay $0x1  }
0x99: {  	s4 =	simm.s32 $_scs_section_size  }
0x9a: {  	s5 =	simm.s32 $_size__tile_overlayer_lowered;
	s6 =	simm.s32 $_tile_overlayer_lowered  }
0x9b: {  	s22 =	simm.s32 $0x1BFF;
	s21 =	sshll.u32 s6, $0x1;
	s3 =	sadd.s32 s4, s19  }
0x9c: {  	s7 =	simm.s32 $0x0;
	s20 =	sshll.u32 s5, $0x1;
	s5 =	sadd.s32 s21, s3  }
0x9d: {  	[timem:s7], [sflag:s22] =	dma.local [hbm:s5], s20  }
0x9e: {  	_ =	swait.ge [sflag:s22], s20  }
0x9f: {  	s4 =	ssub.s32 $0x0, s20;
	[sflag:s22] =	ssyncset.done $0x0  }
0xa0: {  	[sflag:s22] =	ssyncadd.s32 s4;
	_ =	sdelay $0x1  }
0xa1: {  	s23 =	simm.s32 $0x1B8B  }
0xa2: {  	_ =	swait.ge [sflag:s23], $0x1  }
0xa3: {  	[sflag:s23] =	ssyncset.done $0x0  }
0xa4: {  	s25 =	simm.s32 $0x1B8E;
	s24 =	sld [smem:$0x3FFE];
	[sflag:s23] =	ssyncadd.s32 $0xFFFFFFFF  }
0xa5: {  	s26 =	simm.s32 $execute0_lowered;
	[smem:$0x3FD2] =	sst s25  }
0xa6: {  	s5 =	sshll.u32 s26, $0x1;
	_ =	strace $0x8000004C;
	[dreg:$0x1] =	wrdreg $0xFFFFFFFF  }
0xa7: {  	s28 =	simm.s32 $_size_execute0_lowered;
	s3 =	sadd.s32 s3, s5;
	[dreg:$0x0] =	wrdreg $0x0  }
0xa8: {  	s5 =	sshll.u32 s28, $0x1;
	[dreg:$0x2] =	wrdreg s3  }
0xa9: {  	[dreg:$0x3] =	wrdreg s5  }
0xaa: {  	[dreg:$0x4] =	wrdreg $0xC0  }
0xab: {  	_ =	task [dreg:s7], $0x5FFFF  }
0xac: {  	[dreg:$0x1] =	wrdreg $0xFFFFFFFF  }
0xad: {  	[dreg:$0x0] =	wrdreg $0x60  }
0xae: {  	[dreg:$0x2] =	wrdreg s24  }
0xaf: {  	[dreg:$0x3] =	wrdreg s2  }
0xb0: {  	[dreg:$0x4] =	wrdreg $0x11C000  }
0xb1: {  	[dreg:$0x5] =	wrdreg $0x9  }
0xb2: {  	_ =	task.clear_ibuf [dreg:s7], $0x6FFFF;
	_ =	strace $0x9000004C  }
0xb3: {  	s29 =	simm.s32 $0x9;
	_ =	strace $0x8000004E  }
0xb4: {  	_ =	swait.ge [sflag:s29], $0x1  }
0xb5: {  	[sflag:s29] =	ssyncadd.s32 $0xFFFFFFFF  }
0xb6: {  	_ =	strace $0x9000004E  }
0xb7: {  	_ =	sfence  }
0xb8: {  	s30 =	sld [smem:$0x0];
	_ =	sdelay $0x2  }
0xb9: {  	s31 =	sshll.u32 s1, $0xD;
	s1 =	sshrl.u32 s1, $0x2  }
0xba: {  	s3 =	sand.u32 $0x4000, s31;
	s1 =	sadd.s32 s1, s30  }
0xbb: {  	s0 =	sor.u32 s3, s0;
	s1 =	sshll.u32 s1, $0x11  }
0xbc: {  	s0 =	sor.u32 s1, s0  }
0xbd: {  	s0 =	sadd.s32 $0x8F2B, s0  }
0xbe: {  	[sflag:s0] =	ssyncadd.remote.s32 $0x1  }
0xbf: {  	_ =	sfence.sel $0xFFFF  }
0xc0: {  	[dreg:$0x0] =	wrdreg $0xFFFFFFFF;
	(pc) =	sbr.abs _section_cstart, $3  }
0xc1: {  	[dreg:$0x1] =	wrdreg $0xFFFFFFFF  }
0xc2: {  	_ =	task.clear_ibuf [dreg:s7], $0x2FFFF;
	_ =	strace $0x9FFFFFFF  }
0xc3: {  	(tm) =	ssettm $0x7FFFFFFF  }
tec
execute0_lowered:
.L_overlay_start_1:
0x0: {  	(tag) =	ssettag $0x1  }
0x1: {  	s0 =	rddreg [dreg:$0x0]  }
0x2: {  	s2 =	rddreg [dreg:$0x1]  }
0x3: {  	s1 =	rddreg [dreg:$0x2];
	s3 =	simm.s32 $0x0;
	s4 =	srdreg.scid  }
0x4: {  	s20 =	stileid.u32;
	s15 =	simm.s32 $0x9C00;
	s16 =	simm.s32 $0x4  }
0x5: {  	s17 =	simm.s32 $0x1;
	s18 =	simm.s32 $0x80;
	s19 =	simm.s32 $0xAC00  }
0x6: {  	s21 =	simm.s32 $0xBC00;
	s28 =	simm.s32 $0x10C00;
	s29 =	simm.s32 $0x2  }
0x7: {  	s30 =	simm.s32 $0x3;
	[smem:$0x7FF] =	sst s3;
	s23 =	smul.u32 $0x4E00, s20  }
0x8: {  	s7 =	sand.u32 $0x1, s4;
	s9 =	sadd.s32 $0x2400, s0;
	s10 =	smul.u32 $0xA400, s20  }
0x9: {  	s26 =	sshll.u32 s20, $0x4;
	p0 =	sgt.u32 s20, $0x3;
	s5 =	smul.u32 $0x9C40, s7  }
0xa: {  	_ =	strace $0x8000004D;
	s6 =	ssub.s32 $0x2, s7;
	s12 =	smul.u32 $0xA4000, s7  }
0xb: {  	s8 =	sshrl.u32 s6, $0x1;
	s4 =	sshrl.u32 s23, $0x3;
	s24 =	sshrl.u32 s10, $0x1  }
0xc: {  	s11 =	sadd.s32 $0x8000, s10;
	s23 =	simm.s32 $0xCC00;
	s0 =	sadd.s32 s5, s0  }
0xd: {  	s13 =	ssub.s32 s6, s8;
	s4 =	sadd.s32 s9, s4;
	s6 =	sadd.s32 s24, s1  }
0xe: {  	s25 =	sshrl.u32 s11, $0x1;
	s10 =	sadd.s32 s10, s12;
	s11 =	sadd.s32 s12, s11  }
0xf: {  	s24 =	simm.s32 $0xDC00;
	s5 =	sadd.s32 $0x9C40, s4;
	s7 =	sadd.s32 s25, s1  }
0x10: {  	s8 =	sadd.s32 $0x15E00, s0;
	s0 =	sadd.s32 s26, s9;
	s31 =	sshrl.u32 s10, $0x4  }
0x11: {  	s14 =	sshrl.u32 s11, $0x4;
	s13 =	smax.u32 s13, $0x1;
	s25 =	simm.s32 $0xEC00  }
0x12: {  	s26 =	simm.s32 $0xFC00;
	s9 =	sadd.s32 $0x9C00, s0;
	s10 =	sadd.s32 $0x13840, s0  }
0x13: {  	v0 =	vimm.bf16 $0.0e+00;
	s11 =	sadd.s32 s2, s31;
	s12 =	sadd.s32 s2, s14;
	s2 =	simm.s32 $0x0  }
.LBB2_1:
0x14: {  	[tilespmem:s3], [sflag:$0x1] =	stream.linear.gather [hbm4b:s4+s3], $0x4E00, $0x38;
	[tilespmem:$0x16E00] =	vst v63  }
0x15: {  	s0 =	simm.s32 $0x4E00;
	s14 =	simm.s32 $0x80;
	s20 =	simm.s32 $0x0  }
0x16: {  	[tilespmem:s0], [sflag:$0x1] =	stream.linear.gather [hbm4b:s5+s3], $0x4E00, $0x38;
	[tilespmem:$0x16E00] =	vst v63  }
.LBB2_2:
0x17: {  	p1 =	sne.s32 s14, $0xFF80;
	[tilespmem:s20+$0x9C00] =	vst v0;
	s22 =	smov.u32 s14;
	s14 =	sadd.s32 $0x80, s14  }
.Ltmp0:
0x18: {  	[tilespmem:s20+$0x9C10] =	vst v0;
	(pc) =	sbr.rel @p1 .LBB2_2-.Ltmp0, $2  }
0x19: {  	_ =	sdelay $0x2  }
0x1a: {  	s20 =	sshra.s32 s22, $0x2  }
0x1b: {  	[tilespmem:s20+$0x9C00] =	vst v0  }
0x1c: {  	[tilespmem:s20+$0x9C10] =	vst v0  }
0x1d: {  	[spmem:s6] =	stream.linear.scatter [tilespmem:s15], [sflag:$0x4], $0x4000, $0x38;
	[tilespmem:$0x16E00] =	vst v63  }
0x1e: {  	_ =	swait.ge [sflag:s16], $0x4000  }
0x1f: {  	[sflag:s16] =	ssyncset.done $0x0  }
0x20: {  	[sflag:s16] =	ssyncadd.s32 $0xFFFFC000  }
0x21: {  	[spmem:s7] =	stream.linear.scatter [tilespmem:s15], [sflag:$0x4], $0x1200, $0x38;
	[tilespmem:$0x16E00] =	vst v63  }
0x22: {  	_ =	swait.ge [sflag:s16], $0x1200  }
0x23: {  	[sflag:s16] =	ssyncset.done $0x0  }
0x24: {  	[sflag:s16] =	ssyncadd.s32 $0xFFFFEE00  }
0x25: {  	_ =	swait.ge [sflag:s17], $0x9C00  }
0x26: {  	[sflag:s17] =	ssyncset.done $0x0  }
0x27: {  	[sflag:s17] =	ssyncadd.s32 $0xFFFF6400  }
0x28: {  	s14 =	simm.s32 $0x0;
	[bflag:$0x0] =	sbarrier.arrive $0xFFFF  }
0x29: {  	[tilespmem:s15], [sflag:$0x2] =	stream.indirect.gather [hbm4b:s8+s18], $0x20, s14, s18, $0xb8;
	[tilespmem:$0x16E00] =	vst v63  }
0x2a: {  	_ = 	snop  }
0x2b: {  	[tilespmem:s19], [sflag:$0x2] =	stream.indirect.gather [hbm4b:s8+s18], $0x20, s18, s18, $0xb8;
	[tilespmem:$0x16E00] =	vst v63  }
0x2c: {  	s0 =	simm.s32 $0x100  }
0x2d: {  	[tilespmem:s21], [sflag:$0x2] =	stream.indirect.gather [hbm4b:s8+s18], $0x20, s0, s18, $0xb8;
	[tilespmem:$0x16E00] =	vst v63  }
0x2e: {  	s31 =	simm.s32 $0x180  }
0x2f: {  	[tilespmem:s23], [sflag:$0x2] =	stream.indirect.gather [hbm4b:s8+s18], $0x20, s31, s18, $0xb8;
	[tilespmem:$0x16E00] =	vst v63  }
0x30: {  	s0 =	simm.s32 $0x200  }
0x31: {  	[tilespmem:s24], [sflag:$0x3] =	stream.indirect.gather [hbm4b:s8+s18], $0x20, s0, s18, $0xb8;
	[tilespmem:$0x16E00] =	vst v63  }
0x32: {  	s20 =	simm.s32 $0x280  }
0x33: {  	[tilespmem:s25], [sflag:$0x3] =	stream.indirect.gather [hbm4b:s8+s18], $0x20, s20, s18, $0xb8;
	[tilespmem:$0x16E00] =	vst v63  }
0x34: {  	s22 =	simm.s32 $0x300  }
0x35: {  	[tilespmem:s26], [sflag:$0x3] =	stream.indirect.gather [hbm4b:s8+s18], $0x20, s22, s18, $0xb8;
	[tilespmem:$0x16E00] =	vst v63  }
0x36: {  	s31 =	simm.s32 $0x380  }
0x37: {  	[tilespmem:s28], [sflag:$0x3] =	stream.indirect.gather [hbm4b:s8+s18], $0x20, s31, s18, $0xb8;
	[tilespmem:$0x16E00] =	vst v63  }
0x38: {  	_ =	swait.ge [sflag:s29], $0x4000  }
0x39: {  	[sflag:s29] =	ssyncset.done $0x0  }
0x3a: {  	s0 =	simm.s32 $0x4E00;
	[sflag:s29] =	ssyncadd.s32 $0xFFFFC000  }
0x3b: {  	[spmem:s1] =	stream.indirect.scatter.add.bf16 [tilespmem:s15], [sflag:$0x4], $0x20, s0, s18, $0xb8;
	[tilespmem:$0x16E00] =	vst v63  }
0x3c: {  	_ =	swait.ge [sflag:s16], $0x1000  }
0x3d: {  	[sflag:s16] =	ssyncset.done $0x0  }
0x3e: {  	s20 =	simm.s32 $0x4E80;
	[sflag:s16] =	ssyncadd.s32 $0xFFFFF000  }
0x3f: {  	[spmem:s1] =	stream.indirect.scatter.add.bf16 [tilespmem:s19], [sflag:$0x4], $0x20, s20, s18, $0xb8;
	[tilespmem:$0x16E00] =	vst v63  }
0x40: {  	_ =	swait.ge [sflag:s16], $0x1000  }
0x41: {  	[sflag:s16] =	ssyncset.done $0x0  }
0x42: {  	s22 =	simm.s32 $0x4F00;
	[sflag:s16] =	ssyncadd.s32 $0xFFFFF000  }
0x43: {  	[spmem:s1] =	stream.indirect.scatter.add.bf16 [tilespmem:s21], [sflag:$0x4], $0x20, s22, s18, $0xb8;
	[tilespmem:$0x16E00] =	vst v63  }
0x44: {  	_ =	swait.ge [sflag:s16], $0x1000  }
0x45: {  	[sflag:s16] =	ssyncset.done $0x0  }
0x46: {  	s31 =	simm.s32 $0x4F80;
	[sflag:s16] =	ssyncadd.s32 $0xFFFFF000  }
0x47: {  	[spmem:s1] =	stream.indirect.scatter.add.bf16 [tilespmem:s23], [sflag:$0x4], $0x20, s31, s18, $0xb8;
	[tilespmem:$0x16E00] =	vst v63  }
0x48: {  	_ =	swait.ge [sflag:s16], $0x1000  }
0x49: {  	[sflag:s16] =	ssyncset.done $0x0  }
0x4a: {  	s0 =	simm.s32 $0x400;
	[sflag:s16] =	ssyncadd.s32 $0xFFFFF000  }
0x4b: {  	[tilespmem:s15], [sflag:$0x2] =	stream.indirect.gather [hbm4b:s8+s18], $0x20, s0, s18, $0xb8;
	[tilespmem:$0x16E00] =	vst v63  }
0x4c: {  	s20 =	simm.s32 $0x480  }
0x4d: {  	[tilespmem:s19], [sflag:$0x2] =	stream.indirect.gather [hbm4b:s8+s18], $0x20, s20, s18, $0xb8;
	[tilespmem:$0x16E00] =	vst v63  }
0x4e: {  	s22 =	simm.s32 $0x500  }
0x4f: {  	[tilespmem:s21], [sflag:$0x2] =	stream.indirect.gather [hbm4b:s8+s18], $0x20, s22, s18, $0xb8;
	[tilespmem:$0x16E00] =	vst v63  }
0x50: {  	s31 =	simm.s32 $0x580  }
0x51: {  	[tilespmem:s23], [sflag:$0x2] =	stream.indirect.gather [hbm4b:s8+s18], $0x20, s31, s18, $0xb8;
	[tilespmem:$0x16E00] =	vst v63  }
0x52: {  	_ =	swait.ge [sflag:s30], $0x4000  }
0x53: {  	[sflag:s30] =	ssyncset.done $0x0  }
0x54: {  	s0 =	simm.s32 $0x5000;
	[sflag:s30] =	ssyncadd.s32 $0xFFFFC000  }
0x55: {  	[spmem:s1] =	stream.indirect.scatter.add.bf16 [tilespmem:s24], [sflag:$0x4], $0x20, s0, s18, $0xb8;
	[tilespmem:$0x16E00] =	vst v63  }
0x56: {  	_ =	swait.ge [sflag:s16], $0x1000  }
0x57: {  	[sflag:s16] =	ssyncset.done $0x0  }
0x58: {  	s20 =	simm.s32 $0x5080;
	[sflag:s16] =	ssyncadd.s32 $0xFFFFF000  }
0x59: {  	[spmem:s1] =	stream.indirect.scatter.add.bf16 [tilespmem:s25], [sflag:$0x4], $0x20, s20, s18, $0xb8;
	[tilespmem:$0x16E00] =	vst v63  }
0x5a: {  	_ =	swait.ge [sflag:s16], $0x1000  }
0x5b: {  	[sflag:s16] =	ssyncset.done $0x0  }
0x5c: {  	s22 =	simm.s32 $0x5100;
	[sflag:s16] =	ssyncadd.s32 $0xFFFFF000  }
0x5d: {  	[spmem:s1] =	stream.indirect.scatter.add.bf16 [tilespmem:s26], [sflag:$0x4], $0x20, s22, s18, $0xb8;
	[tilespmem:$0x16E00] =	vst v63  }
0x5e: {  	_ =	swait.ge [sflag:s16], $0x1000  }
0x5f: {  	[sflag:s16] =	ssyncset.done $0x0  }
0x60: {  	s31 =	simm.s32 $0x5180;
	[sflag:s16] =	ssyncadd.s32 $0xFFFFF000  }
0x61: {  	[spmem:s1] =	stream.indirect.scatter.add.bf16 [tilespmem:s28], [sflag:$0x4], $0x20, s31, s18, $0xb8;
	[tilespmem:$0x16E00] =	vst v63  }
0x62: {  	_ =	swait.ge [sflag:s16], $0x1000  }
0x63: {  	s14 =	simm.s32 $0x400;
	s20 =	simm.s32 $0x2000;
	[sflag:s16] =	ssyncset.done $0x0  }
.LBB2_4:
0x64: {  	s0 =	sadd.s32 $0x200, s14  }
0x65: {  	[sflag:s16] =	ssyncadd.s32 $0xFFFFF000;
	s22 =	smov.u32 s20;
	s31 =	sadd.s32 $0x1000, s20  }
0x66: {  	[tilespmem:s24], [sflag:$0x3] =	stream.indirect.gather [hbm4b:s8+s18], $0x20, s0, s18, $0xb8;
	[tilespmem:$0x16E00] =	vst v63  }
0x67: {  	p1 =	sne.s32 s20, $0x11000;
	s0 =	sadd.s32 $0x280, s14  }
0x68: {  	[tilespmem:s25], [sflag:$0x3] =	stream.indirect.gather [hbm4b:s8+s18], $0x20, s0, s18, $0xb8;
	[tilespmem:$0x16E00] =	vst v63  }
0x69: {  	s0 =	sadd.s32 $0x300, s14  }
0x6a: {  	[tilespmem:s26], [sflag:$0x3] =	stream.indirect.gather [hbm4b:s8+s18], $0x20, s0, s18, $0xb8;
	[tilespmem:$0x16E00] =	vst v63  }
0x6b: {  	s0 =	sadd.s32 $0x380, s14  }
0x6c: {  	[tilespmem:s28], [sflag:$0x3] =	stream.indirect.gather [hbm4b:s8+s18], $0x20, s0, s18, $0xb8;
	[tilespmem:$0x16E00] =	vst v63  }
0x6d: {  	_ =	swait.ge [sflag:s29], $0x4000  }
0x6e: {  	[sflag:s29] =	ssyncset.done $0x0  }
0x6f: {  	s0 =	sadd.s32 $0x4E00, s14;
	[sflag:s29] =	ssyncadd.s32 $0xFFFFC000  }
0x70: {  	[spmem:s1] =	stream.indirect.scatter.add.bf16 [tilespmem:s15], [sflag:$0x4], $0x20, s0, s18, $0xb8;
	[tilespmem:$0x16E00] =	vst v63  }
0x71: {  	_ =	swait.ge [sflag:s16], $0x1000  }
0x72: {  	[sflag:s16] =	ssyncset.done $0x0  }
0x73: {  	s0 =	sadd.s32 $0x4E80, s14;
	[sflag:s16] =	ssyncadd.s32 $0xFFFFF000  }
0x74: {  	[spmem:s1] =	stream.indirect.scatter.add.bf16 [tilespmem:s19], [sflag:$0x4], $0x20, s0, s18, $0xb8;
	[tilespmem:$0x16E00] =	vst v63  }
0x75: {  	_ =	swait.ge [sflag:s16], $0x1000  }
0x76: {  	[sflag:s16] =	ssyncset.done $0x0  }
0x77: {  	s0 =	sadd.s32 $0x4F00, s14;
	[sflag:s16] =	ssyncadd.s32 $0xFFFFF000  }
0x78: {  	[spmem:s1] =	stream.indirect.scatter.add.bf16 [tilespmem:s21], [sflag:$0x4], $0x20, s0, s18, $0xb8;
	[tilespmem:$0x16E00] =	vst v63  }
0x79: {  	_ =	swait.ge [sflag:s16], $0x1000  }
0x7a: {  	[sflag:s16] =	ssyncset.done $0x0  }
0x7b: {  	s0 =	sadd.s32 $0x4F80, s14;
	[sflag:s16] =	ssyncadd.s32 $0xFFFFF000  }
0x7c: {  	[spmem:s1] =	stream.indirect.scatter.add.bf16 [tilespmem:s23], [sflag:$0x4], $0x20, s0, s18, $0xb8;
	[tilespmem:$0x16E00] =	vst v63  }
0x7d: {  	_ =	swait.ge [sflag:s16], $0x1000  }
0x7e: {  	[sflag:s16] =	ssyncset.done $0x0  }
0x7f: {  	s0 =	sadd.s32 $0x400, s14;
	[sflag:s16] =	ssyncadd.s32 $0xFFFFF000  }
0x80: {  	[tilespmem:s15], [sflag:$0x2] =	stream.indirect.gather [hbm4b:s8+s18], $0x20, s0, s18, $0xb8;
	[tilespmem:$0x16E00] =	vst v63  }
0x81: {  	s0 =	sadd.s32 $0x480, s14  }
0x82: {  	[tilespmem:s19], [sflag:$0x2] =	stream.indirect.gather [hbm4b:s8+s18], $0x20, s0, s18, $0xb8;
	[tilespmem:$0x16E00] =	vst v63  }
0x83: {  	s0 =	sadd.s32 $0x500, s14  }
0x84: {  	[tilespmem:s21], [sflag:$0x2] =	stream.indirect.gather [hbm4b:s8+s18], $0x20, s0, s18, $0xb8;
	[tilespmem:$0x16E00] =	vst v63  }
0x85: {  	s0 =	sadd.s32 $0x580, s14  }
0x86: {  	[tilespmem:s23], [sflag:$0x2] =	stream.indirect.gather [hbm4b:s8+s18], $0x20, s0, s18, $0xb8;
	[tilespmem:$0x16E00] =	vst v63  }
0x87: {  	_ =	swait.ge [sflag:s30], $0x4000  }
0x88: {  	[sflag:s30] =	ssyncset.done $0x0  }
0x89: {  	s0 =	sadd.s32 $0x5000, s14;
	[sflag:s30] =	ssyncadd.s32 $0xFFFFC000  }
0x8a: {  	[spmem:s1] =	stream.indirect.scatter.add.bf16 [tilespmem:s24], [sflag:$0x4], $0x20, s0, s18, $0xb8;
	[tilespmem:$0x16E00] =	vst v63  }
0x8b: {  	_ =	swait.ge [sflag:s16], $0x1000  }
0x8c: {  	[sflag:s16] =	ssyncset.done $0x0  }
0x8d: {  	s0 =	sadd.s32 $0x5080, s14;
	[sflag:s16] =	ssyncadd.s32 $0xFFFFF000  }
0x8e: {  	[spmem:s1] =	stream.indirect.scatter.add.bf16 [tilespmem:s25], [sflag:$0x4], $0x20, s0, s18, $0xb8;
	[tilespmem:$0x16E00] =	vst v63  }
0x8f: {  	_ =	swait.ge [sflag:s16], $0x1000  }
0x90: {  	[sflag:s16] =	ssyncset.done $0x0  }
0x91: {  	s0 =	sadd.s32 $0x5100, s14;
	[sflag:s16] =	ssyncadd.s32 $0xFFFFF000  }
0x92: {  	[spmem:s1] =	stream.indirect.scatter.add.bf16 [tilespmem:s26], [sflag:$0x4], $0x20, s0, s18, $0xb8;
	[tilespmem:$0x16E00] =	vst v63  }
0x93: {  	_ =	swait.ge [sflag:s16], $0x1000  }
.Ltmp1:
0x94: {  	[sflag:s16] =	ssyncset.done $0x0;
	(pc) =	sbr.rel @p1 .LBB2_4-.Ltmp1, $4  }
0x95: {  	s0 =	sadd.s32 $0x5180, s14;
	[sflag:s16] =	ssyncadd.s32 $0xFFFFF000  }
0x96: {  	[spmem:s1] =	stream.indirect.scatter.add.bf16 [tilespmem:s28], [sflag:$0x4], $0x20, s0, s18, $0xb8;
	[tilespmem:$0x16E00] =	vst v63  }
0x97: {  	_ =	swait.ge [sflag:s16], $0x1000  }
0x98: {  	s20 =	smov.u32 s31;
	s14 =	sshra.s32 s22, $0x2;
	[sflag:s16] =	ssyncset.done $0x0  }
0x99: {  	s0 =	sadd.s32 $0x200, s14;
	[sflag:s16] =	ssyncadd.s32 $0xFFFFF000  }
0x9a: {  	[tilespmem:s24], [sflag:$0x3] =	stream.indirect.gather [hbm4b:s8+s18], $0x20, s0, s18, $0xb8;
	[tilespmem:$0x16E00] =	vst v63  }
0x9b: {  	s20 =	sadd.s32 $0x280, s14  }
0x9c: {  	[tilespmem:s25], [sflag:$0x3] =	stream.indirect.gather [hbm4b:s8+s18], $0x20, s20, s18, $0xb8;
	[tilespmem:$0x16E00] =	vst v63  }
0x9d: {  	s22 =	sadd.s32 $0x300, s14  }
0x9e: {  	[tilespmem:s26], [sflag:$0x3] =	stream.indirect.gather [hbm4b:s8+s18], $0x20, s22, s18, $0xb8;
	[tilespmem:$0x16E00] =	vst v63  }
0x9f: {  	s31 =	sadd.s32 $0x380, s14  }
0xa0: {  	[tilespmem:s28], [sflag:$0x3] =	stream.indirect.gather [hbm4b:s8+s18], $0x20, s31, s18, $0xb8;
	[tilespmem:$0x16E00] =	vst v63  }
0xa1: {  	_ =	swait.ge [sflag:s29], $0x4000  }
0xa2: {  	[sflag:s29] =	ssyncset.done $0x0  }
0xa3: {  	s20 =	sadd.s32 $0x4E00, s14;
	[sflag:s29] =	ssyncadd.s32 $0xFFFFC000  }
0xa4: {  	[spmem:s1] =	stream.indirect.scatter.add.bf16 [tilespmem:s15], [sflag:$0x4], $0x20, s20, s18, $0xb8;
	[tilespmem:$0x16E00] =	vst v63  }
0xa5: {  	_ =	swait.ge [sflag:s16], $0x1000  }
0xa6: {  	[sflag:s16] =	ssyncset.done $0x0  }
0xa7: {  	s22 =	sadd.s32 $0x4E80, s14;
	[sflag:s16] =	ssyncadd.s32 $0xFFFFF000  }
0xa8: {  	[spmem:s1] =	stream.indirect.scatter.add.bf16 [tilespmem:s19], [sflag:$0x4], $0x20, s22, s18, $0xb8;
	[tilespmem:$0x16E00] =	vst v63  }
0xa9: {  	_ =	swait.ge [sflag:s16], $0x1000  }
0xaa: {  	[sflag:s16] =	ssyncset.done $0x0  }
0xab: {  	s31 =	sadd.s32 $0x4F00, s14;
	[sflag:s16] =	ssyncadd.s32 $0xFFFFF000  }
0xac: {  	[spmem:s1] =	stream.indirect.scatter.add.bf16 [tilespmem:s21], [sflag:$0x4], $0x20, s31, s18, $0xb8;
	[tilespmem:$0x16E00] =	vst v63  }
0xad: {  	_ =	swait.ge [sflag:s16], $0x1000  }
0xae: {  	[sflag:s16] =	ssyncset.done $0x0  }
0xaf: {  	s20 =	sadd.s32 $0x4F80, s14;
	[sflag:s16] =	ssyncadd.s32 $0xFFFFF000  }
0xb0: {  	[spmem:s1] =	stream.indirect.scatter.add.bf16 [tilespmem:s23], [sflag:$0x4], $0x20, s20, s18, $0xb8;
	[tilespmem:$0x16E00] =	vst v63  }
0xb1: {  	_ =	swait.ge [sflag:s16], $0x1000  }
0xb2: {  	[sflag:s16] =	ssyncset.done $0x0  }
0xb3: {  	s22 =	sadd.s32 $0x400, s14;
	[sflag:s16] =	ssyncadd.s32 $0xFFFFF000  }
0xb4: {  	[tilespmem:s15], [sflag:$0x2] =	stream.indirect.gather [hbm4b:s8+s18], $0x20, s22, s18, $0xb8;
	[tilespmem:$0x16E00] =	vst v63  }
0xb5: {  	s31 =	sadd.s32 $0x480, s14  }
0xb6: {  	[tilespmem:s19], [sflag:$0x2] =	stream.indirect.gather [hbm4b:s8+s18], $0x20, s31, s18, $0xb8;
	[tilespmem:$0x16E00] =	vst v63  }
0xb7: {  	s20 =	sadd.s32 $0x500, s14  }
0xb8: {  	[tilespmem:s21], [sflag:$0x2] =	stream.indirect.gather [hbm4b:s8+s18], $0x20, s20, s18, $0xb8;
	[tilespmem:$0x16E00] =	vst v63  }
0xb9: {  	s22 =	sadd.s32 $0x580, s14  }
0xba: {  	[tilespmem:s23], [sflag:$0x2] =	stream.indirect.gather [hbm4b:s8+s18], $0x20, s22, s18, $0xb8;
	[tilespmem:$0x16E00] =	vst v63  }
0xbb: {  	_ =	swait.ge [sflag:s30], $0x4000  }
0xbc: {  	[sflag:s30] =	ssyncset.done $0x0  }
0xbd: {  	s31 =	sadd.s32 $0x5000, s14;
	[sflag:s30] =	ssyncadd.s32 $0xFFFFC000  }
0xbe: {  	[spmem:s1] =	stream.indirect.scatter.add.bf16 [tilespmem:s24], [sflag:$0x4], $0x20, s31, s18, $0xb8;
	[tilespmem:$0x16E00] =	vst v63  }
0xbf: {  	_ =	swait.ge [sflag:s16], $0x1000  }
0xc0: {  	[sflag:s16] =	ssyncset.done $0x0  }
0xc1: {  	s20 =	sadd.s32 $0x5080, s14;
	[sflag:s16] =	ssyncadd.s32 $0xFFFFF000  }
0xc2: {  	[spmem:s1] =	stream.indirect.scatter.add.bf16 [tilespmem:s25], [sflag:$0x4], $0x20, s20, s18, $0xb8;
	[tilespmem:$0x16E00] =	vst v63  }
0xc3: {  	_ =	swait.ge [sflag:s16], $0x1000  }
0xc4: {  	[sflag:s16] =	ssyncset.done $0x0  }
0xc5: {  	s22 =	sadd.s32 $0x5100, s14;
	[sflag:s16] =	ssyncadd.s32 $0xFFFFF000  }
0xc6: {  	[spmem:s1] =	stream.indirect.scatter.add.bf16 [tilespmem:s26], [sflag:$0x4], $0x20, s22, s18, $0xb8;
	[tilespmem:$0x16E00] =	vst v63  }
0xc7: {  	_ =	swait.ge [sflag:s16], $0x1000  }
0xc8: {  	[sflag:s16] =	ssyncset.done $0x0  }
0xc9: {  	s31 =	sadd.s32 $0x5180, s14;
	[sflag:s16] =	ssyncadd.s32 $0xFFFFF000  }
0xca: {  	[spmem:s1] =	stream.indirect.scatter.add.bf16 [tilespmem:s28], [sflag:$0x4], $0x20, s31, s18, $0xb8;
	[tilespmem:$0x16E00] =	vst v63  }
0xcb: {  	_ =	swait.ge [sflag:s16], $0x1000  }
0xcc: {  	[sflag:s16] =	ssyncset.done $0x0  }
0xcd: {  	s14 =	simm.s32 $0x4A00;
	[sflag:s16] =	ssyncadd.s32 $0xFFFFF000  }
0xce: {  	[tilespmem:s24], [sflag:$0x3] =	stream.indirect.gather [hbm4b:s8+s18], $0x20, s14, s18, $0xb8;
	[tilespmem:$0x16E00] =	vst v63  }
0xcf: {  	s20 =	simm.s32 $0x4A80  }
0xd0: {  	[tilespmem:s25], [sflag:$0x3] =	stream.indirect.gather [hbm4b:s8+s18], $0x20, s20, s18, $0xb8;
	[tilespmem:$0x16E00] =	vst v63  }
0xd1: {  	s22 =	simm.s32 $0x4B00  }
0xd2: {  	[tilespmem:s26], [sflag:$0x3] =	stream.indirect.gather [hbm4b:s8+s18], $0x20, s22, s18, $0xb8;
	[tilespmem:$0x16E00] =	vst v63  }
0xd3: {  	s31 =	simm.s32 $0x4B80  }
0xd4: {  	[tilespmem:s28], [sflag:$0x3] =	stream.indirect.gather [hbm4b:s8+s18], $0x20, s31, s18, $0xb8;
	[tilespmem:$0x16E00] =	vst v63  }
0xd5: {  	_ =	swait.ge [sflag:s29], $0x4000  }
0xd6: {  	[sflag:s29] =	ssyncset.done $0x0  }
0xd7: {  	s14 =	simm.s32 $0x9600;
	[sflag:s29] =	ssyncadd.s32 $0xFFFFC000  }
0xd8: {  	[spmem:s1] =	stream.indirect.scatter.add.bf16 [tilespmem:s15], [sflag:$0x4], $0x20, s14, s18, $0xb8;
	[tilespmem:$0x16E00] =	vst v63  }
0xd9: {  	_ =	swait.ge [sflag:s16], $0x1000  }
0xda: {  	[sflag:s16] =	ssyncset.done $0x0  }
0xdb: {  	s20 =	simm.s32 $0x9680;
	[sflag:s16] =	ssyncadd.s32 $0xFFFFF000  }
0xdc: {  	[spmem:s1] =	stream.indirect.scatter.add.bf16 [tilespmem:s19], [sflag:$0x4], $0x20, s20, s18, $0xb8;
	[tilespmem:$0x16E00] =	vst v63  }
0xdd: {  	_ =	swait.ge [sflag:s16], $0x1000  }
0xde: {  	[sflag:s16] =	ssyncset.done $0x0  }
0xdf: {  	s22 =	simm.s32 $0x9700;
	[sflag:s16] =	ssyncadd.s32 $0xFFFFF000  }
0xe0: {  	[spmem:s1] =	stream.indirect.scatter.add.bf16 [tilespmem:s21], [sflag:$0x4], $0x20, s22, s18, $0xb8;
	[tilespmem:$0x16E00] =	vst v63  }
0xe1: {  	_ =	swait.ge [sflag:s16], $0x1000  }
0xe2: {  	[sflag:s16] =	ssyncset.done $0x0  }
0xe3: {  	s31 =	simm.s32 $0x9780;
	[sflag:s16] =	ssyncadd.s32 $0xFFFFF000  }
0xe4: {  	[spmem:s1] =	stream.indirect.scatter.add.bf16 [tilespmem:s23], [sflag:$0x4], $0x20, s31, s18, $0xb8;
	[tilespmem:$0x16E00] =	vst v63  }
0xe5: {  	_ =	swait.ge [sflag:s16], $0x1000  }
0xe6: {  	[sflag:s16] =	ssyncset.done $0x0  }
0xe7: {  	s14 =	simm.s32 $0x4C00;
	[sflag:s16] =	ssyncadd.s32 $0xFFFFF000  }
0xe8: {  	[tilespmem:s15], [sflag:$0x2] =	stream.indirect.gather [hbm4b:s8+s18], $0x20, s14, s18, $0xb8;
	[tilespmem:$0x16E00] =	vst v63  }
0xe9: {  	s20 =	simm.s32 $0x4C80  }
0xea: {  	[tilespmem:s19], [sflag:$0x2] =	stream.indirect.gather [hbm4b:s8+s18], $0x20, s20, s18, $0xb8;
	[tilespmem:$0x16E00] =	vst v63  }
0xeb: {  	s22 =	simm.s32 $0x4D00  }
0xec: {  	[tilespmem:s21], [sflag:$0x2] =	stream.indirect.gather [hbm4b:s8+s18], $0x20, s22, s18, $0xb8;
	[tilespmem:$0x16E00] =	vst v63  }
0xed: {  	s31 =	simm.s32 $0x4D80  }
0xee: {  	[tilespmem:s23], [sflag:$0x2] =	stream.indirect.gather [hbm4b:s8+s18], $0x20, s31, s18, $0xb8;
	[tilespmem:$0x16E00] =	vst v63  }
0xef: {  	_ =	swait.ge [sflag:s30], $0x4000  }
0xf0: {  	[sflag:s30] =	ssyncset.done $0x0  }
0xf1: {  	s14 =	simm.s32 $0x9800;
	[sflag:s30] =	ssyncadd.s32 $0xFFFFC000  }
0xf2: {  	[spmem:s1] =	stream.indirect.scatter.add.bf16 [tilespmem:s24], [sflag:$0x4], $0x20, s14, s18, $0xb8;
	[tilespmem:$0x16E00] =	vst v63  }
0xf3: {  	_ =	swait.ge [sflag:s16], $0x1000  }
0xf4: {  	[sflag:s16] =	ssyncset.done $0x0  }
0xf5: {  	s20 =	simm.s32 $0x9880;
	[sflag:s16] =	ssyncadd.s32 $0xFFFFF000  }
0xf6: {  	[spmem:s1] =	stream.indirect.scatter.add.bf16 [tilespmem:s25], [sflag:$0x4], $0x20, s20, s18, $0xb8;
	[tilespmem:$0x16E00] =	vst v63  }
0xf7: {  	_ =	swait.ge [sflag:s16], $0x1000  }
0xf8: {  	[sflag:s16] =	ssyncset.done $0x0  }
0xf9: {  	s22 =	simm.s32 $0x9900;
	[sflag:s16] =	ssyncadd.s32 $0xFFFFF000  }
0xfa: {  	[spmem:s1] =	stream.indirect.scatter.add.bf16 [tilespmem:s26], [sflag:$0x4], $0x20, s22, s18, $0xb8;
	[tilespmem:$0x16E00] =	vst v63  }
0xfb: {  	_ =	swait.ge [sflag:s16], $0x1000  }
0xfc: {  	[sflag:s16] =	ssyncset.done $0x0  }
0xfd: {  	s31 =	simm.s32 $0x9980;
	[sflag:s16] =	ssyncadd.s32 $0xFFFFF000  }
0xfe: {  	[spmem:s1] =	stream.indirect.scatter.add.bf16 [tilespmem:s28], [sflag:$0x4], $0x20, s31, s18, $0xb8;
	[tilespmem:$0x16E00] =	vst v63  }
0xff: {  	_ =	swait.ge [sflag:s16], $0x1000  }
0x100: {  	[sflag:s16] =	ssyncset.done $0x0  }
0x101: {  	[sflag:s16] =	ssyncadd.s32 $0xFFFFF000  }
0x102: {  	_ =	swait.ge [sflag:s29], $0x4000  }
0x103: {  	[sflag:s29] =	ssyncset.done $0x0  }
0x104: {  	s14 =	simm.s32 $0x9A00;
	[sflag:s29] =	ssyncadd.s32 $0xFFFFC000  }
0x105: {  	[spmem:s1] =	stream.indirect.scatter.add.bf16 [tilespmem:s15], [sflag:$0x4], $0x20, s14, s18, $0xb8;
	[tilespmem:$0x16E00] =	vst v63  }
0x106: {  	_ =	swait.ge [sflag:s16], $0x1000  }
0x107: {  	[sflag:s16] =	ssyncset.done $0x0  }
0x108: {  	s20 =	simm.s32 $0x9A80;
	[sflag:s16] =	ssyncadd.s32 $0xFFFFF000  }
0x109: {  	[spmem:s1] =	stream.indirect.scatter.add.bf16 [tilespmem:s19], [sflag:$0x4], $0x20, s20, s18, $0xb8;
	[tilespmem:$0x16E00] =	vst v63  }
0x10a: {  	_ =	swait.ge [sflag:s16], $0x1000  }
0x10b: {  	[sflag:s16] =	ssyncset.done $0x0  }
0x10c: {  	s22 =	simm.s32 $0x9B00;
	[sflag:s16] =	ssyncadd.s32 $0xFFFFF000  }
0x10d: {  	[spmem:s1] =	stream.indirect.scatter.add.bf16 [tilespmem:s21], [sflag:$0x4], $0x20, s22, s18, $0xb8;
	[tilespmem:$0x16E00] =	vst v63  }
0x10e: {  	_ =	swait.ge [sflag:s16], $0x1000  }
0x10f: {  	[sflag:s16] =	ssyncset.done $0x0  }
0x110: {  	s31 =	simm.s32 $0x9B80;
	[sflag:s16] =	ssyncadd.s32 $0xFFFFF000  }
0x111: {  	[spmem:s1] =	stream.indirect.scatter.add.bf16 [tilespmem:s23], [sflag:$0x4], $0x20, s31, s18, $0xb8;
	[tilespmem:$0x16E00] =	vst v63  }
0x112: {  	_ =	swait.ge [sflag:s16], $0x1000  }
0x113: {  	[sflag:s16] =	ssyncset.done $0x0  }
0x114: {  	s0 =	simm.s32 @!p0 $0x0;
	s14 =	simm.s32 @!p0 $0x4;
	[sflag:s16] =	ssyncadd.s32 $0xFFFFF000  }
0x115: {  	[tilespmem:s0], [sflag:$0x4] =	stream.linear.gather @!p0 [hbm4b:s9+s0], $0x80, $0x38;
	[tilespmem:$0x16E00] =	vst v63  }
0x116: {  	_ =	swait.ge @!p0 [sflag:s14], $0x80  }
0x117: {  	[sflag:s14] =	ssyncset.done @!p0 $0x0  }
0x118: {  	s20 =	simm.s32 @!p0 $0x4E00;
	[sflag:s14] =	ssyncadd.s32 @!p0 $0xFFFFFF80  }
0x119: {  	[tilespmem:s20], [sflag:$0x4] =	stream.linear.gather @!p0 [hbm4b:s10+s0], $0x80, $0x38;
	[tilespmem:$0x16E00] =	vst v63  }
0x11a: {  	_ =	swait.ge @!p0 [sflag:s14], $0x80  }
0x11b: {  	[sflag:s14] =	ssyncset.done @!p0 $0x0  }
0x11c: {  	s22 =	simm.s32 @!p0 $0x80;
	s31 =	simm.s32 @!p0 $0xDC00;
	[sflag:s14] =	ssyncadd.s32 @!p0 $0xFFFFFF80  }
0x11d: {  	[tilespmem:s31], [sflag:$0x3] =	stream.indirect.gather @!p0 [hbm4b:s8+s22], $0x20, s0, s22, $0xb8;
	[tilespmem:$0x16E00] =	vst v63  }
0x11e: {  	s0 =	simm.s32 @!p0 $0x3  }
0x11f: {  	_ =	swait.ge @!p0 [sflag:s0], $0x1000  }
0x120: {  	[sflag:s0] =	ssyncset.done @!p0 $0x0  }
0x121: {  	[sflag:s0] =	ssyncadd.s32 @!p0 $0xFFFFF000  }
0x122: {  	[spmem:s1] =	stream.indirect.scatter.add.bf16 @!p0 [tilespmem:s31], [sflag:$0x4], $0x20, s20, s22, $0xb8;
	[tilespmem:$0x16E00] =	vst v63  }
0x123: {  	_ =	swait.ge @!p0 [sflag:s14], $0x1000  }
0x124: {  	[sflag:s14] =	ssyncset.done @!p0 $0x0  }
0x125: {  	[sflag:s14] =	ssyncadd.s32 @!p0 $0xFFFFF000  }
0x126: {  	[bflag:$0x0] =	sbarrier.arrive $0xFFFF  }
0x127: {  	[tilespmem:s15], [sflag:$0x4] =	stream.linear.gather [spmem:s6], $0x4000, $0x38;
	[tilespmem:$0x16E00] =	vst v63  }
0x128: {  	_ =	swait.ge [sflag:s16], $0x4000  }
0x129: {  	[sflag:s16] =	ssyncset.done $0x0  }
0x12a: {  	[sflag:s16] =	ssyncadd.s32 $0xFFFFC000  }
0x12b: {  	[hbm4b:s11+s3] =	stream.linear.scatter [tilespmem:s15], [sflag:$0x4], $0x4000, $0x38;
	[tilespmem:$0x16E00] =	vst v63  }
0x12c: {  	_ =	swait.ge [sflag:s16], $0x4000  }
0x12d: {  	[sflag:s16] =	ssyncset.done $0x0  }
0x12e: {  	[sflag:s16] =	ssyncadd.s32 $0xFFFFC000  }
0x12f: {  	[tilespmem:s24], [sflag:$0x4] =	stream.linear.gather [spmem:s7], $0x1200, $0x38;
	[tilespmem:$0x16E00] =	vst v63  }
0x130: {  	s2 =	sadd.s32 $0x1, s2;
	_ =	swait.ge [sflag:s16], $0x1200  }
0x131: {  	p1 =	sne.s32 s2, s13;
	[sflag:s16] =	ssyncset.done $0x0  }
.Ltmp2:
0x132: {  	[sflag:s16] =	ssyncadd.s32 $0xFFFFEE00;
	(pc) =	sbr.rel @p1 .LBB2_1-.Ltmp2, $4  }
0x133: {  	[hbm4b:s12+s3] =	stream.linear.scatter [tilespmem:s24], [sflag:$0x4], $0x1200, $0x38;
	[tilespmem:$0x16E00] =	vst v63  }
0x134: {  	_ =	swait.ge [sflag:s16], $0x1200  }
0x135: {  	[sflag:s16] =	ssyncset.done $0x0  }
0x136: {  	[sflag:s16] =	ssyncadd.s32 $0xFFFFEE00  }
0x137: {  	_ =	sfence.sel $0x180000  }
0x138: {  	[bflag:$0x0] =	sbarrier.arrive $0xFFFF  }
0x139: {  	_ =	strace $0x9000004D  }
0x13a: {  	s0 =	stileid.u32;
	[bflag:$0x2] =	sbarrier.arrive $0xFFFF  }
0x13b: {  	p0 =	sne.s32 s0, $0x0;
	s0 =	rddreg [dreg:$0x3]  }
0x13c: {  	s0 =	sadd.s32 @!p0 $0x100000, s0  }
0x13d: {  	[sflag:s0] =	ssyncadd.tile.s32 @!p0 $0x1;
	_ =	shalt  }
.Lfunc_end2:
_tile_overlayer_lowered:
.L_overlay_start_2:
0x13e: {  	(tag) =	ssettag $0x2  }
0x13f: {  	s0 =	rddreg [dreg:$0x0];
	s2 =	stileid.u32  }
0x140: {  	s1 =	rddreg [dreg:$0x1];
	p0 =	sne.s32 s2, $0x0  }
0x141: {  	s3 =	rddreg [dreg:$0x2];
	[bflag:$0x3] =	sbarrier.arrive $0xFFFF;
	s2 =	simm.s32 @!p0 $0x1C04  }
0x142: {  	[timem:s3], [sflag:s2] =	dma.local @!p0 [hbm:s0], s1  }
0x143: {  	s0 =	simm.s32 @!p0 $0x4  }
0x144: {  	_ =	swait.ge @!p0 [sflag:s0], s1  }
0x145: {  	s1 =	ssub.s32 @!p0 $0x0, s1;
	[sflag:s0] =	ssyncset.done @!p0 $0x0  }
0x146: {  	[sflag:s0] =	ssyncadd.s32 @!p0 s1  }
0x147: {  	[bflag:$0x3] =	sbarrier.arrive $0xFFFF  }
0x148: {  	_ =	shalt  }

// kernel: kernel.9.cloned.1.call-start
scs
__scs_entry_jumppad:
0x0: {  	(pc) =	sbr.rel $0x88, $3  }
0x1: {  	(tag) =	ssettag $0x0;
	lr =	simm.s32 $0x1  }
0x2: {  	[smem:$0x3F99] =	sst lr;
	_ =	strace $0xD0000000  }
0x3: {  	_ = 	snop  }
0x4: {  	_ = 	snop  }
0x5: {  	_ = 	snop  }
0x6: {  	_ = 	snop  }
0x7: {  	_ = 	snop  }
__scs_overlays_trampoline_lowered:
0x8: {  	[smem:$0x3FA8] =	sst s0  }
0x9: {  	[smem:$0x3FA9] =	sst s1  }
0xa: {  	[smem:$0x3FAA] =	sst s2  }
0xb: {  	[smem:$0x3FAB] =	sst s3  }
0xc: {  	[smem:$0x3FAC] =	sst s4  }
0xd: {  	[smem:$0x3FAD] =	sst s5  }
0xe: {  	[smem:$0x3FAE] =	sst s6  }
0xf: {  	[smem:$0x3FAF] =	sst s7  }
0x10: {  	[smem:$0x3FB0] =	sst s8  }
0x11: {  	[smem:$0x3FB1] =	sst s9;
	s0 =	simm.s32 @!p0 $0x0  }
0x12: {  	s1 =	sld [smem:$0x3F97];
	s0 =	simm.s32 @p0 $0x1  }
0x13: {  	[smem:$0x3FB2] =	sst s0;
	s0 =	simm.s32 @!p1 $0x0  }
0x14: {  	s2 =	sld [smem:$0x3F96];
	s0 =	simm.s32 @p1 $0x1  }
0x15: {  	[smem:$0x3FB3] =	sst s0;
	s0 =	simm.s32 @!p2 $0x0  }
0x16: {  	s3 =	sld [smem:$0x3FDB];
	s0 =	simm.s32 @p2 $0x1  }
0x17: {  	s4 =	simm.s32 $0x1BF5;
	[smem:$0x3FB5] =	sst s0  }
0x18: {  	s0 =	sld [smem:$0x3F98];
	_ =	swait.ge [sflag:s4], $0x0  }
0x19: {  	s7 =	sld [smem:$0x3F99]  }
0x1a: {  	s8 =	sadd.s32 $0xFFFFE003, lr  }
0x1b: {  	s9 =	sadd.s32 $0xFFFFFEF7, lr;
	s5 =	simm.s32 $0xFFFFFFFF;
	p2 =	slt.u32 s8, $0xFFFFF086  }
0x1c: {  	p1 =	slt.u32 s9, $0xF7A;
	s5 =	simm.s32 @!p2 $0x0  }
0x1d: {  	s5 =	simm.s32 @p1 $0x1;
	p0 =	seq.s32 s7, s2  }
0x1e: {  	s7 =	smul.u32 @!p0 $0xF7A, s2;
	p2 =	seq.s32 @!p0 s5, $0x0  }
0x1f: {  	s9 =	smul.u32 $0xF7A, s1;
	s8 =	simm.s32 @!p0 $0x1BF5;
	p2 =	por !p2, p0  }
0x20: {  	[sflag:s8] =	ssyncset.s32 @!p0 $0xFFFFF086;
	s6 =	sadd.s32 @!p0 s3, s7;
	s7 =	simm.s32 @!p0 $0x108  }
0x21: {  	s3 =	sadd.s32 s3, s9;
	s6 =	sadd.s32 @!p0 $0x88, s6;
	s7 =	simm.s32 @p2 $0x1082  }
0x22: {  	[simem:s7], [sflag:s8] =	dma.local @!p0 [hbm:s6], $0xF7A  }
0x23: {  	s9 =	sor.u32 $0xD0000000, s2;
	s6 =	simm.s32 $0x108;
	_ =	swait.ge @!p0 [sflag:s8], $0x0  }
0x24: {  	s3 =	sadd.s32 $0x88, s3;
	s6 =	simm.s32 @!p1 $0x1082;
	[sflag:s4] =	ssyncset.s32 $0xFFFFF086  }
0x25: {  	[simem:s6], [sflag:s4] =	dma.local [hbm:s3], $0xF7A  }
0x26: {  	[smem:$0x3F99] =	sst s1;
	(tag) =	ssettag s2;
	_ =	strace s9  }
0x27: {  	s1 =	sld [smem:$0x3FA9]  }
0x28: {  	s2 =	sld [smem:$0x3FAA]  }
0x29: {  	s4 =	sld [smem:$0x3FAC]  }
0x2a: {  	p0 =	seq.s32 s5, $0x0;
	s5 =	sld [smem:$0x3FAD]  }
0x2b: {  	s6 =	sld [smem:$0x3FAE]  }
0x2c: {  	s7 =	sld [smem:$0x3FAF]  }
0x2d: {  	s3 =	simm.s32 $0x108;
	s8 =	sld [smem:$0x3FB0]  }
0x2e: {  	s3 =	simm.s32 @!p0 $0x1082;
	s9 =	sld [smem:$0x3FB1]  }
0x2f: {  	lr =	sadd.s32 s0, s3;
	s0 =	sld [smem:$0x3FA8]  }
0x30: {  	s3 =	sld [smem:$0x3FAB]  }
0x31: {  	[smem:$0x3FB4] =	sst s10  }
0x32: {  	s10 =	sld [smem:$0x3FB2];
	_ =	sdelay $0x3  }
0x33: {  	p0 =	seq.s32 s10, $0x1;
	s10 =	sld [smem:$0x3FB4];
	_ =	sdelay $0x3  }
0x34: {  	[smem:$0x3FB4] =	sst s10  }
0x35: {  	s10 =	sld [smem:$0x3FB3];
	_ =	sdelay $0x3  }
0x36: {  	p1 =	seq.s32 s10, $0x1;
	s10 =	sld [smem:$0x3FB4];
	_ =	sdelay $0x3  }
0x37: {  	[smem:$0x3FB4] =	sst s10  }
0x38: {  	s10 =	sld [smem:$0x3FB5]  }
0x39: {  	_ = 	snop;
	(pc) =	sbr.ind lr, $3  }
0x3a: {  	_ = 	snop  }
0x3b: {  	_ = 	snop  }
0x3c: {  	p2 =	seq.s32 s10, $0x1;
	s10 =	sld [smem:$0x3FB4]  }
0x3d: {  	_ =	shalt  }
0x3e: {  	_ =	shalt  }
0x3f: {  	_ =	shalt  }
0x40: {  	_ =	shalt  }
0x41: {  	_ =	shalt  }
0x42: {  	_ =	shalt  }
0x43: {  	_ =	shalt  }
0x44: {  	_ =	shalt  }
0x45: {  	_ =	shalt  }
0x46: {  	_ =	shalt  }
0x47: {  	_ =	shalt  }
0x48: {  	_ =	shalt  }
0x49: {  	_ =	shalt  }
0x4a: {  	_ =	shalt  }
0x4b: {  	_ =	shalt  }
0x4c: {  	_ =	shalt  }
0x4d: {  	_ =	shalt  }
0x4e: {  	_ =	shalt  }
0x4f: {  	_ =	shalt  }
0x50: {  	_ =	shalt  }
0x51: {  	_ =	shalt  }
0x52: {  	_ =	shalt  }
0x53: {  	_ =	shalt  }
0x54: {  	_ =	shalt  }
0x55: {  	_ =	shalt  }
0x56: {  	_ =	shalt  }
0x57: {  	_ =	shalt  }
0x58: {  	_ =	shalt  }
0x59: {  	_ =	shalt  }
0x5a: {  	_ =	shalt  }
0x5b: {  	_ =	shalt  }
0x5c: {  	_ =	shalt  }
0x5d: {  	_ =	shalt  }
0x5e: {  	_ =	shalt  }
0x5f: {  	_ =	shalt  }
0x60: {  	_ =	shalt  }
0x61: {  	_ =	shalt  }
0x62: {  	_ =	shalt  }
0x63: {  	_ =	shalt  }
0x64: {  	_ =	shalt  }
0x65: {  	_ =	shalt  }
0x66: {  	_ =	shalt  }
0x67: {  	_ =	shalt  }
0x68: {  	_ =	shalt  }
0x69: {  	_ =	shalt  }
0x6a: {  	_ =	shalt  }
0x6b: {  	_ =	shalt  }
0x6c: {  	_ =	shalt  }
0x6d: {  	_ =	shalt  }
0x6e: {  	_ =	shalt  }
0x6f: {  	_ =	shalt  }
0x70: {  	_ =	shalt  }
0x71: {  	_ =	shalt  }
0x72: {  	_ =	shalt  }
0x73: {  	_ =	shalt  }
0x74: {  	_ =	shalt  }
0x75: {  	_ =	shalt  }
0x76: {  	_ =	shalt  }
0x77: {  	_ =	shalt  }
0x78: {  	_ =	shalt  }
0x79: {  	_ =	shalt  }
0x7a: {  	_ =	shalt  }
0x7b: {  	_ =	shalt  }
0x7c: {  	_ =	shalt  }
0x7d: {  	_ =	shalt  }
0x7e: {  	_ =	shalt  }
0x7f: {  	_ =	shalt  }
0x80: {  	_ =	shalt  }
0x81: {  	_ =	shalt  }
0x82: {  	_ =	shalt  }
0x83: {  	_ =	shalt  }
0x84: {  	_ =	shalt  }
0x85: {  	_ =	shalt  }
0x86: {  	_ =	shalt  }
0x87: {  	_ =	shalt  }
.Lfunc_end0:
.L_simem_size_0:
called_computation_lowered:
.L_overlay_start_0:
0x88: {  	s2 =	sld [smem:$0x3FD9]  }
0x89: {  	s3 =	sld [smem:$0x3FFE];
	_ =	sdelay $0x1  }
0x8a: {  	s1 =	srdreg.scid  }
0x8b: {  	s0 =	sand.u32 $0x1, s1  }
0x8c: {  	s17 =	sshll.u32 s0, $0xA;
	s2 =	sadd.s32 s3, s2  }
0x8d: {  	s2 =	sadd.s32 s2, s17  }
0x8e: {  	[smem:$0x3FC0] =	sst s2  }
0x8f: {  	_ = 	snop  }
0x90: {  	s2 =	sld [smem:$0x3FD0];
	(tm) =	ssettm $0x1  }
0x91: {  	s18 =	sld [smem:$0x3FFB];
	_ =	sdelay $0x3  }
0x92: {  	_ =	strace s18  }
0x93: {  	s3 =	sld [smem:$0x3FFC];
	_ =	sdelay $0x3  }
0x94: {  	_ =	strace s3  }
0x95: {  	s3 =	sld [smem:$0x3FFD];
	_ =	sdelay $0x3  }
0x96: {  	_ =	strace s3  }
0x97: {  	_ =	strace $0x8FFFFFFF  }
0x98: {  	s19 =	sld [smem:$0x3FDB];
	_ =	sdelay $0x1  }
0x99: {  	s4 =	simm.s32 $_scs_section_size  }
0x9a: {  	s5 =	simm.s32 $_size__tile_overlayer_lowered;
	s6 =	simm.s32 $_tile_overlayer_lowered  }
0x9b: {  	s22 =	simm.s32 $0x1BFF;
	s21 =	sshll.u32 s6, $0x1;
	s3 =	sadd.s32 s4, s19  }
0x9c: {  	s7 =	simm.s32 $0x0;
	s20 =	sshll.u32 s5, $0x1;
	s5 =	sadd.s32 s21, s3  }
0x9d: {  	[timem:s7], [sflag:s22] =	dma.local [hbm:s5], s20  }
0x9e: {  	_ =	swait.ge [sflag:s22], s20  }
0x9f: {  	s4 =	ssub.s32 $0x0, s20;
	[sflag:s22] =	ssyncset.done $0x0  }
0xa0: {  	[sflag:s22] =	ssyncadd.s32 s4;
	_ =	sdelay $0x1  }
0xa1: {  	s23 =	simm.s32 $0x1B8B  }
0xa2: {  	_ =	swait.ge [sflag:s23], $0x1  }
0xa3: {  	[sflag:s23] =	ssyncset.done $0x0  }
0xa4: {  	s25 =	simm.s32 $0x1B8E;
	s24 =	sld [smem:$0x3FFE];
	[sflag:s23] =	ssyncadd.s32 $0xFFFFFFFF  }
0xa5: {  	s26 =	simm.s32 $execute0_lowered;
	[smem:$0x3FD2] =	sst s25  }
0xa6: {  	s5 =	sshll.u32 s26, $0x1;
	_ =	strace $0x80000046;
	[dreg:$0x1] =	wrdreg $0xFFFFFFFF  }
0xa7: {  	s28 =	simm.s32 $_size_execute0_lowered;
	s3 =	sadd.s32 s3, s5;
	[dreg:$0x0] =	wrdreg $0x0  }
0xa8: {  	s5 =	sshll.u32 s28, $0x1;
	[dreg:$0x2] =	wrdreg s3  }
0xa9: {  	[dreg:$0x3] =	wrdreg s5  }
0xaa: {  	[dreg:$0x4] =	wrdreg $0xC0  }
0xab: {  	_ =	task [dreg:s7], $0x5FFFF  }
0xac: {  	[dreg:$0x1] =	wrdreg $0xFFFFFFFF  }
0xad: {  	[dreg:$0x0] =	wrdreg $0x60  }
0xae: {  	[dreg:$0x2] =	wrdreg s24  }
0xaf: {  	[dreg:$0x3] =	wrdreg s2  }
0xb0: {  	[dreg:$0x4] =	wrdreg $0x2A100  }
0xb1: {  	[dreg:$0x5] =	wrdreg $0x9  }
0xb2: {  	_ =	task.clear_ibuf [dreg:s7], $0x6FFFF;
	_ =	strace $0x90000046  }
0xb3: {  	s29 =	simm.s32 $0x9;
	_ =	strace $0x80000048  }
0xb4: {  	_ =	swait.ge [sflag:s29], $0x1  }
0xb5: {  	[sflag:s29] =	ssyncadd.s32 $0xFFFFFFFF  }
0xb6: {  	_ =	strace $0x90000048  }
0xb7: {  	_ =	sfence  }
0xb8: {  	s30 =	sld [smem:$0x0];
	_ =	sdelay $0x2  }
0xb9: {  	s31 =	sshll.u32 s1, $0xD;
	s1 =	sshrl.u32 s1, $0x2  }
0xba: {  	s3 =	sand.u32 $0x4000, s31;
	s1 =	sadd.s32 s1, s30  }
0xbb: {  	s0 =	sor.u32 s3, s0;
	s1 =	sshll.u32 s1, $0x11  }
0xbc: {  	s0 =	sor.u32 s1, s0  }
0xbd: {  	s0 =	sadd.s32 $0x8F2B, s0  }
0xbe: {  	[sflag:s0] =	ssyncadd.remote.s32 $0x1  }
0xbf: {  	_ =	sfence.sel $0xFFFF  }
0xc0: {  	[dreg:$0x0] =	wrdreg $0xFFFFFFFF;
	(pc) =	sbr.abs _section_cstart, $3  }
0xc1: {  	[dreg:$0x1] =	wrdreg $0xFFFFFFFF  }
0xc2: {  	_ =	task.clear_ibuf [dreg:s7], $0x2FFFF;
	_ =	strace $0x9FFFFFFF  }
0xc3: {  	(tm) =	ssettm $0x7FFFFFFF  }
tec
execute0_lowered:
.L_overlay_start_1:
0x0: {  	(tag) =	ssettag $0x1  }
0x1: {  	s4 =	rddreg [dreg:$0x0]  }
0x2: {  	s7 =	rddreg [dreg:$0x1]  }
0x3: {  	s1 =	rddreg [dreg:$0x2];
	s2 =	srdreg.scid  }
0x4: {  	s0 =	rddreg [dreg:$0x3];
	s3 =	simm.s32 $0x0;
	s11 =	simm.s32 $0x1  }
0x5: {  	s12 =	simm.s32 $0x80;
	s13 =	simm.s32 $0x2700;
	s5 =	sand.u32 $0x1, s2  }
0x6: {  	s2 =	stileid.u32;
	[smem:$0x7FF] =	sst s3;
	s8 =	sadd.s32 $0x2400, s4  }
0x7: {  	s6 =	sshll.u32 s5, $0x4;
	_ =	strace $0x80000047;
	s9 =	smul.u32 $0x290, s2  }
0x8: {  	s28 =	ssub.s32 $0x2, s5;
	s5 =	smul.u32 $0x2900, s5;
	s14 =	sor.u32 s2, s6  }
0x9: {  	s30 =	sshll.u32 s2, $0x4;
	s10 =	sshrl.u32 s28, $0x1;
	s6 =	smul.u32 $0x2700, s14  }
0xa: {  	s10 =	ssub.s32 s28, s10;
	s31 =	sadd.s32 s9, s5;
	s5 =	sadd.s32 s9, s1  }
0xb: {  	s9 =	simm.s32 $0x2780;
	p0 =	sgt.u32 s14, $0x3;
	s6 =	sshrl.u32 s6, $0x3  }
0xc: {  	s14 =	simm.s32 $0x0;
	s29 =	sadd.s32 s8, s6;
	s6 =	sadd.s32 s30, s8  }
0xd: {  	s8 =	sshrl.u32 s31, $0x3;
	s4 =	sadd.s32 $0x9C40, s29;
	s6 =	sadd.s32 $0x13840, s6  }
0xe: {  	v0 =	vimm.f32 $1.000000000e+00;
	v1 =	vimm.f32 $0.0e+00;
	s7 =	sadd.s32 s7, s8;
	s8 =	smax.u32 s10, $0x1;
	s10 =	simm.s32 $0x2  }
.LBB2_1:
0xf: {  	[tilespmem:s3], [sflag:$0x1] =	stream.linear.gather [hbm4b:s4+s3], $0x2700, $0x38;
	[tilespmem:$0x2CA0] =	vst v63  }
0x10: {  	[tilespmem:$0x2700] =	vst v0  }
0x11: {  	[tilespmem:$0x2710] =	vst v0  }
0x12: {  	[tilespmem:$0x2720] =	vst v0  }
0x13: {  	[tilespmem:$0x2730] =	vst v0  }
0x14: {  	[tilespmem:$0x2740] =	vst v0  }
0x15: {  	[tilespmem:$0x2750] =	vst v0  }
0x16: {  	[tilespmem:$0x2760] =	vst v0  }
0x17: {  	[tilespmem:$0x2770] =	vst v0  }
0x18: {  	[tilespmem:$0x2780] =	vst v1  }
0x19: {  	[tilespmem:$0x2790] =	vst v1  }
0x1a: {  	[tilespmem:$0x27A0] =	vst v1  }
0x1b: {  	[tilespmem:$0x27B0] =	vst v1  }
0x1c: {  	[tilespmem:$0x27C0] =	vst v1  }
0x1d: {  	[tilespmem:$0x27D0] =	vst v1  }
0x1e: {  	[tilespmem:$0x27E0] =	vst v1  }
0x1f: {  	[tilespmem:$0x27F0] =	vst v1  }
0x20: {  	[tilespmem:$0x2800] =	vst v1  }
0x21: {  	[tilespmem:$0x2810] =	vst v1  }
0x22: {  	[tilespmem:$0x2820] =	vst v1  }
0x23: {  	[tilespmem:$0x2830] =	vst v1  }
0x24: {  	[tilespmem:$0x2840] =	vst v1  }
0x25: {  	[tilespmem:$0x2850] =	vst v1  }
0x26: {  	[tilespmem:$0x2860] =	vst v1  }
0x27: {  	[tilespmem:$0x2870] =	vst v1  }
0x28: {  	[tilespmem:$0x2880] =	vst v1  }
0x29: {  	[tilespmem:$0x2890] =	vst v1  }
0x2a: {  	[tilespmem:$0x28A0] =	vst v1  }
0x2b: {  	[tilespmem:$0x28B0] =	vst v1  }
0x2c: {  	[tilespmem:$0x28C0] =	vst v1  }
0x2d: {  	[tilespmem:$0x28D0] =	vst v1  }
0x2e: {  	[tilespmem:$0x28E0] =	vst v1  }
0x2f: {  	[tilespmem:$0x28F0] =	vst v1  }
0x30: {  	[tilespmem:$0x2900] =	vst v1  }
0x31: {  	[tilespmem:$0x2910] =	vst v1  }
0x32: {  	[tilespmem:$0x2920] =	vst v1  }
0x33: {  	[tilespmem:$0x2930] =	vst v1  }
0x34: {  	[tilespmem:$0x2940] =	vst v1  }
0x35: {  	[tilespmem:$0x2950] =	vst v1  }
0x36: {  	[tilespmem:$0x2960] =	vst v1  }
0x37: {  	[tilespmem:$0x2970] =	vst v1  }
0x38: {  	[tilespmem:$0x2980] =	vst v1  }
0x39: {  	[tilespmem:$0x2990] =	vst v1  }
0x3a: {  	[tilespmem:$0x29A0] =	vst v1  }
0x3b: {  	[tilespmem:$0x29B0] =	vst v1  }
0x3c: {  	[tilespmem:$0x29C0] =	vst v1  }
0x3d: {  	[tilespmem:$0x29D0] =	vst v1  }
0x3e: {  	[tilespmem:$0x29E0] =	vst v1  }
0x3f: {  	[tilespmem:$0x29F0] =	vst v1  }
0x40: {  	[tilespmem:$0x2A00] =	vst v1  }
0x41: {  	[spmem:s5] =	stream.linear.scatter [tilespmem:s9], [sflag:$0x2], $0x290, $0x38;
	[tilespmem:$0x2CA0] =	vst v63  }
0x42: {  	_ =	swait.ge [sflag:s10], $0x290  }
0x43: {  	[sflag:s10] =	ssyncset.done $0x0  }
0x44: {  	[sflag:s10] =	ssyncadd.s32 $0xFFFFFD70  }
0x45: {  	_ =	swait.ge [sflag:s11], $0x2700  }
0x46: {  	[sflag:s11] =	ssyncset.done $0x0  }
0x47: {  	[sflag:s11] =	ssyncadd.s32 $0xFFFFD900  }
0x48: {  	s15 =	simm.s32 $0x0;
	[bflag:$0x0] =	sbarrier.arrive $0xFFFF  }
0x49: {  	[spmem:s1] =	stream.indirect.scatter.add.f32 [tilespmem:s13], [sflag:$0x2], $0x1, s15, s12, $0xb8;
	[tilespmem:$0x2CA0] =	vst v63  }
0x4a: {  	_ =	swait.ge [sflag:s10], $0x80  }
0x4b: {  	s15 =	simm.s32 $0x200;
	[sflag:s10] =	ssyncset.done $0x0  }
.LBB2_2:
0x4c: {  	s16 =	sshra.s32 s15, $0x2;
	[sflag:s10] =	ssyncadd.s32 $0xFFFFFF80;
	p1 =	sne.s32 s15, $0x9A00  }
0x4d: {  	[spmem:s1] =	stream.indirect.scatter.add.f32 [tilespmem:s13], [sflag:$0x2], $0x1, s16, s12, $0xb8;
	[tilespmem:$0x2CA0] =	vst v63  }
.Ltmp0:
0x4e: {  	_ = 	snop;
	(pc) =	sbr.rel @p1 .LBB2_2-.Ltmp0, $4  }
0x4f: {  	_ = 	snop  }
0x50: {  	s15 =	sadd.s32 $0x200, s15  }
0x51: {  	_ =	swait.ge [sflag:s10], $0x80  }
0x52: {  	[sflag:s10] =	ssyncset.done $0x0  }
0x53: {  	[sflag:s10] =	ssyncadd.s32 $0xFFFFFF80;
	s15 =	simm.s32 @!p0 $0x0;
	s16 =	simm.s32 @!p0 $0x2  }
0x54: {  	[tilespmem:s15], [sflag:$0x2] =	stream.linear.gather @!p0 [hbm4b:s6+s15], $0x80, $0x38;
	[tilespmem:$0x2CA0] =	vst v63  }
0x55: {  	_ =	swait.ge @!p0 [sflag:s16], $0x80  }
0x56: {  	[sflag:s16] =	ssyncset.done @!p0 $0x0  }
0x57: {  	s17 =	simm.s32 @!p0 $0x80;
	s18 =	simm.s32 @!p0 $0x2700;
	[sflag:s16] =	ssyncadd.s32 @!p0 $0xFFFFFF80  }
0x58: {  	[spmem:s1] =	stream.indirect.scatter.add.f32 @!p0 [tilespmem:s18], [sflag:$0x2], $0x1, s15, s17, $0xb8;
	[tilespmem:$0x2CA0] =	vst v63  }
0x59: {  	_ =	swait.ge @!p0 [sflag:s16], $0x80  }
0x5a: {  	[sflag:s16] =	ssyncset.done @!p0 $0x0  }
0x5b: {  	[sflag:s16] =	ssyncadd.s32 @!p0 $0xFFFFFF80  }
0x5c: {  	[bflag:$0x0] =	sbarrier.arrive $0xFFFF  }
0x5d: {  	[tilespmem:s9], [sflag:$0x2] =	stream.linear.gather [spmem:s5], $0x290, $0x38;
	[tilespmem:$0x2CA0] =	vst v63  }
0x5e: {  	s14 =	sadd.s32 $0x1, s14;
	_ =	swait.ge [sflag:s10], $0x290  }
0x5f: {  	p1 =	sne.s32 s14, s8;
	[sflag:s10] =	ssyncset.done $0x0  }
.Ltmp1:
0x60: {  	[sflag:s10] =	ssyncadd.s32 $0xFFFFFD70;
	(pc) =	sbr.rel @p1 .LBB2_1-.Ltmp1, $4  }
0x61: {  	[hbm4b:s7+s3] =	stream.linear.scatter [tilespmem:s9], [sflag:$0x2], $0x290, $0x38;
	[tilespmem:$0x2CA0] =	vst v63  }
0x62: {  	_ =	swait.ge [sflag:s10], $0x290  }
0x63: {  	[sflag:s10] =	ssyncset.done $0x0  }
0x64: {  	[sflag:s10] =	ssyncadd.s32 $0xFFFFFD70  }
0x65: {  	_ =	sfence.sel $0x180000  }
0x66: {  	[bflag:$0x0] =	sbarrier.arrive $0xFFFF  }
0x67: {  	p0 =	sne.s32 s2, $0x0;
	_ =	strace $0x90000047  }
0x68: {  	s0 =	sadd.s32 @!p0 $0x100000, s0;
	[bflag:$0x2] =	sbarrier.arrive $0xFFFF  }
0x69: {  	[sflag:s0] =	ssyncadd.tile.s32 @!p0 $0x1;
	_ =	shalt  }
.Lfunc_end2:
_tile_overlayer_lowered:
.L_overlay_start_2:
0x6a: {  	(tag) =	ssettag $0x2  }
0x6b: {  	s0 =	rddreg [dreg:$0x0];
	s2 =	stileid.u32  }
0x6c: {  	s1 =	rddreg [dreg:$0x1];
	p0 =	sne.s32 s2, $0x0  }
0x6d: {  	s3 =	rddreg [dreg:$0x2];
	[bflag:$0x3] =	sbarrier.arrive $0xFFFF;
	s2 =	simm.s32 @!p0 $0x1C02  }
0x6e: {  	[timem:s3], [sflag:s2] =	dma.local @!p0 [hbm:s0], s1  }
0x6f: {  	s0 =	simm.s32 @!p0 $0x2  }
0x70: {  	_ =	swait.ge @!p0 [sflag:s0], s1  }
0x71: {  	s1 =	ssub.s32 @!p0 $0x0, s1;
	[sflag:s0] =	ssyncset.done @!p0 $0x0  }
0x72: {  	[sflag:s0] =	ssyncadd.s32 @!p0 s1  }
0x73: {  	[bflag:$0x3] =	sbarrier.arrive $0xFFFF  }
0x74: {  	_ =	shalt  }

</sc_bundles>
